<compile_context>
chip_gen: v7x
topology: tpu7x:2x2x1
jax: 0.10.2.dev20260603
libtpu: 0.0.44.dev20260713+nightly
codegen_flags: <defaults>
</compile_context>

<pallas_src>
import jax
import jax.numpy as jnp
from jax import lax
from jax.experimental import pallas as pl
from jax.experimental.pallas import tpu as pltpu
from jax.experimental.pallas import tpu_sc as plsc

N_NODES = 10000
D = 128
E_TOTAL = 320000

NC = 2
NS = 16
NW = NC * NS
CHUNK = 128
E_W = 10240
NCHUNK = E_W // CHUNK
NCHUNK_TAIL = (E_TOTAL - (NW - 1) * E_W) // CHUNK
N_PAD = 10016
N_CNT = 10112
ROWS_W = 624
ROWS_LAST = N_PAD - (NS - 1) * ROWS_W
NROW = 3
NIDX = 4


def _sc_agg_body(with_counts, x_hbm, ei_hbm, zrows_hbm, zcnt_hbm,
                 ones_hbm, out_hbm, cntout_hbm, idxb, rows, ones,
                 acc, cnt, sem_r, sem_g, sem_s, sem_c, sem_z):
  c = lax.axis_index("c")
  s = lax.axis_index("s")
  wid = s * NC + c
  e0 = wid * E_W
  row0 = s * ROWS_W
  nch = jnp.where(wid == NW - 1, NCHUNK_TAIL, NCHUNK)

  last = s == NS - 1

  @pl.when(last)
  def _():
    pltpu.async_copy(zrows_hbm, acc.at[pl.ds(row0, ROWS_LAST)], sem_z)

  @pl.when(jnp.logical_not(last))
  def _():
    pltpu.async_copy(zrows_hbm.at[pl.ds(0, ROWS_W)],
                     acc.at[pl.ds(row0, ROWS_W)], sem_z)

  if with_counts:
    pltpu.sync_copy(ones_hbm, ones)

    @pl.when(s == 0)
    def _():
      pltpu.sync_copy(zcnt_hbm, cnt)

  def d_idx(q, i):
    return pltpu.make_async_copy(
        ei_hbm.at[:, pl.ds(e0 + i * CHUNK, CHUNK)], idxb[q].at[:, 0],
        sem_r[q])

  def d_gat(p, q):
    return pltpu.make_async_copy(x_hbm.at[idxb[q].at[0, 0]], rows[p],
                                 sem_g[p])

  def d_sca(p, q):
    return pltpu.make_async_copy(rows[p], acc.at[idxb[q].at[1, 0]], sem_s[p])

  def d_cnt(q):
    return pltpu.make_async_copy(ones, cnt.at[idxb[q].at[1, 0]], sem_c[q])

  def load(q, i):
    d_idx(q, i).start()

  def gather(p, q, i):
    d_idx(q, i).wait()
    d_gat(p, q).start()

  def scatter(p, q):
    d_gat(p, q).wait()
    d_sca(p, q).start(add=True)
    if with_counts:
      d_cnt(q).start(add=True)

  def drain(p, q):
    d_sca(p, q).wait()
    if with_counts:
      d_cnt(q).wait()

  load(0, 0)
  load(1, 1)
  gather(0, 0, 0)

  @pl.when(last)
  def _():
    pltpu.make_async_copy(zrows_hbm, acc.at[pl.ds(row0, ROWS_LAST)],
                          sem_z).wait()

  @pl.when(jnp.logical_not(last))
  def _():
    pltpu.make_async_copy(zrows_hbm.at[pl.ds(0, ROWS_W)],
                          acc.at[pl.ds(row0, ROWS_W)], sem_z).wait()

  plsc.subcore_barrier()

  NPER = 12

  def pipe_body(k, carry):
    base = k * NPER
    for m in range(NPER):
      i = base + m

      @pl.when(jnp.logical_and(i >= 2, i - 2 < nch))
      def _():
        drain((m - 2) % NROW, (m - 2) % NIDX)

      @pl.when(i + 2 < nch)
      def _():
        load((m + 2) % NIDX, i + 2)

      @pl.when(i + 1 < nch)
      def _():
        gather((m + 1) % NROW, (m + 1) % NIDX, i + 1)

      @pl.when(i < nch)
      def _():
        scatter(m % NROW, m % NIDX)
    return carry

  lax.fori_loop(0, (NCHUNK + 2 + NPER - 1) // NPER, pipe_body, 0)
  plsc.subcore_barrier()

  @pl.when(last)
  def _():
    pltpu.sync_copy(acc.at[pl.ds(row0, ROWS_LAST)],
                    out_hbm.at[c, pl.ds(row0, ROWS_LAST)])

  @pl.when(jnp.logical_not(last))
  def _():
    pltpu.sync_copy(acc.at[pl.ds(row0, ROWS_W)],
                    out_hbm.at[c, pl.ds(row0, ROWS_W)])

  if with_counts:
    @pl.when(s == 0)
    def _():
      pltpu.sync_copy(cnt, cntout_hbm.at[c, 0])


def _make_sc_agg(with_counts):
  mesh = plsc.VectorSubcoreMesh(core_axis_name="c", subcore_axis_name="s")
  out_type = [jax.ShapeDtypeStruct((NC, N_PAD, D), jnp.float32)]
  if with_counts:
    out_type.append(jax.ShapeDtypeStruct((NC, 1, N_CNT), jnp.float32))
  scratch_types = [
      [pltpu.VMEM((2, 1, CHUNK), jnp.int32) for _ in range(NIDX)],
      [pltpu.VMEM((CHUNK, D), jnp.float32) for _ in range(NROW)],
      pltpu.VMEM((CHUNK,), jnp.float32),
      pltpu.VMEM_SHARED((N_PAD, D), jnp.float32),
      pltpu.VMEM_SHARED((N_CNT,), jnp.float32),
      [pltpu.SemaphoreType.DMA for _ in range(NIDX)],
      [pltpu.SemaphoreType.DMA for _ in range(NROW)],
      [pltpu.SemaphoreType.DMA for _ in range(NROW)],
      [pltpu.SemaphoreType.DMA for _ in range(NIDX)],
      pltpu.SemaphoreType.DMA,
  ]

  if with_counts:
    def body(x_hbm, ei_hbm, zrows_hbm, zcnt_hbm, ones_hbm,
             out_hbm, cntout_hbm, idxb, rows, ones, acc, cnt,
             sem_r, sem_g, sem_s, sem_c, sem_z):
      _sc_agg_body(True, x_hbm, ei_hbm, zrows_hbm, zcnt_hbm,
                   ones_hbm, out_hbm, cntout_hbm, idxb, rows, ones,
                   acc, cnt, sem_r, sem_g, sem_s, sem_c, sem_z)
  else:
    def body(x_hbm, ei_hbm, zrows_hbm, zcnt_hbm, ones_hbm,
             out_hbm, idxb, rows, ones, acc, cnt,
             sem_r, sem_g, sem_s, sem_c, sem_z):
      _sc_agg_body(False, x_hbm, ei_hbm, zrows_hbm, zcnt_hbm,
                   ones_hbm, out_hbm, None, idxb, rows, ones,
                   acc, cnt, sem_r, sem_g, sem_s, sem_c, sem_z)

  return pl.kernel(body, out_type=out_type, mesh=mesh,
                   scratch_types=scratch_types)


_sc_agg_with_counts = _make_sc_agg(True)
_sc_agg_no_counts = _make_sc_agg(False)

BR = 2000


def _tc_layer_body(p_ref, c_ref, x_ref, wl_ref, wr_ref, b_ref, o_ref):
  cnt = jnp.maximum(c_ref[0] + c_ref[1], 1.0)
  agg = (p_ref[0] + p_ref[1]) / cnt
  y = lax.dot_general(agg, wl_ref[...], (((1,), (1,)), ((), ())),
                      preferred_element_type=jnp.float32)
  y = y + lax.dot_general(x_ref[...], wr_ref[...], (((1,), (1,)), ((), ())),
                          preferred_element_type=jnp.float32)
  o_ref[...] = jnp.maximum(y + b_ref[...], 0.0)


def _tc_layer(P, C, x, Wl, Wr, b):
  grid = (N_NODES // BR,)
  return pl.pallas_call(
      _tc_layer_body,
      grid=grid,
      in_specs=[
          pl.BlockSpec((NC, BR, D), lambda i: (0, i, 0)),
          pl.BlockSpec((NC, BR, 1), lambda i: (0, i, 0)),
          pl.BlockSpec((BR, D), lambda i: (i, 0)),
          pl.BlockSpec((D, D), lambda i: (0, 0)),
          pl.BlockSpec((D, D), lambda i: (0, 0)),
          pl.BlockSpec((1, D), lambda i: (0, 0)),
      ],
      out_specs=pl.BlockSpec((BR, D), lambda i: (i, 0)),
      out_shape=jax.ShapeDtypeStruct((N_NODES, D), jnp.float32),
  )(P, C.reshape(NC, N_CNT, 1), x, Wl, Wr, b.reshape(1, D))


def _tc_final_body(p_ref, c_ref, h_ref, wl_ref, wr_ref, b_ref, wc_ref,
                   bc_ref, o_ref):
  cnt = jnp.maximum(c_ref[0] + c_ref[1], 1.0)
  agg = (p_ref[0] + p_ref[1]) / cnt
  y = lax.dot_general(agg, wl_ref[...], (((1,), (1,)), ((), ())),
                      preferred_element_type=jnp.float32)
  y = y + lax.dot_general(h_ref[...], wr_ref[...], (((1,), (1,)), ((), ())),
                          preferred_element_type=jnp.float32)
  h2 = jnp.maximum(y + b_ref[...], 0.0)
  logits = jnp.sum(h2 * wc_ref[...], axis=1, keepdims=True)
  o_ref[...] = jax.nn.sigmoid(logits + bc_ref[0])


def _tc_final(P, C, h, Wl, Wr, b, Wc, bc):
  grid = (N_NODES // BR,)
  return pl.pallas_call(
      _tc_final_body,
      grid=grid,
      in_specs=[
          pl.BlockSpec((NC, BR, D), lambda i: (0, i, 0)),
          pl.BlockSpec((NC, BR, 1), lambda i: (0, i, 0)),
          pl.BlockSpec((BR, D), lambda i: (i, 0)),
          pl.BlockSpec((D, D), lambda i: (0, 0)),
          pl.BlockSpec((D, D), lambda i: (0, 0)),
          pl.BlockSpec((1, D), lambda i: (0, 0)),
          pl.BlockSpec((1, D), lambda i: (0, 0)),
          pl.BlockSpec(memory_space=pltpu.SMEM),
      ],
      out_specs=pl.BlockSpec((BR, 1), lambda i: (i, 0)),
      out_shape=jax.ShapeDtypeStruct((N_NODES, 1), jnp.float32),
  )(P, C.reshape(NC, N_CNT, 1), h, Wl, Wr, b.reshape(1, D),
    Wc.reshape(1, D), bc)


def kernel(x, edge_index, W1l, b1, W1r, W2l, b2, W2r, Wc, bc):
  ei = edge_index
  zrows = jnp.zeros((ROWS_LAST, D), jnp.float32)
  zcnt = jnp.zeros((N_CNT,), jnp.float32)
  ones = jnp.ones((CHUNK,), jnp.float32)

  P1, C1 = _sc_agg_with_counts(x, ei, zrows, zcnt, ones)
  h = _tc_layer(P1, C1, x, W1l, W1r, b1)
  (P2,) = _sc_agg_no_counts(h, ei, zrows, zcnt, ones)
  out = _tc_final(P2, C1, h, W2l, W2r, b2, Wc, bc)
  return out

# --- scband reference (transcript-rebuilt; emitter-appended) ---
"""Pipeline reference for scband-graph-sageanomaly-detector-18124761989926 (READ-ONLY COPY).

The authoritative reference and input builder live on the scoring server;
editing this copy changes nothing except your own understanding.
"""

import jax, jax.numpy as jnp
import numpy as np

N = 10000
E = 320000
D_IN = 128
D_H = 128
D_OUT = 1


def setup_inputs(seed: int = 0) -> dict:
    key = jax.random.key(seed)
    ks = jax.random.split(key, 12)
    x = jax.random.normal(ks[0], (N, D_IN), dtype=jnp.float32)
    edge_index = jax.random.randint(ks[1], (2, E), 0, N, dtype=jnp.int32)
    s_in = 1.0 / np.sqrt(D_IN)
    s_h = 1.0 / np.sqrt(D_H)
    W1l = jax.random.uniform(ks[2], (D_H, D_IN), jnp.float32, -s_in, s_in)
    b1 = jax.random.uniform(ks[3], (D_H,), jnp.float32, -s_in, s_in)
    W1r = jax.random.uniform(ks[4], (D_H, D_IN), jnp.float32, -s_in, s_in)
    W2l = jax.random.uniform(ks[5], (D_H, D_H), jnp.float32, -s_h, s_h)
    b2 = jax.random.uniform(ks[6], (D_H,), jnp.float32, -s_h, s_h)
    W2r = jax.random.uniform(ks[7], (D_H, D_H), jnp.float32, -s_h, s_h)
    Wc = jax.random.uniform(ks[8], (D_OUT, D_H), jnp.float32, -s_h, s_h)
    bc = jax.random.uniform(ks[9], (D_OUT,), jnp.float32, -s_h, s_h)
    return {"x": x, "edge_index": edge_index, "W1l": W1l, "b1": b1, "W1r": W1r,
            "W2l": W2l, "b2": b2, "W2r": W2r, "Wc": Wc, "bc": bc}


def sage_conv(x, edge_index, Wl, b, Wr):
    # PyG SAGEConv (mean aggregation): out = lin_l(mean_{j in N(i)} x_j) + lin_r(x_i)
    src = edge_index[0]
    dst = edge_index[1]
    msgs = jnp.take(x, src, axis=0)                      # gather (SparseCore)
    agg = jax.ops.segment_sum(msgs, dst, num_segments=N)  # scatter-add
    cnt = jax.ops.segment_sum(jnp.ones((msgs.shape[0], 1), jnp.float32), dst, num_segments=N)
    agg = agg / jnp.maximum(cnt, 1.0)
    return agg @ Wl.T + b + x @ Wr.T


def reference(x, edge_index, W1l, b1, W1r, W2l, b2, W2r, Wc, bc):
    h = jax.nn.relu(sage_conv(x, edge_index, W1l, b1, W1r))
    # dropout p=0.2 is identity in eval mode
    h = jax.nn.relu(sage_conv(h, edge_index, W2l, b2, W2r))
    out = h @ Wc.T + bc
    return jax.nn.sigmoid(out)

if __name__ == "__main__":
    import jax
    _d = setup_inputs()
    print(jax.jit(kernel)(*tuple(_d.values())))

</pallas_src>

<mosaic_0001>
#map = affine_map<(d0, d1) -> (0, 0)>
#map1 = affine_map<(d0, d1) -> (0)>
#map2 = affine_map<(d0, d1) -> (0, 0, 0)>
module attributes {stable_mosaic.version = 14 : i64} {
  func.func @body(%arg0: i32, %arg1: i32, %arg2: memref<10000x128xf32, #tpu.memory_space<hbm>>, %arg3: memref<2x320000xi32, #tpu.memory_space<hbm>>, %arg4: memref<656x128xf32, #tpu.memory_space<hbm>>, %arg5: memref<10112xf32, #tpu.memory_space<hbm>>, %arg6: memref<128xf32, #tpu.memory_space<hbm>>, %arg7: memref<2x10016x128xf32, #tpu.memory_space<hbm>>, %arg8: memref<2x1x128xi32, #tpu.memory_space<vmem>>, %arg9: memref<2x1x128xi32, #tpu.memory_space<vmem>>, %arg10: memref<2x1x128xi32, #tpu.memory_space<vmem>>, %arg11: memref<2x1x128xi32, #tpu.memory_space<vmem>>, %arg12: memref<128x128xf32, #tpu.memory_space<vmem>>, %arg13: memref<128x128xf32, #tpu.memory_space<vmem>>, %arg14: memref<128x128xf32, #tpu.memory_space<vmem>>, %arg15: memref<128xf32, #tpu.memory_space<vmem>>, %arg16: memref<10016x128xf32, #tpu.memory_space<vmem_shared>>, %arg17: memref<10112xf32, #tpu.memory_space<vmem_shared>>, %arg18: memref<!tpu.dma_semaphore, #tpu.memory_space<semaphore_mem>>, %arg19: memref<!tpu.dma_semaphore, #tpu.memory_space<semaphore_mem>>, %arg20: memref<!tpu.dma_semaphore, #tpu.memory_space<semaphore_mem>>, %arg21: memref<!tpu.dma_semaphore, #tpu.memory_space<semaphore_mem>>, %arg22: memref<!tpu.dma_semaphore, #tpu.memory_space<semaphore_mem>>, %arg23: memref<!tpu.dma_semaphore, #tpu.memory_space<semaphore_mem>>, %arg24: memref<!tpu.dma_semaphore, #tpu.memory_space<semaphore_mem>>, %arg25: memref<!tpu.dma_semaphore, #tpu.memory_space<semaphore_mem>>, %arg26: memref<!tpu.dma_semaphore, #tpu.memory_space<semaphore_mem>>, %arg27: memref<!tpu.dma_semaphore, #tpu.memory_space<semaphore_mem>>, %arg28: memref<!tpu.dma_semaphore, #tpu.memory_space<semaphore_mem>>, %arg29: memref<!tpu.dma_semaphore, #tpu.memory_space<semaphore_mem>>, %arg30: memref<!tpu.dma_semaphore, #tpu.memory_space<semaphore_mem>>, %arg31: memref<!tpu.dma_semaphore, #tpu.memory_space<semaphore_mem>>, %arg32: memref<!tpu.dma_semaphore, #tpu.memory_space<semaphore_mem>>) attributes {dimension_semantics = [#tpu.dimension_semantics<core_parallel>, #tpu.dimension_semantics<subcore_parallel>], iteration_bounds = array<i64: 2, 16>, scalar_prefetch = 0 : i64, scratch_operands = 25 : i64, tpu.core_type = #tpu.core_type<sc_vector_subcore>, window_params = [{transform_indices = #map}, {transform_indices = #map}, {transform_indices = #map}, {transform_indices = #map1}, {transform_indices = #map1}, {transform_indices = #map2}]} {
    %mul3A = arith.constant 2 : i32
    %mul3A_0 = arith.muli %arg1, %mul3A : i32
    %add3A = arith.addi %mul3A_0, %arg0 : i32
    %mul3A_1 = arith.constant 10240 : i32
    %mul3A_2 = arith.muli %add3A, %mul3A_1 : i32
    %mul3A_3 = arith.constant 624 : i32
    %mul3A_4 = arith.muli %arg1, %mul3A_3 : i32
    %eq3A = arith.constant 31 : i32
    %eq3A_5 = arith.cmpi eq, %add3A, %eq3A : i32
    %jit3A = arith.constant 20 : i32
    %jit3A_6 = arith.constant 80 : i32
    %select_n3A = arith.select %eq3A_5, %jit3A, %jit3A_6 : i32
    %eq3A_7 = arith.constant 15 : i32
    %eq3A_8 = arith.cmpi eq, %arg1, %eq3A_7 : i32
    %convert_element_type3A = arith.extui %eq3A_8 : i1 to i32
    %cond3A = arith.constant 0 : i32
    %cond3A_9 = arith.cmpi ne, %convert_element_type3A, %cond3A : i32
    scf.if %cond3A_9 {
      %dma_start3A_87 = arith.constant 0 : i32
      %dma_start3A_88 = tpu.memref_slice %arg16[%mul3A_4, %dma_start3A_87] : memref<10016x128xf32, #tpu.memory_space<vmem_shared>> -> memref<656x128xf32, #tpu.memory_space<vmem_shared>>
      tpu.enqueue_dma source(%arg4 : memref<656x128xf32, #tpu.memory_space<hbm>>) target(%dma_start3A_88 : memref<656x128xf32, #tpu.memory_space<vmem_shared>>) target_semaphore(%arg32 : memref<!tpu.dma_semaphore, #tpu.memory_space<semaphore_mem>>)
    } else {
    }
    %not3A = arith.constant true
    %not3A_10 = arith.xori %eq3A_8, %not3A : i1
    %convert_element_type3A_11 = arith.extui %not3A_10 : i1 to i32
    %cond3A_12 = arith.constant 0 : i32
    %cond3A_13 = arith.cmpi ne, %convert_element_type3A_11, %cond3A_12 : i32
    scf.if %cond3A_13 {
      %dma_start3A_87 = arith.constant 0 : i32
      %dma_start3A_88 = tpu.memref_slice %arg16[%mul3A_4, %dma_start3A_87] : memref<10016x128xf32, #tpu.memory_space<vmem_shared>> -> memref<624x128xf32, #tpu.memory_space<vmem_shared>>
      %dma_start3A_89 = arith.constant 0 : i32
      %dma_start3A_90 = arith.constant 0 : i32
      %dma_start3A_91 = tpu.memref_slice %arg4[%dma_start3A_89, %dma_start3A_90] : memref<656x128xf32, #tpu.memory_space<hbm>> -> memref<624x128xf32, #tpu.memory_space<hbm>>
      tpu.enqueue_dma source(%dma_start3A_91 : memref<624x128xf32, #tpu.memory_space<hbm>>) target(%dma_start3A_88 : memref<624x128xf32, #tpu.memory_space<vmem_shared>>) target_semaphore(%arg32 : memref<!tpu.dma_semaphore, #tpu.memory_space<semaphore_mem>>)
    } else {
    }
    %add3A_14 = arith.constant 0 : i32
    %add3A_15 = arith.addi %mul3A_2, %add3A_14 : i32
    %dma_start3A = arith.constant 0 : i32
    %dma_start3A_16 = arith.constant 0 : i32
    %dma_start3A_17 = arith.constant 0 : i32
    %dma_start3A_18 = tpu.memref_slice %arg8[%dma_start3A_16, %dma_start3A, %dma_start3A_17] : memref<2x1x128xi32, #tpu.memory_space<vmem>> -> memref<2x1x128xi32, #tpu.memory_space<vmem>>
    %dma_start3A_19 = tpu.memref_squeeze %dma_start3A_18 : memref<2x1x128xi32, #tpu.memory_space<vmem>> -> memref<2x128xi32, #tpu.memory_space<vmem>>
    %dma_start3A_20 = arith.constant 0 : i32
    %dma_start3A_21 = tpu.memref_slice %arg3[%dma_start3A_20, %add3A_15] : memref<2x320000xi32, #tpu.memory_space<hbm>> -> memref<2x128xi32, #tpu.memory_space<hbm>>
    %dma_start3A_22 = arith.constant 0 : i32
    %dma_start3A_23 = arith.constant 0 : i32
    %dma_start3A_24 = tpu.memref_slice %arg8[%dma_start3A_22, %dma_start3A, %dma_start3A_23] : memref<2x1x128xi32, #tpu.memory_space<vmem>> -> memref<2x1x128xi32, #tpu.memory_space<vmem>>
    %dma_start3A_25 = tpu.memref_squeeze %dma_start3A_24 : memref<2x1x128xi32, #tpu.memory_space<vmem>> -> memref<2x128xi32, #tpu.memory_space<vmem>>
    %dma_start3A_26 = arith.constant 0 : i32
    %dma_start3A_27 = tpu.memref_slice %arg3[%dma_start3A_26, %add3A_15] : memref<2x320000xi32, #tpu.memory_space<hbm>> -> memref<2x128xi32, #tpu.memory_space<hbm>>
    tpu.enqueue_dma source(%dma_start3A_27 : memref<2x128xi32, #tpu.memory_space<hbm>>) target(%dma_start3A_25 : memref<2x128xi32, #tpu.memory_space<vmem>>) target_semaphore(%arg18 : memref<!tpu.dma_semaphore, #tpu.memory_space<semaphore_mem>>)
    %add3A_28 = arith.constant 128 : i32
    %add3A_29 = arith.addi %mul3A_2, %add3A_28 : i32
    %dma_start3A_30 = arith.constant 0 : i32
    %dma_start3A_31 = arith.constant 0 : i32
    %dma_start3A_32 = arith.constant 0 : i32
    %dma_start3A_33 = tpu.memref_slice %arg9[%dma_start3A_31, %dma_start3A_30, %dma_start3A_32] : memref<2x1x128xi32, #tpu.memory_space<vmem>> -> memref<2x1x128xi32, #tpu.memory_space<vmem>>
    %dma_start3A_34 = tpu.memref_squeeze %dma_start3A_33 : memref<2x1x128xi32, #tpu.memory_space<vmem>> -> memref<2x128xi32, #tpu.memory_space<vmem>>
    %dma_start3A_35 = arith.constant 0 : i32
    %dma_start3A_36 = tpu.memref_slice %arg3[%dma_start3A_35, %add3A_29] : memref<2x320000xi32, #tpu.memory_space<hbm>> -> memref<2x128xi32, #tpu.memory_space<hbm>>
    %dma_start3A_37 = arith.constant 0 : i32
    %dma_start3A_38 = arith.constant 0 : i32
    %dma_start3A_39 = tpu.memref_slice %arg9[%dma_start3A_37, %dma_start3A_30, %dma_start3A_38] : memref<2x1x128xi32, #tpu.memory_space<vmem>> -> memref<2x1x128xi32, #tpu.memory_space<vmem>>
    %dma_start3A_40 = tpu.memref_squeeze %dma_start3A_39 : memref<2x1x128xi32, #tpu.memory_space<vmem>> -> memref<2x128xi32, #tpu.memory_space<vmem>>
    %dma_start3A_41 = arith.constant 0 : i32
    %dma_start3A_42 = tpu.memref_slice %arg3[%dma_start3A_41, %add3A_29] : memref<2x320000xi32, #tpu.memory_space<hbm>> -> memref<2x128xi32, #tpu.memory_space<hbm>>
    tpu.enqueue_dma source(%dma_start3A_42 : memref<2x128xi32, #tpu.memory_space<hbm>>) target(%dma_start3A_40 : memref<2x128xi32, #tpu.memory_space<vmem>>) target_semaphore(%arg19 : memref<!tpu.dma_semaphore, #tpu.memory_space<semaphore_mem>>)
    %add3A_43 = arith.constant 0 : i32
    %add3A_44 = arith.addi %mul3A_2, %add3A_43 : i32
    %dma_wait3A = arith.constant 0 : i32
    %dma_wait3A_45 = arith.constant 0 : i32
    %dma_wait3A_46 = arith.constant 0 : i32
    %dma_wait3A_47 = tpu.memref_slice %arg8[%dma_wait3A_45, %dma_wait3A, %dma_wait3A_46] : memref<2x1x128xi32, #tpu.memory_space<vmem>> -> memref<2x1x128xi32, #tpu.memory_space<vmem>>
    %dma_wait3A_48 = tpu.memref_squeeze %dma_wait3A_47 : memref<2x1x128xi32, #tpu.memory_space<vmem>> -> memref<2x128xi32, #tpu.memory_space<vmem>>
    %dma_wait3A_49 = arith.constant 0 : i32
    %dma_wait3A_50 = tpu.memref_slice %arg3[%dma_wait3A_49, %add3A_44] : memref<2x320000xi32, #tpu.memory_space<hbm>> -> memref<2x128xi32, #tpu.memory_space<hbm>>
    %dma_wait3A_51 = arith.constant 0 : i32
    %dma_wait3A_52 = arith.constant 0 : i32
    %dma_wait3A_53 = tpu.memref_slice %arg8[%dma_wait3A_51, %dma_wait3A, %dma_wait3A_52] : memref<2x1x128xi32, #tpu.memory_space<vmem>> -> memref<2x1x128xi32, #tpu.memory_space<vmem>>
    %dma_wait3A_54 = tpu.memref_squeeze %dma_wait3A_53 : memref<2x1x128xi32, #tpu.memory_space<vmem>> -> memref<2x128xi32, #tpu.memory_space<vmem>>
    %dma_wait3A_55 = arith.constant 0 : i32
    %dma_wait3A_56 = tpu.memref_slice %arg3[%dma_wait3A_55, %add3A_44] : memref<2x320000xi32, #tpu.memory_space<hbm>> -> memref<2x128xi32, #tpu.memory_space<hbm>>
    tpu.wait_dma2 semaphore(%arg18 : memref<!tpu.dma_semaphore, #tpu.memory_space<semaphore_mem>>) src(%dma_wait3A_56 : memref<2x128xi32, #tpu.memory_space<hbm>>) dst(%dma_wait3A_54 : memref<2x128xi32, #tpu.memory_space<vmem>>)
    %dma_start3A_57 = arith.constant 0 : i32
    %dma_start3A_58 = arith.constant 0 : i32
    %dma_start3A_59 = arith.constant 0 : i32
    %dma_start3A_60 = tpu.memref_slice %arg8[%dma_start3A_57, %dma_start3A_58, %dma_start3A_59] : memref<2x1x128xi32, #tpu.memory_space<vmem>> -> memref<1x1x128xi32, #tpu.memory_space<vmem>>
    %dma_start3A_61 = tpu.memref_squeeze %dma_start3A_60 : memref<1x1x128xi32, #tpu.memory_space<vmem>> -> memref<128xi32, #tpu.memory_space<vmem>>
    %dma_start3A_62 = arith.constant 0 : i32
    %dma_start3A_63 = arith.constant 0 : i32
    %dma_start3A_64 = tpu.memref_slice %arg2[%dma_start3A_62, %dma_start3A_63] : memref<10000x128xf32, #tpu.memory_space<hbm>> -> memref<10000x128xf32, #tpu.memory_space<hbm>>
    tpu.enqueue_indirect_dma source(%dma_start3A_64 : memref<10000x128xf32, #tpu.memory_space<hbm>>) target(%arg12 : memref<128x128xf32, #tpu.memory_space<vmem>>) offsets(%dma_start3A_61 : memref<128xi32, #tpu.memory_space<vmem>>) semaphore(%arg22 : memref<!tpu.dma_semaphore, #tpu.memory_space<semaphore_mem>>)
    %convert_element_type3A_65 = arith.extui %eq3A_8 : i1 to i32
    %cond3A_66 = arith.constant 0 : i32
    %cond3A_67 = arith.cmpi ne, %convert_element_type3A_65, %cond3A_66 : i32
    scf.if %cond3A_67 {
      %dma_wait3A_87 = arith.constant 0 : i32
      %dma_wait3A_88 = tpu.memref_slice %arg16[%mul3A_4, %dma_wait3A_87] : memref<10016x128xf32, #tpu.memory_space<vmem_shared>> -> memref<656x128xf32, #tpu.memory_space<vmem_shared>>
      tpu.wait_dma2 semaphore(%arg32 : memref<!tpu.dma_semaphore, #tpu.memory_space<semaphore_mem>>) src(%arg4 : memref<656x128xf32, #tpu.memory_space<hbm>>) dst(%dma_wait3A_88 : memref<656x128xf32, #tpu.memory_space<vmem_shared>>)
    } else {
    }
    %not3A_68 = arith.constant true
    %not3A_69 = arith.xori %eq3A_8, %not3A_68 : i1
    %convert_element_type3A_70 = arith.extui %not3A_69 : i1 to i32
    %cond3A_71 = arith.constant 0 : i32
    %cond3A_72 = arith.cmpi ne, %convert_element_type3A_70, %cond3A_71 : i32
    scf.if %cond3A_72 {
      %dma_wait3A_87 = arith.constant 0 : i32
      %dma_wait3A_88 = tpu.memref_slice %arg16[%mul3A_4, %dma_wait3A_87] : memref<10016x128xf32, #tpu.memory_space<vmem_shared>> -> memref<624x128xf32, #tpu.memory_space<vmem_shared>>
      %dma_wait3A_89 = arith.constant 0 : i32
      %dma_wait3A_90 = arith.constant 0 : i32
      %dma_wait3A_91 = tpu.memref_slice %arg4[%dma_wait3A_89, %dma_wait3A_90] : memref<656x128xf32, #tpu.memory_space<hbm>> -> memref<624x128xf32, #tpu.memory_space<hbm>>
      tpu.wait_dma2 semaphore(%arg32 : memref<!tpu.dma_semaphore, #tpu.memory_space<semaphore_mem>>) src(%dma_wait3A_91 : memref<624x128xf32, #tpu.memory_space<hbm>>) dst(%dma_wait3A_88 : memref<624x128xf32, #tpu.memory_space<vmem_shared>>)
    } else {
    }
    %barrier3A = arith.constant 0 : index
    tpu.barrier barrier_id(%barrier3A)
    %scan3A = arith.constant 0 : i32
    %scan3A_73 = arith.constant 0 : i32
    %scan3A_74 = arith.constant 7 : i32
    %scan3A_75 = arith.addi %scan3A_73, %scan3A_74 : i32
    %scan3A_76 = arith.constant 1 : i32
    scf.for %scan3A_87 = %scan3A_73 to %scan3A_75 step %scan3A_76  : i32 {
      %mul3A_88 = arith.constant 12 : i32
      %mul3A_89 = arith.muli %scan3A_87, %mul3A_88 : i32
      %add3A_90 = arith.constant 0 : i32
      %add3A_91 = arith.addi %mul3A_89, %add3A_90 : i32
      %ge3A = arith.constant 2 : i32
      %ge3A_92 = arith.cmpi sge, %add3A_91, %ge3A : i32
      %sub3A = arith.constant 2 : i32
      %sub3A_93 = arith.subi %add3A_91, %sub3A : i32
      %lt3A = arith.cmpi slt, %sub3A_93, %select_n3A : i32
      %and3A = arith.andi %ge3A_92, %lt3A : i1
      %convert_element_type3A_94 = arith.extui %and3A : i1 to i32
      %cond3A_95 = arith.constant 0 : i32
      %cond3A_96 = arith.cmpi ne, %convert_element_type3A_94, %cond3A_95 : i32
      scf.if %cond3A_96 {
        %dma_wait3A_410 = arith.constant 1 : i32
        %dma_wait3A_411 = arith.constant 0 : i32
        %dma_wait3A_412 = arith.constant 0 : i32
        %dma_wait3A_413 = tpu.memref_slice %arg10[%dma_wait3A_410, %dma_wait3A_411, %dma_wait3A_412] : memref<2x1x128xi32, #tpu.memory_space<vmem>> -> memref<1x1x128xi32, #tpu.memory_space<vmem>>
        %dma_wait3A_414 = tpu.memref_squeeze %dma_wait3A_413 : memref<1x1x128xi32, #tpu.memory_space<vmem>> -> memref<128xi32, #tpu.memory_space<vmem>>
        %dma_wait3A_415 = arith.constant 0 : i32
        %dma_wait3A_416 = arith.constant 0 : i32
        %dma_wait3A_417 = tpu.memref_slice %arg16[%dma_wait3A_415, %dma_wait3A_416] : memref<10016x128xf32, #tpu.memory_space<vmem_shared>> -> memref<10016x128xf32, #tpu.memory_space<vmem_shared>>
        tpu.wait_indirect_dma semaphore(%arg26 : memref<!tpu.dma_semaphore, #tpu.memory_space<semaphore_mem>>) src(%arg13 : memref<128x128xf32, #tpu.memory_space<vmem>>) dst(%dma_wait3A_417 : memref<10016x128xf32, #tpu.memory_space<vmem_shared>>)
      } else {
      }
      %add3A_97 = arith.constant 2 : i32
      %add3A_98 = arith.addi %add3A_91, %add3A_97 : i32
      %lt3A_99 = arith.cmpi slt, %add3A_98, %select_n3A : i32
      %convert_element_type3A_100 = arith.extui %lt3A_99 : i1 to i32
      %cond3A_101 = arith.constant 0 : i32
      %cond3A_102 = arith.cmpi ne, %convert_element_type3A_100, %cond3A_101 : i32
      scf.if %cond3A_102 {
        %add3A_410 = arith.constant 2 : i32
        %add3A_411 = arith.addi %add3A_91, %add3A_410 : i32
        %mul3A_412 = arith.constant 128 : i32
        %mul3A_413 = arith.muli %add3A_411, %mul3A_412 : i32
        %add3A_414 = arith.addi %mul3A_2, %mul3A_413 : i32
        %dma_start3A_415 = arith.constant 0 : i32
        %dma_start3A_416 = arith.constant 0 : i32
        %dma_start3A_417 = arith.constant 0 : i32
        %dma_start3A_418 = tpu.memref_slice %arg10[%dma_start3A_416, %dma_start3A_415, %dma_start3A_417] : memref<2x1x128xi32, #tpu.memory_space<vmem>> -> memref<2x1x128xi32, #tpu.memory_space<vmem>>
        %dma_start3A_419 = tpu.memref_squeeze %dma_start3A_418 : memref<2x1x128xi32, #tpu.memory_space<vmem>> -> memref<2x128xi32, #tpu.memory_space<vmem>>
        %dma_start3A_420 = arith.constant 0 : i32
        %dma_start3A_421 = tpu.memref_slice %arg3[%dma_start3A_420, %add3A_414] : memref<2x320000xi32, #tpu.memory_space<hbm>> -> memref<2x128xi32, #tpu.memory_space<hbm>>
        %dma_start3A_422 = arith.constant 0 : i32
        %dma_start3A_423 = arith.constant 0 : i32
        %dma_start3A_424 = tpu.memref_slice %arg10[%dma_start3A_422, %dma_start3A_415, %dma_start3A_423] : memref<2x1x128xi32, #tpu.memory_space<vmem>> -> memref<2x1x128xi32, #tpu.memory_space<vmem>>
        %dma_start3A_425 = tpu.memref_squeeze %dma_start3A_424 : memref<2x1x128xi32, #tpu.memory_space<vmem>> -> memref<2x128xi32, #tpu.memory_space<vmem>>
        %dma_start3A_426 = arith.constant 0 : i32
        %dma_start3A_427 = tpu.memref_slice %arg3[%dma_start3A_426, %add3A_414] : memref<2x320000xi32, #tpu.memory_space<hbm>> -> memref<2x128xi32, #tpu.memory_space<hbm>>
        tpu.enqueue_dma source(%dma_start3A_427 : memref<2x128xi32, #tpu.memory_space<hbm>>) target(%dma_start3A_425 : memref<2x128xi32, #tpu.memory_space<vmem>>) target_semaphore(%arg20 : memref<!tpu.dma_semaphore, #tpu.memory_space<semaphore_mem>>)
      } else {
      }
      %add3A_103 = arith.constant 1 : i32
      %add3A_104 = arith.addi %add3A_91, %add3A_103 : i32
      %lt3A_105 = arith.cmpi slt, %add3A_104, %select_n3A : i32
      %convert_element_type3A_106 = arith.extui %lt3A_105 : i1 to i32
      %cond3A_107 = arith.constant 0 : i32
      %cond3A_108 = arith.cmpi ne, %convert_element_type3A_106, %cond3A_107 : i32
      scf.if %cond3A_108 {
        %add3A_410 = arith.constant 1 : i32
        %add3A_411 = arith.addi %add3A_91, %add3A_410 : i32
        %mul3A_412 = arith.constant 128 : i32
        %mul3A_413 = arith.muli %add3A_411, %mul3A_412 : i32
        %add3A_414 = arith.addi %mul3A_2, %mul3A_413 : i32
        %dma_wait3A_415 = arith.constant 0 : i32
        %dma_wait3A_416 = arith.constant 0 : i32
        %dma_wait3A_417 = arith.constant 0 : i32
        %dma_wait3A_418 = tpu.memref_slice %arg9[%dma_wait3A_416, %dma_wait3A_415, %dma_wait3A_417] : memref<2x1x128xi32, #tpu.memory_space<vmem>> -> memref<2x1x128xi32, #tpu.memory_space<vmem>>
        %dma_wait3A_419 = tpu.memref_squeeze %dma_wait3A_418 : memref<2x1x128xi32, #tpu.memory_space<vmem>> -> memref<2x128xi32, #tpu.memory_space<vmem>>
        %dma_wait3A_420 = arith.constant 0 : i32
        %dma_wait3A_421 = tpu.memref_slice %arg3[%dma_wait3A_420, %add3A_414] : memref<2x320000xi32, #tpu.memory_space<hbm>> -> memref<2x128xi32, #tpu.memory_space<hbm>>
        %dma_wait3A_422 = arith.constant 0 : i32
        %dma_wait3A_423 = arith.constant 0 : i32
        %dma_wait3A_424 = tpu.memref_slice %arg9[%dma_wait3A_422, %dma_wait3A_415, %dma_wait3A_423] : memref<2x1x128xi32, #tpu.memory_space<vmem>> -> memref<2x1x128xi32, #tpu.memory_space<vmem>>
        %dma_wait3A_425 = tpu.memref_squeeze %dma_wait3A_424 : memref<2x1x128xi32, #tpu.memory_space<vmem>> -> memref<2x128xi32, #tpu.memory_space<vmem>>
        %dma_wait3A_426 = arith.constant 0 : i32
        %dma_wait3A_427 = tpu.memref_slice %arg3[%dma_wait3A_426, %add3A_414] : memref<2x320000xi32, #tpu.memory_space<hbm>> -> memref<2x128xi32, #tpu.memory_space<hbm>>
        tpu.wait_dma2 semaphore(%arg19 : memref<!tpu.dma_semaphore, #tpu.memory_space<semaphore_mem>>) src(%dma_wait3A_427 : memref<2x128xi32, #tpu.memory_space<hbm>>) dst(%dma_wait3A_425 : memref<2x128xi32, #tpu.memory_space<vmem>>)
        %dma_start3A_428 = arith.constant 0 : i32
        %dma_start3A_429 = arith.constant 0 : i32
        %dma_start3A_430 = arith.constant 0 : i32
        %dma_start3A_431 = tpu.memref_slice %arg9[%dma_start3A_428, %dma_start3A_429, %dma_start3A_430] : memref<2x1x128xi32, #tpu.memory_space<vmem>> -> memref<1x1x128xi32, #tpu.memory_space<vmem>>
        %dma_start3A_432 = tpu.memref_squeeze %dma_start3A_431 : memref<1x1x128xi32, #tpu.memory_space<vmem>> -> memref<128xi32, #tpu.memory_space<vmem>>
        %dma_start3A_433 = arith.constant 0 : i32
        %dma_start3A_434 = arith.constant 0 : i32
        %dma_start3A_435 = tpu.memref_slice %arg2[%dma_start3A_433, %dma_start3A_434] : memref<10000x128xf32, #tpu.memory_space<hbm>> -> memref<10000x128xf32, #tpu.memory_space<hbm>>
        tpu.enqueue_indirect_dma source(%dma_start3A_435 : memref<10000x128xf32, #tpu.memory_space<hbm>>) target(%arg13 : memref<128x128xf32, #tpu.memory_space<vmem>>) offsets(%dma_start3A_432 : memref<128xi32, #tpu.memory_space<vmem>>) semaphore(%arg23 : memref<!tpu.dma_semaphore, #tpu.memory_space<semaphore_mem>>)
      } else {
      }
      %lt3A_109 = arith.cmpi slt, %add3A_91, %select_n3A : i32
      %convert_element_type3A_110 = arith.extui %lt3A_109 : i1 to i32
      %cond3A_111 = arith.constant 0 : i32
      %cond3A_112 = arith.cmpi ne, %convert_element_type3A_110, %cond3A_111 : i32
      scf.if %cond3A_112 {
        %dma_wait3A_410 = arith.constant 0 : i32
        %dma_wait3A_411 = arith.constant 0 : i32
        %dma_wait3A_412 = arith.constant 0 : i32
        %dma_wait3A_413 = tpu.memref_slice %arg8[%dma_wait3A_410, %dma_wait3A_411, %dma_wait3A_412] : memref<2x1x128xi32, #tpu.memory_space<vmem>> -> memref<1x1x128xi32, #tpu.memory_space<vmem>>
        %dma_wait3A_414 = tpu.memref_squeeze %dma_wait3A_413 : memref<1x1x128xi32, #tpu.memory_space<vmem>> -> memref<128xi32, #tpu.memory_space<vmem>>
        %dma_wait3A_415 = arith.constant 0 : i32
        %dma_wait3A_416 = arith.constant 0 : i32
        %dma_wait3A_417 = tpu.memref_slice %arg2[%dma_wait3A_415, %dma_wait3A_416] : memref<10000x128xf32, #tpu.memory_space<hbm>> -> memref<10000x128xf32, #tpu.memory_space<hbm>>
        tpu.wait_indirect_dma semaphore(%arg22 : memref<!tpu.dma_semaphore, #tpu.memory_space<semaphore_mem>>) src(%dma_wait3A_417 : memref<10000x128xf32, #tpu.memory_space<hbm>>) dst(%arg12 : memref<128x128xf32, #tpu.memory_space<vmem>>)
        %dma_start3A_418 = arith.constant 1 : i32
        %dma_start3A_419 = arith.constant 0 : i32
        %dma_start3A_420 = arith.constant 0 : i32
        %dma_start3A_421 = tpu.memref_slice %arg8[%dma_start3A_418, %dma_start3A_419, %dma_start3A_420] : memref<2x1x128xi32, #tpu.memory_space<vmem>> -> memref<1x1x128xi32, #tpu.memory_space<vmem>>
        %dma_start3A_422 = tpu.memref_squeeze %dma_start3A_421 : memref<1x1x128xi32, #tpu.memory_space<vmem>> -> memref<128xi32, #tpu.memory_space<vmem>>
        %dma_start3A_423 = arith.constant 0 : i32
        %dma_start3A_424 = arith.constant 0 : i32
        %dma_start3A_425 = tpu.memref_slice %arg16[%dma_start3A_423, %dma_start3A_424] : memref<10016x128xf32, #tpu.memory_space<vmem_shared>> -> memref<10016x128xf32, #tpu.memory_space<vmem_shared>>
        tpu.enqueue_indirect_dma source(%arg12 : memref<128x128xf32, #tpu.memory_space<vmem>>) target(%dma_start3A_425 : memref<10016x128xf32, #tpu.memory_space<vmem_shared>>) offsets(%dma_start3A_422 : memref<128xi32, #tpu.memory_space<vmem>>) semaphore(%arg25 : memref<!tpu.dma_semaphore, #tpu.memory_space<semaphore_mem>>) {add = true}
      } else {
      }
      %add3A_113 = arith.constant 1 : i32
      %add3A_114 = arith.addi %mul3A_89, %add3A_113 : i32
      %ge3A_115 = arith.constant 2 : i32
      %ge3A_116 = arith.cmpi sge, %add3A_114, %ge3A_115 : i32
      %sub3A_117 = arith.constant 2 : i32
      %sub3A_118 = arith.subi %add3A_114, %sub3A_117 : i32
      %lt3A_119 = arith.cmpi slt, %sub3A_118, %select_n3A : i32
      %and3A_120 = arith.andi %ge3A_116, %lt3A_119 : i1
      %convert_element_type3A_121 = arith.extui %and3A_120 : i1 to i32
      %cond3A_122 = arith.constant 0 : i32
      %cond3A_123 = arith.cmpi ne, %convert_element_type3A_121, %cond3A_122 : i32
      scf.if %cond3A_123 {
        %dma_wait3A_410 = arith.constant 1 : i32
        %dma_wait3A_411 = arith.constant 0 : i32
        %dma_wait3A_412 = arith.constant 0 : i32
        %dma_wait3A_413 = tpu.memref_slice %arg11[%dma_wait3A_410, %dma_wait3A_411, %dma_wait3A_412] : memref<2x1x128xi32, #tpu.memory_space<vmem>> -> memref<1x1x128xi32, #tpu.memory_space<vmem>>
        %dma_wait3A_414 = tpu.memref_squeeze %dma_wait3A_413 : memref<1x1x128xi32, #tpu.memory_space<vmem>> -> memref<128xi32, #tpu.memory_space<vmem>>
        %dma_wait3A_415 = arith.constant 0 : i32
        %dma_wait3A_416 = arith.constant 0 : i32
        %dma_wait3A_417 = tpu.memref_slice %arg16[%dma_wait3A_415, %dma_wait3A_416] : memref<10016x128xf32, #tpu.memory_space<vmem_shared>> -> memref<10016x128xf32, #tpu.memory_space<vmem_shared>>
        tpu.wait_indirect_dma semaphore(%arg27 : memref<!tpu.dma_semaphore, #tpu.memory_space<semaphore_mem>>) src(%arg14 : memref<128x128xf32, #tpu.memory_space<vmem>>) dst(%dma_wait3A_417 : memref<10016x128xf32, #tpu.memory_space<vmem_shared>>)
      } else {
      }
      %add3A_124 = arith.constant 2 : i32
      %add3A_125 = arith.addi %add3A_114, %add3A_124 : i32
      %lt3A_126 = arith.cmpi slt, %add3A_125, %select_n3A : i32
      %convert_element_type3A_127 = arith.extui %lt3A_126 : i1 to i32
      %cond3A_128 = arith.constant 0 : i32
      %cond3A_129 = arith.cmpi ne, %convert_element_type3A_127, %cond3A_128 : i32
      scf.if %cond3A_129 {
        %add3A_410 = arith.constant 2 : i32
        %add3A_411 = arith.addi %add3A_114, %add3A_410 : i32
        %mul3A_412 = arith.constant 128 : i32
        %mul3A_413 = arith.muli %add3A_411, %mul3A_412 : i32
        %add3A_414 = arith.addi %mul3A_2, %mul3A_413 : i32
        %dma_start3A_415 = arith.constant 0 : i32
        %dma_start3A_416 = arith.constant 0 : i32
        %dma_start3A_417 = arith.constant 0 : i32
        %dma_start3A_418 = tpu.memref_slice %arg11[%dma_start3A_416, %dma_start3A_415, %dma_start3A_417] : memref<2x1x128xi32, #tpu.memory_space<vmem>> -> memref<2x1x128xi32, #tpu.memory_space<vmem>>
        %dma_start3A_419 = tpu.memref_squeeze %dma_start3A_418 : memref<2x1x128xi32, #tpu.memory_space<vmem>> -> memref<2x128xi32, #tpu.memory_space<vmem>>
        %dma_start3A_420 = arith.constant 0 : i32
        %dma_start3A_421 = tpu.memref_slice %arg3[%dma_start3A_420, %add3A_414] : memref<2x320000xi32, #tpu.memory_space<hbm>> -> memref<2x128xi32, #tpu.memory_space<hbm>>
        %dma_start3A_422 = arith.constant 0 : i32
        %dma_start3A_423 = arith.constant 0 : i32
        %dma_start3A_424 = tpu.memref_slice %arg11[%dma_start3A_422, %dma_start3A_415, %dma_start3A_423] : memref<2x1x128xi32, #tpu.memory_space<vmem>> -> memref<2x1x128xi32, #tpu.memory_space<vmem>>
        %dma_start3A_425 = tpu.memref_squeeze %dma_start3A_424 : memref<2x1x128xi32, #tpu.memory_space<vmem>> -> memref<2x128xi32, #tpu.memory_space<vmem>>
        %dma_start3A_426 = arith.constant 0 : i32
        %dma_start3A_427 = tpu.memref_slice %arg3[%dma_start3A_426, %add3A_414] : memref<2x320000xi32, #tpu.memory_space<hbm>> -> memref<2x128xi32, #tpu.memory_space<hbm>>
        tpu.enqueue_dma source(%dma_start3A_427 : memref<2x128xi32, #tpu.memory_space<hbm>>) target(%dma_start3A_425 : memref<2x128xi32, #tpu.memory_space<vmem>>) target_semaphore(%arg21 : memref<!tpu.dma_semaphore, #tpu.memory_space<semaphore_mem>>)
      } else {
      }
      %add3A_130 = arith.constant 1 : i32
      %add3A_131 = arith.addi %add3A_114, %add3A_130 : i32
      %lt3A_132 = arith.cmpi slt, %add3A_131, %select_n3A : i32
      %convert_element_type3A_133 = arith.extui %lt3A_132 : i1 to i32
      %cond3A_134 = arith.constant 0 : i32
      %cond3A_135 = arith.cmpi ne, %convert_element_type3A_133, %cond3A_134 : i32
      scf.if %cond3A_135 {
        %add3A_410 = arith.constant 1 : i32
        %add3A_411 = arith.addi %add3A_114, %add3A_410 : i32
        %mul3A_412 = arith.constant 128 : i32
        %mul3A_413 = arith.muli %add3A_411, %mul3A_412 : i32
        %add3A_414 = arith.addi %mul3A_2, %mul3A_413 : i32
        %dma_wait3A_415 = arith.constant 0 : i32
        %dma_wait3A_416 = arith.constant 0 : i32
        %dma_wait3A_417 = arith.constant 0 : i32
        %dma_wait3A_418 = tpu.memref_slice %arg10[%dma_wait3A_416, %dma_wait3A_415, %dma_wait3A_417] : memref<2x1x128xi32, #tpu.memory_space<vmem>> -> memref<2x1x128xi32, #tpu.memory_space<vmem>>
        %dma_wait3A_419 = tpu.memref_squeeze %dma_wait3A_418 : memref<2x1x128xi32, #tpu.memory_space<vmem>> -> memref<2x128xi32, #tpu.memory_space<vmem>>
        %dma_wait3A_420 = arith.constant 0 : i32
        %dma_wait3A_421 = tpu.memref_slice %arg3[%dma_wait3A_420, %add3A_414] : memref<2x320000xi32, #tpu.memory_space<hbm>> -> memref<2x128xi32, #tpu.memory_space<hbm>>
        %dma_wait3A_422 = arith.constant 0 : i32
        %dma_wait3A_423 = arith.constant 0 : i32
        %dma_wait3A_424 = tpu.memref_slice %arg10[%dma_wait3A_422, %dma_wait3A_415, %dma_wait3A_423] : memref<2x1x128xi32, #tpu.memory_space<vmem>> -> memref<2x1x128xi32, #tpu.memory_space<vmem>>
        %dma_wait3A_425 = tpu.memref_squeeze %dma_wait3A_424 : memref<2x1x128xi32, #tpu.memory_space<vmem>> -> memref<2x128xi32, #tpu.memory_space<vmem>>
        %dma_wait3A_426 = arith.constant 0 : i32
        %dma_wait3A_427 = tpu.memref_slice %arg3[%dma_wait3A_426, %add3A_414] : memref<2x320000xi32, #tpu.memory_space<hbm>> -> memref<2x128xi32, #tpu.memory_space<hbm>>
        tpu.wait_dma2 semaphore(%arg20 : memref<!tpu.dma_semaphore, #tpu.memory_space<semaphore_mem>>) src(%dma_wait3A_427 : memref<2x128xi32, #tpu.memory_space<hbm>>) dst(%dma_wait3A_425 : memref<2x128xi32, #tpu.memory_space<vmem>>)
        %dma_start3A_428 = arith.constant 0 : i32
        %dma_start3A_429 = arith.constant 0 : i32
        %dma_start3A_430 = arith.constant 0 : i32
        %dma_start3A_431 = tpu.memref_slice %arg10[%dma_start3A_428, %dma_start3A_429, %dma_start3A_430] : memref<2x1x128xi32, #tpu.memory_space<vmem>> -> memref<1x1x128xi32, #tpu.memory_space<vmem>>
        %dma_start3A_432 = tpu.memref_squeeze %dma_start3A_431 : memref<1x1x128xi32, #tpu.memory_space<vmem>> -> memref<128xi32, #tpu.memory_space<vmem>>
        %dma_start3A_433 = arith.constant 0 : i32
        %dma_start3A_434 = arith.constant 0 : i32
        %dma_start3A_435 = tpu.memref_slice %arg2[%dma_start3A_433, %dma_start3A_434] : memref<10000x128xf32, #tpu.memory_space<hbm>> -> memref<10000x128xf32, #tpu.memory_space<hbm>>
        tpu.enqueue_indirect_dma source(%dma_start3A_435 : memref<10000x128xf32, #tpu.memory_space<hbm>>) target(%arg14 : memref<128x128xf32, #tpu.memory_space<vmem>>) offsets(%dma_start3A_432 : memref<128xi32, #tpu.memory_space<vmem>>) semaphore(%arg24 : memref<!tpu.dma_semaphore, #tpu.memory_space<semaphore_mem>>)
      } else {
      }
      %lt3A_136 = arith.cmpi slt, %add3A_114, %select_n3A : i32
      %convert_element_type3A_137 = arith.extui %lt3A_136 : i1 to i32
      %cond3A_138 = arith.constant 0 : i32
      %cond3A_139 = arith.cmpi ne, %convert_element_type3A_137, %cond3A_138 : i32
      scf.if %cond3A_139 {
        %dma_wait3A_410 = arith.constant 0 : i32
        %dma_wait3A_411 = arith.constant 0 : i32
        %dma_wait3A_412 = arith.constant 0 : i32
        %dma_wait3A_413 = tpu.memref_slice %arg9[%dma_wait3A_410, %dma_wait3A_411, %dma_wait3A_412] : memref<2x1x128xi32, #tpu.memory_space<vmem>> -> memref<1x1x128xi32, #tpu.memory_space<vmem>>
        %dma_wait3A_414 = tpu.memref_squeeze %dma_wait3A_413 : memref<1x1x128xi32, #tpu.memory_space<vmem>> -> memref<128xi32, #tpu.memory_space<vmem>>
        %dma_wait3A_415 = arith.constant 0 : i32
        %dma_wait3A_416 = arith.constant 0 : i32
        %dma_wait3A_417 = tpu.memref_slice %arg2[%dma_wait3A_415, %dma_wait3A_416] : memref<10000x128xf32, #tpu.memory_space<hbm>> -> memref<10000x128xf32, #tpu.memory_space<hbm>>
        tpu.wait_indirect_dma semaphore(%arg23 : memref<!tpu.dma_semaphore, #tpu.memory_space<semaphore_mem>>) src(%dma_wait3A_417 : memref<10000x128xf32, #tpu.memory_space<hbm>>) dst(%arg13 : memref<128x128xf32, #tpu.memory_space<vmem>>)
        %dma_start3A_418 = arith.constant 1 : i32
        %dma_start3A_419 = arith.constant 0 : i32
        %dma_start3A_420 = arith.constant 0 : i32
        %dma_start3A_421 = tpu.memref_slice %arg9[%dma_start3A_418, %dma_start3A_419, %dma_start3A_420] : memref<2x1x128xi32, #tpu.memory_space<vmem>> -> memref<1x1x128xi32, #tpu.memory_space<vmem>>
        %dma_start3A_422 = tpu.memref_squeeze %dma_start3A_421 : memref<1x1x128xi32, #tpu.memory_space<vmem>> -> memref<128xi32, #tpu.memory_space<vmem>>
        %dma_start3A_423 = arith.constant 0 : i32
        %dma_start3A_424 = arith.constant 0 : i32
        %dma_start3A_425 = tpu.memref_slice %arg16[%dma_start3A_423, %dma_start3A_424] : memref<10016x128xf32, #tpu.memory_space<vmem_shared>> -> memref<10016x128xf32, #tpu.memory_space<vmem_shared>>
        tpu.enqueue_indirect_dma source(%arg13 : memref<128x128xf32, #tpu.memory_space<vmem>>) target(%dma_start3A_425 : memref<10016x128xf32, #tpu.memory_space<vmem_shared>>) offsets(%dma_start3A_422 : memref<128xi32, #tpu.memory_space<vmem>>) semaphore(%arg26 : memref<!tpu.dma_semaphore, #tpu.memory_space<semaphore_mem>>) {add = true}
      } else {
      }
      %add3A_140 = arith.constant 2 : i32
      %add3A_141 = arith.addi %mul3A_89, %add3A_140 : i32
      %ge3A_142 = arith.constant 2 : i32
      %ge3A_143 = arith.cmpi sge, %add3A_141, %ge3A_142 : i32
      %sub3A_144 = arith.constant 2 : i32
      %sub3A_145 = arith.subi %add3A_141, %sub3A_144 : i32
      %lt3A_146 = arith.cmpi slt, %sub3A_145, %select_n3A : i32
      %and3A_147 = arith.andi %ge3A_143, %lt3A_146 : i1
      %convert_element_type3A_148 = arith.extui %and3A_147 : i1 to i32
      %cond3A_149 = arith.constant 0 : i32
      %cond3A_150 = arith.cmpi ne, %convert_element_type3A_148, %cond3A_149 : i32
      scf.if %cond3A_150 {
        %dma_wait3A_410 = arith.constant 1 : i32
        %dma_wait3A_411 = arith.constant 0 : i32
        %dma_wait3A_412 = arith.constant 0 : i32
        %dma_wait3A_413 = tpu.memref_slice %arg8[%dma_wait3A_410, %dma_wait3A_411, %dma_wait3A_412] : memref<2x1x128xi32, #tpu.memory_space<vmem>> -> memref<1x1x128xi32, #tpu.memory_space<vmem>>
        %dma_wait3A_414 = tpu.memref_squeeze %dma_wait3A_413 : memref<1x1x128xi32, #tpu.memory_space<vmem>> -> memref<128xi32, #tpu.memory_space<vmem>>
        %dma_wait3A_415 = arith.constant 0 : i32
        %dma_wait3A_416 = arith.constant 0 : i32
        %dma_wait3A_417 = tpu.memref_slice %arg16[%dma_wait3A_415, %dma_wait3A_416] : memref<10016x128xf32, #tpu.memory_space<vmem_shared>> -> memref<10016x128xf32, #tpu.memory_space<vmem_shared>>
        tpu.wait_indirect_dma semaphore(%arg25 : memref<!tpu.dma_semaphore, #tpu.memory_space<semaphore_mem>>) src(%arg12 : memref<128x128xf32, #tpu.memory_space<vmem>>) dst(%dma_wait3A_417 : memref<10016x128xf32, #tpu.memory_space<vmem_shared>>)
      } else {
      }
      %add3A_151 = arith.constant 2 : i32
      %add3A_152 = arith.addi %add3A_141, %add3A_151 : i32
      %lt3A_153 = arith.cmpi slt, %add3A_152, %select_n3A : i32
      %convert_element_type3A_154 = arith.extui %lt3A_153 : i1 to i32
      %cond3A_155 = arith.constant 0 : i32
      %cond3A_156 = arith.cmpi ne, %convert_element_type3A_154, %cond3A_155 : i32
      scf.if %cond3A_156 {
        %add3A_410 = arith.constant 2 : i32
        %add3A_411 = arith.addi %add3A_141, %add3A_410 : i32
        %mul3A_412 = arith.constant 128 : i32
        %mul3A_413 = arith.muli %add3A_411, %mul3A_412 : i32
        %add3A_414 = arith.addi %mul3A_2, %mul3A_413 : i32
        %dma_start3A_415 = arith.constant 0 : i32
        %dma_start3A_416 = arith.constant 0 : i32
        %dma_start3A_417 = arith.constant 0 : i32
        %dma_start3A_418 = tpu.memref_slice %arg8[%dma_start3A_416, %dma_start3A_415, %dma_start3A_417] : memref<2x1x128xi32, #tpu.memory_space<vmem>> -> memref<2x1x128xi32, #tpu.memory_space<vmem>>
        %dma_start3A_419 = tpu.memref_squeeze %dma_start3A_418 : memref<2x1x128xi32, #tpu.memory_space<vmem>> -> memref<2x128xi32, #tpu.memory_space<vmem>>
        %dma_start3A_420 = arith.constant 0 : i32
        %dma_start3A_421 = tpu.memref_slice %arg3[%dma_start3A_420, %add3A_414] : memref<2x320000xi32, #tpu.memory_space<hbm>> -> memref<2x128xi32, #tpu.memory_space<hbm>>
        %dma_start3A_422 = arith.constant 0 : i32
        %dma_start3A_423 = arith.constant 0 : i32
        %dma_start3A_424 = tpu.memref_slice %arg8[%dma_start3A_422, %dma_start3A_415, %dma_start3A_423] : memref<2x1x128xi32, #tpu.memory_space<vmem>> -> memref<2x1x128xi32, #tpu.memory_space<vmem>>
        %dma_start3A_425 = tpu.memref_squeeze %dma_start3A_424 : memref<2x1x128xi32, #tpu.memory_space<vmem>> -> memref<2x128xi32, #tpu.memory_space<vmem>>
        %dma_start3A_426 = arith.constant 0 : i32
        %dma_start3A_427 = tpu.memref_slice %arg3[%dma_start3A_426, %add3A_414] : memref<2x320000xi32, #tpu.memory_space<hbm>> -> memref<2x128xi32, #tpu.memory_space<hbm>>
        tpu.enqueue_dma source(%dma_start3A_427 : memref<2x128xi32, #tpu.memory_space<hbm>>) target(%dma_start3A_425 : memref<2x128xi32, #tpu.memory_space<vmem>>) target_semaphore(%arg18 : memref<!tpu.dma_semaphore, #tpu.memory_space<semaphore_mem>>)
      } else {
      }
      %add3A_157 = arith.constant 1 : i32
      %add3A_158 = arith.addi %add3A_141, %add3A_157 : i32
      %lt3A_159 = arith.cmpi slt, %add3A_158, %select_n3A : i32
      %convert_element_type3A_160 = arith.extui %lt3A_159 : i1 to i32
      %cond3A_161 = arith.constant 0 : i32
      %cond3A_162 = arith.cmpi ne, %convert_element_type3A_160, %cond3A_161 : i32
      scf.if %cond3A_162 {
        %add3A_410 = arith.constant 1 : i32
        %add3A_411 = arith.addi %add3A_141, %add3A_410 : i32
        %mul3A_412 = arith.constant 128 : i32
        %mul3A_413 = arith.muli %add3A_411, %mul3A_412 : i32
        %add3A_414 = arith.addi %mul3A_2, %mul3A_413 : i32
        %dma_wait3A_415 = arith.constant 0 : i32
        %dma_wait3A_416 = arith.constant 0 : i32
        %dma_wait3A_417 = arith.constant 0 : i32
        %dma_wait3A_418 = tpu.memref_slice %arg11[%dma_wait3A_416, %dma_wait3A_415, %dma_wait3A_417] : memref<2x1x128xi32, #tpu.memory_space<vmem>> -> memref<2x1x128xi32, #tpu.memory_space<vmem>>
        %dma_wait3A_419 = tpu.memref_squeeze %dma_wait3A_418 : memref<2x1x128xi32, #tpu.memory_space<vmem>> -> memref<2x128xi32, #tpu.memory_space<vmem>>
        %dma_wait3A_420 = arith.constant 0 : i32
        %dma_wait3A_421 = tpu.memref_slice %arg3[%dma_wait3A_420, %add3A_414] : memref<2x320000xi32, #tpu.memory_space<hbm>> -> memref<2x128xi32, #tpu.memory_space<hbm>>
        %dma_wait3A_422 = arith.constant 0 : i32
        %dma_wait3A_423 = arith.constant 0 : i32
        %dma_wait3A_424 = tpu.memref_slice %arg11[%dma_wait3A_422, %dma_wait3A_415, %dma_wait3A_423] : memref<2x1x128xi32, #tpu.memory_space<vmem>> -> memref<2x1x128xi32, #tpu.memory_space<vmem>>
        %dma_wait3A_425 = tpu.memref_squeeze %dma_wait3A_424 : memref<2x1x128xi32, #tpu.memory_space<vmem>> -> memref<2x128xi32, #tpu.memory_space<vmem>>
        %dma_wait3A_426 = arith.constant 0 : i32
        %dma_wait3A_427 = tpu.memref_slice %arg3[%dma_wait3A_426, %add3A_414] : memref<2x320000xi32, #tpu.memory_space<hbm>> -> memref<2x128xi32, #tpu.memory_space<hbm>>
        tpu.wait_dma2 semaphore(%arg21 : memref<!tpu.dma_semaphore, #tpu.memory_space<semaphore_mem>>) src(%dma_wait3A_427 : memref<2x128xi32, #tpu.memory_space<hbm>>) dst(%dma_wait3A_425 : memref<2x128xi32, #tpu.memory_space<vmem>>)
        %dma_start3A_428 = arith.constant 0 : i32
        %dma_start3A_429 = arith.constant 0 : i32
        %dma_start3A_430 = arith.constant 0 : i32
        %dma_start3A_431 = tpu.memref_slice %arg11[%dma_start3A_428, %dma_start3A_429, %dma_start3A_430] : memref<2x1x128xi32, #tpu.memory_space<vmem>> -> memref<1x1x128xi32, #tpu.memory_space<vmem>>
        %dma_start3A_432 = tpu.memref_squeeze %dma_start3A_431 : memref<1x1x128xi32, #tpu.memory_space<vmem>> -> memref<128xi32, #tpu.memory_space<vmem>>
        %dma_start3A_433 = arith.constant 0 : i32
        %dma_start3A_434 = arith.constant 0 : i32
        %dma_start3A_435 = tpu.memref_slice %arg2[%dma_start3A_433, %dma_start3A_434] : memref<10000x128xf32, #tpu.memory_space<hbm>> -> memref<10000x128xf32, #tpu.memory_space<hbm>>
        tpu.enqueue_indirect_dma source(%dma_start3A_435 : memref<10000x128xf32, #tpu.memory_space<hbm>>) target(%arg12 : memref<128x128xf32, #tpu.memory_space<vmem>>) offsets(%dma_start3A_432 : memref<128xi32, #tpu.memory_space<vmem>>) semaphore(%arg22 : memref<!tpu.dma_semaphore, #tpu.memory_space<semaphore_mem>>)
      } else {
      }
      %lt3A_163 = arith.cmpi slt, %add3A_141, %select_n3A : i32
      %convert_element_type3A_164 = arith.extui %lt3A_163 : i1 to i32
      %cond3A_165 = arith.constant 0 : i32
      %cond3A_166 = arith.cmpi ne, %convert_element_type3A_164, %cond3A_165 : i32
      scf.if %cond3A_166 {
        %dma_wait3A_410 = arith.constant 0 : i32
        %dma_wait3A_411 = arith.constant 0 : i32
        %dma_wait3A_412 = arith.constant 0 : i32
        %dma_wait3A_413 = tpu.memref_slice %arg10[%dma_wait3A_410, %dma_wait3A_411, %dma_wait3A_412] : memref<2x1x128xi32, #tpu.memory_space<vmem>> -> memref<1x1x128xi32, #tpu.memory_space<vmem>>
        %dma_wait3A_414 = tpu.memref_squeeze %dma_wait3A_413 : memref<1x1x128xi32, #tpu.memory_space<vmem>> -> memref<128xi32, #tpu.memory_space<vmem>>
        %dma_wait3A_415 = arith.constant 0 : i32
        %dma_wait3A_416 = arith.constant 0 : i32
        %dma_wait3A_417 = tpu.memref_slice %arg2[%dma_wait3A_415, %dma_wait3A_416] : memref<10000x128xf32, #tpu.memory_space<hbm>> -> memref<10000x128xf32, #tpu.memory_space<hbm>>
        tpu.wait_indirect_dma semaphore(%arg24 : memref<!tpu.dma_semaphore, #tpu.memory_space<semaphore_mem>>) src(%dma_wait3A_417 : memref<10000x128xf32, #tpu.memory_space<hbm>>) dst(%arg14 : memref<128x128xf32, #tpu.memory_space<vmem>>)
        %dma_start3A_418 = arith.constant 1 : i32
        %dma_start3A_419 = arith.constant 0 : i32
        %dma_start3A_420 = arith.constant 0 : i32
        %dma_start3A_421 = tpu.memref_slice %arg10[%dma_start3A_418, %dma_start3A_419, %dma_start3A_420] : memref<2x1x128xi32, #tpu.memory_space<vmem>> -> memref<1x1x128xi32, #tpu.memory_space<vmem>>
        %dma_start3A_422 = tpu.memref_squeeze %dma_start3A_421 : memref<1x1x128xi32, #tpu.memory_space<vmem>> -> memref<128xi32, #tpu.memory_space<vmem>>
        %dma_start3A_423 = arith.constant 0 : i32
        %dma_start3A_424 = arith.constant 0 : i32
        %dma_start3A_425 = tpu.memref_slice %arg16[%dma_start3A_423, %dma_start3A_424] : memref<10016x128xf32, #tpu.memory_space<vmem_shared>> -> memref<10016x128xf32, #tpu.memory_space<vmem_shared>>
        tpu.enqueue_indirect_dma source(%arg14 : memref<128x128xf32, #tpu.memory_space<vmem>>) target(%dma_start3A_425 : memref<10016x128xf32, #tpu.memory_space<vmem_shared>>) offsets(%dma_start3A_422 : memref<128xi32, #tpu.memory_space<vmem>>) semaphore(%arg27 : memref<!tpu.dma_semaphore, #tpu.memory_space<semaphore_mem>>) {add = true}
      } else {
      }
      %add3A_167 = arith.constant 3 : i32
      %add3A_168 = arith.addi %mul3A_89, %add3A_167 : i32
      %ge3A_169 = arith.constant 2 : i32
      %ge3A_170 = arith.cmpi sge, %add3A_168, %ge3A_169 : i32
      %sub3A_171 = arith.constant 2 : i32
      %sub3A_172 = arith.subi %add3A_168, %sub3A_171 : i32
      %lt3A_173 = arith.cmpi slt, %sub3A_172, %select_n3A : i32
      %and3A_174 = arith.andi %ge3A_170, %lt3A_173 : i1
      %convert_element_type3A_175 = arith.extui %and3A_174 : i1 to i32
      %cond3A_176 = arith.constant 0 : i32
      %cond3A_177 = arith.cmpi ne, %convert_element_type3A_175, %cond3A_176 : i32
      scf.if %cond3A_177 {
        %dma_wait3A_410 = arith.constant 1 : i32
        %dma_wait3A_411 = arith.constant 0 : i32
        %dma_wait3A_412 = arith.constant 0 : i32
        %dma_wait3A_413 = tpu.memref_slice %arg9[%dma_wait3A_410, %dma_wait3A_411, %dma_wait3A_412] : memref<2x1x128xi32, #tpu.memory_space<vmem>> -> memref<1x1x128xi32, #tpu.memory_space<vmem>>
        %dma_wait3A_414 = tpu.memref_squeeze %dma_wait3A_413 : memref<1x1x128xi32, #tpu.memory_space<vmem>> -> memref<128xi32, #tpu.memory_space<vmem>>
        %dma_wait3A_415 = arith.constant 0 : i32
        %dma_wait3A_416 = arith.constant 0 : i32
        %dma_wait3A_417 = tpu.memref_slice %arg16[%dma_wait3A_415, %dma_wait3A_416] : memref<10016x128xf32, #tpu.memory_space<vmem_shared>> -> memref<10016x128xf32, #tpu.memory_space<vmem_shared>>
        tpu.wait_indirect_dma semaphore(%arg26 : memref<!tpu.dma_semaphore, #tpu.memory_space<semaphore_mem>>) src(%arg13 : memref<128x128xf32, #tpu.memory_space<vmem>>) dst(%dma_wait3A_417 : memref<10016x128xf32, #tpu.memory_space<vmem_shared>>)
      } else {
      }
      %add3A_178 = arith.constant 2 : i32
      %add3A_179 = arith.addi %add3A_168, %add3A_178 : i32
      %lt3A_180 = arith.cmpi slt, %add3A_179, %select_n3A : i32
      %convert_element_type3A_181 = arith.extui %lt3A_180 : i1 to i32
      %cond3A_182 = arith.constant 0 : i32
      %cond3A_183 = arith.cmpi ne, %convert_element_type3A_181, %cond3A_182 : i32
      scf.if %cond3A_183 {
        %add3A_410 = arith.constant 2 : i32
        %add3A_411 = arith.addi %add3A_168, %add3A_410 : i32
        %mul3A_412 = arith.constant 128 : i32
        %mul3A_413 = arith.muli %add3A_411, %mul3A_412 : i32
        %add3A_414 = arith.addi %mul3A_2, %mul3A_413 : i32
        %dma_start3A_415 = arith.constant 0 : i32
        %dma_start3A_416 = arith.constant 0 : i32
        %dma_start3A_417 = arith.constant 0 : i32
        %dma_start3A_418 = tpu.memref_slice %arg9[%dma_start3A_416, %dma_start3A_415, %dma_start3A_417] : memref<2x1x128xi32, #tpu.memory_space<vmem>> -> memref<2x1x128xi32, #tpu.memory_space<vmem>>
        %dma_start3A_419 = tpu.memref_squeeze %dma_start3A_418 : memref<2x1x128xi32, #tpu.memory_space<vmem>> -> memref<2x128xi32, #tpu.memory_space<vmem>>
        %dma_start3A_420 = arith.constant 0 : i32
        %dma_start3A_421 = tpu.memref_slice %arg3[%dma_start3A_420, %add3A_414] : memref<2x320000xi32, #tpu.memory_space<hbm>> -> memref<2x128xi32, #tpu.memory_space<hbm>>
        %dma_start3A_422 = arith.constant 0 : i32
        %dma_start3A_423 = arith.constant 0 : i32
        %dma_start3A_424 = tpu.memref_slice %arg9[%dma_start3A_422, %dma_start3A_415, %dma_start3A_423] : memref<2x1x128xi32, #tpu.memory_space<vmem>> -> memref<2x1x128xi32, #tpu.memory_space<vmem>>
        %dma_start3A_425 = tpu.memref_squeeze %dma_start3A_424 : memref<2x1x128xi32, #tpu.memory_space<vmem>> -> memref<2x128xi32, #tpu.memory_space<vmem>>
        %dma_start3A_426 = arith.constant 0 : i32
        %dma_start3A_427 = tpu.memref_slice %arg3[%dma_start3A_426, %add3A_414] : memref<2x320000xi32, #tpu.memory_space<hbm>> -> memref<2x128xi32, #tpu.memory_space<hbm>>
        tpu.enqueue_dma source(%dma_start3A_427 : memref<2x128xi32, #tpu.memory_space<hbm>>) target(%dma_start3A_425 : memref<2x128xi32, #tpu.memory_space<vmem>>) target_semaphore(%arg19 : memref<!tpu.dma_semaphore, #tpu.memory_space<semaphore_mem>>)
      } else {
      }
      %add3A_184 = arith.constant 1 : i32
      %add3A_185 = arith.addi %add3A_168, %add3A_184 : i32
      %lt3A_186 = arith.cmpi slt, %add3A_185, %select_n3A : i32
      %convert_element_type3A_187 = arith.extui %lt3A_186 : i1 to i32
      %cond3A_188 = arith.constant 0 : i32
      %cond3A_189 = arith.cmpi ne, %convert_element_type3A_187, %cond3A_188 : i32
      scf.if %cond3A_189 {
        %add3A_410 = arith.constant 1 : i32
        %add3A_411 = arith.addi %add3A_168, %add3A_410 : i32
        %mul3A_412 = arith.constant 128 : i32
        %mul3A_413 = arith.muli %add3A_411, %mul3A_412 : i32
        %add3A_414 = arith.addi %mul3A_2, %mul3A_413 : i32
        %dma_wait3A_415 = arith.constant 0 : i32
        %dma_wait3A_416 = arith.constant 0 : i32
        %dma_wait3A_417 = arith.constant 0 : i32
        %dma_wait3A_418 = tpu.memref_slice %arg8[%dma_wait3A_416, %dma_wait3A_415, %dma_wait3A_417] : memref<2x1x128xi32, #tpu.memory_space<vmem>> -> memref<2x1x128xi32, #tpu.memory_space<vmem>>
        %dma_wait3A_419 = tpu.memref_squeeze %dma_wait3A_418 : memref<2x1x128xi32, #tpu.memory_space<vmem>> -> memref<2x128xi32, #tpu.memory_space<vmem>>
        %dma_wait3A_420 = arith.constant 0 : i32
        %dma_wait3A_421 = tpu.memref_slice %arg3[%dma_wait3A_420, %add3A_414] : memref<2x320000xi32, #tpu.memory_space<hbm>> -> memref<2x128xi32, #tpu.memory_space<hbm>>
        %dma_wait3A_422 = arith.constant 0 : i32
        %dma_wait3A_423 = arith.constant 0 : i32
        %dma_wait3A_424 = tpu.memref_slice %arg8[%dma_wait3A_422, %dma_wait3A_415, %dma_wait3A_423] : memref<2x1x128xi32, #tpu.memory_space<vmem>> -> memref<2x1x128xi32, #tpu.memory_space<vmem>>
        %dma_wait3A_425 = tpu.memref_squeeze %dma_wait3A_424 : memref<2x1x128xi32, #tpu.memory_space<vmem>> -> memref<2x128xi32, #tpu.memory_space<vmem>>
        %dma_wait3A_426 = arith.constant 0 : i32
        %dma_wait3A_427 = tpu.memref_slice %arg3[%dma_wait3A_426, %add3A_414] : memref<2x320000xi32, #tpu.memory_space<hbm>> -> memref<2x128xi32, #tpu.memory_space<hbm>>
        tpu.wait_dma2 semaphore(%arg18 : memref<!tpu.dma_semaphore, #tpu.memory_space<semaphore_mem>>) src(%dma_wait3A_427 : memref<2x128xi32, #tpu.memory_space<hbm>>) dst(%dma_wait3A_425 : memref<2x128xi32, #tpu.memory_space<vmem>>)
        %dma_start3A_428 = arith.constant 0 : i32
        %dma_start3A_429 = arith.constant 0 : i32
        %dma_start3A_430 = arith.constant 0 : i32
        %dma_start3A_431 = tpu.memref_slice %arg8[%dma_start3A_428, %dma_start3A_429, %dma_start3A_430] : memref<2x1x128xi32, #tpu.memory_space<vmem>> -> memref<1x1x128xi32, #tpu.memory_space<vmem>>
        %dma_start3A_432 = tpu.memref_squeeze %dma_start3A_431 : memref<1x1x128xi32, #tpu.memory_space<vmem>> -> memref<128xi32, #tpu.memory_space<vmem>>
        %dma_start3A_433 = arith.constant 0 : i32
        %dma_start3A_434 = arith.constant 0 : i32
        %dma_start3A_435 = tpu.memref_slice %arg2[%dma_start3A_433, %dma_start3A_434] : memref<10000x128xf32, #tpu.memory_space<hbm>> -> memref<10000x128xf32, #tpu.memory_space<hbm>>
        tpu.enqueue_indirect_dma source(%dma_start3A_435 : memref<10000x128xf32, #tpu.memory_space<hbm>>) target(%arg13 : memref<128x128xf32, #tpu.memory_space<vmem>>) offsets(%dma_start3A_432 : memref<128xi32, #tpu.memory_space<vmem>>) semaphore(%arg23 : memref<!tpu.dma_semaphore, #tpu.memory_space<semaphore_mem>>)
      } else {
      }
      %lt3A_190 = arith.cmpi slt, %add3A_168, %select_n3A : i32
      %convert_element_type3A_191 = arith.extui %lt3A_190 : i1 to i32
      %cond3A_192 = arith.constant 0 : i32
      %cond3A_193 = arith.cmpi ne, %convert_element_type3A_191, %cond3A_192 : i32
      scf.if %cond3A_193 {
        %dma_wait3A_410 = arith.constant 0 : i32
        %dma_wait3A_411 = arith.constant 0 : i32
        %dma_wait3A_412 = arith.constant 0 : i32
        %dma_wait3A_413 = tpu.memref_slice %arg11[%dma_wait3A_410, %dma_wait3A_411, %dma_wait3A_412] : memref<2x1x128xi32, #tpu.memory_space<vmem>> -> memref<1x1x128xi32, #tpu.memory_space<vmem>>
        %dma_wait3A_414 = tpu.memref_squeeze %dma_wait3A_413 : memref<1x1x128xi32, #tpu.memory_space<vmem>> -> memref<128xi32, #tpu.memory_space<vmem>>
        %dma_wait3A_415 = arith.constant 0 : i32
        %dma_wait3A_416 = arith.constant 0 : i32
        %dma_wait3A_417 = tpu.memref_slice %arg2[%dma_wait3A_415, %dma_wait3A_416] : memref<10000x128xf32, #tpu.memory_space<hbm>> -> memref<10000x128xf32, #tpu.memory_space<hbm>>
        tpu.wait_indirect_dma semaphore(%arg22 : memref<!tpu.dma_semaphore, #tpu.memory_space<semaphore_mem>>) src(%dma_wait3A_417 : memref<10000x128xf32, #tpu.memory_space<hbm>>) dst(%arg12 : memref<128x128xf32, #tpu.memory_space<vmem>>)
        %dma_start3A_418 = arith.constant 1 : i32
        %dma_start3A_419 = arith.constant 0 : i32
        %dma_start3A_420 = arith.constant 0 : i32
        %dma_start3A_421 = tpu.memref_slice %arg11[%dma_start3A_418, %dma_start3A_419, %dma_start3A_420] : memref<2x1x128xi32, #tpu.memory_space<vmem>> -> memref<1x1x128xi32, #tpu.memory_space<vmem>>
        %dma_start3A_422 = tpu.memref_squeeze %dma_start3A_421 : memref<1x1x128xi32, #tpu.memory_space<vmem>> -> memref<128xi32, #tpu.memory_space<vmem>>
        %dma_start3A_423 = arith.constant 0 : i32
        %dma_start3A_424 = arith.constant 0 : i32
        %dma_start3A_425 = tpu.memref_slice %arg16[%dma_start3A_423, %dma_start3A_424] : memref<10016x128xf32, #tpu.memory_space<vmem_shared>> -> memref<10016x128xf32, #tpu.memory_space<vmem_shared>>
        tpu.enqueue_indirect_dma source(%arg12 : memref<128x128xf32, #tpu.memory_space<vmem>>) target(%dma_start3A_425 : memref<10016x128xf32, #tpu.memory_space<vmem_shared>>) offsets(%dma_start3A_422 : memref<128xi32, #tpu.memory_space<vmem>>) semaphore(%arg25 : memref<!tpu.dma_semaphore, #tpu.memory_space<semaphore_mem>>) {add = true}
      } else {
      }
      %add3A_194 = arith.constant 4 : i32
      %add3A_195 = arith.addi %mul3A_89, %add3A_194 : i32
      %ge3A_196 = arith.constant 2 : i32
      %ge3A_197 = arith.cmpi sge, %add3A_195, %ge3A_196 : i32
      %sub3A_198 = arith.constant 2 : i32
      %sub3A_199 = arith.subi %add3A_195, %sub3A_198 : i32
      %lt3A_200 = arith.cmpi slt, %sub3A_199, %select_n3A : i32
      %and3A_201 = arith.andi %ge3A_197, %lt3A_200 : i1
      %convert_element_type3A_202 = arith.extui %and3A_201 : i1 to i32
      %cond3A_203 = arith.constant 0 : i32
      %cond3A_204 = arith.cmpi ne, %convert_element_type3A_202, %cond3A_203 : i32
      scf.if %cond3A_204 {
        %dma_wait3A_410 = arith.constant 1 : i32
        %dma_wait3A_411 = arith.constant 0 : i32
        %dma_wait3A_412 = arith.constant 0 : i32
        %dma_wait3A_413 = tpu.memref_slice %arg10[%dma_wait3A_410, %dma_wait3A_411, %dma_wait3A_412] : memref<2x1x128xi32, #tpu.memory_space<vmem>> -> memref<1x1x128xi32, #tpu.memory_space<vmem>>
        %dma_wait3A_414 = tpu.memref_squeeze %dma_wait3A_413 : memref<1x1x128xi32, #tpu.memory_space<vmem>> -> memref<128xi32, #tpu.memory_space<vmem>>
        %dma_wait3A_415 = arith.constant 0 : i32
        %dma_wait3A_416 = arith.constant 0 : i32
        %dma_wait3A_417 = tpu.memref_slice %arg16[%dma_wait3A_415, %dma_wait3A_416] : memref<10016x128xf32, #tpu.memory_space<vmem_shared>> -> memref<10016x128xf32, #tpu.memory_space<vmem_shared>>
        tpu.wait_indirect_dma semaphore(%arg27 : memref<!tpu.dma_semaphore, #tpu.memory_space<semaphore_mem>>) src(%arg14 : memref<128x128xf32, #tpu.memory_space<vmem>>) dst(%dma_wait3A_417 : memref<10016x128xf32, #tpu.memory_space<vmem_shared>>)
      } else {
      }
      %add3A_205 = arith.constant 2 : i32
      %add3A_206 = arith.addi %add3A_195, %add3A_205 : i32
      %lt3A_207 = arith.cmpi slt, %add3A_206, %select_n3A : i32
      %convert_element_type3A_208 = arith.extui %lt3A_207 : i1 to i32
      %cond3A_209 = arith.constant 0 : i32
      %cond3A_210 = arith.cmpi ne, %convert_element_type3A_208, %cond3A_209 : i32
      scf.if %cond3A_210 {
        %add3A_410 = arith.constant 2 : i32
        %add3A_411 = arith.addi %add3A_195, %add3A_410 : i32
        %mul3A_412 = arith.constant 128 : i32
        %mul3A_413 = arith.muli %add3A_411, %mul3A_412 : i32
        %add3A_414 = arith.addi %mul3A_2, %mul3A_413 : i32
        %dma_start3A_415 = arith.constant 0 : i32
        %dma_start3A_416 = arith.constant 0 : i32
        %dma_start3A_417 = arith.constant 0 : i32
        %dma_start3A_418 = tpu.memref_slice %arg10[%dma_start3A_416, %dma_start3A_415, %dma_start3A_417] : memref<2x1x128xi32, #tpu.memory_space<vmem>> -> memref<2x1x128xi32, #tpu.memory_space<vmem>>
        %dma_start3A_419 = tpu.memref_squeeze %dma_start3A_418 : memref<2x1x128xi32, #tpu.memory_space<vmem>> -> memref<2x128xi32, #tpu.memory_space<vmem>>
        %dma_start3A_420 = arith.constant 0 : i32
        %dma_start3A_421 = tpu.memref_slice %arg3[%dma_start3A_420, %add3A_414] : memref<2x320000xi32, #tpu.memory_space<hbm>> -> memref<2x128xi32, #tpu.memory_space<hbm>>
        %dma_start3A_422 = arith.constant 0 : i32
        %dma_start3A_423 = arith.constant 0 : i32
        %dma_start3A_424 = tpu.memref_slice %arg10[%dma_start3A_422, %dma_start3A_415, %dma_start3A_423] : memref<2x1x128xi32, #tpu.memory_space<vmem>> -> memref<2x1x128xi32, #tpu.memory_space<vmem>>
        %dma_start3A_425 = tpu.memref_squeeze %dma_start3A_424 : memref<2x1x128xi32, #tpu.memory_space<vmem>> -> memref<2x128xi32, #tpu.memory_space<vmem>>
        %dma_start3A_426 = arith.constant 0 : i32
        %dma_start3A_427 = tpu.memref_slice %arg3[%dma_start3A_426, %add3A_414] : memref<2x320000xi32, #tpu.memory_space<hbm>> -> memref<2x128xi32, #tpu.memory_space<hbm>>
        tpu.enqueue_dma source(%dma_start3A_427 : memref<2x128xi32, #tpu.memory_space<hbm>>) target(%dma_start3A_425 : memref<2x128xi32, #tpu.memory_space<vmem>>) target_semaphore(%arg20 : memref<!tpu.dma_semaphore, #tpu.memory_space<semaphore_mem>>)
      } else {
      }
      %add3A_211 = arith.constant 1 : i32
      %add3A_212 = arith.addi %add3A_195, %add3A_211 : i32
      %lt3A_213 = arith.cmpi slt, %add3A_212, %select_n3A : i32
      %convert_element_type3A_214 = arith.extui %lt3A_213 : i1 to i32
      %cond3A_215 = arith.constant 0 : i32
      %cond3A_216 = arith.cmpi ne, %convert_element_type3A_214, %cond3A_215 : i32
      scf.if %cond3A_216 {
        %add3A_410 = arith.constant 1 : i32
        %add3A_411 = arith.addi %add3A_195, %add3A_410 : i32
        %mul3A_412 = arith.constant 128 : i32
        %mul3A_413 = arith.muli %add3A_411, %mul3A_412 : i32
        %add3A_414 = arith.addi %mul3A_2, %mul3A_413 : i32
        %dma_wait3A_415 = arith.constant 0 : i32
        %dma_wait3A_416 = arith.constant 0 : i32
        %dma_wait3A_417 = arith.constant 0 : i32
        %dma_wait3A_418 = tpu.memref_slice %arg9[%dma_wait3A_416, %dma_wait3A_415, %dma_wait3A_417] : memref<2x1x128xi32, #tpu.memory_space<vmem>> -> memref<2x1x128xi32, #tpu.memory_space<vmem>>
        %dma_wait3A_419 = tpu.memref_squeeze %dma_wait3A_418 : memref<2x1x128xi32, #tpu.memory_space<vmem>> -> memref<2x128xi32, #tpu.memory_space<vmem>>
        %dma_wait3A_420 = arith.constant 0 : i32
        %dma_wait3A_421 = tpu.memref_slice %arg3[%dma_wait3A_420, %add3A_414] : memref<2x320000xi32, #tpu.memory_space<hbm>> -> memref<2x128xi32, #tpu.memory_space<hbm>>
        %dma_wait3A_422 = arith.constant 0 : i32
        %dma_wait3A_423 = arith.constant 0 : i32
        %dma_wait3A_424 = tpu.memref_slice %arg9[%dma_wait3A_422, %dma_wait3A_415, %dma_wait3A_423] : memref<2x1x128xi32, #tpu.memory_space<vmem>> -> memref<2x1x128xi32, #tpu.memory_space<vmem>>
        %dma_wait3A_425 = tpu.memref_squeeze %dma_wait3A_424 : memref<2x1x128xi32, #tpu.memory_space<vmem>> -> memref<2x128xi32, #tpu.memory_space<vmem>>
        %dma_wait3A_426 = arith.constant 0 : i32
        %dma_wait3A_427 = tpu.memref_slice %arg3[%dma_wait3A_426, %add3A_414] : memref<2x320000xi32, #tpu.memory_space<hbm>> -> memref<2x128xi32, #tpu.memory_space<hbm>>
        tpu.wait_dma2 semaphore(%arg19 : memref<!tpu.dma_semaphore, #tpu.memory_space<semaphore_mem>>) src(%dma_wait3A_427 : memref<2x128xi32, #tpu.memory_space<hbm>>) dst(%dma_wait3A_425 : memref<2x128xi32, #tpu.memory_space<vmem>>)
        %dma_start3A_428 = arith.constant 0 : i32
        %dma_start3A_429 = arith.constant 0 : i32
        %dma_start3A_430 = arith.constant 0 : i32
        %dma_start3A_431 = tpu.memref_slice %arg9[%dma_start3A_428, %dma_start3A_429, %dma_start3A_430] : memref<2x1x128xi32, #tpu.memory_space<vmem>> -> memref<1x1x128xi32, #tpu.memory_space<vmem>>
        %dma_start3A_432 = tpu.memref_squeeze %dma_start3A_431 : memref<1x1x128xi32, #tpu.memory_space<vmem>> -> memref<128xi32, #tpu.memory_space<vmem>>
        %dma_start3A_433 = arith.constant 0 : i32
        %dma_start3A_434 = arith.constant 0 : i32
        %dma_start3A_435 = tpu.memref_slice %arg2[%dma_start3A_433, %dma_start3A_434] : memref<10000x128xf32, #tpu.memory_space<hbm>> -> memref<10000x128xf32, #tpu.memory_space<hbm>>
        tpu.enqueue_indirect_dma source(%dma_start3A_435 : memref<10000x128xf32, #tpu.memory_space<hbm>>) target(%arg14 : memref<128x128xf32, #tpu.memory_space<vmem>>) offsets(%dma_start3A_432 : memref<128xi32, #tpu.memory_space<vmem>>) semaphore(%arg24 : memref<!tpu.dma_semaphore, #tpu.memory_space<semaphore_mem>>)
      } else {
      }
      %lt3A_217 = arith.cmpi slt, %add3A_195, %select_n3A : i32
      %convert_element_type3A_218 = arith.extui %lt3A_217 : i1 to i32
      %cond3A_219 = arith.constant 0 : i32
      %cond3A_220 = arith.cmpi ne, %convert_element_type3A_218, %cond3A_219 : i32
      scf.if %cond3A_220 {
        %dma_wait3A_410 = arith.constant 0 : i32
        %dma_wait3A_411 = arith.constant 0 : i32
        %dma_wait3A_412 = arith.constant 0 : i32
        %dma_wait3A_413 = tpu.memref_slice %arg8[%dma_wait3A_410, %dma_wait3A_411, %dma_wait3A_412] : memref<2x1x128xi32, #tpu.memory_space<vmem>> -> memref<1x1x128xi32, #tpu.memory_space<vmem>>
        %dma_wait3A_414 = tpu.memref_squeeze %dma_wait3A_413 : memref<1x1x128xi32, #tpu.memory_space<vmem>> -> memref<128xi32, #tpu.memory_space<vmem>>
        %dma_wait3A_415 = arith.constant 0 : i32
        %dma_wait3A_416 = arith.constant 0 : i32
        %dma_wait3A_417 = tpu.memref_slice %arg2[%dma_wait3A_415, %dma_wait3A_416] : memref<10000x128xf32, #tpu.memory_space<hbm>> -> memref<10000x128xf32, #tpu.memory_space<hbm>>
        tpu.wait_indirect_dma semaphore(%arg23 : memref<!tpu.dma_semaphore, #tpu.memory_space<semaphore_mem>>) src(%dma_wait3A_417 : memref<10000x128xf32, #tpu.memory_space<hbm>>) dst(%arg13 : memref<128x128xf32, #tpu.memory_space<vmem>>)
        %dma_start3A_418 = arith.constant 1 : i32
        %dma_start3A_419 = arith.constant 0 : i32
        %dma_start3A_420 = arith.constant 0 : i32
        %dma_start3A_421 = tpu.memref_slice %arg8[%dma_start3A_418, %dma_start3A_419, %dma_start3A_420] : memref<2x1x128xi32, #tpu.memory_space<vmem>> -> memref<1x1x128xi32, #tpu.memory_space<vmem>>
        %dma_start3A_422 = tpu.memref_squeeze %dma_start3A_421 : memref<1x1x128xi32, #tpu.memory_space<vmem>> -> memref<128xi32, #tpu.memory_space<vmem>>
        %dma_start3A_423 = arith.constant 0 : i32
        %dma_start3A_424 = arith.constant 0 : i32
        %dma_start3A_425 = tpu.memref_slice %arg16[%dma_start3A_423, %dma_start3A_424] : memref<10016x128xf32, #tpu.memory_space<vmem_shared>> -> memref<10016x128xf32, #tpu.memory_space<vmem_shared>>
        tpu.enqueue_indirect_dma source(%arg13 : memref<128x128xf32, #tpu.memory_space<vmem>>) target(%dma_start3A_425 : memref<10016x128xf32, #tpu.memory_space<vmem_shared>>) offsets(%dma_start3A_422 : memref<128xi32, #tpu.memory_space<vmem>>) semaphore(%arg26 : memref<!tpu.dma_semaphore, #tpu.memory_space<semaphore_mem>>) {add = true}
      } else {
      }
      %add3A_221 = arith.constant 5 : i32
      %add3A_222 = arith.addi %mul3A_89, %add3A_221 : i32
      %ge3A_223 = arith.constant 2 : i32
      %ge3A_224 = arith.cmpi sge, %add3A_222, %ge3A_223 : i32
      %sub3A_225 = arith.constant 2 : i32
      %sub3A_226 = arith.subi %add3A_222, %sub3A_225 : i32
      %lt3A_227 = arith.cmpi slt, %sub3A_226, %select_n3A : i32
      %and3A_228 = arith.andi %ge3A_224, %lt3A_227 : i1
      %convert_element_type3A_229 = arith.extui %and3A_228 : i1 to i32
      %cond3A_230 = arith.constant 0 : i32
      %cond3A_231 = arith.cmpi ne, %convert_element_type3A_229, %cond3A_230 : i32
      scf.if %cond3A_231 {
        %dma_wait3A_410 = arith.constant 1 : i32
        %dma_wait3A_411 = arith.constant 0 : i32
        %dma_wait3A_412 = arith.constant 0 : i32
        %dma_wait3A_413 = tpu.memref_slice %arg11[%dma_wait3A_410, %dma_wait3A_411, %dma_wait3A_412] : memref<2x1x128xi32, #tpu.memory_space<vmem>> -> memref<1x1x128xi32, #tpu.memory_space<vmem>>
        %dma_wait3A_414 = tpu.memref_squeeze %dma_wait3A_413 : memref<1x1x128xi32, #tpu.memory_space<vmem>> -> memref<128xi32, #tpu.memory_space<vmem>>
        %dma_wait3A_415 = arith.constant 0 : i32
        %dma_wait3A_416 = arith.constant 0 : i32
        %dma_wait3A_417 = tpu.memref_slice %arg16[%dma_wait3A_415, %dma_wait3A_416] : memref<10016x128xf32, #tpu.memory_space<vmem_shared>> -> memref<10016x128xf32, #tpu.memory_space<vmem_shared>>
        tpu.wait_indirect_dma semaphore(%arg25 : memref<!tpu.dma_semaphore, #tpu.memory_space<semaphore_mem>>) src(%arg12 : memref<128x128xf32, #tpu.memory_space<vmem>>) dst(%dma_wait3A_417 : memref<10016x128xf32, #tpu.memory_space<vmem_shared>>)
      } else {
      }
      %add3A_232 = arith.constant 2 : i32
      %add3A_233 = arith.addi %add3A_222, %add3A_232 : i32
      %lt3A_234 = arith.cmpi slt, %add3A_233, %select_n3A : i32
      %convert_element_type3A_235 = arith.extui %lt3A_234 : i1 to i32
      %cond3A_236 = arith.constant 0 : i32
      %cond3A_237 = arith.cmpi ne, %convert_element_type3A_235, %cond3A_236 : i32
      scf.if %cond3A_237 {
        %add3A_410 = arith.constant 2 : i32
        %add3A_411 = arith.addi %add3A_222, %add3A_410 : i32
        %mul3A_412 = arith.constant 128 : i32
        %mul3A_413 = arith.muli %add3A_411, %mul3A_412 : i32
        %add3A_414 = arith.addi %mul3A_2, %mul3A_413 : i32
        %dma_start3A_415 = arith.constant 0 : i32
        %dma_start3A_416 = arith.constant 0 : i32
        %dma_start3A_417 = arith.constant 0 : i32
        %dma_start3A_418 = tpu.memref_slice %arg11[%dma_start3A_416, %dma_start3A_415, %dma_start3A_417] : memref<2x1x128xi32, #tpu.memory_space<vmem>> -> memref<2x1x128xi32, #tpu.memory_space<vmem>>
        %dma_start3A_419 = tpu.memref_squeeze %dma_start3A_418 : memref<2x1x128xi32, #tpu.memory_space<vmem>> -> memref<2x128xi32, #tpu.memory_space<vmem>>
        %dma_start3A_420 = arith.constant 0 : i32
        %dma_start3A_421 = tpu.memref_slice %arg3[%dma_start3A_420, %add3A_414] : memref<2x320000xi32, #tpu.memory_space<hbm>> -> memref<2x128xi32, #tpu.memory_space<hbm>>
        %dma_start3A_422 = arith.constant 0 : i32
        %dma_start3A_423 = arith.constant 0 : i32
        %dma_start3A_424 = tpu.memref_slice %arg11[%dma_start3A_422, %dma_start3A_415, %dma_start3A_423] : memref<2x1x128xi32, #tpu.memory_space<vmem>> -> memref<2x1x128xi32, #tpu.memory_space<vmem>>
        %dma_start3A_425 = tpu.memref_squeeze %dma_start3A_424 : memref<2x1x128xi32, #tpu.memory_space<vmem>> -> memref<2x128xi32, #tpu.memory_space<vmem>>
        %dma_start3A_426 = arith.constant 0 : i32
        %dma_start3A_427 = tpu.memref_slice %arg3[%dma_start3A_426, %add3A_414] : memref<2x320000xi32, #tpu.memory_space<hbm>> -> memref<2x128xi32, #tpu.memory_space<hbm>>
        tpu.enqueue_dma source(%dma_start3A_427 : memref<2x128xi32, #tpu.memory_space<hbm>>) target(%dma_start3A_425 : memref<2x128xi32, #tpu.memory_space<vmem>>) target_semaphore(%arg21 : memref<!tpu.dma_semaphore, #tpu.memory_space<semaphore_mem>>)
      } else {
      }
      %add3A_238 = arith.constant 1 : i32
      %add3A_239 = arith.addi %add3A_222, %add3A_238 : i32
      %lt3A_240 = arith.cmpi slt, %add3A_239, %select_n3A : i32
      %convert_element_type3A_241 = arith.extui %lt3A_240 : i1 to i32
      %cond3A_242 = arith.constant 0 : i32
      %cond3A_243 = arith.cmpi ne, %convert_element_type3A_241, %cond3A_242 : i32
      scf.if %cond3A_243 {
        %add3A_410 = arith.constant 1 : i32
        %add3A_411 = arith.addi %add3A_222, %add3A_410 : i32
        %mul3A_412 = arith.constant 128 : i32
        %mul3A_413 = arith.muli %add3A_411, %mul3A_412 : i32
        %add3A_414 = arith.addi %mul3A_2, %mul3A_413 : i32
        %dma_wait3A_415 = arith.constant 0 : i32
        %dma_wait3A_416 = arith.constant 0 : i32
        %dma_wait3A_417 = arith.constant 0 : i32
        %dma_wait3A_418 = tpu.memref_slice %arg10[%dma_wait3A_416, %dma_wait3A_415, %dma_wait3A_417] : memref<2x1x128xi32, #tpu.memory_space<vmem>> -> memref<2x1x128xi32, #tpu.memory_space<vmem>>
        %dma_wait3A_419 = tpu.memref_squeeze %dma_wait3A_418 : memref<2x1x128xi32, #tpu.memory_space<vmem>> -> memref<2x128xi32, #tpu.memory_space<vmem>>
        %dma_wait3A_420 = arith.constant 0 : i32
        %dma_wait3A_421 = tpu.memref_slice %arg3[%dma_wait3A_420, %add3A_414] : memref<2x320000xi32, #tpu.memory_space<hbm>> -> memref<2x128xi32, #tpu.memory_space<hbm>>
        %dma_wait3A_422 = arith.constant 0 : i32
        %dma_wait3A_423 = arith.constant 0 : i32
        %dma_wait3A_424 = tpu.memref_slice %arg10[%dma_wait3A_422, %dma_wait3A_415, %dma_wait3A_423] : memref<2x1x128xi32, #tpu.memory_space<vmem>> -> memref<2x1x128xi32, #tpu.memory_space<vmem>>
        %dma_wait3A_425 = tpu.memref_squeeze %dma_wait3A_424 : memref<2x1x128xi32, #tpu.memory_space<vmem>> -> memref<2x128xi32, #tpu.memory_space<vmem>>
        %dma_wait3A_426 = arith.constant 0 : i32
        %dma_wait3A_427 = tpu.memref_slice %arg3[%dma_wait3A_426, %add3A_414] : memref<2x320000xi32, #tpu.memory_space<hbm>> -> memref<2x128xi32, #tpu.memory_space<hbm>>
        tpu.wait_dma2 semaphore(%arg20 : memref<!tpu.dma_semaphore, #tpu.memory_space<semaphore_mem>>) src(%dma_wait3A_427 : memref<2x128xi32, #tpu.memory_space<hbm>>) dst(%dma_wait3A_425 : memref<2x128xi32, #tpu.memory_space<vmem>>)
        %dma_start3A_428 = arith.constant 0 : i32
        %dma_start3A_429 = arith.constant 0 : i32
        %dma_start3A_430 = arith.constant 0 : i32
        %dma_start3A_431 = tpu.memref_slice %arg10[%dma_start3A_428, %dma_start3A_429, %dma_start3A_430] : memref<2x1x128xi32, #tpu.memory_space<vmem>> -> memref<1x1x128xi32, #tpu.memory_space<vmem>>
        %dma_start3A_432 = tpu.memref_squeeze %dma_start3A_431 : memref<1x1x128xi32, #tpu.memory_space<vmem>> -> memref<128xi32, #tpu.memory_space<vmem>>
        %dma_start3A_433 = arith.constant 0 : i32
        %dma_start3A_434 = arith.constant 0 : i32
        %dma_start3A_435 = tpu.memref_slice %arg2[%dma_start3A_433, %dma_start3A_434] : memref<10000x128xf32, #tpu.memory_space<hbm>> -> memref<10000x128xf32, #tpu.memory_space<hbm>>
        tpu.enqueue_indirect_dma source(%dma_start3A_435 : memref<10000x128xf32, #tpu.memory_space<hbm>>) target(%arg12 : memref<128x128xf32, #tpu.memory_space<vmem>>) offsets(%dma_start3A_432 : memref<128xi32, #tpu.memory_space<vmem>>) semaphore(%arg22 : memref<!tpu.dma_semaphore, #tpu.memory_space<semaphore_mem>>)
      } else {
      }
      %lt3A_244 = arith.cmpi slt, %add3A_222, %select_n3A : i32
      %convert_element_type3A_245 = arith.extui %lt3A_244 : i1 to i32
      %cond3A_246 = arith.constant 0 : i32
      %cond3A_247 = arith.cmpi ne, %convert_element_type3A_245, %cond3A_246 : i32
      scf.if %cond3A_247 {
        %dma_wait3A_410 = arith.constant 0 : i32
        %dma_wait3A_411 = arith.constant 0 : i32
        %dma_wait3A_412 = arith.constant 0 : i32
        %dma_wait3A_413 = tpu.memref_slice %arg9[%dma_wait3A_410, %dma_wait3A_411, %dma_wait3A_412] : memref<2x1x128xi32, #tpu.memory_space<vmem>> -> memref<1x1x128xi32, #tpu.memory_space<vmem>>
        %dma_wait3A_414 = tpu.memref_squeeze %dma_wait3A_413 : memref<1x1x128xi32, #tpu.memory_space<vmem>> -> memref<128xi32, #tpu.memory_space<vmem>>
        %dma_wait3A_415 = arith.constant 0 : i32
        %dma_wait3A_416 = arith.constant 0 : i32
        %dma_wait3A_417 = tpu.memref_slice %arg2[%dma_wait3A_415, %dma_wait3A_416] : memref<10000x128xf32, #tpu.memory_space<hbm>> -> memref<10000x128xf32, #tpu.memory_space<hbm>>
        tpu.wait_indirect_dma semaphore(%arg24 : memref<!tpu.dma_semaphore, #tpu.memory_space<semaphore_mem>>) src(%dma_wait3A_417 : memref<10000x128xf32, #tpu.memory_space<hbm>>) dst(%arg14 : memref<128x128xf32, #tpu.memory_space<vmem>>)
        %dma_start3A_418 = arith.constant 1 : i32
        %dma_start3A_419 = arith.constant 0 : i32
        %dma_start3A_420 = arith.constant 0 : i32
        %dma_start3A_421 = tpu.memref_slice %arg9[%dma_start3A_418, %dma_start3A_419, %dma_start3A_420] : memref<2x1x128xi32, #tpu.memory_space<vmem>> -> memref<1x1x128xi32, #tpu.memory_space<vmem>>
        %dma_start3A_422 = tpu.memref_squeeze %dma_start3A_421 : memref<1x1x128xi32, #tpu.memory_space<vmem>> -> memref<128xi32, #tpu.memory_space<vmem>>
        %dma_start3A_423 = arith.constant 0 : i32
        %dma_start3A_424 = arith.constant 0 : i32
        %dma_start3A_425 = tpu.memref_slice %arg16[%dma_start3A_423, %dma_start3A_424] : memref<10016x128xf32, #tpu.memory_space<vmem_shared>> -> memref<10016x128xf32, #tpu.memory_space<vmem_shared>>
        tpu.enqueue_indirect_dma source(%arg14 : memref<128x128xf32, #tpu.memory_space<vmem>>) target(%dma_start3A_425 : memref<10016x128xf32, #tpu.memory_space<vmem_shared>>) offsets(%dma_start3A_422 : memref<128xi32, #tpu.memory_space<vmem>>) semaphore(%arg27 : memref<!tpu.dma_semaphore, #tpu.memory_space<semaphore_mem>>) {add = true}
      } else {
      }
      %add3A_248 = arith.constant 6 : i32
      %add3A_249 = arith.addi %mul3A_89, %add3A_248 : i32
      %ge3A_250 = arith.constant 2 : i32
      %ge3A_251 = arith.cmpi sge, %add3A_249, %ge3A_250 : i32
      %sub3A_252 = arith.constant 2 : i32
      %sub3A_253 = arith.subi %add3A_249, %sub3A_252 : i32
      %lt3A_254 = arith.cmpi slt, %sub3A_253, %select_n3A : i32
      %and3A_255 = arith.andi %ge3A_251, %lt3A_254 : i1
      %convert_element_type3A_256 = arith.extui %and3A_255 : i1 to i32
      %cond3A_257 = arith.constant 0 : i32
      %cond3A_258 = arith.cmpi ne, %convert_element_type3A_256, %cond3A_257 : i32
      scf.if %cond3A_258 {
        %dma_wait3A_410 = arith.constant 1 : i32
        %dma_wait3A_411 = arith.constant 0 : i32
        %dma_wait3A_412 = arith.constant 0 : i32
        %dma_wait3A_413 = tpu.memref_slice %arg8[%dma_wait3A_410, %dma_wait3A_411, %dma_wait3A_412] : memref<2x1x128xi32, #tpu.memory_space<vmem>> -> memref<1x1x128xi32, #tpu.memory_space<vmem>>
        %dma_wait3A_414 = tpu.memref_squeeze %dma_wait3A_413 : memref<1x1x128xi32, #tpu.memory_space<vmem>> -> memref<128xi32, #tpu.memory_space<vmem>>
        %dma_wait3A_415 = arith.constant 0 : i32
        %dma_wait3A_416 = arith.constant 0 : i32
        %dma_wait3A_417 = tpu.memref_slice %arg16[%dma_wait3A_415, %dma_wait3A_416] : memref<10016x128xf32, #tpu.memory_space<vmem_shared>> -> memref<10016x128xf32, #tpu.memory_space<vmem_shared>>
        tpu.wait_indirect_dma semaphore(%arg26 : memref<!tpu.dma_semaphore, #tpu.memory_space<semaphore_mem>>) src(%arg13 : memref<128x128xf32, #tpu.memory_space<vmem>>) dst(%dma_wait3A_417 : memref<10016x128xf32, #tpu.memory_space<vmem_shared>>)
      } else {
      }
      %add3A_259 = arith.constant 2 : i32
      %add3A_260 = arith.addi %add3A_249, %add3A_259 : i32
      %lt3A_261 = arith.cmpi slt, %add3A_260, %select_n3A : i32
      %convert_element_type3A_262 = arith.extui %lt3A_261 : i1 to i32
      %cond3A_263 = arith.constant 0 : i32
      %cond3A_264 = arith.cmpi ne, %convert_element_type3A_262, %cond3A_263 : i32
      scf.if %cond3A_264 {
        %add3A_410 = arith.constant 2 : i32
        %add3A_411 = arith.addi %add3A_249, %add3A_410 : i32
        %mul3A_412 = arith.constant 128 : i32
        %mul3A_413 = arith.muli %add3A_411, %mul3A_412 : i32
        %add3A_414 = arith.addi %mul3A_2, %mul3A_413 : i32
        %dma_start3A_415 = arith.constant 0 : i32
        %dma_start3A_416 = arith.constant 0 : i32
        %dma_start3A_417 = arith.constant 0 : i32
        %dma_start3A_418 = tpu.memref_slice %arg8[%dma_start3A_416, %dma_start3A_415, %dma_start3A_417] : memref<2x1x128xi32, #tpu.memory_space<vmem>> -> memref<2x1x128xi32, #tpu.memory_space<vmem>>
        %dma_start3A_419 = tpu.memref_squeeze %dma_start3A_418 : memref<2x1x128xi32, #tpu.memory_space<vmem>> -> memref<2x128xi32, #tpu.memory_space<vmem>>
        %dma_start3A_420 = arith.constant 0 : i32
        %dma_start3A_421 = tpu.memref_slice %arg3[%dma_start3A_420, %add3A_414] : memref<2x320000xi32, #tpu.memory_space<hbm>> -> memref<2x128xi32, #tpu.memory_space<hbm>>
        %dma_start3A_422 = arith.constant 0 : i32
        %dma_start3A_423 = arith.constant 0 : i32
        %dma_start3A_424 = tpu.memref_slice %arg8[%dma_start3A_422, %dma_start3A_415, %dma_start3A_423] : memref<2x1x128xi32, #tpu.memory_space<vmem>> -> memref<2x1x128xi32, #tpu.memory_space<vmem>>
        %dma_start3A_425 = tpu.memref_squeeze %dma_start3A_424 : memref<2x1x128xi32, #tpu.memory_space<vmem>> -> memref<2x128xi32, #tpu.memory_space<vmem>>
        %dma_start3A_426 = arith.constant 0 : i32
        %dma_start3A_427 = tpu.memref_slice %arg3[%dma_start3A_426, %add3A_414] : memref<2x320000xi32, #tpu.memory_space<hbm>> -> memref<2x128xi32, #tpu.memory_space<hbm>>
        tpu.enqueue_dma source(%dma_start3A_427 : memref<2x128xi32, #tpu.memory_space<hbm>>) target(%dma_start3A_425 : memref<2x128xi32, #tpu.memory_space<vmem>>) target_semaphore(%arg18 : memref<!tpu.dma_semaphore, #tpu.memory_space<semaphore_mem>>)
      } else {
      }
      %add3A_265 = arith.constant 1 : i32
      %add3A_266 = arith.addi %add3A_249, %add3A_265 : i32
      %lt3A_267 = arith.cmpi slt, %add3A_266, %select_n3A : i32
      %convert_element_type3A_268 = arith.extui %lt3A_267 : i1 to i32
      %cond3A_269 = arith.constant 0 : i32
      %cond3A_270 = arith.cmpi ne, %convert_element_type3A_268, %cond3A_269 : i32
      scf.if %cond3A_270 {
        %add3A_410 = arith.constant 1 : i32
        %add3A_411 = arith.addi %add3A_249, %add3A_410 : i32
        %mul3A_412 = arith.constant 128 : i32
        %mul3A_413 = arith.muli %add3A_411, %mul3A_412 : i32
        %add3A_414 = arith.addi %mul3A_2, %mul3A_413 : i32
        %dma_wait3A_415 = arith.constant 0 : i32
        %dma_wait3A_416 = arith.constant 0 : i32
        %dma_wait3A_417 = arith.constant 0 : i32
        %dma_wait3A_418 = tpu.memref_slice %arg11[%dma_wait3A_416, %dma_wait3A_415, %dma_wait3A_417] : memref<2x1x128xi32, #tpu.memory_space<vmem>> -> memref<2x1x128xi32, #tpu.memory_space<vmem>>
        %dma_wait3A_419 = tpu.memref_squeeze %dma_wait3A_418 : memref<2x1x128xi32, #tpu.memory_space<vmem>> -> memref<2x128xi32, #tpu.memory_space<vmem>>
        %dma_wait3A_420 = arith.constant 0 : i32
        %dma_wait3A_421 = tpu.memref_slice %arg3[%dma_wait3A_420, %add3A_414] : memref<2x320000xi32, #tpu.memory_space<hbm>> -> memref<2x128xi32, #tpu.memory_space<hbm>>
        %dma_wait3A_422 = arith.constant 0 : i32
        %dma_wait3A_423 = arith.constant 0 : i32
        %dma_wait3A_424 = tpu.memref_slice %arg11[%dma_wait3A_422, %dma_wait3A_415, %dma_wait3A_423] : memref<2x1x128xi32, #tpu.memory_space<vmem>> -> memref<2x1x128xi32, #tpu.memory_space<vmem>>
        %dma_wait3A_425 = tpu.memref_squeeze %dma_wait3A_424 : memref<2x1x128xi32, #tpu.memory_space<vmem>> -> memref<2x128xi32, #tpu.memory_space<vmem>>
        %dma_wait3A_426 = arith.constant 0 : i32
        %dma_wait3A_427 = tpu.memref_slice %arg3[%dma_wait3A_426, %add3A_414] : memref<2x320000xi32, #tpu.memory_space<hbm>> -> memref<2x128xi32, #tpu.memory_space<hbm>>
        tpu.wait_dma2 semaphore(%arg21 : memref<!tpu.dma_semaphore, #tpu.memory_space<semaphore_mem>>) src(%dma_wait3A_427 : memref<2x128xi32, #tpu.memory_space<hbm>>) dst(%dma_wait3A_425 : memref<2x128xi32, #tpu.memory_space<vmem>>)
        %dma_start3A_428 = arith.constant 0 : i32
        %dma_start3A_429 = arith.constant 0 : i32
        %dma_start3A_430 = arith.constant 0 : i32
        %dma_start3A_431 = tpu.memref_slice %arg11[%dma_start3A_428, %dma_start3A_429, %dma_start3A_430] : memref<2x1x128xi32, #tpu.memory_space<vmem>> -> memref<1x1x128xi32, #tpu.memory_space<vmem>>
        %dma_start3A_432 = tpu.memref_squeeze %dma_start3A_431 : memref<1x1x128xi32, #tpu.memory_space<vmem>> -> memref<128xi32, #tpu.memory_space<vmem>>
        %dma_start3A_433 = arith.constant 0 : i32
        %dma_start3A_434 = arith.constant 0 : i32
        %dma_start3A_435 = tpu.memref_slice %arg2[%dma_start3A_433, %dma_start3A_434] : memref<10000x128xf32, #tpu.memory_space<hbm>> -> memref<10000x128xf32, #tpu.memory_space<hbm>>
        tpu.enqueue_indirect_dma source(%dma_start3A_435 : memref<10000x128xf32, #tpu.memory_space<hbm>>) target(%arg13 : memref<128x128xf32, #tpu.memory_space<vmem>>) offsets(%dma_start3A_432 : memref<128xi32, #tpu.memory_space<vmem>>) semaphore(%arg23 : memref<!tpu.dma_semaphore, #tpu.memory_space<semaphore_mem>>)
      } else {
      }
      %lt3A_271 = arith.cmpi slt, %add3A_249, %select_n3A : i32
      %convert_element_type3A_272 = arith.extui %lt3A_271 : i1 to i32
      %cond3A_273 = arith.constant 0 : i32
      %cond3A_274 = arith.cmpi ne, %convert_element_type3A_272, %cond3A_273 : i32
      scf.if %cond3A_274 {
        %dma_wait3A_410 = arith.constant 0 : i32
        %dma_wait3A_411 = arith.constant 0 : i32
        %dma_wait3A_412 = arith.constant 0 : i32
        %dma_wait3A_413 = tpu.memref_slice %arg10[%dma_wait3A_410, %dma_wait3A_411, %dma_wait3A_412] : memref<2x1x128xi32, #tpu.memory_space<vmem>> -> memref<1x1x128xi32, #tpu.memory_space<vmem>>
        %dma_wait3A_414 = tpu.memref_squeeze %dma_wait3A_413 : memref<1x1x128xi32, #tpu.memory_space<vmem>> -> memref<128xi32, #tpu.memory_space<vmem>>
        %dma_wait3A_415 = arith.constant 0 : i32
        %dma_wait3A_416 = arith.constant 0 : i32
        %dma_wait3A_417 = tpu.memref_slice %arg2[%dma_wait3A_415, %dma_wait3A_416] : memref<10000x128xf32, #tpu.memory_space<hbm>> -> memref<10000x128xf32, #tpu.memory_space<hbm>>
        tpu.wait_indirect_dma semaphore(%arg22 : memref<!tpu.dma_semaphore, #tpu.memory_space<semaphore_mem>>) src(%dma_wait3A_417 : memref<10000x128xf32, #tpu.memory_space<hbm>>) dst(%arg12 : memref<128x128xf32, #tpu.memory_space<vmem>>)
        %dma_start3A_418 = arith.constant 1 : i32
        %dma_start3A_419 = arith.constant 0 : i32
        %dma_start3A_420 = arith.constant 0 : i32
        %dma_start3A_421 = tpu.memref_slice %arg10[%dma_start3A_418, %dma_start3A_419, %dma_start3A_420] : memref<2x1x128xi32, #tpu.memory_space<vmem>> -> memref<1x1x128xi32, #tpu.memory_space<vmem>>
        %dma_start3A_422 = tpu.memref_squeeze %dma_start3A_421 : memref<1x1x128xi32, #tpu.memory_space<vmem>> -> memref<128xi32, #tpu.memory_space<vmem>>
        %dma_start3A_423 = arith.constant 0 : i32
        %dma_start3A_424 = arith.constant 0 : i32
        %dma_start3A_425 = tpu.memref_slice %arg16[%dma_start3A_423, %dma_start3A_424] : memref<10016x128xf32, #tpu.memory_space<vmem_shared>> -> memref<10016x128xf32, #tpu.memory_space<vmem_shared>>
        tpu.enqueue_indirect_dma source(%arg12 : memref<128x128xf32, #tpu.memory_space<vmem>>) target(%dma_start3A_425 : memref<10016x128xf32, #tpu.memory_space<vmem_shared>>) offsets(%dma_start3A_422 : memref<128xi32, #tpu.memory_space<vmem>>) semaphore(%arg25 : memref<!tpu.dma_semaphore, #tpu.memory_space<semaphore_mem>>) {add = true}
      } else {
      }
      %add3A_275 = arith.constant 7 : i32
      %add3A_276 = arith.addi %mul3A_89, %add3A_275 : i32
      %ge3A_277 = arith.constant 2 : i32
      %ge3A_278 = arith.cmpi sge, %add3A_276, %ge3A_277 : i32
      %sub3A_279 = arith.constant 2 : i32
      %sub3A_280 = arith.subi %add3A_276, %sub3A_279 : i32
      %lt3A_281 = arith.cmpi slt, %sub3A_280, %select_n3A : i32
      %and3A_282 = arith.andi %ge3A_278, %lt3A_281 : i1
      %convert_element_type3A_283 = arith.extui %and3A_282 : i1 to i32
      %cond3A_284 = arith.constant 0 : i32
      %cond3A_285 = arith.cmpi ne, %convert_element_type3A_283, %cond3A_284 : i32
      scf.if %cond3A_285 {
        %dma_wait3A_410 = arith.constant 1 : i32
        %dma_wait3A_411 = arith.constant 0 : i32
        %dma_wait3A_412 = arith.constant 0 : i32
        %dma_wait3A_413 = tpu.memref_slice %arg9[%dma_wait3A_410, %dma_wait3A_411, %dma_wait3A_412] : memref<2x1x128xi32, #tpu.memory_space<vmem>> -> memref<1x1x128xi32, #tpu.memory_space<vmem>>
        %dma_wait3A_414 = tpu.memref_squeeze %dma_wait3A_413 : memref<1x1x128xi32, #tpu.memory_space<vmem>> -> memref<128xi32, #tpu.memory_space<vmem>>
        %dma_wait3A_415 = arith.constant 0 : i32
        %dma_wait3A_416 = arith.constant 0 : i32
        %dma_wait3A_417 = tpu.memref_slice %arg16[%dma_wait3A_415, %dma_wait3A_416] : memref<10016x128xf32, #tpu.memory_space<vmem_shared>> -> memref<10016x128xf32, #tpu.memory_space<vmem_shared>>
        tpu.wait_indirect_dma semaphore(%arg27 : memref<!tpu.dma_semaphore, #tpu.memory_space<semaphore_mem>>) src(%arg14 : memref<128x128xf32, #tpu.memory_space<vmem>>) dst(%dma_wait3A_417 : memref<10016x128xf32, #tpu.memory_space<vmem_shared>>)
      } else {
      }
      %add3A_286 = arith.constant 2 : i32
      %add3A_287 = arith.addi %add3A_276, %add3A_286 : i32
      %lt3A_288 = arith.cmpi slt, %add3A_287, %select_n3A : i32
      %convert_element_type3A_289 = arith.extui %lt3A_288 : i1 to i32
      %cond3A_290 = arith.constant 0 : i32
      %cond3A_291 = arith.cmpi ne, %convert_element_type3A_289, %cond3A_290 : i32
      scf.if %cond3A_291 {
        %add3A_410 = arith.constant 2 : i32
        %add3A_411 = arith.addi %add3A_276, %add3A_410 : i32
        %mul3A_412 = arith.constant 128 : i32
        %mul3A_413 = arith.muli %add3A_411, %mul3A_412 : i32
        %add3A_414 = arith.addi %mul3A_2, %mul3A_413 : i32
        %dma_start3A_415 = arith.constant 0 : i32
        %dma_start3A_416 = arith.constant 0 : i32
        %dma_start3A_417 = arith.constant 0 : i32
        %dma_start3A_418 = tpu.memref_slice %arg9[%dma_start3A_416, %dma_start3A_415, %dma_start3A_417] : memref<2x1x128xi32, #tpu.memory_space<vmem>> -> memref<2x1x128xi32, #tpu.memory_space<vmem>>
        %dma_start3A_419 = tpu.memref_squeeze %dma_start3A_418 : memref<2x1x128xi32, #tpu.memory_space<vmem>> -> memref<2x128xi32, #tpu.memory_space<vmem>>
        %dma_start3A_420 = arith.constant 0 : i32
        %dma_start3A_421 = tpu.memref_slice %arg3[%dma_start3A_420, %add3A_414] : memref<2x320000xi32, #tpu.memory_space<hbm>> -> memref<2x128xi32, #tpu.memory_space<hbm>>
        %dma_start3A_422 = arith.constant 0 : i32
        %dma_start3A_423 = arith.constant 0 : i32
        %dma_start3A_424 = tpu.memref_slice %arg9[%dma_start3A_422, %dma_start3A_415, %dma_start3A_423] : memref<2x1x128xi32, #tpu.memory_space<vmem>> -> memref<2x1x128xi32, #tpu.memory_space<vmem>>
        %dma_start3A_425 = tpu.memref_squeeze %dma_start3A_424 : memref<2x1x128xi32, #tpu.memory_space<vmem>> -> memref<2x128xi32, #tpu.memory_space<vmem>>
        %dma_start3A_426 = arith.constant 0 : i32
        %dma_start3A_427 = tpu.memref_slice %arg3[%dma_start3A_426, %add3A_414] : memref<2x320000xi32, #tpu.memory_space<hbm>> -> memref<2x128xi32, #tpu.memory_space<hbm>>
        tpu.enqueue_dma source(%dma_start3A_427 : memref<2x128xi32, #tpu.memory_space<hbm>>) target(%dma_start3A_425 : memref<2x128xi32, #tpu.memory_space<vmem>>) target_semaphore(%arg19 : memref<!tpu.dma_semaphore, #tpu.memory_space<semaphore_mem>>)
      } else {
      }
      %add3A_292 = arith.constant 1 : i32
      %add3A_293 = arith.addi %add3A_276, %add3A_292 : i32
      %lt3A_294 = arith.cmpi slt, %add3A_293, %select_n3A : i32
      %convert_element_type3A_295 = arith.extui %lt3A_294 : i1 to i32
      %cond3A_296 = arith.constant 0 : i32
      %cond3A_297 = arith.cmpi ne, %convert_element_type3A_295, %cond3A_296 : i32
      scf.if %cond3A_297 {
        %add3A_410 = arith.constant 1 : i32
        %add3A_411 = arith.addi %add3A_276, %add3A_410 : i32
        %mul3A_412 = arith.constant 128 : i32
        %mul3A_413 = arith.muli %add3A_411, %mul3A_412 : i32
        %add3A_414 = arith.addi %mul3A_2, %mul3A_413 : i32
        %dma_wait3A_415 = arith.constant 0 : i32
        %dma_wait3A_416 = arith.constant 0 : i32
        %dma_wait3A_417 = arith.constant 0 : i32
        %dma_wait3A_418 = tpu.memref_slice %arg8[%dma_wait3A_416, %dma_wait3A_415, %dma_wait3A_417] : memref<2x1x128xi32, #tpu.memory_space<vmem>> -> memref<2x1x128xi32, #tpu.memory_space<vmem>>
        %dma_wait3A_419 = tpu.memref_squeeze %dma_wait3A_418 : memref<2x1x128xi32, #tpu.memory_space<vmem>> -> memref<2x128xi32, #tpu.memory_space<vmem>>
        %dma_wait3A_420 = arith.constant 0 : i32
        %dma_wait3A_421 = tpu.memref_slice %arg3[%dma_wait3A_420, %add3A_414] : memref<2x320000xi32, #tpu.memory_space<hbm>> -> memref<2x128xi32, #tpu.memory_space<hbm>>
        %dma_wait3A_422 = arith.constant 0 : i32
        %dma_wait3A_423 = arith.constant 0 : i32
        %dma_wait3A_424 = tpu.memref_slice %arg8[%dma_wait3A_422, %dma_wait3A_415, %dma_wait3A_423] : memref<2x1x128xi32, #tpu.memory_space<vmem>> -> memref<2x1x128xi32, #tpu.memory_space<vmem>>
        %dma_wait3A_425 = tpu.memref_squeeze %dma_wait3A_424 : memref<2x1x128xi32, #tpu.memory_space<vmem>> -> memref<2x128xi32, #tpu.memory_space<vmem>>
        %dma_wait3A_426 = arith.constant 0 : i32
        %dma_wait3A_427 = tpu.memref_slice %arg3[%dma_wait3A_426, %add3A_414] : memref<2x320000xi32, #tpu.memory_space<hbm>> -> memref<2x128xi32, #tpu.memory_space<hbm>>
        tpu.wait_dma2 semaphore(%arg18 : memref<!tpu.dma_semaphore, #tpu.memory_space<semaphore_mem>>) src(%dma_wait3A_427 : memref<2x128xi32, #tpu.memory_space<hbm>>) dst(%dma_wait3A_425 : memref<2x128xi32, #tpu.memory_space<vmem>>)
        %dma_start3A_428 = arith.constant 0 : i32
        %dma_start3A_429 = arith.constant 0 : i32
        %dma_start3A_430 = arith.constant 0 : i32
        %dma_start3A_431 = tpu.memref_slice %arg8[%dma_start3A_428, %dma_start3A_429, %dma_start3A_430] : memref<2x1x128xi32, #tpu.memory_space<vmem>> -> memref<1x1x128xi32, #tpu.memory_space<vmem>>
        %dma_start3A_432 = tpu.memref_squeeze %dma_start3A_431 : memref<1x1x128xi32, #tpu.memory_space<vmem>> -> memref<128xi32, #tpu.memory_space<vmem>>
        %dma_start3A_433 = arith.constant 0 : i32
        %dma_start3A_434 = arith.constant 0 : i32
        %dma_start3A_435 = tpu.memref_slice %arg2[%dma_start3A_433, %dma_start3A_434] : memref<10000x128xf32, #tpu.memory_space<hbm>> -> memref<10000x128xf32, #tpu.memory_space<hbm>>
        tpu.enqueue_indirect_dma source(%dma_start3A_435 : memref<10000x128xf32, #tpu.memory_space<hbm>>) target(%arg14 : memref<128x128xf32, #tpu.memory_space<vmem>>) offsets(%dma_start3A_432 : memref<128xi32, #tpu.memory_space<vmem>>) semaphore(%arg24 : memref<!tpu.dma_semaphore, #tpu.memory_space<semaphore_mem>>)
      } else {
      }
      %lt3A_298 = arith.cmpi slt, %add3A_276, %select_n3A : i32
      %convert_element_type3A_299 = arith.extui %lt3A_298 : i1 to i32
      %cond3A_300 = arith.constant 0 : i32
      %cond3A_301 = arith.cmpi ne, %convert_element_type3A_299, %cond3A_300 : i32
      scf.if %cond3A_301 {
        %dma_wait3A_410 = arith.constant 0 : i32
        %dma_wait3A_411 = arith.constant 0 : i32
        %dma_wait3A_412 = arith.constant 0 : i32
        %dma_wait3A_413 = tpu.memref_slice %arg11[%dma_wait3A_410, %dma_wait3A_411, %dma_wait3A_412] : memref<2x1x128xi32, #tpu.memory_space<vmem>> -> memref<1x1x128xi32, #tpu.memory_space<vmem>>
        %dma_wait3A_414 = tpu.memref_squeeze %dma_wait3A_413 : memref<1x1x128xi32, #tpu.memory_space<vmem>> -> memref<128xi32, #tpu.memory_space<vmem>>
        %dma_wait3A_415 = arith.constant 0 : i32
        %dma_wait3A_416 = arith.constant 0 : i32
        %dma_wait3A_417 = tpu.memref_slice %arg2[%dma_wait3A_415, %dma_wait3A_416] : memref<10000x128xf32, #tpu.memory_space<hbm>> -> memref<10000x128xf32, #tpu.memory_space<hbm>>
        tpu.wait_indirect_dma semaphore(%arg23 : memref<!tpu.dma_semaphore, #tpu.memory_space<semaphore_mem>>) src(%dma_wait3A_417 : memref<10000x128xf32, #tpu.memory_space<hbm>>) dst(%arg13 : memref<128x128xf32, #tpu.memory_space<vmem>>)
        %dma_start3A_418 = arith.constant 1 : i32
        %dma_start3A_419 = arith.constant 0 : i32
        %dma_start3A_420 = arith.constant 0 : i32
        %dma_start3A_421 = tpu.memref_slice %arg11[%dma_start3A_418, %dma_start3A_419, %dma_start3A_420] : memref<2x1x128xi32, #tpu.memory_space<vmem>> -> memref<1x1x128xi32, #tpu.memory_space<vmem>>
        %dma_start3A_422 = tpu.memref_squeeze %dma_start3A_421 : memref<1x1x128xi32, #tpu.memory_space<vmem>> -> memref<128xi32, #tpu.memory_space<vmem>>
        %dma_start3A_423 = arith.constant 0 : i32
        %dma_start3A_424 = arith.constant 0 : i32
        %dma_start3A_425 = tpu.memref_slice %arg16[%dma_start3A_423, %dma_start3A_424] : memref<10016x128xf32, #tpu.memory_space<vmem_shared>> -> memref<10016x128xf32, #tpu.memory_space<vmem_shared>>
        tpu.enqueue_indirect_dma source(%arg13 : memref<128x128xf32, #tpu.memory_space<vmem>>) target(%dma_start3A_425 : memref<10016x128xf32, #tpu.memory_space<vmem_shared>>) offsets(%dma_start3A_422 : memref<128xi32, #tpu.memory_space<vmem>>) semaphore(%arg26 : memref<!tpu.dma_semaphore, #tpu.memory_space<semaphore_mem>>) {add = true}
      } else {
      }
      %add3A_302 = arith.constant 8 : i32
      %add3A_303 = arith.addi %mul3A_89, %add3A_302 : i32
      %ge3A_304 = arith.constant 2 : i32
      %ge3A_305 = arith.cmpi sge, %add3A_303, %ge3A_304 : i32
      %sub3A_306 = arith.constant 2 : i32
      %sub3A_307 = arith.subi %add3A_303, %sub3A_306 : i32
      %lt3A_308 = arith.cmpi slt, %sub3A_307, %select_n3A : i32
      %and3A_309 = arith.andi %ge3A_305, %lt3A_308 : i1
      %convert_element_type3A_310 = arith.extui %and3A_309 : i1 to i32
      %cond3A_311 = arith.constant 0 : i32
      %cond3A_312 = arith.cmpi ne, %convert_element_type3A_310, %cond3A_311 : i32
      scf.if %cond3A_312 {
        %dma_wait3A_410 = arith.constant 1 : i32
        %dma_wait3A_411 = arith.constant 0 : i32
        %dma_wait3A_412 = arith.constant 0 : i32
        %dma_wait3A_413 = tpu.memref_slice %arg10[%dma_wait3A_410, %dma_wait3A_411, %dma_wait3A_412] : memref<2x1x128xi32, #tpu.memory_space<vmem>> -> memref<1x1x128xi32, #tpu.memory_space<vmem>>
        %dma_wait3A_414 = tpu.memref_squeeze %dma_wait3A_413 : memref<1x1x128xi32, #tpu.memory_space<vmem>> -> memref<128xi32, #tpu.memory_space<vmem>>
        %dma_wait3A_415 = arith.constant 0 : i32
        %dma_wait3A_416 = arith.constant 0 : i32
        %dma_wait3A_417 = tpu.memref_slice %arg16[%dma_wait3A_415, %dma_wait3A_416] : memref<10016x128xf32, #tpu.memory_space<vmem_shared>> -> memref<10016x128xf32, #tpu.memory_space<vmem_shared>>
        tpu.wait_indirect_dma semaphore(%arg25 : memref<!tpu.dma_semaphore, #tpu.memory_space<semaphore_mem>>) src(%arg12 : memref<128x128xf32, #tpu.memory_space<vmem>>) dst(%dma_wait3A_417 : memref<10016x128xf32, #tpu.memory_space<vmem_shared>>)
      } else {
      }
      %add3A_313 = arith.constant 2 : i32
      %add3A_314 = arith.addi %add3A_303, %add3A_313 : i32
      %lt3A_315 = arith.cmpi slt, %add3A_314, %select_n3A : i32
      %convert_element_type3A_316 = arith.extui %lt3A_315 : i1 to i32
      %cond3A_317 = arith.constant 0 : i32
      %cond3A_318 = arith.cmpi ne, %convert_element_type3A_316, %cond3A_317 : i32
      scf.if %cond3A_318 {
        %add3A_410 = arith.constant 2 : i32
        %add3A_411 = arith.addi %add3A_303, %add3A_410 : i32
        %mul3A_412 = arith.constant 128 : i32
        %mul3A_413 = arith.muli %add3A_411, %mul3A_412 : i32
        %add3A_414 = arith.addi %mul3A_2, %mul3A_413 : i32
        %dma_start3A_415 = arith.constant 0 : i32
        %dma_start3A_416 = arith.constant 0 : i32
        %dma_start3A_417 = arith.constant 0 : i32
        %dma_start3A_418 = tpu.memref_slice %arg10[%dma_start3A_416, %dma_start3A_415, %dma_start3A_417] : memref<2x1x128xi32, #tpu.memory_space<vmem>> -> memref<2x1x128xi32, #tpu.memory_space<vmem>>
        %dma_start3A_419 = tpu.memref_squeeze %dma_start3A_418 : memref<2x1x128xi32, #tpu.memory_space<vmem>> -> memref<2x128xi32, #tpu.memory_space<vmem>>
        %dma_start3A_420 = arith.constant 0 : i32
        %dma_start3A_421 = tpu.memref_slice %arg3[%dma_start3A_420, %add3A_414] : memref<2x320000xi32, #tpu.memory_space<hbm>> -> memref<2x128xi32, #tpu.memory_space<hbm>>
        %dma_start3A_422 = arith.constant 0 : i32
        %dma_start3A_423 = arith.constant 0 : i32
        %dma_start3A_424 = tpu.memref_slice %arg10[%dma_start3A_422, %dma_start3A_415, %dma_start3A_423] : memref<2x1x128xi32, #tpu.memory_space<vmem>> -> memref<2x1x128xi32, #tpu.memory_space<vmem>>
        %dma_start3A_425 = tpu.memref_squeeze %dma_start3A_424 : memref<2x1x128xi32, #tpu.memory_space<vmem>> -> memref<2x128xi32, #tpu.memory_space<vmem>>
        %dma_start3A_426 = arith.constant 0 : i32
        %dma_start3A_427 = tpu.memref_slice %arg3[%dma_start3A_426, %add3A_414] : memref<2x320000xi32, #tpu.memory_space<hbm>> -> memref<2x128xi32, #tpu.memory_space<hbm>>
        tpu.enqueue_dma source(%dma_start3A_427 : memref<2x128xi32, #tpu.memory_space<hbm>>) target(%dma_start3A_425 : memref<2x128xi32, #tpu.memory_space<vmem>>) target_semaphore(%arg20 : memref<!tpu.dma_semaphore, #tpu.memory_space<semaphore_mem>>)
      } else {
      }
      %add3A_319 = arith.constant 1 : i32
      %add3A_320 = arith.addi %add3A_303, %add3A_319 : i32
      %lt3A_321 = arith.cmpi slt, %add3A_320, %select_n3A : i32
      %convert_element_type3A_322 = arith.extui %lt3A_321 : i1 to i32
      %cond3A_323 = arith.constant 0 : i32
      %cond3A_324 = arith.cmpi ne, %convert_element_type3A_322, %cond3A_323 : i32
      scf.if %cond3A_324 {
        %add3A_410 = arith.constant 1 : i32
        %add3A_411 = arith.addi %add3A_303, %add3A_410 : i32
        %mul3A_412 = arith.constant 128 : i32
        %mul3A_413 = arith.muli %add3A_411, %mul3A_412 : i32
        %add3A_414 = arith.addi %mul3A_2, %mul3A_413 : i32
        %dma_wait3A_415 = arith.constant 0 : i32
        %dma_wait3A_416 = arith.constant 0 : i32
        %dma_wait3A_417 = arith.constant 0 : i32
        %dma_wait3A_418 = tpu.memref_slice %arg9[%dma_wait3A_416, %dma_wait3A_415, %dma_wait3A_417] : memref<2x1x128xi32, #tpu.memory_space<vmem>> -> memref<2x1x128xi32, #tpu.memory_space<vmem>>
        %dma_wait3A_419 = tpu.memref_squeeze %dma_wait3A_418 : memref<2x1x128xi32, #tpu.memory_space<vmem>> -> memref<2x128xi32, #tpu.memory_space<vmem>>
        %dma_wait3A_420 = arith.constant 0 : i32
        %dma_wait3A_421 = tpu.memref_slice %arg3[%dma_wait3A_420, %add3A_414] : memref<2x320000xi32, #tpu.memory_space<hbm>> -> memref<2x128xi32, #tpu.memory_space<hbm>>
        %dma_wait3A_422 = arith.constant 0 : i32
        %dma_wait3A_423 = arith.constant 0 : i32
        %dma_wait3A_424 = tpu.memref_slice %arg9[%dma_wait3A_422, %dma_wait3A_415, %dma_wait3A_423] : memref<2x1x128xi32, #tpu.memory_space<vmem>> -> memref<2x1x128xi32, #tpu.memory_space<vmem>>
        %dma_wait3A_425 = tpu.memref_squeeze %dma_wait3A_424 : memref<2x1x128xi32, #tpu.memory_space<vmem>> -> memref<2x128xi32, #tpu.memory_space<vmem>>
        %dma_wait3A_426 = arith.constant 0 : i32
        %dma_wait3A_427 = tpu.memref_slice %arg3[%dma_wait3A_426, %add3A_414] : memref<2x320000xi32, #tpu.memory_space<hbm>> -> memref<2x128xi32, #tpu.memory_space<hbm>>
        tpu.wait_dma2 semaphore(%arg19 : memref<!tpu.dma_semaphore, #tpu.memory_space<semaphore_mem>>) src(%dma_wait3A_427 : memref<2x128xi32, #tpu.memory_space<hbm>>) dst(%dma_wait3A_425 : memref<2x128xi32, #tpu.memory_space<vmem>>)
        %dma_start3A_428 = arith.constant 0 : i32
        %dma_start3A_429 = arith.constant 0 : i32
        %dma_start3A_430 = arith.constant 0 : i32
        %dma_start3A_431 = tpu.memref_slice %arg9[%dma_start3A_428, %dma_start3A_429, %dma_start3A_430] : memref<2x1x128xi32, #tpu.memory_space<vmem>> -> memref<1x1x128xi32, #tpu.memory_space<vmem>>
        %dma_start3A_432 = tpu.memref_squeeze %dma_start3A_431 : memref<1x1x128xi32, #tpu.memory_space<vmem>> -> memref<128xi32, #tpu.memory_space<vmem>>
        %dma_start3A_433 = arith.constant 0 : i32
        %dma_start3A_434 = arith.constant 0 : i32
        %dma_start3A_435 = tpu.memref_slice %arg2[%dma_start3A_433, %dma_start3A_434] : memref<10000x128xf32, #tpu.memory_space<hbm>> -> memref<10000x128xf32, #tpu.memory_space<hbm>>
        tpu.enqueue_indirect_dma source(%dma_start3A_435 : memref<10000x128xf32, #tpu.memory_space<hbm>>) target(%arg12 : memref<128x128xf32, #tpu.memory_space<vmem>>) offsets(%dma_start3A_432 : memref<128xi32, #tpu.memory_space<vmem>>) semaphore(%arg22 : memref<!tpu.dma_semaphore, #tpu.memory_space<semaphore_mem>>)
      } else {
      }
      %lt3A_325 = arith.cmpi slt, %add3A_303, %select_n3A : i32
      %convert_element_type3A_326 = arith.extui %lt3A_325 : i1 to i32
      %cond3A_327 = arith.constant 0 : i32
      %cond3A_328 = arith.cmpi ne, %convert_element_type3A_326, %cond3A_327 : i32
      scf.if %cond3A_328 {
        %dma_wait3A_410 = arith.constant 0 : i32
        %dma_wait3A_411 = arith.constant 0 : i32
        %dma_wait3A_412 = arith.constant 0 : i32
        %dma_wait3A_413 = tpu.memref_slice %arg8[%dma_wait3A_410, %dma_wait3A_411, %dma_wait3A_412] : memref<2x1x128xi32, #tpu.memory_space<vmem>> -> memref<1x1x128xi32, #tpu.memory_space<vmem>>
        %dma_wait3A_414 = tpu.memref_squeeze %dma_wait3A_413 : memref<1x1x128xi32, #tpu.memory_space<vmem>> -> memref<128xi32, #tpu.memory_space<vmem>>
        %dma_wait3A_415 = arith.constant 0 : i32
        %dma_wait3A_416 = arith.constant 0 : i32
        %dma_wait3A_417 = tpu.memref_slice %arg2[%dma_wait3A_415, %dma_wait3A_416] : memref<10000x128xf32, #tpu.memory_space<hbm>> -> memref<10000x128xf32, #tpu.memory_space<hbm>>
        tpu.wait_indirect_dma semaphore(%arg24 : memref<!tpu.dma_semaphore, #tpu.memory_space<semaphore_mem>>) src(%dma_wait3A_417 : memref<10000x128xf32, #tpu.memory_space<hbm>>) dst(%arg14 : memref<128x128xf32, #tpu.memory_space<vmem>>)
        %dma_start3A_418 = arith.constant 1 : i32
        %dma_start3A_419 = arith.constant 0 : i32
        %dma_start3A_420 = arith.constant 0 : i32
        %dma_start3A_421 = tpu.memref_slice %arg8[%dma_start3A_418, %dma_start3A_419, %dma_start3A_420] : memref<2x1x128xi32, #tpu.memory_space<vmem>> -> memref<1x1x128xi32, #tpu.memory_space<vmem>>
        %dma_start3A_422 = tpu.memref_squeeze %dma_start3A_421 : memref<1x1x128xi32, #tpu.memory_space<vmem>> -> memref<128xi32, #tpu.memory_space<vmem>>
        %dma_start3A_423 = arith.constant 0 : i32
        %dma_start3A_424 = arith.constant 0 : i32
        %dma_start3A_425 = tpu.memref_slice %arg16[%dma_start3A_423, %dma_start3A_424] : memref<10016x128xf32, #tpu.memory_space<vmem_shared>> -> memref<10016x128xf32, #tpu.memory_space<vmem_shared>>
        tpu.enqueue_indirect_dma source(%arg14 : memref<128x128xf32, #tpu.memory_space<vmem>>) target(%dma_start3A_425 : memref<10016x128xf32, #tpu.memory_space<vmem_shared>>) offsets(%dma_start3A_422 : memref<128xi32, #tpu.memory_space<vmem>>) semaphore(%arg27 : memref<!tpu.dma_semaphore, #tpu.memory_space<semaphore_mem>>) {add = true}
      } else {
      }
      %add3A_329 = arith.constant 9 : i32
      %add3A_330 = arith.addi %mul3A_89, %add3A_329 : i32
      %ge3A_331 = arith.constant 2 : i32
      %ge3A_332 = arith.cmpi sge, %add3A_330, %ge3A_331 : i32
      %sub3A_333 = arith.constant 2 : i32
      %sub3A_334 = arith.subi %add3A_330, %sub3A_333 : i32
      %lt3A_335 = arith.cmpi slt, %sub3A_334, %select_n3A : i32
      %and3A_336 = arith.andi %ge3A_332, %lt3A_335 : i1
      %convert_element_type3A_337 = arith.extui %and3A_336 : i1 to i32
      %cond3A_338 = arith.constant 0 : i32
      %cond3A_339 = arith.cmpi ne, %convert_element_type3A_337, %cond3A_338 : i32
      scf.if %cond3A_339 {
        %dma_wait3A_410 = arith.constant 1 : i32
        %dma_wait3A_411 = arith.constant 0 : i32
        %dma_wait3A_412 = arith.constant 0 : i32
        %dma_wait3A_413 = tpu.memref_slice %arg11[%dma_wait3A_410, %dma_wait3A_411, %dma_wait3A_412] : memref<2x1x128xi32, #tpu.memory_space<vmem>> -> memref<1x1x128xi32, #tpu.memory_space<vmem>>
        %dma_wait3A_414 = tpu.memref_squeeze %dma_wait3A_413 : memref<1x1x128xi32, #tpu.memory_space<vmem>> -> memref<128xi32, #tpu.memory_space<vmem>>
        %dma_wait3A_415 = arith.constant 0 : i32
        %dma_wait3A_416 = arith.constant 0 : i32
        %dma_wait3A_417 = tpu.memref_slice %arg16[%dma_wait3A_415, %dma_wait3A_416] : memref<10016x128xf32, #tpu.memory_space<vmem_shared>> -> memref<10016x128xf32, #tpu.memory_space<vmem_shared>>
        tpu.wait_indirect_dma semaphore(%arg26 : memref<!tpu.dma_semaphore, #tpu.memory_space<semaphore_mem>>) src(%arg13 : memref<128x128xf32, #tpu.memory_space<vmem>>) dst(%dma_wait3A_417 : memref<10016x128xf32, #tpu.memory_space<vmem_shared>>)
      } else {
      }
      %add3A_340 = arith.constant 2 : i32
      %add3A_341 = arith.addi %add3A_330, %add3A_340 : i32
      %lt3A_342 = arith.cmpi slt, %add3A_341, %select_n3A : i32
      %convert_element_type3A_343 = arith.extui %lt3A_342 : i1 to i32
      %cond3A_344 = arith.constant 0 : i32
      %cond3A_345 = arith.cmpi ne, %convert_element_type3A_343, %cond3A_344 : i32
      scf.if %cond3A_345 {
        %add3A_410 = arith.constant 2 : i32
        %add3A_411 = arith.addi %add3A_330, %add3A_410 : i32
        %mul3A_412 = arith.constant 128 : i32
        %mul3A_413 = arith.muli %add3A_411, %mul3A_412 : i32
        %add3A_414 = arith.addi %mul3A_2, %mul3A_413 : i32
        %dma_start3A_415 = arith.constant 0 : i32
        %dma_start3A_416 = arith.constant 0 : i32
        %dma_start3A_417 = arith.constant 0 : i32
        %dma_start3A_418 = tpu.memref_slice %arg11[%dma_start3A_416, %dma_start3A_415, %dma_start3A_417] : memref<2x1x128xi32, #tpu.memory_space<vmem>> -> memref<2x1x128xi32, #tpu.memory_space<vmem>>
        %dma_start3A_419 = tpu.memref_squeeze %dma_start3A_418 : memref<2x1x128xi32, #tpu.memory_space<vmem>> -> memref<2x128xi32, #tpu.memory_space<vmem>>
        %dma_start3A_420 = arith.constant 0 : i32
        %dma_start3A_421 = tpu.memref_slice %arg3[%dma_start3A_420, %add3A_414] : memref<2x320000xi32, #tpu.memory_space<hbm>> -> memref<2x128xi32, #tpu.memory_space<hbm>>
        %dma_start3A_422 = arith.constant 0 : i32
        %dma_start3A_423 = arith.constant 0 : i32
        %dma_start3A_424 = tpu.memref_slice %arg11[%dma_start3A_422, %dma_start3A_415, %dma_start3A_423] : memref<2x1x128xi32, #tpu.memory_space<vmem>> -> memref<2x1x128xi32, #tpu.memory_space<vmem>>
        %dma_start3A_425 = tpu.memref_squeeze %dma_start3A_424 : memref<2x1x128xi32, #tpu.memory_space<vmem>> -> memref<2x128xi32, #tpu.memory_space<vmem>>
        %dma_start3A_426 = arith.constant 0 : i32
        %dma_start3A_427 = tpu.memref_slice %arg3[%dma_start3A_426, %add3A_414] : memref<2x320000xi32, #tpu.memory_space<hbm>> -> memref<2x128xi32, #tpu.memory_space<hbm>>
        tpu.enqueue_dma source(%dma_start3A_427 : memref<2x128xi32, #tpu.memory_space<hbm>>) target(%dma_start3A_425 : memref<2x128xi32, #tpu.memory_space<vmem>>) target_semaphore(%arg21 : memref<!tpu.dma_semaphore, #tpu.memory_space<semaphore_mem>>)
      } else {
      }
      %add3A_346 = arith.constant 1 : i32
      %add3A_347 = arith.addi %add3A_330, %add3A_346 : i32
      %lt3A_348 = arith.cmpi slt, %add3A_347, %select_n3A : i32
      %convert_element_type3A_349 = arith.extui %lt3A_348 : i1 to i32
      %cond3A_350 = arith.constant 0 : i32
      %cond3A_351 = arith.cmpi ne, %convert_element_type3A_349, %cond3A_350 : i32
      scf.if %cond3A_351 {
        %add3A_410 = arith.constant 1 : i32
        %add3A_411 = arith.addi %add3A_330, %add3A_410 : i32
        %mul3A_412 = arith.constant 128 : i32
        %mul3A_413 = arith.muli %add3A_411, %mul3A_412 : i32
        %add3A_414 = arith.addi %mul3A_2, %mul3A_413 : i32
        %dma_wait3A_415 = arith.constant 0 : i32
        %dma_wait3A_416 = arith.constant 0 : i32
        %dma_wait3A_417 = arith.constant 0 : i32
        %dma_wait3A_418 = tpu.memref_slice %arg10[%dma_wait3A_416, %dma_wait3A_415, %dma_wait3A_417] : memref<2x1x128xi32, #tpu.memory_space<vmem>> -> memref<2x1x128xi32, #tpu.memory_space<vmem>>
        %dma_wait3A_419 = tpu.memref_squeeze %dma_wait3A_418 : memref<2x1x128xi32, #tpu.memory_space<vmem>> -> memref<2x128xi32, #tpu.memory_space<vmem>>
        %dma_wait3A_420 = arith.constant 0 : i32
        %dma_wait3A_421 = tpu.memref_slice %arg3[%dma_wait3A_420, %add3A_414] : memref<2x320000xi32, #tpu.memory_space<hbm>> -> memref<2x128xi32, #tpu.memory_space<hbm>>
        %dma_wait3A_422 = arith.constant 0 : i32
        %dma_wait3A_423 = arith.constant 0 : i32
        %dma_wait3A_424 = tpu.memref_slice %arg10[%dma_wait3A_422, %dma_wait3A_415, %dma_wait3A_423] : memref<2x1x128xi32, #tpu.memory_space<vmem>> -> memref<2x1x128xi32, #tpu.memory_space<vmem>>
        %dma_wait3A_425 = tpu.memref_squeeze %dma_wait3A_424 : memref<2x1x128xi32, #tpu.memory_space<vmem>> -> memref<2x128xi32, #tpu.memory_space<vmem>>
        %dma_wait3A_426 = arith.constant 0 : i32
        %dma_wait3A_427 = tpu.memref_slice %arg3[%dma_wait3A_426, %add3A_414] : memref<2x320000xi32, #tpu.memory_space<hbm>> -> memref<2x128xi32, #tpu.memory_space<hbm>>
        tpu.wait_dma2 semaphore(%arg20 : memref<!tpu.dma_semaphore, #tpu.memory_space<semaphore_mem>>) src(%dma_wait3A_427 : memref<2x128xi32, #tpu.memory_space<hbm>>) dst(%dma_wait3A_425 : memref<2x128xi32, #tpu.memory_space<vmem>>)
        %dma_start3A_428 = arith.constant 0 : i32
        %dma_start3A_429 = arith.constant 0 : i32
        %dma_start3A_430 = arith.constant 0 : i32
        %dma_start3A_431 = tpu.memref_slice %arg10[%dma_start3A_428, %dma_start3A_429, %dma_start3A_430] : memref<2x1x128xi32, #tpu.memory_space<vmem>> -> memref<1x1x128xi32, #tpu.memory_space<vmem>>
        %dma_start3A_432 = tpu.memref_squeeze %dma_start3A_431 : memref<1x1x128xi32, #tpu.memory_space<vmem>> -> memref<128xi32, #tpu.memory_space<vmem>>
        %dma_start3A_433 = arith.constant 0 : i32
        %dma_start3A_434 = arith.constant 0 : i32
        %dma_start3A_435 = tpu.memref_slice %arg2[%dma_start3A_433, %dma_start3A_434] : memref<10000x128xf32, #tpu.memory_space<hbm>> -> memref<10000x128xf32, #tpu.memory_space<hbm>>
        tpu.enqueue_indirect_dma source(%dma_start3A_435 : memref<10000x128xf32, #tpu.memory_space<hbm>>) target(%arg13 : memref<128x128xf32, #tpu.memory_space<vmem>>) offsets(%dma_start3A_432 : memref<128xi32, #tpu.memory_space<vmem>>) semaphore(%arg23 : memref<!tpu.dma_semaphore, #tpu.memory_space<semaphore_mem>>)
      } else {
      }
      %lt3A_352 = arith.cmpi slt, %add3A_330, %select_n3A : i32
      %convert_element_type3A_353 = arith.extui %lt3A_352 : i1 to i32
      %cond3A_354 = arith.constant 0 : i32
      %cond3A_355 = arith.cmpi ne, %convert_element_type3A_353, %cond3A_354 : i32
      scf.if %cond3A_355 {
        %dma_wait3A_410 = arith.constant 0 : i32
        %dma_wait3A_411 = arith.constant 0 : i32
        %dma_wait3A_412 = arith.constant 0 : i32
        %dma_wait3A_413 = tpu.memref_slice %arg9[%dma_wait3A_410, %dma_wait3A_411, %dma_wait3A_412] : memref<2x1x128xi32, #tpu.memory_space<vmem>> -> memref<1x1x128xi32, #tpu.memory_space<vmem>>
        %dma_wait3A_414 = tpu.memref_squeeze %dma_wait3A_413 : memref<1x1x128xi32, #tpu.memory_space<vmem>> -> memref<128xi32, #tpu.memory_space<vmem>>
        %dma_wait3A_415 = arith.constant 0 : i32
        %dma_wait3A_416 = arith.constant 0 : i32
        %dma_wait3A_417 = tpu.memref_slice %arg2[%dma_wait3A_415, %dma_wait3A_416] : memref<10000x128xf32, #tpu.memory_space<hbm>> -> memref<10000x128xf32, #tpu.memory_space<hbm>>
        tpu.wait_indirect_dma semaphore(%arg22 : memref<!tpu.dma_semaphore, #tpu.memory_space<semaphore_mem>>) src(%dma_wait3A_417 : memref<10000x128xf32, #tpu.memory_space<hbm>>) dst(%arg12 : memref<128x128xf32, #tpu.memory_space<vmem>>)
        %dma_start3A_418 = arith.constant 1 : i32
        %dma_start3A_419 = arith.constant 0 : i32
        %dma_start3A_420 = arith.constant 0 : i32
        %dma_start3A_421 = tpu.memref_slice %arg9[%dma_start3A_418, %dma_start3A_419, %dma_start3A_420] : memref<2x1x128xi32, #tpu.memory_space<vmem>> -> memref<1x1x128xi32, #tpu.memory_space<vmem>>
        %dma_start3A_422 = tpu.memref_squeeze %dma_start3A_421 : memref<1x1x128xi32, #tpu.memory_space<vmem>> -> memref<128xi32, #tpu.memory_space<vmem>>
        %dma_start3A_423 = arith.constant 0 : i32
        %dma_start3A_424 = arith.constant 0 : i32
        %dma_start3A_425 = tpu.memref_slice %arg16[%dma_start3A_423, %dma_start3A_424] : memref<10016x128xf32, #tpu.memory_space<vmem_shared>> -> memref<10016x128xf32, #tpu.memory_space<vmem_shared>>
        tpu.enqueue_indirect_dma source(%arg12 : memref<128x128xf32, #tpu.memory_space<vmem>>) target(%dma_start3A_425 : memref<10016x128xf32, #tpu.memory_space<vmem_shared>>) offsets(%dma_start3A_422 : memref<128xi32, #tpu.memory_space<vmem>>) semaphore(%arg25 : memref<!tpu.dma_semaphore, #tpu.memory_space<semaphore_mem>>) {add = true}
      } else {
      }
      %add3A_356 = arith.constant 10 : i32
      %add3A_357 = arith.addi %mul3A_89, %add3A_356 : i32
      %ge3A_358 = arith.constant 2 : i32
      %ge3A_359 = arith.cmpi sge, %add3A_357, %ge3A_358 : i32
      %sub3A_360 = arith.constant 2 : i32
      %sub3A_361 = arith.subi %add3A_357, %sub3A_360 : i32
      %lt3A_362 = arith.cmpi slt, %sub3A_361, %select_n3A : i32
      %and3A_363 = arith.andi %ge3A_359, %lt3A_362 : i1
      %convert_element_type3A_364 = arith.extui %and3A_363 : i1 to i32
      %cond3A_365 = arith.constant 0 : i32
      %cond3A_366 = arith.cmpi ne, %convert_element_type3A_364, %cond3A_365 : i32
      scf.if %cond3A_366 {
        %dma_wait3A_410 = arith.constant 1 : i32
        %dma_wait3A_411 = arith.constant 0 : i32
        %dma_wait3A_412 = arith.constant 0 : i32
        %dma_wait3A_413 = tpu.memref_slice %arg8[%dma_wait3A_410, %dma_wait3A_411, %dma_wait3A_412] : memref<2x1x128xi32, #tpu.memory_space<vmem>> -> memref<1x1x128xi32, #tpu.memory_space<vmem>>
        %dma_wait3A_414 = tpu.memref_squeeze %dma_wait3A_413 : memref<1x1x128xi32, #tpu.memory_space<vmem>> -> memref<128xi32, #tpu.memory_space<vmem>>
        %dma_wait3A_415 = arith.constant 0 : i32
        %dma_wait3A_416 = arith.constant 0 : i32
        %dma_wait3A_417 = tpu.memref_slice %arg16[%dma_wait3A_415, %dma_wait3A_416] : memref<10016x128xf32, #tpu.memory_space<vmem_shared>> -> memref<10016x128xf32, #tpu.memory_space<vmem_shared>>
        tpu.wait_indirect_dma semaphore(%arg27 : memref<!tpu.dma_semaphore, #tpu.memory_space<semaphore_mem>>) src(%arg14 : memref<128x128xf32, #tpu.memory_space<vmem>>) dst(%dma_wait3A_417 : memref<10016x128xf32, #tpu.memory_space<vmem_shared>>)
      } else {
      }
      %add3A_367 = arith.constant 2 : i32
      %add3A_368 = arith.addi %add3A_357, %add3A_367 : i32
      %lt3A_369 = arith.cmpi slt, %add3A_368, %select_n3A : i32
      %convert_element_type3A_370 = arith.extui %lt3A_369 : i1 to i32
      %cond3A_371 = arith.constant 0 : i32
      %cond3A_372 = arith.cmpi ne, %convert_element_type3A_370, %cond3A_371 : i32
      scf.if %cond3A_372 {
        %add3A_410 = arith.constant 2 : i32
        %add3A_411 = arith.addi %add3A_357, %add3A_410 : i32
        %mul3A_412 = arith.constant 128 : i32
        %mul3A_413 = arith.muli %add3A_411, %mul3A_412 : i32
        %add3A_414 = arith.addi %mul3A_2, %mul3A_413 : i32
        %dma_start3A_415 = arith.constant 0 : i32
        %dma_start3A_416 = arith.constant 0 : i32
        %dma_start3A_417 = arith.constant 0 : i32
        %dma_start3A_418 = tpu.memref_slice %arg8[%dma_start3A_416, %dma_start3A_415, %dma_start3A_417] : memref<2x1x128xi32, #tpu.memory_space<vmem>> -> memref<2x1x128xi32, #tpu.memory_space<vmem>>
        %dma_start3A_419 = tpu.memref_squeeze %dma_start3A_418 : memref<2x1x128xi32, #tpu.memory_space<vmem>> -> memref<2x128xi32, #tpu.memory_space<vmem>>
        %dma_start3A_420 = arith.constant 0 : i32
        %dma_start3A_421 = tpu.memref_slice %arg3[%dma_start3A_420, %add3A_414] : memref<2x320000xi32, #tpu.memory_space<hbm>> -> memref<2x128xi32, #tpu.memory_space<hbm>>
        %dma_start3A_422 = arith.constant 0 : i32
        %dma_start3A_423 = arith.constant 0 : i32
        %dma_start3A_424 = tpu.memref_slice %arg8[%dma_start3A_422, %dma_start3A_415, %dma_start3A_423] : memref<2x1x128xi32, #tpu.memory_space<vmem>> -> memref<2x1x128xi32, #tpu.memory_space<vmem>>
        %dma_start3A_425 = tpu.memref_squeeze %dma_start3A_424 : memref<2x1x128xi32, #tpu.memory_space<vmem>> -> memref<2x128xi32, #tpu.memory_space<vmem>>
        %dma_start3A_426 = arith.constant 0 : i32
        %dma_start3A_427 = tpu.memref_slice %arg3[%dma_start3A_426, %add3A_414] : memref<2x320000xi32, #tpu.memory_space<hbm>> -> memref<2x128xi32, #tpu.memory_space<hbm>>
        tpu.enqueue_dma source(%dma_start3A_427 : memref<2x128xi32, #tpu.memory_space<hbm>>) target(%dma_start3A_425 : memref<2x128xi32, #tpu.memory_space<vmem>>) target_semaphore(%arg18 : memref<!tpu.dma_semaphore, #tpu.memory_space<semaphore_mem>>)
      } else {
      }
      %add3A_373 = arith.constant 1 : i32
      %add3A_374 = arith.addi %add3A_357, %add3A_373 : i32
      %lt3A_375 = arith.cmpi slt, %add3A_374, %select_n3A : i32
      %convert_element_type3A_376 = arith.extui %lt3A_375 : i1 to i32
      %cond3A_377 = arith.constant 0 : i32
      %cond3A_378 = arith.cmpi ne, %convert_element_type3A_376, %cond3A_377 : i32
      scf.if %cond3A_378 {
        %add3A_410 = arith.constant 1 : i32
        %add3A_411 = arith.addi %add3A_357, %add3A_410 : i32
        %mul3A_412 = arith.constant 128 : i32
        %mul3A_413 = arith.muli %add3A_411, %mul3A_412 : i32
        %add3A_414 = arith.addi %mul3A_2, %mul3A_413 : i32
        %dma_wait3A_415 = arith.constant 0 : i32
        %dma_wait3A_416 = arith.constant 0 : i32
        %dma_wait3A_417 = arith.constant 0 : i32
        %dma_wait3A_418 = tpu.memref_slice %arg11[%dma_wait3A_416, %dma_wait3A_415, %dma_wait3A_417] : memref<2x1x128xi32, #tpu.memory_space<vmem>> -> memref<2x1x128xi32, #tpu.memory_space<vmem>>
        %dma_wait3A_419 = tpu.memref_squeeze %dma_wait3A_418 : memref<2x1x128xi32, #tpu.memory_space<vmem>> -> memref<2x128xi32, #tpu.memory_space<vmem>>
        %dma_wait3A_420 = arith.constant 0 : i32
        %dma_wait3A_421 = tpu.memref_slice %arg3[%dma_wait3A_420, %add3A_414] : memref<2x320000xi32, #tpu.memory_space<hbm>> -> memref<2x128xi32, #tpu.memory_space<hbm>>
        %dma_wait3A_422 = arith.constant 0 : i32
        %dma_wait3A_423 = arith.constant 0 : i32
        %dma_wait3A_424 = tpu.memref_slice %arg11[%dma_wait3A_422, %dma_wait3A_415, %dma_wait3A_423] : memref<2x1x128xi32, #tpu.memory_space<vmem>> -> memref<2x1x128xi32, #tpu.memory_space<vmem>>
        %dma_wait3A_425 = tpu.memref_squeeze %dma_wait3A_424 : memref<2x1x128xi32, #tpu.memory_space<vmem>> -> memref<2x128xi32, #tpu.memory_space<vmem>>
        %dma_wait3A_426 = arith.constant 0 : i32
        %dma_wait3A_427 = tpu.memref_slice %arg3[%dma_wait3A_426, %add3A_414] : memref<2x320000xi32, #tpu.memory_space<hbm>> -> memref<2x128xi32, #tpu.memory_space<hbm>>
        tpu.wait_dma2 semaphore(%arg21 : memref<!tpu.dma_semaphore, #tpu.memory_space<semaphore_mem>>) src(%dma_wait3A_427 : memref<2x128xi32, #tpu.memory_space<hbm>>) dst(%dma_wait3A_425 : memref<2x128xi32, #tpu.memory_space<vmem>>)
        %dma_start3A_428 = arith.constant 0 : i32
        %dma_start3A_429 = arith.constant 0 : i32
        %dma_start3A_430 = arith.constant 0 : i32
        %dma_start3A_431 = tpu.memref_slice %arg11[%dma_start3A_428, %dma_start3A_429, %dma_start3A_430] : memref<2x1x128xi32, #tpu.memory_space<vmem>> -> memref<1x1x128xi32, #tpu.memory_space<vmem>>
        %dma_start3A_432 = tpu.memref_squeeze %dma_start3A_431 : memref<1x1x128xi32, #tpu.memory_space<vmem>> -> memref<128xi32, #tpu.memory_space<vmem>>
        %dma_start3A_433 = arith.constant 0 : i32
        %dma_start3A_434 = arith.constant 0 : i32
        %dma_start3A_435 = tpu.memref_slice %arg2[%dma_start3A_433, %dma_start3A_434] : memref<10000x128xf32, #tpu.memory_space<hbm>> -> memref<10000x128xf32, #tpu.memory_space<hbm>>
        tpu.enqueue_indirect_dma source(%dma_start3A_435 : memref<10000x128xf32, #tpu.memory_space<hbm>>) target(%arg14 : memref<128x128xf32, #tpu.memory_space<vmem>>) offsets(%dma_start3A_432 : memref<128xi32, #tpu.memory_space<vmem>>) semaphore(%arg24 : memref<!tpu.dma_semaphore, #tpu.memory_space<semaphore_mem>>)
      } else {
      }
      %lt3A_379 = arith.cmpi slt, %add3A_357, %select_n3A : i32
      %convert_element_type3A_380 = arith.extui %lt3A_379 : i1 to i32
      %cond3A_381 = arith.constant 0 : i32
      %cond3A_382 = arith.cmpi ne, %convert_element_type3A_380, %cond3A_381 : i32
      scf.if %cond3A_382 {
        %dma_wait3A_410 = arith.constant 0 : i32
        %dma_wait3A_411 = arith.constant 0 : i32
        %dma_wait3A_412 = arith.constant 0 : i32
        %dma_wait3A_413 = tpu.memref_slice %arg10[%dma_wait3A_410, %dma_wait3A_411, %dma_wait3A_412] : memref<2x1x128xi32, #tpu.memory_space<vmem>> -> memref<1x1x128xi32, #tpu.memory_space<vmem>>
        %dma_wait3A_414 = tpu.memref_squeeze %dma_wait3A_413 : memref<1x1x128xi32, #tpu.memory_space<vmem>> -> memref<128xi32, #tpu.memory_space<vmem>>
        %dma_wait3A_415 = arith.constant 0 : i32
        %dma_wait3A_416 = arith.constant 0 : i32
        %dma_wait3A_417 = tpu.memref_slice %arg2[%dma_wait3A_415, %dma_wait3A_416] : memref<10000x128xf32, #tpu.memory_space<hbm>> -> memref<10000x128xf32, #tpu.memory_space<hbm>>
        tpu.wait_indirect_dma semaphore(%arg23 : memref<!tpu.dma_semaphore, #tpu.memory_space<semaphore_mem>>) src(%dma_wait3A_417 : memref<10000x128xf32, #tpu.memory_space<hbm>>) dst(%arg13 : memref<128x128xf32, #tpu.memory_space<vmem>>)
        %dma_start3A_418 = arith.constant 1 : i32
        %dma_start3A_419 = arith.constant 0 : i32
        %dma_start3A_420 = arith.constant 0 : i32
        %dma_start3A_421 = tpu.memref_slice %arg10[%dma_start3A_418, %dma_start3A_419, %dma_start3A_420] : memref<2x1x128xi32, #tpu.memory_space<vmem>> -> memref<1x1x128xi32, #tpu.memory_space<vmem>>
        %dma_start3A_422 = tpu.memref_squeeze %dma_start3A_421 : memref<1x1x128xi32, #tpu.memory_space<vmem>> -> memref<128xi32, #tpu.memory_space<vmem>>
        %dma_start3A_423 = arith.constant 0 : i32
        %dma_start3A_424 = arith.constant 0 : i32
        %dma_start3A_425 = tpu.memref_slice %arg16[%dma_start3A_423, %dma_start3A_424] : memref<10016x128xf32, #tpu.memory_space<vmem_shared>> -> memref<10016x128xf32, #tpu.memory_space<vmem_shared>>
        tpu.enqueue_indirect_dma source(%arg13 : memref<128x128xf32, #tpu.memory_space<vmem>>) target(%dma_start3A_425 : memref<10016x128xf32, #tpu.memory_space<vmem_shared>>) offsets(%dma_start3A_422 : memref<128xi32, #tpu.memory_space<vmem>>) semaphore(%arg26 : memref<!tpu.dma_semaphore, #tpu.memory_space<semaphore_mem>>) {add = true}
      } else {
      }
      %add3A_383 = arith.constant 11 : i32
      %add3A_384 = arith.addi %mul3A_89, %add3A_383 : i32
      %ge3A_385 = arith.constant 2 : i32
      %ge3A_386 = arith.cmpi sge, %add3A_384, %ge3A_385 : i32
      %sub3A_387 = arith.constant 2 : i32
      %sub3A_388 = arith.subi %add3A_384, %sub3A_387 : i32
      %lt3A_389 = arith.cmpi slt, %sub3A_388, %select_n3A : i32
      %and3A_390 = arith.andi %ge3A_386, %lt3A_389 : i1
      %convert_element_type3A_391 = arith.extui %and3A_390 : i1 to i32
      %cond3A_392 = arith.constant 0 : i32
      %cond3A_393 = arith.cmpi ne, %convert_element_type3A_391, %cond3A_392 : i32
      scf.if %cond3A_393 {
        %dma_wait3A_410 = arith.constant 1 : i32
        %dma_wait3A_411 = arith.constant 0 : i32
        %dma_wait3A_412 = arith.constant 0 : i32
        %dma_wait3A_413 = tpu.memref_slice %arg9[%dma_wait3A_410, %dma_wait3A_411, %dma_wait3A_412] : memref<2x1x128xi32, #tpu.memory_space<vmem>> -> memref<1x1x128xi32, #tpu.memory_space<vmem>>
        %dma_wait3A_414 = tpu.memref_squeeze %dma_wait3A_413 : memref<1x1x128xi32, #tpu.memory_space<vmem>> -> memref<128xi32, #tpu.memory_space<vmem>>
        %dma_wait3A_415 = arith.constant 0 : i32
        %dma_wait3A_416 = arith.constant 0 : i32
        %dma_wait3A_417 = tpu.memref_slice %arg16[%dma_wait3A_415, %dma_wait3A_416] : memref<10016x128xf32, #tpu.memory_space<vmem_shared>> -> memref<10016x128xf32, #tpu.memory_space<vmem_shared>>
        tpu.wait_indirect_dma semaphore(%arg25 : memref<!tpu.dma_semaphore, #tpu.memory_space<semaphore_mem>>) src(%arg12 : memref<128x128xf32, #tpu.memory_space<vmem>>) dst(%dma_wait3A_417 : memref<10016x128xf32, #tpu.memory_space<vmem_shared>>)
      } else {
      }
      %add3A_394 = arith.constant 2 : i32
      %add3A_395 = arith.addi %add3A_384, %add3A_394 : i32
      %lt3A_396 = arith.cmpi slt, %add3A_395, %select_n3A : i32
      %convert_element_type3A_397 = arith.extui %lt3A_396 : i1 to i32
      %cond3A_398 = arith.constant 0 : i32
      %cond3A_399 = arith.cmpi ne, %convert_element_type3A_397, %cond3A_398 : i32
      scf.if %cond3A_399 {
        %add3A_410 = arith.constant 2 : i32
        %add3A_411 = arith.addi %add3A_384, %add3A_410 : i32
        %mul3A_412 = arith.constant 128 : i32
        %mul3A_413 = arith.muli %add3A_411, %mul3A_412 : i32
        %add3A_414 = arith.addi %mul3A_2, %mul3A_413 : i32
        %dma_start3A_415 = arith.constant 0 : i32
        %dma_start3A_416 = arith.constant 0 : i32
        %dma_start3A_417 = arith.constant 0 : i32
        %dma_start3A_418 = tpu.memref_slice %arg9[%dma_start3A_416, %dma_start3A_415, %dma_start3A_417] : memref<2x1x128xi32, #tpu.memory_space<vmem>> -> memref<2x1x128xi32, #tpu.memory_space<vmem>>
        %dma_start3A_419 = tpu.memref_squeeze %dma_start3A_418 : memref<2x1x128xi32, #tpu.memory_space<vmem>> -> memref<2x128xi32, #tpu.memory_space<vmem>>
        %dma_start3A_420 = arith.constant 0 : i32
        %dma_start3A_421 = tpu.memref_slice %arg3[%dma_start3A_420, %add3A_414] : memref<2x320000xi32, #tpu.memory_space<hbm>> -> memref<2x128xi32, #tpu.memory_space<hbm>>
        %dma_start3A_422 = arith.constant 0 : i32
        %dma_start3A_423 = arith.constant 0 : i32
        %dma_start3A_424 = tpu.memref_slice %arg9[%dma_start3A_422, %dma_start3A_415, %dma_start3A_423] : memref<2x1x128xi32, #tpu.memory_space<vmem>> -> memref<2x1x128xi32, #tpu.memory_space<vmem>>
        %dma_start3A_425 = tpu.memref_squeeze %dma_start3A_424 : memref<2x1x128xi32, #tpu.memory_space<vmem>> -> memref<2x128xi32, #tpu.memory_space<vmem>>
        %dma_start3A_426 = arith.constant 0 : i32
        %dma_start3A_427 = tpu.memref_slice %arg3[%dma_start3A_426, %add3A_414] : memref<2x320000xi32, #tpu.memory_space<hbm>> -> memref<2x128xi32, #tpu.memory_space<hbm>>
        tpu.enqueue_dma source(%dma_start3A_427 : memref<2x128xi32, #tpu.memory_space<hbm>>) target(%dma_start3A_425 : memref<2x128xi32, #tpu.memory_space<vmem>>) target_semaphore(%arg19 : memref<!tpu.dma_semaphore, #tpu.memory_space<semaphore_mem>>)
      } else {
      }
      %add3A_400 = arith.constant 1 : i32
      %add3A_401 = arith.addi %add3A_384, %add3A_400 : i32
      %lt3A_402 = arith.cmpi slt, %add3A_401, %select_n3A : i32
      %convert_element_type3A_403 = arith.extui %lt3A_402 : i1 to i32
      %cond3A_404 = arith.constant 0 : i32
      %cond3A_405 = arith.cmpi ne, %convert_element_type3A_403, %cond3A_404 : i32
      scf.if %cond3A_405 {
        %add3A_410 = arith.constant 1 : i32
        %add3A_411 = arith.addi %add3A_384, %add3A_410 : i32
        %mul3A_412 = arith.constant 128 : i32
        %mul3A_413 = arith.muli %add3A_411, %mul3A_412 : i32
        %add3A_414 = arith.addi %mul3A_2, %mul3A_413 : i32
        %dma_wait3A_415 = arith.constant 0 : i32
        %dma_wait3A_416 = arith.constant 0 : i32
        %dma_wait3A_417 = arith.constant 0 : i32
        %dma_wait3A_418 = tpu.memref_slice %arg8[%dma_wait3A_416, %dma_wait3A_415, %dma_wait3A_417] : memref<2x1x128xi32, #tpu.memory_space<vmem>> -> memref<2x1x128xi32, #tpu.memory_space<vmem>>
        %dma_wait3A_419 = tpu.memref_squeeze %dma_wait3A_418 : memref<2x1x128xi32, #tpu.memory_space<vmem>> -> memref<2x128xi32, #tpu.memory_space<vmem>>
        %dma_wait3A_420 = arith.constant 0 : i32
        %dma_wait3A_421 = tpu.memref_slice %arg3[%dma_wait3A_420, %add3A_414] : memref<2x320000xi32, #tpu.memory_space<hbm>> -> memref<2x128xi32, #tpu.memory_space<hbm>>
        %dma_wait3A_422 = arith.constant 0 : i32
        %dma_wait3A_423 = arith.constant 0 : i32
        %dma_wait3A_424 = tpu.memref_slice %arg8[%dma_wait3A_422, %dma_wait3A_415, %dma_wait3A_423] : memref<2x1x128xi32, #tpu.memory_space<vmem>> -> memref<2x1x128xi32, #tpu.memory_space<vmem>>
        %dma_wait3A_425 = tpu.memref_squeeze %dma_wait3A_424 : memref<2x1x128xi32, #tpu.memory_space<vmem>> -> memref<2x128xi32, #tpu.memory_space<vmem>>
        %dma_wait3A_426 = arith.constant 0 : i32
        %dma_wait3A_427 = tpu.memref_slice %arg3[%dma_wait3A_426, %add3A_414] : memref<2x320000xi32, #tpu.memory_space<hbm>> -> memref<2x128xi32, #tpu.memory_space<hbm>>
        tpu.wait_dma2 semaphore(%arg18 : memref<!tpu.dma_semaphore, #tpu.memory_space<semaphore_mem>>) src(%dma_wait3A_427 : memref<2x128xi32, #tpu.memory_space<hbm>>) dst(%dma_wait3A_425 : memref<2x128xi32, #tpu.memory_space<vmem>>)
        %dma_start3A_428 = arith.constant 0 : i32
        %dma_start3A_429 = arith.constant 0 : i32
        %dma_start3A_430 = arith.constant 0 : i32
        %dma_start3A_431 = tpu.memref_slice %arg8[%dma_start3A_428, %dma_start3A_429, %dma_start3A_430] : memref<2x1x128xi32, #tpu.memory_space<vmem>> -> memref<1x1x128xi32, #tpu.memory_space<vmem>>
        %dma_start3A_432 = tpu.memref_squeeze %dma_start3A_431 : memref<1x1x128xi32, #tpu.memory_space<vmem>> -> memref<128xi32, #tpu.memory_space<vmem>>
        %dma_start3A_433 = arith.constant 0 : i32
        %dma_start3A_434 = arith.constant 0 : i32
        %dma_start3A_435 = tpu.memref_slice %arg2[%dma_start3A_433, %dma_start3A_434] : memref<10000x128xf32, #tpu.memory_space<hbm>> -> memref<10000x128xf32, #tpu.memory_space<hbm>>
        tpu.enqueue_indirect_dma source(%dma_start3A_435 : memref<10000x128xf32, #tpu.memory_space<hbm>>) target(%arg12 : memref<128x128xf32, #tpu.memory_space<vmem>>) offsets(%dma_start3A_432 : memref<128xi32, #tpu.memory_space<vmem>>) semaphore(%arg22 : memref<!tpu.dma_semaphore, #tpu.memory_space<semaphore_mem>>)
      } else {
      }
      %lt3A_406 = arith.cmpi slt, %add3A_384, %select_n3A : i32
      %convert_element_type3A_407 = arith.extui %lt3A_406 : i1 to i32
      %cond3A_408 = arith.constant 0 : i32
      %cond3A_409 = arith.cmpi ne, %convert_element_type3A_407, %cond3A_408 : i32
      scf.if %cond3A_409 {
        %dma_wait3A_410 = arith.constant 0 : i32
        %dma_wait3A_411 = arith.constant 0 : i32
        %dma_wait3A_412 = arith.constant 0 : i32
        %dma_wait3A_413 = tpu.memref_slice %arg11[%dma_wait3A_410, %dma_wait3A_411, %dma_wait3A_412] : memref<2x1x128xi32, #tpu.memory_space<vmem>> -> memref<1x1x128xi32, #tpu.memory_space<vmem>>
        %dma_wait3A_414 = tpu.memref_squeeze %dma_wait3A_413 : memref<1x1x128xi32, #tpu.memory_space<vmem>> -> memref<128xi32, #tpu.memory_space<vmem>>
        %dma_wait3A_415 = arith.constant 0 : i32
        %dma_wait3A_416 = arith.constant 0 : i32
        %dma_wait3A_417 = tpu.memref_slice %arg2[%dma_wait3A_415, %dma_wait3A_416] : memref<10000x128xf32, #tpu.memory_space<hbm>> -> memref<10000x128xf32, #tpu.memory_space<hbm>>
        tpu.wait_indirect_dma semaphore(%arg24 : memref<!tpu.dma_semaphore, #tpu.memory_space<semaphore_mem>>) src(%dma_wait3A_417 : memref<10000x128xf32, #tpu.memory_space<hbm>>) dst(%arg14 : memref<128x128xf32, #tpu.memory_space<vmem>>)
        %dma_start3A_418 = arith.constant 1 : i32
        %dma_start3A_419 = arith.constant 0 : i32
        %dma_start3A_420 = arith.constant 0 : i32
        %dma_start3A_421 = tpu.memref_slice %arg11[%dma_start3A_418, %dma_start3A_419, %dma_start3A_420] : memref<2x1x128xi32, #tpu.memory_space<vmem>> -> memref<1x1x128xi32, #tpu.memory_space<vmem>>
        %dma_start3A_422 = tpu.memref_squeeze %dma_start3A_421 : memref<1x1x128xi32, #tpu.memory_space<vmem>> -> memref<128xi32, #tpu.memory_space<vmem>>
        %dma_start3A_423 = arith.constant 0 : i32
        %dma_start3A_424 = arith.constant 0 : i32
        %dma_start3A_425 = tpu.memref_slice %arg16[%dma_start3A_423, %dma_start3A_424] : memref<10016x128xf32, #tpu.memory_space<vmem_shared>> -> memref<10016x128xf32, #tpu.memory_space<vmem_shared>>
        tpu.enqueue_indirect_dma source(%arg14 : memref<128x128xf32, #tpu.memory_space<vmem>>) target(%dma_start3A_425 : memref<10016x128xf32, #tpu.memory_space<vmem_shared>>) offsets(%dma_start3A_422 : memref<128xi32, #tpu.memory_space<vmem>>) semaphore(%arg27 : memref<!tpu.dma_semaphore, #tpu.memory_space<semaphore_mem>>) {add = true}
      } else {
      }
    }
    %scan3A_77 = arith.constant 7 : i32
    %barrier3A_78 = arith.constant 0 : index
    tpu.barrier barrier_id(%barrier3A_78)
    %convert_element_type3A_79 = arith.extui %eq3A_8 : i1 to i32
    %cond3A_80 = arith.constant 0 : i32
    %cond3A_81 = arith.cmpi ne, %convert_element_type3A_79, %cond3A_80 : i32
    scf.if %cond3A_81 {
      "tpu.region"() ({
        %run_scoped3A = tpu.sem_alloc : memref<!tpu.dma_semaphore, #tpu.memory_space<semaphore_mem>>
        %dma_start3A_87 = arith.constant 0 : i32
        %dma_start3A_88 = tpu.memref_slice %arg7[%arg0, %mul3A_4, %dma_start3A_87] : memref<2x10016x128xf32, #tpu.memory_space<hbm>> -> memref<1x656x128xf32, #tpu.memory_space<hbm>>
        %dma_start3A_89 = tpu.memref_squeeze %dma_start3A_88 : memref<1x656x128xf32, #tpu.memory_space<hbm>> -> memref<656x128xf32, #tpu.memory_space<hbm>>
        %dma_start3A_90 = arith.constant 0 : i32
        %dma_start3A_91 = tpu.memref_slice %arg16[%mul3A_4, %dma_start3A_90] : memref<10016x128xf32, #tpu.memory_space<vmem_shared>> -> memref<656x128xf32, #tpu.memory_space<vmem_shared>>
        tpu.enqueue_dma source(%dma_start3A_91 : memref<656x128xf32, #tpu.memory_space<vmem_shared>>) target(%dma_start3A_89 : memref<656x128xf32, #tpu.memory_space<hbm>>) target_semaphore(%run_scoped3A : memref<!tpu.dma_semaphore, #tpu.memory_space<semaphore_mem>>)
        %dma_wait3A_92 = arith.constant 0 : i32
        %dma_wait3A_93 = tpu.memref_slice %arg7[%arg0, %mul3A_4, %dma_wait3A_92] : memref<2x10016x128xf32, #tpu.memory_space<hbm>> -> memref<1x656x128xf32, #tpu.memory_space<hbm>>
        %dma_wait3A_94 = tpu.memref_squeeze %dma_wait3A_93 : memref<1x656x128xf32, #tpu.memory_space<hbm>> -> memref<656x128xf32, #tpu.memory_space<hbm>>
        %dma_wait3A_95 = arith.constant 0 : i32
        %dma_wait3A_96 = tpu.memref_slice %arg16[%mul3A_4, %dma_wait3A_95] : memref<10016x128xf32, #tpu.memory_space<vmem_shared>> -> memref<656x128xf32, #tpu.memory_space<vmem_shared>>
        tpu.wait_dma2 semaphore(%run_scoped3A : memref<!tpu.dma_semaphore, #tpu.memory_space<semaphore_mem>>) src(%dma_wait3A_96 : memref<656x128xf32, #tpu.memory_space<vmem_shared>>) dst(%dma_wait3A_94 : memref<656x128xf32, #tpu.memory_space<hbm>>)
        tpu.yield
      }) : () -> ()
    } else {
    }
    %not3A_82 = arith.constant true
    %not3A_83 = arith.xori %eq3A_8, %not3A_82 : i1
    %convert_element_type3A_84 = arith.extui %not3A_83 : i1 to i32
    %cond3A_85 = arith.constant 0 : i32
    %cond3A_86 = arith.cmpi ne, %convert_element_type3A_84, %cond3A_85 : i32
    scf.if %cond3A_86 {
      "tpu.region"() ({
        %run_scoped3A = tpu.sem_alloc : memref<!tpu.dma_semaphore, #tpu.memory_space<semaphore_mem>>
        %dma_start3A_87 = arith.constant 0 : i32
        %dma_start3A_88 = tpu.memref_slice %arg7[%arg0, %mul3A_4, %dma_start3A_87] : memref<2x10016x128xf32, #tpu.memory_space<hbm>> -> memref<1x624x128xf32, #tpu.memory_space<hbm>>
        %dma_start3A_89 = tpu.memref_squeeze %dma_start3A_88 : memref<1x624x128xf32, #tpu.memory_space<hbm>> -> memref<624x128xf32, #tpu.memory_space<hbm>>
        %dma_start3A_90 = arith.constant 0 : i32
        %dma_start3A_91 = tpu.memref_slice %arg16[%mul3A_4, %dma_start3A_90] : memref<10016x128xf32, #tpu.memory_space<vmem_shared>> -> memref<624x128xf32, #tpu.memory_space<vmem_shared>>
        tpu.enqueue_dma source(%dma_start3A_91 : memref<624x128xf32, #tpu.memory_space<vmem_shared>>) target(%dma_start3A_89 : memref<624x128xf32, #tpu.memory_space<hbm>>) target_semaphore(%run_scoped3A : memref<!tpu.dma_semaphore, #tpu.memory_space<semaphore_mem>>)
        %dma_wait3A_92 = arith.constant 0 : i32
        %dma_wait3A_93 = tpu.memref_slice %arg7[%arg0, %mul3A_4, %dma_wait3A_92] : memref<2x10016x128xf32, #tpu.memory_space<hbm>> -> memref<1x624x128xf32, #tpu.memory_space<hbm>>
        %dma_wait3A_94 = tpu.memref_squeeze %dma_wait3A_93 : memref<1x624x128xf32, #tpu.memory_space<hbm>> -> memref<624x128xf32, #tpu.memory_space<hbm>>
        %dma_wait3A_95 = arith.constant 0 : i32
        %dma_wait3A_96 = tpu.memref_slice %arg16[%mul3A_4, %dma_wait3A_95] : memref<10016x128xf32, #tpu.memory_space<vmem_shared>> -> memref<624x128xf32, #tpu.memory_space<vmem_shared>>
        tpu.wait_dma2 semaphore(%run_scoped3A : memref<!tpu.dma_semaphore, #tpu.memory_space<semaphore_mem>>) src(%dma_wait3A_96 : memref<624x128xf32, #tpu.memory_space<vmem_shared>>) dst(%dma_wait3A_94 : memref<624x128xf32, #tpu.memory_space<hbm>>)
        tpu.yield
      }) : () -> ()
    } else {
    }
    return
  }
}

#map = affine_map<(d0, d1) -> (0, 0)>
#map1 = affine_map<(d0, d1) -> (0)>
#map2 = affine_map<(d0, d1) -> (0, 0, 0)>
module attributes {stable_mosaic.version = 14 : i64} {
  func.func @body(%arg0: i32, %arg1: i32, %arg2: memref<10000x128xf32, #tpu.memory_space<hbm>>, %arg3: memref<2x320000xi32, #tpu.memory_space<hbm>>, %arg4: memref<656x128xf32, #tpu.memory_space<hbm>>, %arg5: memref<10112xf32, #tpu.memory_space<hbm>>, %arg6: memref<128xf32, #tpu.memory_space<hbm>>, %arg7: memref<2x10016x128xf32, #tpu.memory_space<hbm>>, %arg8: memref<2x1x10112xf32, #tpu.memory_space<hbm>>, %arg9: memref<2x1x128xi32, #tpu.memory_space<vmem>>, %arg10: memref<2x1x128xi32, #tpu.memory_space<vmem>>, %arg11: memref<2x1x128xi32, #tpu.memory_space<vmem>>, %arg12: memref<2x1x128xi32, #tpu.memory_space<vmem>>, %arg13: memref<128x128xf32, #tpu.memory_space<vmem>>, %arg14: memref<128x128xf32, #tpu.memory_space<vmem>>, %arg15: memref<128x128xf32, #tpu.memory_space<vmem>>, %arg16: memref<128xf32, #tpu.memory_space<vmem>>, %arg17: memref<10016x128xf32, #tpu.memory_space<vmem_shared>>, %arg18: memref<10112xf32, #tpu.memory_space<vmem_shared>>, %arg19: memref<!tpu.dma_semaphore, #tpu.memory_space<semaphore_mem>>, %arg20: memref<!tpu.dma_semaphore, #tpu.memory_space<semaphore_mem>>, %arg21: memref<!tpu.dma_semaphore, #tpu.memory_space<semaphore_mem>>, %arg22: memref<!tpu.dma_semaphore, #tpu.memory_space<semaphore_mem>>, %arg23: memref<!tpu.dma_semaphore, #tpu.memory_space<semaphore_mem>>, %arg24: memref<!tpu.dma_semaphore, #tpu.memory_space<semaphore_mem>>, %arg25: memref<!tpu.dma_semaphore, #tpu.memory_space<semaphore_mem>>, %arg26: memref<!tpu.dma_semaphore, #tpu.memory_space<semaphore_mem>>, %arg27: memref<!tpu.dma_semaphore, #tpu.memory_space<semaphore_mem>>, %arg28: memref<!tpu.dma_semaphore, #tpu.memory_space<semaphore_mem>>, %arg29: memref<!tpu.dma_semaphore, #tpu.memory_space<semaphore_mem>>, %arg30: memref<!tpu.dma_semaphore, #tpu.memory_space<semaphore_mem>>, %arg31: memref<!tpu.dma_semaphore, #tpu.memory_space<semaphore_mem>>, %arg32: memref<!tpu.dma_semaphore, #tpu.memory_space<semaphore_mem>>, %arg33: memref<!tpu.dma_semaphore, #tpu.memory_space<semaphore_mem>>) attributes {dimension_semantics = [#tpu.dimension_semantics<core_parallel>, #tpu.dimension_semantics<subcore_parallel>], iteration_bounds = array<i64: 2, 16>, scalar_prefetch = 0 : i64, scratch_operands = 25 : i64, tpu.core_type = #tpu.core_type<sc_vector_subcore>, window_params = [{transform_indices = #map}, {transform_indices = #map}, {transform_indices = #map}, {transform_indices = #map1}, {transform_indices = #map1}, {transform_indices = #map2}, {transform_indices = #map2}]} {
    %mul3A = arith.constant 2 : i32
    %mul3A_0 = arith.muli %arg1, %mul3A : i32
    %add3A = arith.addi %mul3A_0, %arg0 : i32
    %mul3A_1 = arith.constant 10240 : i32
    %mul3A_2 = arith.muli %add3A, %mul3A_1 : i32
    %mul3A_3 = arith.constant 624 : i32
    %mul3A_4 = arith.muli %arg1, %mul3A_3 : i32
    %eq3A = arith.constant 31 : i32
    %eq3A_5 = arith.cmpi eq, %add3A, %eq3A : i32
    %jit3A = arith.constant 20 : i32
    %jit3A_6 = arith.constant 80 : i32
    %select_n3A = arith.select %eq3A_5, %jit3A, %jit3A_6 : i32
    %eq3A_7 = arith.constant 15 : i32
    %eq3A_8 = arith.cmpi eq, %arg1, %eq3A_7 : i32
    %convert_element_type3A = arith.extui %eq3A_8 : i1 to i32
    %cond3A = arith.constant 0 : i32
    %cond3A_9 = arith.cmpi ne, %convert_element_type3A, %cond3A : i32
    scf.if %cond3A_9 {
      %dma_start3A_97 = arith.constant 0 : i32
      %dma_start3A_98 = tpu.memref_slice %arg17[%mul3A_4, %dma_start3A_97] : memref<10016x128xf32, #tpu.memory_space<vmem_shared>> -> memref<656x128xf32, #tpu.memory_space<vmem_shared>>
      tpu.enqueue_dma source(%arg4 : memref<656x128xf32, #tpu.memory_space<hbm>>) target(%dma_start3A_98 : memref<656x128xf32, #tpu.memory_space<vmem_shared>>) target_semaphore(%arg33 : memref<!tpu.dma_semaphore, #tpu.memory_space<semaphore_mem>>)
    } else {
    }
    %not3A = arith.constant true
    %not3A_10 = arith.xori %eq3A_8, %not3A : i1
    %convert_element_type3A_11 = arith.extui %not3A_10 : i1 to i32
    %cond3A_12 = arith.constant 0 : i32
    %cond3A_13 = arith.cmpi ne, %convert_element_type3A_11, %cond3A_12 : i32
    scf.if %cond3A_13 {
      %dma_start3A_97 = arith.constant 0 : i32
      %dma_start3A_98 = tpu.memref_slice %arg17[%mul3A_4, %dma_start3A_97] : memref<10016x128xf32, #tpu.memory_space<vmem_shared>> -> memref<624x128xf32, #tpu.memory_space<vmem_shared>>
      %dma_start3A_99 = arith.constant 0 : i32
      %dma_start3A_100 = arith.constant 0 : i32
      %dma_start3A_101 = tpu.memref_slice %arg4[%dma_start3A_99, %dma_start3A_100] : memref<656x128xf32, #tpu.memory_space<hbm>> -> memref<624x128xf32, #tpu.memory_space<hbm>>
      tpu.enqueue_dma source(%dma_start3A_101 : memref<624x128xf32, #tpu.memory_space<hbm>>) target(%dma_start3A_98 : memref<624x128xf32, #tpu.memory_space<vmem_shared>>) target_semaphore(%arg33 : memref<!tpu.dma_semaphore, #tpu.memory_space<semaphore_mem>>)
    } else {
    }
    "tpu.region"() ({
      %run_scoped3A = tpu.sem_alloc : memref<!tpu.dma_semaphore, #tpu.memory_space<semaphore_mem>>
      tpu.enqueue_dma source(%arg6 : memref<128xf32, #tpu.memory_space<hbm>>) target(%arg16 : memref<128xf32, #tpu.memory_space<vmem>>) target_semaphore(%run_scoped3A : memref<!tpu.dma_semaphore, #tpu.memory_space<semaphore_mem>>)
      tpu.wait_dma2 semaphore(%run_scoped3A : memref<!tpu.dma_semaphore, #tpu.memory_space<semaphore_mem>>) src(%arg6 : memref<128xf32, #tpu.memory_space<hbm>>) dst(%arg16 : memref<128xf32, #tpu.memory_space<vmem>>)
      tpu.yield
    }) : () -> ()
    %eq3A_14 = arith.constant 0 : i32
    %eq3A_15 = arith.cmpi eq, %arg1, %eq3A_14 : i32
    %convert_element_type3A_16 = arith.extui %eq3A_15 : i1 to i32
    %cond3A_17 = arith.constant 0 : i32
    %cond3A_18 = arith.cmpi ne, %convert_element_type3A_16, %cond3A_17 : i32
    scf.if %cond3A_18 {
      "tpu.region"() ({
        %run_scoped3A = tpu.sem_alloc : memref<!tpu.dma_semaphore, #tpu.memory_space<semaphore_mem>>
        tpu.enqueue_dma source(%arg5 : memref<10112xf32, #tpu.memory_space<hbm>>) target(%arg18 : memref<10112xf32, #tpu.memory_space<vmem_shared>>) target_semaphore(%run_scoped3A : memref<!tpu.dma_semaphore, #tpu.memory_space<semaphore_mem>>)
        tpu.wait_dma2 semaphore(%run_scoped3A : memref<!tpu.dma_semaphore, #tpu.memory_space<semaphore_mem>>) src(%arg5 : memref<10112xf32, #tpu.memory_space<hbm>>) dst(%arg18 : memref<10112xf32, #tpu.memory_space<vmem_shared>>)
        tpu.yield
      }) : () -> ()
    } else {
    }
    %add3A_19 = arith.constant 0 : i32
    %add3A_20 = arith.addi %mul3A_2, %add3A_19 : i32
    %dma_start3A = arith.constant 0 : i32
    %dma_start3A_21 = arith.constant 0 : i32
    %dma_start3A_22 = arith.constant 0 : i32
    %dma_start3A_23 = tpu.memref_slice %arg9[%dma_start3A_21, %dma_start3A, %dma_start3A_22] : memref<2x1x128xi32, #tpu.memory_space<vmem>> -> memref<2x1x128xi32, #tpu.memory_space<vmem>>
    %dma_start3A_24 = tpu.memref_squeeze %dma_start3A_23 : memref<2x1x128xi32, #tpu.memory_space<vmem>> -> memref<2x128xi32, #tpu.memory_space<vmem>>
    %dma_start3A_25 = arith.constant 0 : i32
    %dma_start3A_26 = tpu.memref_slice %arg3[%dma_start3A_25, %add3A_20] : memref<2x320000xi32, #tpu.memory_space<hbm>> -> memref<2x128xi32, #tpu.memory_space<hbm>>
    %dma_start3A_27 = arith.constant 0 : i32
    %dma_start3A_28 = arith.constant 0 : i32
    %dma_start3A_29 = tpu.memref_slice %arg9[%dma_start3A_27, %dma_start3A, %dma_start3A_28] : memref<2x1x128xi32, #tpu.memory_space<vmem>> -> memref<2x1x128xi32, #tpu.memory_space<vmem>>
    %dma_start3A_30 = tpu.memref_squeeze %dma_start3A_29 : memref<2x1x128xi32, #tpu.memory_space<vmem>> -> memref<2x128xi32, #tpu.memory_space<vmem>>
    %dma_start3A_31 = arith.constant 0 : i32
    %dma_start3A_32 = tpu.memref_slice %arg3[%dma_start3A_31, %add3A_20] : memref<2x320000xi32, #tpu.memory_space<hbm>> -> memref<2x128xi32, #tpu.memory_space<hbm>>
    tpu.enqueue_dma source(%dma_start3A_32 : memref<2x128xi32, #tpu.memory_space<hbm>>) target(%dma_start3A_30 : memref<2x128xi32, #tpu.memory_space<vmem>>) target_semaphore(%arg19 : memref<!tpu.dma_semaphore, #tpu.memory_space<semaphore_mem>>)
    %add3A_33 = arith.constant 128 : i32
    %add3A_34 = arith.addi %mul3A_2, %add3A_33 : i32
    %dma_start3A_35 = arith.constant 0 : i32
    %dma_start3A_36 = arith.constant 0 : i32
    %dma_start3A_37 = arith.constant 0 : i32
    %dma_start3A_38 = tpu.memref_slice %arg10[%dma_start3A_36, %dma_start3A_35, %dma_start3A_37] : memref<2x1x128xi32, #tpu.memory_space<vmem>> -> memref<2x1x128xi32, #tpu.memory_space<vmem>>
    %dma_start3A_39 = tpu.memref_squeeze %dma_start3A_38 : memref<2x1x128xi32, #tpu.memory_space<vmem>> -> memref<2x128xi32, #tpu.memory_space<vmem>>
    %dma_start3A_40 = arith.constant 0 : i32
    %dma_start3A_41 = tpu.memref_slice %arg3[%dma_start3A_40, %add3A_34] : memref<2x320000xi32, #tpu.memory_space<hbm>> -> memref<2x128xi32, #tpu.memory_space<hbm>>
    %dma_start3A_42 = arith.constant 0 : i32
    %dma_start3A_43 = arith.constant 0 : i32
    %dma_start3A_44 = tpu.memref_slice %arg10[%dma_start3A_42, %dma_start3A_35, %dma_start3A_43] : memref<2x1x128xi32, #tpu.memory_space<vmem>> -> memref<2x1x128xi32, #tpu.memory_space<vmem>>
    %dma_start3A_45 = tpu.memref_squeeze %dma_start3A_44 : memref<2x1x128xi32, #tpu.memory_space<vmem>> -> memref<2x128xi32, #tpu.memory_space<vmem>>
    %dma_start3A_46 = arith.constant 0 : i32
    %dma_start3A_47 = tpu.memref_slice %arg3[%dma_start3A_46, %add3A_34] : memref<2x320000xi32, #tpu.memory_space<hbm>> -> memref<2x128xi32, #tpu.memory_space<hbm>>
    tpu.enqueue_dma source(%dma_start3A_47 : memref<2x128xi32, #tpu.memory_space<hbm>>) target(%dma_start3A_45 : memref<2x128xi32, #tpu.memory_space<vmem>>) target_semaphore(%arg20 : memref<!tpu.dma_semaphore, #tpu.memory_space<semaphore_mem>>)
    %add3A_48 = arith.constant 0 : i32
    %add3A_49 = arith.addi %mul3A_2, %add3A_48 : i32
    %dma_wait3A = arith.constant 0 : i32
    %dma_wait3A_50 = arith.constant 0 : i32
    %dma_wait3A_51 = arith.constant 0 : i32
    %dma_wait3A_52 = tpu.memref_slice %arg9[%dma_wait3A_50, %dma_wait3A, %dma_wait3A_51] : memref<2x1x128xi32, #tpu.memory_space<vmem>> -> memref<2x1x128xi32, #tpu.memory_space<vmem>>
    %dma_wait3A_53 = tpu.memref_squeeze %dma_wait3A_52 : memref<2x1x128xi32, #tpu.memory_space<vmem>> -> memref<2x128xi32, #tpu.memory_space<vmem>>
    %dma_wait3A_54 = arith.constant 0 : i32
    %dma_wait3A_55 = tpu.memref_slice %arg3[%dma_wait3A_54, %add3A_49] : memref<2x320000xi32, #tpu.memory_space<hbm>> -> memref<2x128xi32, #tpu.memory_space<hbm>>
    %dma_wait3A_56 = arith.constant 0 : i32
    %dma_wait3A_57 = arith.constant 0 : i32
    %dma_wait3A_58 = tpu.memref_slice %arg9[%dma_wait3A_56, %dma_wait3A, %dma_wait3A_57] : memref<2x1x128xi32, #tpu.memory_space<vmem>> -> memref<2x1x128xi32, #tpu.memory_space<vmem>>
    %dma_wait3A_59 = tpu.memref_squeeze %dma_wait3A_58 : memref<2x1x128xi32, #tpu.memory_space<vmem>> -> memref<2x128xi32, #tpu.memory_space<vmem>>
    %dma_wait3A_60 = arith.constant 0 : i32
    %dma_wait3A_61 = tpu.memref_slice %arg3[%dma_wait3A_60, %add3A_49] : memref<2x320000xi32, #tpu.memory_space<hbm>> -> memref<2x128xi32, #tpu.memory_space<hbm>>
    tpu.wait_dma2 semaphore(%arg19 : memref<!tpu.dma_semaphore, #tpu.memory_space<semaphore_mem>>) src(%dma_wait3A_61 : memref<2x128xi32, #tpu.memory_space<hbm>>) dst(%dma_wait3A_59 : memref<2x128xi32, #tpu.memory_space<vmem>>)
    %dma_start3A_62 = arith.constant 0 : i32
    %dma_start3A_63 = arith.constant 0 : i32
    %dma_start3A_64 = arith.constant 0 : i32
    %dma_start3A_65 = tpu.memref_slice %arg9[%dma_start3A_62, %dma_start3A_63, %dma_start3A_64] : memref<2x1x128xi32, #tpu.memory_space<vmem>> -> memref<1x1x128xi32, #tpu.memory_space<vmem>>
    %dma_start3A_66 = tpu.memref_squeeze %dma_start3A_65 : memref<1x1x128xi32, #tpu.memory_space<vmem>> -> memref<128xi32, #tpu.memory_space<vmem>>
    %dma_start3A_67 = arith.constant 0 : i32
    %dma_start3A_68 = arith.constant 0 : i32
    %dma_start3A_69 = tpu.memref_slice %arg2[%dma_start3A_67, %dma_start3A_68] : memref<10000x128xf32, #tpu.memory_space<hbm>> -> memref<10000x128xf32, #tpu.memory_space<hbm>>
    tpu.enqueue_indirect_dma source(%dma_start3A_69 : memref<10000x128xf32, #tpu.memory_space<hbm>>) target(%arg13 : memref<128x128xf32, #tpu.memory_space<vmem>>) offsets(%dma_start3A_66 : memref<128xi32, #tpu.memory_space<vmem>>) semaphore(%arg23 : memref<!tpu.dma_semaphore, #tpu.memory_space<semaphore_mem>>)
    %convert_element_type3A_70 = arith.extui %eq3A_8 : i1 to i32
    %cond3A_71 = arith.constant 0 : i32
    %cond3A_72 = arith.cmpi ne, %convert_element_type3A_70, %cond3A_71 : i32
    scf.if %cond3A_72 {
      %dma_wait3A_97 = arith.constant 0 : i32
      %dma_wait3A_98 = tpu.memref_slice %arg17[%mul3A_4, %dma_wait3A_97] : memref<10016x128xf32, #tpu.memory_space<vmem_shared>> -> memref<656x128xf32, #tpu.memory_space<vmem_shared>>
      tpu.wait_dma2 semaphore(%arg33 : memref<!tpu.dma_semaphore, #tpu.memory_space<semaphore_mem>>) src(%arg4 : memref<656x128xf32, #tpu.memory_space<hbm>>) dst(%dma_wait3A_98 : memref<656x128xf32, #tpu.memory_space<vmem_shared>>)
    } else {
    }
    %not3A_73 = arith.constant true
    %not3A_74 = arith.xori %eq3A_8, %not3A_73 : i1
    %convert_element_type3A_75 = arith.extui %not3A_74 : i1 to i32
    %cond3A_76 = arith.constant 0 : i32
    %cond3A_77 = arith.cmpi ne, %convert_element_type3A_75, %cond3A_76 : i32
    scf.if %cond3A_77 {
      %dma_wait3A_97 = arith.constant 0 : i32
      %dma_wait3A_98 = tpu.memref_slice %arg17[%mul3A_4, %dma_wait3A_97] : memref<10016x128xf32, #tpu.memory_space<vmem_shared>> -> memref<624x128xf32, #tpu.memory_space<vmem_shared>>
      %dma_wait3A_99 = arith.constant 0 : i32
      %dma_wait3A_100 = arith.constant 0 : i32
      %dma_wait3A_101 = tpu.memref_slice %arg4[%dma_wait3A_99, %dma_wait3A_100] : memref<656x128xf32, #tpu.memory_space<hbm>> -> memref<624x128xf32, #tpu.memory_space<hbm>>
      tpu.wait_dma2 semaphore(%arg33 : memref<!tpu.dma_semaphore, #tpu.memory_space<semaphore_mem>>) src(%dma_wait3A_101 : memref<624x128xf32, #tpu.memory_space<hbm>>) dst(%dma_wait3A_98 : memref<624x128xf32, #tpu.memory_space<vmem_shared>>)
    } else {
    }
    %barrier3A = arith.constant 0 : index
    tpu.barrier barrier_id(%barrier3A)
    %scan3A = arith.constant 0 : i32
    %scan3A_78 = arith.constant 0 : i32
    %scan3A_79 = arith.constant 7 : i32
    %scan3A_80 = arith.addi %scan3A_78, %scan3A_79 : i32
    %scan3A_81 = arith.constant 1 : i32
    scf.for %scan3A_97 = %scan3A_78 to %scan3A_80 step %scan3A_81  : i32 {
      %mul3A_98 = arith.constant 12 : i32
      %mul3A_99 = arith.muli %scan3A_97, %mul3A_98 : i32
      %add3A_100 = arith.constant 0 : i32
      %add3A_101 = arith.addi %mul3A_99, %add3A_100 : i32
      %ge3A = arith.constant 2 : i32
      %ge3A_102 = arith.cmpi sge, %add3A_101, %ge3A : i32
      %sub3A = arith.constant 2 : i32
      %sub3A_103 = arith.subi %add3A_101, %sub3A : i32
      %lt3A = arith.cmpi slt, %sub3A_103, %select_n3A : i32
      %and3A = arith.andi %ge3A_102, %lt3A : i1
      %convert_element_type3A_104 = arith.extui %and3A : i1 to i32
      %cond3A_105 = arith.constant 0 : i32
      %cond3A_106 = arith.cmpi ne, %convert_element_type3A_104, %cond3A_105 : i32
      scf.if %cond3A_106 {
        %dma_wait3A_420 = arith.constant 1 : i32
        %dma_wait3A_421 = arith.constant 0 : i32
        %dma_wait3A_422 = arith.constant 0 : i32
        %dma_wait3A_423 = tpu.memref_slice %arg11[%dma_wait3A_420, %dma_wait3A_421, %dma_wait3A_422] : memref<2x1x128xi32, #tpu.memory_space<vmem>> -> memref<1x1x128xi32, #tpu.memory_space<vmem>>
        %dma_wait3A_424 = tpu.memref_squeeze %dma_wait3A_423 : memref<1x1x128xi32, #tpu.memory_space<vmem>> -> memref<128xi32, #tpu.memory_space<vmem>>
        %dma_wait3A_425 = arith.constant 0 : i32
        %dma_wait3A_426 = arith.constant 0 : i32
        %dma_wait3A_427 = tpu.memref_slice %arg17[%dma_wait3A_425, %dma_wait3A_426] : memref<10016x128xf32, #tpu.memory_space<vmem_shared>> -> memref<10016x128xf32, #tpu.memory_space<vmem_shared>>
        tpu.wait_indirect_dma semaphore(%arg27 : memref<!tpu.dma_semaphore, #tpu.memory_space<semaphore_mem>>) src(%arg14 : memref<128x128xf32, #tpu.memory_space<vmem>>) dst(%dma_wait3A_427 : memref<10016x128xf32, #tpu.memory_space<vmem_shared>>)
        %dma_wait3A_428 = arith.constant 1 : i32
        %dma_wait3A_429 = arith.constant 0 : i32
        %dma_wait3A_430 = arith.constant 0 : i32
        %dma_wait3A_431 = tpu.memref_slice %arg11[%dma_wait3A_428, %dma_wait3A_429, %dma_wait3A_430] : memref<2x1x128xi32, #tpu.memory_space<vmem>> -> memref<1x1x128xi32, #tpu.memory_space<vmem>>
        %dma_wait3A_432 = tpu.memref_squeeze %dma_wait3A_431 : memref<1x1x128xi32, #tpu.memory_space<vmem>> -> memref<128xi32, #tpu.memory_space<vmem>>
        %dma_wait3A_433 = arith.constant 0 : i32
        %dma_wait3A_434 = tpu.memref_slice %arg18[%dma_wait3A_433] : memref<10112xf32, #tpu.memory_space<vmem_shared>> -> memref<10112xf32, #tpu.memory_space<vmem_shared>>
        tpu.wait_indirect_dma semaphore(%arg31 : memref<!tpu.dma_semaphore, #tpu.memory_space<semaphore_mem>>) src(%arg16 : memref<128xf32, #tpu.memory_space<vmem>>) dst(%dma_wait3A_434 : memref<10112xf32, #tpu.memory_space<vmem_shared>>)
      } else {
      }
      %add3A_107 = arith.constant 2 : i32
      %add3A_108 = arith.addi %add3A_101, %add3A_107 : i32
      %lt3A_109 = arith.cmpi slt, %add3A_108, %select_n3A : i32
      %convert_element_type3A_110 = arith.extui %lt3A_109 : i1 to i32
      %cond3A_111 = arith.constant 0 : i32
      %cond3A_112 = arith.cmpi ne, %convert_element_type3A_110, %cond3A_111 : i32
      scf.if %cond3A_112 {
        %add3A_420 = arith.constant 2 : i32
        %add3A_421 = arith.addi %add3A_101, %add3A_420 : i32
        %mul3A_422 = arith.constant 128 : i32
        %mul3A_423 = arith.muli %add3A_421, %mul3A_422 : i32
        %add3A_424 = arith.addi %mul3A_2, %mul3A_423 : i32
        %dma_start3A_425 = arith.constant 0 : i32
        %dma_start3A_426 = arith.constant 0 : i32
        %dma_start3A_427 = arith.constant 0 : i32
        %dma_start3A_428 = tpu.memref_slice %arg11[%dma_start3A_426, %dma_start3A_425, %dma_start3A_427] : memref<2x1x128xi32, #tpu.memory_space<vmem>> -> memref<2x1x128xi32, #tpu.memory_space<vmem>>
        %dma_start3A_429 = tpu.memref_squeeze %dma_start3A_428 : memref<2x1x128xi32, #tpu.memory_space<vmem>> -> memref<2x128xi32, #tpu.memory_space<vmem>>
        %dma_start3A_430 = arith.constant 0 : i32
        %dma_start3A_431 = tpu.memref_slice %arg3[%dma_start3A_430, %add3A_424] : memref<2x320000xi32, #tpu.memory_space<hbm>> -> memref<2x128xi32, #tpu.memory_space<hbm>>
        %dma_start3A_432 = arith.constant 0 : i32
        %dma_start3A_433 = arith.constant 0 : i32
        %dma_start3A_434 = tpu.memref_slice %arg11[%dma_start3A_432, %dma_start3A_425, %dma_start3A_433] : memref<2x1x128xi32, #tpu.memory_space<vmem>> -> memref<2x1x128xi32, #tpu.memory_space<vmem>>
        %dma_start3A_435 = tpu.memref_squeeze %dma_start3A_434 : memref<2x1x128xi32, #tpu.memory_space<vmem>> -> memref<2x128xi32, #tpu.memory_space<vmem>>
        %dma_start3A_436 = arith.constant 0 : i32
        %dma_start3A_437 = tpu.memref_slice %arg3[%dma_start3A_436, %add3A_424] : memref<2x320000xi32, #tpu.memory_space<hbm>> -> memref<2x128xi32, #tpu.memory_space<hbm>>
        tpu.enqueue_dma source(%dma_start3A_437 : memref<2x128xi32, #tpu.memory_space<hbm>>) target(%dma_start3A_435 : memref<2x128xi32, #tpu.memory_space<vmem>>) target_semaphore(%arg21 : memref<!tpu.dma_semaphore, #tpu.memory_space<semaphore_mem>>)
      } else {
      }
      %add3A_113 = arith.constant 1 : i32
      %add3A_114 = arith.addi %add3A_101, %add3A_113 : i32
      %lt3A_115 = arith.cmpi slt, %add3A_114, %select_n3A : i32
      %convert_element_type3A_116 = arith.extui %lt3A_115 : i1 to i32
      %cond3A_117 = arith.constant 0 : i32
      %cond3A_118 = arith.cmpi ne, %convert_element_type3A_116, %cond3A_117 : i32
      scf.if %cond3A_118 {
        %add3A_420 = arith.constant 1 : i32
        %add3A_421 = arith.addi %add3A_101, %add3A_420 : i32
        %mul3A_422 = arith.constant 128 : i32
        %mul3A_423 = arith.muli %add3A_421, %mul3A_422 : i32
        %add3A_424 = arith.addi %mul3A_2, %mul3A_423 : i32
        %dma_wait3A_425 = arith.constant 0 : i32
        %dma_wait3A_426 = arith.constant 0 : i32
        %dma_wait3A_427 = arith.constant 0 : i32
        %dma_wait3A_428 = tpu.memref_slice %arg10[%dma_wait3A_426, %dma_wait3A_425, %dma_wait3A_427] : memref<2x1x128xi32, #tpu.memory_space<vmem>> -> memref<2x1x128xi32, #tpu.memory_space<vmem>>
        %dma_wait3A_429 = tpu.memref_squeeze %dma_wait3A_428 : memref<2x1x128xi32, #tpu.memory_space<vmem>> -> memref<2x128xi32, #tpu.memory_space<vmem>>
        %dma_wait3A_430 = arith.constant 0 : i32
        %dma_wait3A_431 = tpu.memref_slice %arg3[%dma_wait3A_430, %add3A_424] : memref<2x320000xi32, #tpu.memory_space<hbm>> -> memref<2x128xi32, #tpu.memory_space<hbm>>
        %dma_wait3A_432 = arith.constant 0 : i32
        %dma_wait3A_433 = arith.constant 0 : i32
        %dma_wait3A_434 = tpu.memref_slice %arg10[%dma_wait3A_432, %dma_wait3A_425, %dma_wait3A_433] : memref<2x1x128xi32, #tpu.memory_space<vmem>> -> memref<2x1x128xi32, #tpu.memory_space<vmem>>
        %dma_wait3A_435 = tpu.memref_squeeze %dma_wait3A_434 : memref<2x1x128xi32, #tpu.memory_space<vmem>> -> memref<2x128xi32, #tpu.memory_space<vmem>>
        %dma_wait3A_436 = arith.constant 0 : i32
        %dma_wait3A_437 = tpu.memref_slice %arg3[%dma_wait3A_436, %add3A_424] : memref<2x320000xi32, #tpu.memory_space<hbm>> -> memref<2x128xi32, #tpu.memory_space<hbm>>
        tpu.wait_dma2 semaphore(%arg20 : memref<!tpu.dma_semaphore, #tpu.memory_space<semaphore_mem>>) src(%dma_wait3A_437 : memref<2x128xi32, #tpu.memory_space<hbm>>) dst(%dma_wait3A_435 : memref<2x128xi32, #tpu.memory_space<vmem>>)
        %dma_start3A_438 = arith.constant 0 : i32
        %dma_start3A_439 = arith.constant 0 : i32
        %dma_start3A_440 = arith.constant 0 : i32
        %dma_start3A_441 = tpu.memref_slice %arg10[%dma_start3A_438, %dma_start3A_439, %dma_start3A_440] : memref<2x1x128xi32, #tpu.memory_space<vmem>> -> memref<1x1x128xi32, #tpu.memory_space<vmem>>
        %dma_start3A_442 = tpu.memref_squeeze %dma_start3A_441 : memref<1x1x128xi32, #tpu.memory_space<vmem>> -> memref<128xi32, #tpu.memory_space<vmem>>
        %dma_start3A_443 = arith.constant 0 : i32
        %dma_start3A_444 = arith.constant 0 : i32
        %dma_start3A_445 = tpu.memref_slice %arg2[%dma_start3A_443, %dma_start3A_444] : memref<10000x128xf32, #tpu.memory_space<hbm>> -> memref<10000x128xf32, #tpu.memory_space<hbm>>
        tpu.enqueue_indirect_dma source(%dma_start3A_445 : memref<10000x128xf32, #tpu.memory_space<hbm>>) target(%arg14 : memref<128x128xf32, #tpu.memory_space<vmem>>) offsets(%dma_start3A_442 : memref<128xi32, #tpu.memory_space<vmem>>) semaphore(%arg24 : memref<!tpu.dma_semaphore, #tpu.memory_space<semaphore_mem>>)
      } else {
      }
      %lt3A_119 = arith.cmpi slt, %add3A_101, %select_n3A : i32
      %convert_element_type3A_120 = arith.extui %lt3A_119 : i1 to i32
      %cond3A_121 = arith.constant 0 : i32
      %cond3A_122 = arith.cmpi ne, %convert_element_type3A_120, %cond3A_121 : i32
      scf.if %cond3A_122 {
        %dma_wait3A_420 = arith.constant 0 : i32
        %dma_wait3A_421 = arith.constant 0 : i32
        %dma_wait3A_422 = arith.constant 0 : i32
        %dma_wait3A_423 = tpu.memref_slice %arg9[%dma_wait3A_420, %dma_wait3A_421, %dma_wait3A_422] : memref<2x1x128xi32, #tpu.memory_space<vmem>> -> memref<1x1x128xi32, #tpu.memory_space<vmem>>
        %dma_wait3A_424 = tpu.memref_squeeze %dma_wait3A_423 : memref<1x1x128xi32, #tpu.memory_space<vmem>> -> memref<128xi32, #tpu.memory_space<vmem>>
        %dma_wait3A_425 = arith.constant 0 : i32
        %dma_wait3A_426 = arith.constant 0 : i32
        %dma_wait3A_427 = tpu.memref_slice %arg2[%dma_wait3A_425, %dma_wait3A_426] : memref<10000x128xf32, #tpu.memory_space<hbm>> -> memref<10000x128xf32, #tpu.memory_space<hbm>>
        tpu.wait_indirect_dma semaphore(%arg23 : memref<!tpu.dma_semaphore, #tpu.memory_space<semaphore_mem>>) src(%dma_wait3A_427 : memref<10000x128xf32, #tpu.memory_space<hbm>>) dst(%arg13 : memref<128x128xf32, #tpu.memory_space<vmem>>)
        %dma_start3A_428 = arith.constant 1 : i32
        %dma_start3A_429 = arith.constant 0 : i32
        %dma_start3A_430 = arith.constant 0 : i32
        %dma_start3A_431 = tpu.memref_slice %arg9[%dma_start3A_428, %dma_start3A_429, %dma_start3A_430] : memref<2x1x128xi32, #tpu.memory_space<vmem>> -> memref<1x1x128xi32, #tpu.memory_space<vmem>>
        %dma_start3A_432 = tpu.memref_squeeze %dma_start3A_431 : memref<1x1x128xi32, #tpu.memory_space<vmem>> -> memref<128xi32, #tpu.memory_space<vmem>>
        %dma_start3A_433 = arith.constant 0 : i32
        %dma_start3A_434 = arith.constant 0 : i32
        %dma_start3A_435 = tpu.memref_slice %arg17[%dma_start3A_433, %dma_start3A_434] : memref<10016x128xf32, #tpu.memory_space<vmem_shared>> -> memref<10016x128xf32, #tpu.memory_space<vmem_shared>>
        tpu.enqueue_indirect_dma source(%arg13 : memref<128x128xf32, #tpu.memory_space<vmem>>) target(%dma_start3A_435 : memref<10016x128xf32, #tpu.memory_space<vmem_shared>>) offsets(%dma_start3A_432 : memref<128xi32, #tpu.memory_space<vmem>>) semaphore(%arg26 : memref<!tpu.dma_semaphore, #tpu.memory_space<semaphore_mem>>) {add = true}
        %dma_start3A_436 = arith.constant 1 : i32
        %dma_start3A_437 = arith.constant 0 : i32
        %dma_start3A_438 = arith.constant 0 : i32
        %dma_start3A_439 = tpu.memref_slice %arg9[%dma_start3A_436, %dma_start3A_437, %dma_start3A_438] : memref<2x1x128xi32, #tpu.memory_space<vmem>> -> memref<1x1x128xi32, #tpu.memory_space<vmem>>
        %dma_start3A_440 = tpu.memref_squeeze %dma_start3A_439 : memref<1x1x128xi32, #tpu.memory_space<vmem>> -> memref<128xi32, #tpu.memory_space<vmem>>
        %dma_start3A_441 = arith.constant 0 : i32
        %dma_start3A_442 = tpu.memref_slice %arg18[%dma_start3A_441] : memref<10112xf32, #tpu.memory_space<vmem_shared>> -> memref<10112xf32, #tpu.memory_space<vmem_shared>>
        tpu.enqueue_indirect_dma source(%arg16 : memref<128xf32, #tpu.memory_space<vmem>>) target(%dma_start3A_442 : memref<10112xf32, #tpu.memory_space<vmem_shared>>) offsets(%dma_start3A_440 : memref<128xi32, #tpu.memory_space<vmem>>) semaphore(%arg29 : memref<!tpu.dma_semaphore, #tpu.memory_space<semaphore_mem>>) {add = true}
      } else {
      }
      %add3A_123 = arith.constant 1 : i32
      %add3A_124 = arith.addi %mul3A_99, %add3A_123 : i32
      %ge3A_125 = arith.constant 2 : i32
      %ge3A_126 = arith.cmpi sge, %add3A_124, %ge3A_125 : i32
      %sub3A_127 = arith.constant 2 : i32
      %sub3A_128 = arith.subi %add3A_124, %sub3A_127 : i32
      %lt3A_129 = arith.cmpi slt, %sub3A_128, %select_n3A : i32
      %and3A_130 = arith.andi %ge3A_126, %lt3A_129 : i1
      %convert_element_type3A_131 = arith.extui %and3A_130 : i1 to i32
      %cond3A_132 = arith.constant 0 : i32
      %cond3A_133 = arith.cmpi ne, %convert_element_type3A_131, %cond3A_132 : i32
      scf.if %cond3A_133 {
        %dma_wait3A_420 = arith.constant 1 : i32
        %dma_wait3A_421 = arith.constant 0 : i32
        %dma_wait3A_422 = arith.constant 0 : i32
        %dma_wait3A_423 = tpu.memref_slice %arg12[%dma_wait3A_420, %dma_wait3A_421, %dma_wait3A_422] : memref<2x1x128xi32, #tpu.memory_space<vmem>> -> memref<1x1x128xi32, #tpu.memory_space<vmem>>
        %dma_wait3A_424 = tpu.memref_squeeze %dma_wait3A_423 : memref<1x1x128xi32, #tpu.memory_space<vmem>> -> memref<128xi32, #tpu.memory_space<vmem>>
        %dma_wait3A_425 = arith.constant 0 : i32
        %dma_wait3A_426 = arith.constant 0 : i32
        %dma_wait3A_427 = tpu.memref_slice %arg17[%dma_wait3A_425, %dma_wait3A_426] : memref<10016x128xf32, #tpu.memory_space<vmem_shared>> -> memref<10016x128xf32, #tpu.memory_space<vmem_shared>>
        tpu.wait_indirect_dma semaphore(%arg28 : memref<!tpu.dma_semaphore, #tpu.memory_space<semaphore_mem>>) src(%arg15 : memref<128x128xf32, #tpu.memory_space<vmem>>) dst(%dma_wait3A_427 : memref<10016x128xf32, #tpu.memory_space<vmem_shared>>)
        %dma_wait3A_428 = arith.constant 1 : i32
        %dma_wait3A_429 = arith.constant 0 : i32
        %dma_wait3A_430 = arith.constant 0 : i32
        %dma_wait3A_431 = tpu.memref_slice %arg12[%dma_wait3A_428, %dma_wait3A_429, %dma_wait3A_430] : memref<2x1x128xi32, #tpu.memory_space<vmem>> -> memref<1x1x128xi32, #tpu.memory_space<vmem>>
        %dma_wait3A_432 = tpu.memref_squeeze %dma_wait3A_431 : memref<1x1x128xi32, #tpu.memory_space<vmem>> -> memref<128xi32, #tpu.memory_space<vmem>>
        %dma_wait3A_433 = arith.constant 0 : i32
        %dma_wait3A_434 = tpu.memref_slice %arg18[%dma_wait3A_433] : memref<10112xf32, #tpu.memory_space<vmem_shared>> -> memref<10112xf32, #tpu.memory_space<vmem_shared>>
        tpu.wait_indirect_dma semaphore(%arg32 : memref<!tpu.dma_semaphore, #tpu.memory_space<semaphore_mem>>) src(%arg16 : memref<128xf32, #tpu.memory_space<vmem>>) dst(%dma_wait3A_434 : memref<10112xf32, #tpu.memory_space<vmem_shared>>)
      } else {
      }
      %add3A_134 = arith.constant 2 : i32
      %add3A_135 = arith.addi %add3A_124, %add3A_134 : i32
      %lt3A_136 = arith.cmpi slt, %add3A_135, %select_n3A : i32
      %convert_element_type3A_137 = arith.extui %lt3A_136 : i1 to i32
      %cond3A_138 = arith.constant 0 : i32
      %cond3A_139 = arith.cmpi ne, %convert_element_type3A_137, %cond3A_138 : i32
      scf.if %cond3A_139 {
        %add3A_420 = arith.constant 2 : i32
        %add3A_421 = arith.addi %add3A_124, %add3A_420 : i32
        %mul3A_422 = arith.constant 128 : i32
        %mul3A_423 = arith.muli %add3A_421, %mul3A_422 : i32
        %add3A_424 = arith.addi %mul3A_2, %mul3A_423 : i32
        %dma_start3A_425 = arith.constant 0 : i32
        %dma_start3A_426 = arith.constant 0 : i32
        %dma_start3A_427 = arith.constant 0 : i32
        %dma_start3A_428 = tpu.memref_slice %arg12[%dma_start3A_426, %dma_start3A_425, %dma_start3A_427] : memref<2x1x128xi32, #tpu.memory_space<vmem>> -> memref<2x1x128xi32, #tpu.memory_space<vmem>>
        %dma_start3A_429 = tpu.memref_squeeze %dma_start3A_428 : memref<2x1x128xi32, #tpu.memory_space<vmem>> -> memref<2x128xi32, #tpu.memory_space<vmem>>
        %dma_start3A_430 = arith.constant 0 : i32
        %dma_start3A_431 = tpu.memref_slice %arg3[%dma_start3A_430, %add3A_424] : memref<2x320000xi32, #tpu.memory_space<hbm>> -> memref<2x128xi32, #tpu.memory_space<hbm>>
        %dma_start3A_432 = arith.constant 0 : i32
        %dma_start3A_433 = arith.constant 0 : i32
        %dma_start3A_434 = tpu.memref_slice %arg12[%dma_start3A_432, %dma_start3A_425, %dma_start3A_433] : memref<2x1x128xi32, #tpu.memory_space<vmem>> -> memref<2x1x128xi32, #tpu.memory_space<vmem>>
        %dma_start3A_435 = tpu.memref_squeeze %dma_start3A_434 : memref<2x1x128xi32, #tpu.memory_space<vmem>> -> memref<2x128xi32, #tpu.memory_space<vmem>>
        %dma_start3A_436 = arith.constant 0 : i32
        %dma_start3A_437 = tpu.memref_slice %arg3[%dma_start3A_436, %add3A_424] : memref<2x320000xi32, #tpu.memory_space<hbm>> -> memref<2x128xi32, #tpu.memory_space<hbm>>
        tpu.enqueue_dma source(%dma_start3A_437 : memref<2x128xi32, #tpu.memory_space<hbm>>) target(%dma_start3A_435 : memref<2x128xi32, #tpu.memory_space<vmem>>) target_semaphore(%arg22 : memref<!tpu.dma_semaphore, #tpu.memory_space<semaphore_mem>>)
      } else {
      }
      %add3A_140 = arith.constant 1 : i32
      %add3A_141 = arith.addi %add3A_124, %add3A_140 : i32
      %lt3A_142 = arith.cmpi slt, %add3A_141, %select_n3A : i32
      %convert_element_type3A_143 = arith.extui %lt3A_142 : i1 to i32
      %cond3A_144 = arith.constant 0 : i32
      %cond3A_145 = arith.cmpi ne, %convert_element_type3A_143, %cond3A_144 : i32
      scf.if %cond3A_145 {
        %add3A_420 = arith.constant 1 : i32
        %add3A_421 = arith.addi %add3A_124, %add3A_420 : i32
        %mul3A_422 = arith.constant 128 : i32
        %mul3A_423 = arith.muli %add3A_421, %mul3A_422 : i32
        %add3A_424 = arith.addi %mul3A_2, %mul3A_423 : i32
        %dma_wait3A_425 = arith.constant 0 : i32
        %dma_wait3A_426 = arith.constant 0 : i32
        %dma_wait3A_427 = arith.constant 0 : i32
        %dma_wait3A_428 = tpu.memref_slice %arg11[%dma_wait3A_426, %dma_wait3A_425, %dma_wait3A_427] : memref<2x1x128xi32, #tpu.memory_space<vmem>> -> memref<2x1x128xi32, #tpu.memory_space<vmem>>
        %dma_wait3A_429 = tpu.memref_squeeze %dma_wait3A_428 : memref<2x1x128xi32, #tpu.memory_space<vmem>> -> memref<2x128xi32, #tpu.memory_space<vmem>>
        %dma_wait3A_430 = arith.constant 0 : i32
        %dma_wait3A_431 = tpu.memref_slice %arg3[%dma_wait3A_430, %add3A_424] : memref<2x320000xi32, #tpu.memory_space<hbm>> -> memref<2x128xi32, #tpu.memory_space<hbm>>
        %dma_wait3A_432 = arith.constant 0 : i32
        %dma_wait3A_433 = arith.constant 0 : i32
        %dma_wait3A_434 = tpu.memref_slice %arg11[%dma_wait3A_432, %dma_wait3A_425, %dma_wait3A_433] : memref<2x1x128xi32, #tpu.memory_space<vmem>> -> memref<2x1x128xi32, #tpu.memory_space<vmem>>
        %dma_wait3A_435 = tpu.memref_squeeze %dma_wait3A_434 : memref<2x1x128xi32, #tpu.memory_space<vmem>> -> memref<2x128xi32, #tpu.memory_space<vmem>>
        %dma_wait3A_436 = arith.constant 0 : i32
        %dma_wait3A_437 = tpu.memref_slice %arg3[%dma_wait3A_436, %add3A_424] : memref<2x320000xi32, #tpu.memory_space<hbm>> -> memref<2x128xi32, #tpu.memory_space<hbm>>
        tpu.wait_dma2 semaphore(%arg21 : memref<!tpu.dma_semaphore, #tpu.memory_space<semaphore_mem>>) src(%dma_wait3A_437 : memref<2x128xi32, #tpu.memory_space<hbm>>) dst(%dma_wait3A_435 : memref<2x128xi32, #tpu.memory_space<vmem>>)
        %dma_start3A_438 = arith.constant 0 : i32
        %dma_start3A_439 = arith.constant 0 : i32
        %dma_start3A_440 = arith.constant 0 : i32
        %dma_start3A_441 = tpu.memref_slice %arg11[%dma_start3A_438, %dma_start3A_439, %dma_start3A_440] : memref<2x1x128xi32, #tpu.memory_space<vmem>> -> memref<1x1x128xi32, #tpu.memory_space<vmem>>
        %dma_start3A_442 = tpu.memref_squeeze %dma_start3A_441 : memref<1x1x128xi32, #tpu.memory_space<vmem>> -> memref<128xi32, #tpu.memory_space<vmem>>
        %dma_start3A_443 = arith.constant 0 : i32
        %dma_start3A_444 = arith.constant 0 : i32
        %dma_start3A_445 = tpu.memref_slice %arg2[%dma_start3A_443, %dma_start3A_444] : memref<10000x128xf32, #tpu.memory_space<hbm>> -> memref<10000x128xf32, #tpu.memory_space<hbm>>
        tpu.enqueue_indirect_dma source(%dma_start3A_445 : memref<10000x128xf32, #tpu.memory_space<hbm>>) target(%arg15 : memref<128x128xf32, #tpu.memory_space<vmem>>) offsets(%dma_start3A_442 : memref<128xi32, #tpu.memory_space<vmem>>) semaphore(%arg25 : memref<!tpu.dma_semaphore, #tpu.memory_space<semaphore_mem>>)
      } else {
      }
      %lt3A_146 = arith.cmpi slt, %add3A_124, %select_n3A : i32
      %convert_element_type3A_147 = arith.extui %lt3A_146 : i1 to i32
      %cond3A_148 = arith.constant 0 : i32
      %cond3A_149 = arith.cmpi ne, %convert_element_type3A_147, %cond3A_148 : i32
      scf.if %cond3A_149 {
        %dma_wait3A_420 = arith.constant 0 : i32
        %dma_wait3A_421 = arith.constant 0 : i32
        %dma_wait3A_422 = arith.constant 0 : i32
        %dma_wait3A_423 = tpu.memref_slice %arg10[%dma_wait3A_420, %dma_wait3A_421, %dma_wait3A_422] : memref<2x1x128xi32, #tpu.memory_space<vmem>> -> memref<1x1x128xi32, #tpu.memory_space<vmem>>
        %dma_wait3A_424 = tpu.memref_squeeze %dma_wait3A_423 : memref<1x1x128xi32, #tpu.memory_space<vmem>> -> memref<128xi32, #tpu.memory_space<vmem>>
        %dma_wait3A_425 = arith.constant 0 : i32
        %dma_wait3A_426 = arith.constant 0 : i32
        %dma_wait3A_427 = tpu.memref_slice %arg2[%dma_wait3A_425, %dma_wait3A_426] : memref<10000x128xf32, #tpu.memory_space<hbm>> -> memref<10000x128xf32, #tpu.memory_space<hbm>>
        tpu.wait_indirect_dma semaphore(%arg24 : memref<!tpu.dma_semaphore, #tpu.memory_space<semaphore_mem>>) src(%dma_wait3A_427 : memref<10000x128xf32, #tpu.memory_space<hbm>>) dst(%arg14 : memref<128x128xf32, #tpu.memory_space<vmem>>)
        %dma_start3A_428 = arith.constant 1 : i32
        %dma_start3A_429 = arith.constant 0 : i32
        %dma_start3A_430 = arith.constant 0 : i32
        %dma_start3A_431 = tpu.memref_slice %arg10[%dma_start3A_428, %dma_start3A_429, %dma_start3A_430] : memref<2x1x128xi32, #tpu.memory_space<vmem>> -> memref<1x1x128xi32, #tpu.memory_space<vmem>>
        %dma_start3A_432 = tpu.memref_squeeze %dma_start3A_431 : memref<1x1x128xi32, #tpu.memory_space<vmem>> -> memref<128xi32, #tpu.memory_space<vmem>>
        %dma_start3A_433 = arith.constant 0 : i32
        %dma_start3A_434 = arith.constant 0 : i32
        %dma_start3A_435 = tpu.memref_slice %arg17[%dma_start3A_433, %dma_start3A_434] : memref<10016x128xf32, #tpu.memory_space<vmem_shared>> -> memref<10016x128xf32, #tpu.memory_space<vmem_shared>>
        tpu.enqueue_indirect_dma source(%arg14 : memref<128x128xf32, #tpu.memory_space<vmem>>) target(%dma_start3A_435 : memref<10016x128xf32, #tpu.memory_space<vmem_shared>>) offsets(%dma_start3A_432 : memref<128xi32, #tpu.memory_space<vmem>>) semaphore(%arg27 : memref<!tpu.dma_semaphore, #tpu.memory_space<semaphore_mem>>) {add = true}
        %dma_start3A_436 = arith.constant 1 : i32
        %dma_start3A_437 = arith.constant 0 : i32
        %dma_start3A_438 = arith.constant 0 : i32
        %dma_start3A_439 = tpu.memref_slice %arg10[%dma_start3A_436, %dma_start3A_437, %dma_start3A_438] : memref<2x1x128xi32, #tpu.memory_space<vmem>> -> memref<1x1x128xi32, #tpu.memory_space<vmem>>
        %dma_start3A_440 = tpu.memref_squeeze %dma_start3A_439 : memref<1x1x128xi32, #tpu.memory_space<vmem>> -> memref<128xi32, #tpu.memory_space<vmem>>
        %dma_start3A_441 = arith.constant 0 : i32
        %dma_start3A_442 = tpu.memref_slice %arg18[%dma_start3A_441] : memref<10112xf32, #tpu.memory_space<vmem_shared>> -> memref<10112xf32, #tpu.memory_space<vmem_shared>>
        tpu.enqueue_indirect_dma source(%arg16 : memref<128xf32, #tpu.memory_space<vmem>>) target(%dma_start3A_442 : memref<10112xf32, #tpu.memory_space<vmem_shared>>) offsets(%dma_start3A_440 : memref<128xi32, #tpu.memory_space<vmem>>) semaphore(%arg30 : memref<!tpu.dma_semaphore, #tpu.memory_space<semaphore_mem>>) {add = true}
      } else {
      }
      %add3A_150 = arith.constant 2 : i32
      %add3A_151 = arith.addi %mul3A_99, %add3A_150 : i32
      %ge3A_152 = arith.constant 2 : i32
      %ge3A_153 = arith.cmpi sge, %add3A_151, %ge3A_152 : i32
      %sub3A_154 = arith.constant 2 : i32
      %sub3A_155 = arith.subi %add3A_151, %sub3A_154 : i32
      %lt3A_156 = arith.cmpi slt, %sub3A_155, %select_n3A : i32
      %and3A_157 = arith.andi %ge3A_153, %lt3A_156 : i1
      %convert_element_type3A_158 = arith.extui %and3A_157 : i1 to i32
      %cond3A_159 = arith.constant 0 : i32
      %cond3A_160 = arith.cmpi ne, %convert_element_type3A_158, %cond3A_159 : i32
      scf.if %cond3A_160 {
        %dma_wait3A_420 = arith.constant 1 : i32
        %dma_wait3A_421 = arith.constant 0 : i32
        %dma_wait3A_422 = arith.constant 0 : i32
        %dma_wait3A_423 = tpu.memref_slice %arg9[%dma_wait3A_420, %dma_wait3A_421, %dma_wait3A_422] : memref<2x1x128xi32, #tpu.memory_space<vmem>> -> memref<1x1x128xi32, #tpu.memory_space<vmem>>
        %dma_wait3A_424 = tpu.memref_squeeze %dma_wait3A_423 : memref<1x1x128xi32, #tpu.memory_space<vmem>> -> memref<128xi32, #tpu.memory_space<vmem>>
        %dma_wait3A_425 = arith.constant 0 : i32
        %dma_wait3A_426 = arith.constant 0 : i32
        %dma_wait3A_427 = tpu.memref_slice %arg17[%dma_wait3A_425, %dma_wait3A_426] : memref<10016x128xf32, #tpu.memory_space<vmem_shared>> -> memref<10016x128xf32, #tpu.memory_space<vmem_shared>>
        tpu.wait_indirect_dma semaphore(%arg26 : memref<!tpu.dma_semaphore, #tpu.memory_space<semaphore_mem>>) src(%arg13 : memref<128x128xf32, #tpu.memory_space<vmem>>) dst(%dma_wait3A_427 : memref<10016x128xf32, #tpu.memory_space<vmem_shared>>)
        %dma_wait3A_428 = arith.constant 1 : i32
        %dma_wait3A_429 = arith.constant 0 : i32
        %dma_wait3A_430 = arith.constant 0 : i32
        %dma_wait3A_431 = tpu.memref_slice %arg9[%dma_wait3A_428, %dma_wait3A_429, %dma_wait3A_430] : memref<2x1x128xi32, #tpu.memory_space<vmem>> -> memref<1x1x128xi32, #tpu.memory_space<vmem>>
        %dma_wait3A_432 = tpu.memref_squeeze %dma_wait3A_431 : memref<1x1x128xi32, #tpu.memory_space<vmem>> -> memref<128xi32, #tpu.memory_space<vmem>>
        %dma_wait3A_433 = arith.constant 0 : i32
        %dma_wait3A_434 = tpu.memref_slice %arg18[%dma_wait3A_433] : memref<10112xf32, #tpu.memory_space<vmem_shared>> -> memref<10112xf32, #tpu.memory_space<vmem_shared>>
        tpu.wait_indirect_dma semaphore(%arg29 : memref<!tpu.dma_semaphore, #tpu.memory_space<semaphore_mem>>) src(%arg16 : memref<128xf32, #tpu.memory_space<vmem>>) dst(%dma_wait3A_434 : memref<10112xf32, #tpu.memory_space<vmem_shared>>)
      } else {
      }
      %add3A_161 = arith.constant 2 : i32
      %add3A_162 = arith.addi %add3A_151, %add3A_161 : i32
      %lt3A_163 = arith.cmpi slt, %add3A_162, %select_n3A : i32
      %convert_element_type3A_164 = arith.extui %lt3A_163 : i1 to i32
      %cond3A_165 = arith.constant 0 : i32
      %cond3A_166 = arith.cmpi ne, %convert_element_type3A_164, %cond3A_165 : i32
      scf.if %cond3A_166 {
        %add3A_420 = arith.constant 2 : i32
        %add3A_421 = arith.addi %add3A_151, %add3A_420 : i32
        %mul3A_422 = arith.constant 128 : i32
        %mul3A_423 = arith.muli %add3A_421, %mul3A_422 : i32
        %add3A_424 = arith.addi %mul3A_2, %mul3A_423 : i32
        %dma_start3A_425 = arith.constant 0 : i32
        %dma_start3A_426 = arith.constant 0 : i32
        %dma_start3A_427 = arith.constant 0 : i32
        %dma_start3A_428 = tpu.memref_slice %arg9[%dma_start3A_426, %dma_start3A_425, %dma_start3A_427] : memref<2x1x128xi32, #tpu.memory_space<vmem>> -> memref<2x1x128xi32, #tpu.memory_space<vmem>>
        %dma_start3A_429 = tpu.memref_squeeze %dma_start3A_428 : memref<2x1x128xi32, #tpu.memory_space<vmem>> -> memref<2x128xi32, #tpu.memory_space<vmem>>
        %dma_start3A_430 = arith.constant 0 : i32
        %dma_start3A_431 = tpu.memref_slice %arg3[%dma_start3A_430, %add3A_424] : memref<2x320000xi32, #tpu.memory_space<hbm>> -> memref<2x128xi32, #tpu.memory_space<hbm>>
        %dma_start3A_432 = arith.constant 0 : i32
        %dma_start3A_433 = arith.constant 0 : i32
        %dma_start3A_434 = tpu.memref_slice %arg9[%dma_start3A_432, %dma_start3A_425, %dma_start3A_433] : memref<2x1x128xi32, #tpu.memory_space<vmem>> -> memref<2x1x128xi32, #tpu.memory_space<vmem>>
        %dma_start3A_435 = tpu.memref_squeeze %dma_start3A_434 : memref<2x1x128xi32, #tpu.memory_space<vmem>> -> memref<2x128xi32, #tpu.memory_space<vmem>>
        %dma_start3A_436 = arith.constant 0 : i32
        %dma_start3A_437 = tpu.memref_slice %arg3[%dma_start3A_436, %add3A_424] : memref<2x320000xi32, #tpu.memory_space<hbm>> -> memref<2x128xi32, #tpu.memory_space<hbm>>
        tpu.enqueue_dma source(%dma_start3A_437 : memref<2x128xi32, #tpu.memory_space<hbm>>) target(%dma_start3A_435 : memref<2x128xi32, #tpu.memory_space<vmem>>) target_semaphore(%arg19 : memref<!tpu.dma_semaphore, #tpu.memory_space<semaphore_mem>>)
      } else {
      }
      %add3A_167 = arith.constant 1 : i32
      %add3A_168 = arith.addi %add3A_151, %add3A_167 : i32
      %lt3A_169 = arith.cmpi slt, %add3A_168, %select_n3A : i32
      %convert_element_type3A_170 = arith.extui %lt3A_169 : i1 to i32
      %cond3A_171 = arith.constant 0 : i32
      %cond3A_172 = arith.cmpi ne, %convert_element_type3A_170, %cond3A_171 : i32
      scf.if %cond3A_172 {
        %add3A_420 = arith.constant 1 : i32
        %add3A_421 = arith.addi %add3A_151, %add3A_420 : i32
        %mul3A_422 = arith.constant 128 : i32
        %mul3A_423 = arith.muli %add3A_421, %mul3A_422 : i32
        %add3A_424 = arith.addi %mul3A_2, %mul3A_423 : i32
        %dma_wait3A_425 = arith.constant 0 : i32
        %dma_wait3A_426 = arith.constant 0 : i32
        %dma_wait3A_427 = arith.constant 0 : i32
        %dma_wait3A_428 = tpu.memref_slice %arg12[%dma_wait3A_426, %dma_wait3A_425, %dma_wait3A_427] : memref<2x1x128xi32, #tpu.memory_space<vmem>> -> memref<2x1x128xi32, #tpu.memory_space<vmem>>
        %dma_wait3A_429 = tpu.memref_squeeze %dma_wait3A_428 : memref<2x1x128xi32, #tpu.memory_space<vmem>> -> memref<2x128xi32, #tpu.memory_space<vmem>>
        %dma_wait3A_430 = arith.constant 0 : i32
        %dma_wait3A_431 = tpu.memref_slice %arg3[%dma_wait3A_430, %add3A_424] : memref<2x320000xi32, #tpu.memory_space<hbm>> -> memref<2x128xi32, #tpu.memory_space<hbm>>
        %dma_wait3A_432 = arith.constant 0 : i32
        %dma_wait3A_433 = arith.constant 0 : i32
        %dma_wait3A_434 = tpu.memref_slice %arg12[%dma_wait3A_432, %dma_wait3A_425, %dma_wait3A_433] : memref<2x1x128xi32, #tpu.memory_space<vmem>> -> memref<2x1x128xi32, #tpu.memory_space<vmem>>
        %dma_wait3A_435 = tpu.memref_squeeze %dma_wait3A_434 : memref<2x1x128xi32, #tpu.memory_space<vmem>> -> memref<2x128xi32, #tpu.memory_space<vmem>>
        %dma_wait3A_436 = arith.constant 0 : i32
        %dma_wait3A_437 = tpu.memref_slice %arg3[%dma_wait3A_436, %add3A_424] : memref<2x320000xi32, #tpu.memory_space<hbm>> -> memref<2x128xi32, #tpu.memory_space<hbm>>
        tpu.wait_dma2 semaphore(%arg22 : memref<!tpu.dma_semaphore, #tpu.memory_space<semaphore_mem>>) src(%dma_wait3A_437 : memref<2x128xi32, #tpu.memory_space<hbm>>) dst(%dma_wait3A_435 : memref<2x128xi32, #tpu.memory_space<vmem>>)
        %dma_start3A_438 = arith.constant 0 : i32
        %dma_start3A_439 = arith.constant 0 : i32
        %dma_start3A_440 = arith.constant 0 : i32
        %dma_start3A_441 = tpu.memref_slice %arg12[%dma_start3A_438, %dma_start3A_439, %dma_start3A_440] : memref<2x1x128xi32, #tpu.memory_space<vmem>> -> memref<1x1x128xi32, #tpu.memory_space<vmem>>
        %dma_start3A_442 = tpu.memref_squeeze %dma_start3A_441 : memref<1x1x128xi32, #tpu.memory_space<vmem>> -> memref<128xi32, #tpu.memory_space<vmem>>
        %dma_start3A_443 = arith.constant 0 : i32
        %dma_start3A_444 = arith.constant 0 : i32
        %dma_start3A_445 = tpu.memref_slice %arg2[%dma_start3A_443, %dma_start3A_444] : memref<10000x128xf32, #tpu.memory_space<hbm>> -> memref<10000x128xf32, #tpu.memory_space<hbm>>
        tpu.enqueue_indirect_dma source(%dma_start3A_445 : memref<10000x128xf32, #tpu.memory_space<hbm>>) target(%arg13 : memref<128x128xf32, #tpu.memory_space<vmem>>) offsets(%dma_start3A_442 : memref<128xi32, #tpu.memory_space<vmem>>) semaphore(%arg23 : memref<!tpu.dma_semaphore, #tpu.memory_space<semaphore_mem>>)
      } else {
      }
      %lt3A_173 = arith.cmpi slt, %add3A_151, %select_n3A : i32
      %convert_element_type3A_174 = arith.extui %lt3A_173 : i1 to i32
      %cond3A_175 = arith.constant 0 : i32
      %cond3A_176 = arith.cmpi ne, %convert_element_type3A_174, %cond3A_175 : i32
      scf.if %cond3A_176 {
        %dma_wait3A_420 = arith.constant 0 : i32
        %dma_wait3A_421 = arith.constant 0 : i32
        %dma_wait3A_422 = arith.constant 0 : i32
        %dma_wait3A_423 = tpu.memref_slice %arg11[%dma_wait3A_420, %dma_wait3A_421, %dma_wait3A_422] : memref<2x1x128xi32, #tpu.memory_space<vmem>> -> memref<1x1x128xi32, #tpu.memory_space<vmem>>
        %dma_wait3A_424 = tpu.memref_squeeze %dma_wait3A_423 : memref<1x1x128xi32, #tpu.memory_space<vmem>> -> memref<128xi32, #tpu.memory_space<vmem>>
        %dma_wait3A_425 = arith.constant 0 : i32
        %dma_wait3A_426 = arith.constant 0 : i32
        %dma_wait3A_427 = tpu.memref_slice %arg2[%dma_wait3A_425, %dma_wait3A_426] : memref<10000x128xf32, #tpu.memory_space<hbm>> -> memref<10000x128xf32, #tpu.memory_space<hbm>>
        tpu.wait_indirect_dma semaphore(%arg25 : memref<!tpu.dma_semaphore, #tpu.memory_space<semaphore_mem>>) src(%dma_wait3A_427 : memref<10000x128xf32, #tpu.memory_space<hbm>>) dst(%arg15 : memref<128x128xf32, #tpu.memory_space<vmem>>)
        %dma_start3A_428 = arith.constant 1 : i32
        %dma_start3A_429 = arith.constant 0 : i32
        %dma_start3A_430 = arith.constant 0 : i32
        %dma_start3A_431 = tpu.memref_slice %arg11[%dma_start3A_428, %dma_start3A_429, %dma_start3A_430] : memref<2x1x128xi32, #tpu.memory_space<vmem>> -> memref<1x1x128xi32, #tpu.memory_space<vmem>>
        %dma_start3A_432 = tpu.memref_squeeze %dma_start3A_431 : memref<1x1x128xi32, #tpu.memory_space<vmem>> -> memref<128xi32, #tpu.memory_space<vmem>>
        %dma_start3A_433 = arith.constant 0 : i32
        %dma_start3A_434 = arith.constant 0 : i32
        %dma_start3A_435 = tpu.memref_slice %arg17[%dma_start3A_433, %dma_start3A_434] : memref<10016x128xf32, #tpu.memory_space<vmem_shared>> -> memref<10016x128xf32, #tpu.memory_space<vmem_shared>>
        tpu.enqueue_indirect_dma source(%arg15 : memref<128x128xf32, #tpu.memory_space<vmem>>) target(%dma_start3A_435 : memref<10016x128xf32, #tpu.memory_space<vmem_shared>>) offsets(%dma_start3A_432 : memref<128xi32, #tpu.memory_space<vmem>>) semaphore(%arg28 : memref<!tpu.dma_semaphore, #tpu.memory_space<semaphore_mem>>) {add = true}
        %dma_start3A_436 = arith.constant 1 : i32
        %dma_start3A_437 = arith.constant 0 : i32
        %dma_start3A_438 = arith.constant 0 : i32
        %dma_start3A_439 = tpu.memref_slice %arg11[%dma_start3A_436, %dma_start3A_437, %dma_start3A_438] : memref<2x1x128xi32, #tpu.memory_space<vmem>> -> memref<1x1x128xi32, #tpu.memory_space<vmem>>
        %dma_start3A_440 = tpu.memref_squeeze %dma_start3A_439 : memref<1x1x128xi32, #tpu.memory_space<vmem>> -> memref<128xi32, #tpu.memory_space<vmem>>
        %dma_start3A_441 = arith.constant 0 : i32
        %dma_start3A_442 = tpu.memref_slice %arg18[%dma_start3A_441] : memref<10112xf32, #tpu.memory_space<vmem_shared>> -> memref<10112xf32, #tpu.memory_space<vmem_shared>>
        tpu.enqueue_indirect_dma source(%arg16 : memref<128xf32, #tpu.memory_space<vmem>>) target(%dma_start3A_442 : memref<10112xf32, #tpu.memory_space<vmem_shared>>) offsets(%dma_start3A_440 : memref<128xi32, #tpu.memory_space<vmem>>) semaphore(%arg31 : memref<!tpu.dma_semaphore, #tpu.memory_space<semaphore_mem>>) {add = true}
      } else {
      }
      %add3A_177 = arith.constant 3 : i32
      %add3A_178 = arith.addi %mul3A_99, %add3A_177 : i32
      %ge3A_179 = arith.constant 2 : i32
      %ge3A_180 = arith.cmpi sge, %add3A_178, %ge3A_179 : i32
      %sub3A_181 = arith.constant 2 : i32
      %sub3A_182 = arith.subi %add3A_178, %sub3A_181 : i32
      %lt3A_183 = arith.cmpi slt, %sub3A_182, %select_n3A : i32
      %and3A_184 = arith.andi %ge3A_180, %lt3A_183 : i1
      %convert_element_type3A_185 = arith.extui %and3A_184 : i1 to i32
      %cond3A_186 = arith.constant 0 : i32
      %cond3A_187 = arith.cmpi ne, %convert_element_type3A_185, %cond3A_186 : i32
      scf.if %cond3A_187 {
        %dma_wait3A_420 = arith.constant 1 : i32
        %dma_wait3A_421 = arith.constant 0 : i32
        %dma_wait3A_422 = arith.constant 0 : i32
        %dma_wait3A_423 = tpu.memref_slice %arg10[%dma_wait3A_420, %dma_wait3A_421, %dma_wait3A_422] : memref<2x1x128xi32, #tpu.memory_space<vmem>> -> memref<1x1x128xi32, #tpu.memory_space<vmem>>
        %dma_wait3A_424 = tpu.memref_squeeze %dma_wait3A_423 : memref<1x1x128xi32, #tpu.memory_space<vmem>> -> memref<128xi32, #tpu.memory_space<vmem>>
        %dma_wait3A_425 = arith.constant 0 : i32
        %dma_wait3A_426 = arith.constant 0 : i32
        %dma_wait3A_427 = tpu.memref_slice %arg17[%dma_wait3A_425, %dma_wait3A_426] : memref<10016x128xf32, #tpu.memory_space<vmem_shared>> -> memref<10016x128xf32, #tpu.memory_space<vmem_shared>>
        tpu.wait_indirect_dma semaphore(%arg27 : memref<!tpu.dma_semaphore, #tpu.memory_space<semaphore_mem>>) src(%arg14 : memref<128x128xf32, #tpu.memory_space<vmem>>) dst(%dma_wait3A_427 : memref<10016x128xf32, #tpu.memory_space<vmem_shared>>)
        %dma_wait3A_428 = arith.constant 1 : i32
        %dma_wait3A_429 = arith.constant 0 : i32
        %dma_wait3A_430 = arith.constant 0 : i32
        %dma_wait3A_431 = tpu.memref_slice %arg10[%dma_wait3A_428, %dma_wait3A_429, %dma_wait3A_430] : memref<2x1x128xi32, #tpu.memory_space<vmem>> -> memref<1x1x128xi32, #tpu.memory_space<vmem>>
        %dma_wait3A_432 = tpu.memref_squeeze %dma_wait3A_431 : memref<1x1x128xi32, #tpu.memory_space<vmem>> -> memref<128xi32, #tpu.memory_space<vmem>>
        %dma_wait3A_433 = arith.constant 0 : i32
        %dma_wait3A_434 = tpu.memref_slice %arg18[%dma_wait3A_433] : memref<10112xf32, #tpu.memory_space<vmem_shared>> -> memref<10112xf32, #tpu.memory_space<vmem_shared>>
        tpu.wait_indirect_dma semaphore(%arg30 : memref<!tpu.dma_semaphore, #tpu.memory_space<semaphore_mem>>) src(%arg16 : memref<128xf32, #tpu.memory_space<vmem>>) dst(%dma_wait3A_434 : memref<10112xf32, #tpu.memory_space<vmem_shared>>)
      } else {
      }
      %add3A_188 = arith.constant 2 : i32
      %add3A_189 = arith.addi %add3A_178, %add3A_188 : i32
      %lt3A_190 = arith.cmpi slt, %add3A_189, %select_n3A : i32
      %convert_element_type3A_191 = arith.extui %lt3A_190 : i1 to i32
      %cond3A_192 = arith.constant 0 : i32
      %cond3A_193 = arith.cmpi ne, %convert_element_type3A_191, %cond3A_192 : i32
      scf.if %cond3A_193 {
        %add3A_420 = arith.constant 2 : i32
        %add3A_421 = arith.addi %add3A_178, %add3A_420 : i32
        %mul3A_422 = arith.constant 128 : i32
        %mul3A_423 = arith.muli %add3A_421, %mul3A_422 : i32
        %add3A_424 = arith.addi %mul3A_2, %mul3A_423 : i32
        %dma_start3A_425 = arith.constant 0 : i32
        %dma_start3A_426 = arith.constant 0 : i32
        %dma_start3A_427 = arith.constant 0 : i32
        %dma_start3A_428 = tpu.memref_slice %arg10[%dma_start3A_426, %dma_start3A_425, %dma_start3A_427] : memref<2x1x128xi32, #tpu.memory_space<vmem>> -> memref<2x1x128xi32, #tpu.memory_space<vmem>>
        %dma_start3A_429 = tpu.memref_squeeze %dma_start3A_428 : memref<2x1x128xi32, #tpu.memory_space<vmem>> -> memref<2x128xi32, #tpu.memory_space<vmem>>
        %dma_start3A_430 = arith.constant 0 : i32
        %dma_start3A_431 = tpu.memref_slice %arg3[%dma_start3A_430, %add3A_424] : memref<2x320000xi32, #tpu.memory_space<hbm>> -> memref<2x128xi32, #tpu.memory_space<hbm>>
        %dma_start3A_432 = arith.constant 0 : i32
        %dma_start3A_433 = arith.constant 0 : i32
        %dma_start3A_434 = tpu.memref_slice %arg10[%dma_start3A_432, %dma_start3A_425, %dma_start3A_433] : memref<2x1x128xi32, #tpu.memory_space<vmem>> -> memref<2x1x128xi32, #tpu.memory_space<vmem>>
        %dma_start3A_435 = tpu.memref_squeeze %dma_start3A_434 : memref<2x1x128xi32, #tpu.memory_space<vmem>> -> memref<2x128xi32, #tpu.memory_space<vmem>>
        %dma_start3A_436 = arith.constant 0 : i32
        %dma_start3A_437 = tpu.memref_slice %arg3[%dma_start3A_436, %add3A_424] : memref<2x320000xi32, #tpu.memory_space<hbm>> -> memref<2x128xi32, #tpu.memory_space<hbm>>
        tpu.enqueue_dma source(%dma_start3A_437 : memref<2x128xi32, #tpu.memory_space<hbm>>) target(%dma_start3A_435 : memref<2x128xi32, #tpu.memory_space<vmem>>) target_semaphore(%arg20 : memref<!tpu.dma_semaphore, #tpu.memory_space<semaphore_mem>>)
      } else {
      }
      %add3A_194 = arith.constant 1 : i32
      %add3A_195 = arith.addi %add3A_178, %add3A_194 : i32
      %lt3A_196 = arith.cmpi slt, %add3A_195, %select_n3A : i32
      %convert_element_type3A_197 = arith.extui %lt3A_196 : i1 to i32
      %cond3A_198 = arith.constant 0 : i32
      %cond3A_199 = arith.cmpi ne, %convert_element_type3A_197, %cond3A_198 : i32
      scf.if %cond3A_199 {
        %add3A_420 = arith.constant 1 : i32
        %add3A_421 = arith.addi %add3A_178, %add3A_420 : i32
        %mul3A_422 = arith.constant 128 : i32
        %mul3A_423 = arith.muli %add3A_421, %mul3A_422 : i32
        %add3A_424 = arith.addi %mul3A_2, %mul3A_423 : i32
        %dma_wait3A_425 = arith.constant 0 : i32
        %dma_wait3A_426 = arith.constant 0 : i32
        %dma_wait3A_427 = arith.constant 0 : i32
        %dma_wait3A_428 = tpu.memref_slice %arg9[%dma_wait3A_426, %dma_wait3A_425, %dma_wait3A_427] : memref<2x1x128xi32, #tpu.memory_space<vmem>> -> memref<2x1x128xi32, #tpu.memory_space<vmem>>
        %dma_wait3A_429 = tpu.memref_squeeze %dma_wait3A_428 : memref<2x1x128xi32, #tpu.memory_space<vmem>> -> memref<2x128xi32, #tpu.memory_space<vmem>>
        %dma_wait3A_430 = arith.constant 0 : i32
        %dma_wait3A_431 = tpu.memref_slice %arg3[%dma_wait3A_430, %add3A_424] : memref<2x320000xi32, #tpu.memory_space<hbm>> -> memref<2x128xi32, #tpu.memory_space<hbm>>
        %dma_wait3A_432 = arith.constant 0 : i32
        %dma_wait3A_433 = arith.constant 0 : i32
        %dma_wait3A_434 = tpu.memref_slice %arg9[%dma_wait3A_432, %dma_wait3A_425, %dma_wait3A_433] : memref<2x1x128xi32, #tpu.memory_space<vmem>> -> memref<2x1x128xi32, #tpu.memory_space<vmem>>
        %dma_wait3A_435 = tpu.memref_squeeze %dma_wait3A_434 : memref<2x1x128xi32, #tpu.memory_space<vmem>> -> memref<2x128xi32, #tpu.memory_space<vmem>>
        %dma_wait3A_436 = arith.constant 0 : i32
        %dma_wait3A_437 = tpu.memref_slice %arg3[%dma_wait3A_436, %add3A_424] : memref<2x320000xi32, #tpu.memory_space<hbm>> -> memref<2x128xi32, #tpu.memory_space<hbm>>
        tpu.wait_dma2 semaphore(%arg19 : memref<!tpu.dma_semaphore, #tpu.memory_space<semaphore_mem>>) src(%dma_wait3A_437 : memref<2x128xi32, #tpu.memory_space<hbm>>) dst(%dma_wait3A_435 : memref<2x128xi32, #tpu.memory_space<vmem>>)
        %dma_start3A_438 = arith.constant 0 : i32
        %dma_start3A_439 = arith.constant 0 : i32
        %dma_start3A_440 = arith.constant 0 : i32
        %dma_start3A_441 = tpu.memref_slice %arg9[%dma_start3A_438, %dma_start3A_439, %dma_start3A_440] : memref<2x1x128xi32, #tpu.memory_space<vmem>> -> memref<1x1x128xi32, #tpu.memory_space<vmem>>
        %dma_start3A_442 = tpu.memref_squeeze %dma_start3A_441 : memref<1x1x128xi32, #tpu.memory_space<vmem>> -> memref<128xi32, #tpu.memory_space<vmem>>
        %dma_start3A_443 = arith.constant 0 : i32
        %dma_start3A_444 = arith.constant 0 : i32
        %dma_start3A_445 = tpu.memref_slice %arg2[%dma_start3A_443, %dma_start3A_444] : memref<10000x128xf32, #tpu.memory_space<hbm>> -> memref<10000x128xf32, #tpu.memory_space<hbm>>
        tpu.enqueue_indirect_dma source(%dma_start3A_445 : memref<10000x128xf32, #tpu.memory_space<hbm>>) target(%arg14 : memref<128x128xf32, #tpu.memory_space<vmem>>) offsets(%dma_start3A_442 : memref<128xi32, #tpu.memory_space<vmem>>) semaphore(%arg24 : memref<!tpu.dma_semaphore, #tpu.memory_space<semaphore_mem>>)
      } else {
      }
      %lt3A_200 = arith.cmpi slt, %add3A_178, %select_n3A : i32
      %convert_element_type3A_201 = arith.extui %lt3A_200 : i1 to i32
      %cond3A_202 = arith.constant 0 : i32
      %cond3A_203 = arith.cmpi ne, %convert_element_type3A_201, %cond3A_202 : i32
      scf.if %cond3A_203 {
        %dma_wait3A_420 = arith.constant 0 : i32
        %dma_wait3A_421 = arith.constant 0 : i32
        %dma_wait3A_422 = arith.constant 0 : i32
        %dma_wait3A_423 = tpu.memref_slice %arg12[%dma_wait3A_420, %dma_wait3A_421, %dma_wait3A_422] : memref<2x1x128xi32, #tpu.memory_space<vmem>> -> memref<1x1x128xi32, #tpu.memory_space<vmem>>
        %dma_wait3A_424 = tpu.memref_squeeze %dma_wait3A_423 : memref<1x1x128xi32, #tpu.memory_space<vmem>> -> memref<128xi32, #tpu.memory_space<vmem>>
        %dma_wait3A_425 = arith.constant 0 : i32
        %dma_wait3A_426 = arith.constant 0 : i32
        %dma_wait3A_427 = tpu.memref_slice %arg2[%dma_wait3A_425, %dma_wait3A_426] : memref<10000x128xf32, #tpu.memory_space<hbm>> -> memref<10000x128xf32, #tpu.memory_space<hbm>>
        tpu.wait_indirect_dma semaphore(%arg23 : memref<!tpu.dma_semaphore, #tpu.memory_space<semaphore_mem>>) src(%dma_wait3A_427 : memref<10000x128xf32, #tpu.memory_space<hbm>>) dst(%arg13 : memref<128x128xf32, #tpu.memory_space<vmem>>)
        %dma_start3A_428 = arith.constant 1 : i32
        %dma_start3A_429 = arith.constant 0 : i32
        %dma_start3A_430 = arith.constant 0 : i32
        %dma_start3A_431 = tpu.memref_slice %arg12[%dma_start3A_428, %dma_start3A_429, %dma_start3A_430] : memref<2x1x128xi32, #tpu.memory_space<vmem>> -> memref<1x1x128xi32, #tpu.memory_space<vmem>>
        %dma_start3A_432 = tpu.memref_squeeze %dma_start3A_431 : memref<1x1x128xi32, #tpu.memory_space<vmem>> -> memref<128xi32, #tpu.memory_space<vmem>>
        %dma_start3A_433 = arith.constant 0 : i32
        %dma_start3A_434 = arith.constant 0 : i32
        %dma_start3A_435 = tpu.memref_slice %arg17[%dma_start3A_433, %dma_start3A_434] : memref<10016x128xf32, #tpu.memory_space<vmem_shared>> -> memref<10016x128xf32, #tpu.memory_space<vmem_shared>>
        tpu.enqueue_indirect_dma source(%arg13 : memref<128x128xf32, #tpu.memory_space<vmem>>) target(%dma_start3A_435 : memref<10016x128xf32, #tpu.memory_space<vmem_shared>>) offsets(%dma_start3A_432 : memref<128xi32, #tpu.memory_space<vmem>>) semaphore(%arg26 : memref<!tpu.dma_semaphore, #tpu.memory_space<semaphore_mem>>) {add = true}
        %dma_start3A_436 = arith.constant 1 : i32
        %dma_start3A_437 = arith.constant 0 : i32
        %dma_start3A_438 = arith.constant 0 : i32
        %dma_start3A_439 = tpu.memref_slice %arg12[%dma_start3A_436, %dma_start3A_437, %dma_start3A_438] : memref<2x1x128xi32, #tpu.memory_space<vmem>> -> memref<1x1x128xi32, #tpu.memory_space<vmem>>
        %dma_start3A_440 = tpu.memref_squeeze %dma_start3A_439 : memref<1x1x128xi32, #tpu.memory_space<vmem>> -> memref<128xi32, #tpu.memory_space<vmem>>
        %dma_start3A_441 = arith.constant 0 : i32
        %dma_start3A_442 = tpu.memref_slice %arg18[%dma_start3A_441] : memref<10112xf32, #tpu.memory_space<vmem_shared>> -> memref<10112xf32, #tpu.memory_space<vmem_shared>>
        tpu.enqueue_indirect_dma source(%arg16 : memref<128xf32, #tpu.memory_space<vmem>>) target(%dma_start3A_442 : memref<10112xf32, #tpu.memory_space<vmem_shared>>) offsets(%dma_start3A_440 : memref<128xi32, #tpu.memory_space<vmem>>) semaphore(%arg32 : memref<!tpu.dma_semaphore, #tpu.memory_space<semaphore_mem>>) {add = true}
      } else {
      }
      %add3A_204 = arith.constant 4 : i32
      %add3A_205 = arith.addi %mul3A_99, %add3A_204 : i32
      %ge3A_206 = arith.constant 2 : i32
      %ge3A_207 = arith.cmpi sge, %add3A_205, %ge3A_206 : i32
      %sub3A_208 = arith.constant 2 : i32
      %sub3A_209 = arith.subi %add3A_205, %sub3A_208 : i32
      %lt3A_210 = arith.cmpi slt, %sub3A_209, %select_n3A : i32
      %and3A_211 = arith.andi %ge3A_207, %lt3A_210 : i1
      %convert_element_type3A_212 = arith.extui %and3A_211 : i1 to i32
      %cond3A_213 = arith.constant 0 : i32
      %cond3A_214 = arith.cmpi ne, %convert_element_type3A_212, %cond3A_213 : i32
      scf.if %cond3A_214 {
        %dma_wait3A_420 = arith.constant 1 : i32
        %dma_wait3A_421 = arith.constant 0 : i32
        %dma_wait3A_422 = arith.constant 0 : i32
        %dma_wait3A_423 = tpu.memref_slice %arg11[%dma_wait3A_420, %dma_wait3A_421, %dma_wait3A_422] : memref<2x1x128xi32, #tpu.memory_space<vmem>> -> memref<1x1x128xi32, #tpu.memory_space<vmem>>
        %dma_wait3A_424 = tpu.memref_squeeze %dma_wait3A_423 : memref<1x1x128xi32, #tpu.memory_space<vmem>> -> memref<128xi32, #tpu.memory_space<vmem>>
        %dma_wait3A_425 = arith.constant 0 : i32
        %dma_wait3A_426 = arith.constant 0 : i32
        %dma_wait3A_427 = tpu.memref_slice %arg17[%dma_wait3A_425, %dma_wait3A_426] : memref<10016x128xf32, #tpu.memory_space<vmem_shared>> -> memref<10016x128xf32, #tpu.memory_space<vmem_shared>>
        tpu.wait_indirect_dma semaphore(%arg28 : memref<!tpu.dma_semaphore, #tpu.memory_space<semaphore_mem>>) src(%arg15 : memref<128x128xf32, #tpu.memory_space<vmem>>) dst(%dma_wait3A_427 : memref<10016x128xf32, #tpu.memory_space<vmem_shared>>)
        %dma_wait3A_428 = arith.constant 1 : i32
        %dma_wait3A_429 = arith.constant 0 : i32
        %dma_wait3A_430 = arith.constant 0 : i32
        %dma_wait3A_431 = tpu.memref_slice %arg11[%dma_wait3A_428, %dma_wait3A_429, %dma_wait3A_430] : memref<2x1x128xi32, #tpu.memory_space<vmem>> -> memref<1x1x128xi32, #tpu.memory_space<vmem>>
        %dma_wait3A_432 = tpu.memref_squeeze %dma_wait3A_431 : memref<1x1x128xi32, #tpu.memory_space<vmem>> -> memref<128xi32, #tpu.memory_space<vmem>>
        %dma_wait3A_433 = arith.constant 0 : i32
        %dma_wait3A_434 = tpu.memref_slice %arg18[%dma_wait3A_433] : memref<10112xf32, #tpu.memory_space<vmem_shared>> -> memref<10112xf32, #tpu.memory_space<vmem_shared>>
        tpu.wait_indirect_dma semaphore(%arg31 : memref<!tpu.dma_semaphore, #tpu.memory_space<semaphore_mem>>) src(%arg16 : memref<128xf32, #tpu.memory_space<vmem>>) dst(%dma_wait3A_434 : memref<10112xf32, #tpu.memory_space<vmem_shared>>)
      } else {
      }
      %add3A_215 = arith.constant 2 : i32
      %add3A_216 = arith.addi %add3A_205, %add3A_215 : i32
      %lt3A_217 = arith.cmpi slt, %add3A_216, %select_n3A : i32
      %convert_element_type3A_218 = arith.extui %lt3A_217 : i1 to i32
      %cond3A_219 = arith.constant 0 : i32
      %cond3A_220 = arith.cmpi ne, %convert_element_type3A_218, %cond3A_219 : i32
      scf.if %cond3A_220 {
        %add3A_420 = arith.constant 2 : i32
        %add3A_421 = arith.addi %add3A_205, %add3A_420 : i32
        %mul3A_422 = arith.constant 128 : i32
        %mul3A_423 = arith.muli %add3A_421, %mul3A_422 : i32
        %add3A_424 = arith.addi %mul3A_2, %mul3A_423 : i32
        %dma_start3A_425 = arith.constant 0 : i32
        %dma_start3A_426 = arith.constant 0 : i32
        %dma_start3A_427 = arith.constant 0 : i32
        %dma_start3A_428 = tpu.memref_slice %arg11[%dma_start3A_426, %dma_start3A_425, %dma_start3A_427] : memref<2x1x128xi32, #tpu.memory_space<vmem>> -> memref<2x1x128xi32, #tpu.memory_space<vmem>>
        %dma_start3A_429 = tpu.memref_squeeze %dma_start3A_428 : memref<2x1x128xi32, #tpu.memory_space<vmem>> -> memref<2x128xi32, #tpu.memory_space<vmem>>
        %dma_start3A_430 = arith.constant 0 : i32
        %dma_start3A_431 = tpu.memref_slice %arg3[%dma_start3A_430, %add3A_424] : memref<2x320000xi32, #tpu.memory_space<hbm>> -> memref<2x128xi32, #tpu.memory_space<hbm>>
        %dma_start3A_432 = arith.constant 0 : i32
        %dma_start3A_433 = arith.constant 0 : i32
        %dma_start3A_434 = tpu.memref_slice %arg11[%dma_start3A_432, %dma_start3A_425, %dma_start3A_433] : memref<2x1x128xi32, #tpu.memory_space<vmem>> -> memref<2x1x128xi32, #tpu.memory_space<vmem>>
        %dma_start3A_435 = tpu.memref_squeeze %dma_start3A_434 : memref<2x1x128xi32, #tpu.memory_space<vmem>> -> memref<2x128xi32, #tpu.memory_space<vmem>>
        %dma_start3A_436 = arith.constant 0 : i32
        %dma_start3A_437 = tpu.memref_slice %arg3[%dma_start3A_436, %add3A_424] : memref<2x320000xi32, #tpu.memory_space<hbm>> -> memref<2x128xi32, #tpu.memory_space<hbm>>
        tpu.enqueue_dma source(%dma_start3A_437 : memref<2x128xi32, #tpu.memory_space<hbm>>) target(%dma_start3A_435 : memref<2x128xi32, #tpu.memory_space<vmem>>) target_semaphore(%arg21 : memref<!tpu.dma_semaphore, #tpu.memory_space<semaphore_mem>>)
      } else {
      }
      %add3A_221 = arith.constant 1 : i32
      %add3A_222 = arith.addi %add3A_205, %add3A_221 : i32
      %lt3A_223 = arith.cmpi slt, %add3A_222, %select_n3A : i32
      %convert_element_type3A_224 = arith.extui %lt3A_223 : i1 to i32
      %cond3A_225 = arith.constant 0 : i32
      %cond3A_226 = arith.cmpi ne, %convert_element_type3A_224, %cond3A_225 : i32
      scf.if %cond3A_226 {
        %add3A_420 = arith.constant 1 : i32
        %add3A_421 = arith.addi %add3A_205, %add3A_420 : i32
        %mul3A_422 = arith.constant 128 : i32
        %mul3A_423 = arith.muli %add3A_421, %mul3A_422 : i32
        %add3A_424 = arith.addi %mul3A_2, %mul3A_423 : i32
        %dma_wait3A_425 = arith.constant 0 : i32
        %dma_wait3A_426 = arith.constant 0 : i32
        %dma_wait3A_427 = arith.constant 0 : i32
        %dma_wait3A_428 = tpu.memref_slice %arg10[%dma_wait3A_426, %dma_wait3A_425, %dma_wait3A_427] : memref<2x1x128xi32, #tpu.memory_space<vmem>> -> memref<2x1x128xi32, #tpu.memory_space<vmem>>
        %dma_wait3A_429 = tpu.memref_squeeze %dma_wait3A_428 : memref<2x1x128xi32, #tpu.memory_space<vmem>> -> memref<2x128xi32, #tpu.memory_space<vmem>>
        %dma_wait3A_430 = arith.constant 0 : i32
        %dma_wait3A_431 = tpu.memref_slice %arg3[%dma_wait3A_430, %add3A_424] : memref<2x320000xi32, #tpu.memory_space<hbm>> -> memref<2x128xi32, #tpu.memory_space<hbm>>
        %dma_wait3A_432 = arith.constant 0 : i32
        %dma_wait3A_433 = arith.constant 0 : i32
        %dma_wait3A_434 = tpu.memref_slice %arg10[%dma_wait3A_432, %dma_wait3A_425, %dma_wait3A_433] : memref<2x1x128xi32, #tpu.memory_space<vmem>> -> memref<2x1x128xi32, #tpu.memory_space<vmem>>
        %dma_wait3A_435 = tpu.memref_squeeze %dma_wait3A_434 : memref<2x1x128xi32, #tpu.memory_space<vmem>> -> memref<2x128xi32, #tpu.memory_space<vmem>>
        %dma_wait3A_436 = arith.constant 0 : i32
        %dma_wait3A_437 = tpu.memref_slice %arg3[%dma_wait3A_436, %add3A_424] : memref<2x320000xi32, #tpu.memory_space<hbm>> -> memref<2x128xi32, #tpu.memory_space<hbm>>
        tpu.wait_dma2 semaphore(%arg20 : memref<!tpu.dma_semaphore, #tpu.memory_space<semaphore_mem>>) src(%dma_wait3A_437 : memref<2x128xi32, #tpu.memory_space<hbm>>) dst(%dma_wait3A_435 : memref<2x128xi32, #tpu.memory_space<vmem>>)
        %dma_start3A_438 = arith.constant 0 : i32
        %dma_start3A_439 = arith.constant 0 : i32
        %dma_start3A_440 = arith.constant 0 : i32
        %dma_start3A_441 = tpu.memref_slice %arg10[%dma_start3A_438, %dma_start3A_439, %dma_start3A_440] : memref<2x1x128xi32, #tpu.memory_space<vmem>> -> memref<1x1x128xi32, #tpu.memory_space<vmem>>
        %dma_start3A_442 = tpu.memref_squeeze %dma_start3A_441 : memref<1x1x128xi32, #tpu.memory_space<vmem>> -> memref<128xi32, #tpu.memory_space<vmem>>
        %dma_start3A_443 = arith.constant 0 : i32
        %dma_start3A_444 = arith.constant 0 : i32
        %dma_start3A_445 = tpu.memref_slice %arg2[%dma_start3A_443, %dma_start3A_444] : memref<10000x128xf32, #tpu.memory_space<hbm>> -> memref<10000x128xf32, #tpu.memory_space<hbm>>
        tpu.enqueue_indirect_dma source(%dma_start3A_445 : memref<10000x128xf32, #tpu.memory_space<hbm>>) target(%arg15 : memref<128x128xf32, #tpu.memory_space<vmem>>) offsets(%dma_start3A_442 : memref<128xi32, #tpu.memory_space<vmem>>) semaphore(%arg25 : memref<!tpu.dma_semaphore, #tpu.memory_space<semaphore_mem>>)
      } else {
      }
      %lt3A_227 = arith.cmpi slt, %add3A_205, %select_n3A : i32
      %convert_element_type3A_228 = arith.extui %lt3A_227 : i1 to i32
      %cond3A_229 = arith.constant 0 : i32
      %cond3A_230 = arith.cmpi ne, %convert_element_type3A_228, %cond3A_229 : i32
      scf.if %cond3A_230 {
        %dma_wait3A_420 = arith.constant 0 : i32
        %dma_wait3A_421 = arith.constant 0 : i32
        %dma_wait3A_422 = arith.constant 0 : i32
        %dma_wait3A_423 = tpu.memref_slice %arg9[%dma_wait3A_420, %dma_wait3A_421, %dma_wait3A_422] : memref<2x1x128xi32, #tpu.memory_space<vmem>> -> memref<1x1x128xi32, #tpu.memory_space<vmem>>
        %dma_wait3A_424 = tpu.memref_squeeze %dma_wait3A_423 : memref<1x1x128xi32, #tpu.memory_space<vmem>> -> memref<128xi32, #tpu.memory_space<vmem>>
        %dma_wait3A_425 = arith.constant 0 : i32
        %dma_wait3A_426 = arith.constant 0 : i32
        %dma_wait3A_427 = tpu.memref_slice %arg2[%dma_wait3A_425, %dma_wait3A_426] : memref<10000x128xf32, #tpu.memory_space<hbm>> -> memref<10000x128xf32, #tpu.memory_space<hbm>>
        tpu.wait_indirect_dma semaphore(%arg24 : memref<!tpu.dma_semaphore, #tpu.memory_space<semaphore_mem>>) src(%dma_wait3A_427 : memref<10000x128xf32, #tpu.memory_space<hbm>>) dst(%arg14 : memref<128x128xf32, #tpu.memory_space<vmem>>)
        %dma_start3A_428 = arith.constant 1 : i32
        %dma_start3A_429 = arith.constant 0 : i32
        %dma_start3A_430 = arith.constant 0 : i32
        %dma_start3A_431 = tpu.memref_slice %arg9[%dma_start3A_428, %dma_start3A_429, %dma_start3A_430] : memref<2x1x128xi32, #tpu.memory_space<vmem>> -> memref<1x1x128xi32, #tpu.memory_space<vmem>>
        %dma_start3A_432 = tpu.memref_squeeze %dma_start3A_431 : memref<1x1x128xi32, #tpu.memory_space<vmem>> -> memref<128xi32, #tpu.memory_space<vmem>>
        %dma_start3A_433 = arith.constant 0 : i32
        %dma_start3A_434 = arith.constant 0 : i32
        %dma_start3A_435 = tpu.memref_slice %arg17[%dma_start3A_433, %dma_start3A_434] : memref<10016x128xf32, #tpu.memory_space<vmem_shared>> -> memref<10016x128xf32, #tpu.memory_space<vmem_shared>>
        tpu.enqueue_indirect_dma source(%arg14 : memref<128x128xf32, #tpu.memory_space<vmem>>) target(%dma_start3A_435 : memref<10016x128xf32, #tpu.memory_space<vmem_shared>>) offsets(%dma_start3A_432 : memref<128xi32, #tpu.memory_space<vmem>>) semaphore(%arg27 : memref<!tpu.dma_semaphore, #tpu.memory_space<semaphore_mem>>) {add = true}
        %dma_start3A_436 = arith.constant 1 : i32
        %dma_start3A_437 = arith.constant 0 : i32
        %dma_start3A_438 = arith.constant 0 : i32
        %dma_start3A_439 = tpu.memref_slice %arg9[%dma_start3A_436, %dma_start3A_437, %dma_start3A_438] : memref<2x1x128xi32, #tpu.memory_space<vmem>> -> memref<1x1x128xi32, #tpu.memory_space<vmem>>
        %dma_start3A_440 = tpu.memref_squeeze %dma_start3A_439 : memref<1x1x128xi32, #tpu.memory_space<vmem>> -> memref<128xi32, #tpu.memory_space<vmem>>
        %dma_start3A_441 = arith.constant 0 : i32
        %dma_start3A_442 = tpu.memref_slice %arg18[%dma_start3A_441] : memref<10112xf32, #tpu.memory_space<vmem_shared>> -> memref<10112xf32, #tpu.memory_space<vmem_shared>>
        tpu.enqueue_indirect_dma source(%arg16 : memref<128xf32, #tpu.memory_space<vmem>>) target(%dma_start3A_442 : memref<10112xf32, #tpu.memory_space<vmem_shared>>) offsets(%dma_start3A_440 : memref<128xi32, #tpu.memory_space<vmem>>) semaphore(%arg29 : memref<!tpu.dma_semaphore, #tpu.memory_space<semaphore_mem>>) {add = true}
      } else {
      }
      %add3A_231 = arith.constant 5 : i32
      %add3A_232 = arith.addi %mul3A_99, %add3A_231 : i32
      %ge3A_233 = arith.constant 2 : i32
      %ge3A_234 = arith.cmpi sge, %add3A_232, %ge3A_233 : i32
      %sub3A_235 = arith.constant 2 : i32
      %sub3A_236 = arith.subi %add3A_232, %sub3A_235 : i32
      %lt3A_237 = arith.cmpi slt, %sub3A_236, %select_n3A : i32
      %and3A_238 = arith.andi %ge3A_234, %lt3A_237 : i1
      %convert_element_type3A_239 = arith.extui %and3A_238 : i1 to i32
      %cond3A_240 = arith.constant 0 : i32
      %cond3A_241 = arith.cmpi ne, %convert_element_type3A_239, %cond3A_240 : i32
      scf.if %cond3A_241 {
        %dma_wait3A_420 = arith.constant 1 : i32
        %dma_wait3A_421 = arith.constant 0 : i32
        %dma_wait3A_422 = arith.constant 0 : i32
        %dma_wait3A_423 = tpu.memref_slice %arg12[%dma_wait3A_420, %dma_wait3A_421, %dma_wait3A_422] : memref<2x1x128xi32, #tpu.memory_space<vmem>> -> memref<1x1x128xi32, #tpu.memory_space<vmem>>
        %dma_wait3A_424 = tpu.memref_squeeze %dma_wait3A_423 : memref<1x1x128xi32, #tpu.memory_space<vmem>> -> memref<128xi32, #tpu.memory_space<vmem>>
        %dma_wait3A_425 = arith.constant 0 : i32
        %dma_wait3A_426 = arith.constant 0 : i32
        %dma_wait3A_427 = tpu.memref_slice %arg17[%dma_wait3A_425, %dma_wait3A_426] : memref<10016x128xf32, #tpu.memory_space<vmem_shared>> -> memref<10016x128xf32, #tpu.memory_space<vmem_shared>>
        tpu.wait_indirect_dma semaphore(%arg26 : memref<!tpu.dma_semaphore, #tpu.memory_space<semaphore_mem>>) src(%arg13 : memref<128x128xf32, #tpu.memory_space<vmem>>) dst(%dma_wait3A_427 : memref<10016x128xf32, #tpu.memory_space<vmem_shared>>)
        %dma_wait3A_428 = arith.constant 1 : i32
        %dma_wait3A_429 = arith.constant 0 : i32
        %dma_wait3A_430 = arith.constant 0 : i32
        %dma_wait3A_431 = tpu.memref_slice %arg12[%dma_wait3A_428, %dma_wait3A_429, %dma_wait3A_430] : memref<2x1x128xi32, #tpu.memory_space<vmem>> -> memref<1x1x128xi32, #tpu.memory_space<vmem>>
        %dma_wait3A_432 = tpu.memref_squeeze %dma_wait3A_431 : memref<1x1x128xi32, #tpu.memory_space<vmem>> -> memref<128xi32, #tpu.memory_space<vmem>>
        %dma_wait3A_433 = arith.constant 0 : i32
        %dma_wait3A_434 = tpu.memref_slice %arg18[%dma_wait3A_433] : memref<10112xf32, #tpu.memory_space<vmem_shared>> -> memref<10112xf32, #tpu.memory_space<vmem_shared>>
        tpu.wait_indirect_dma semaphore(%arg32 : memref<!tpu.dma_semaphore, #tpu.memory_space<semaphore_mem>>) src(%arg16 : memref<128xf32, #tpu.memory_space<vmem>>) dst(%dma_wait3A_434 : memref<10112xf32, #tpu.memory_space<vmem_shared>>)
      } else {
      }
      %add3A_242 = arith.constant 2 : i32
      %add3A_243 = arith.addi %add3A_232, %add3A_242 : i32
      %lt3A_244 = arith.cmpi slt, %add3A_243, %select_n3A : i32
      %convert_element_type3A_245 = arith.extui %lt3A_244 : i1 to i32
      %cond3A_246 = arith.constant 0 : i32
      %cond3A_247 = arith.cmpi ne, %convert_element_type3A_245, %cond3A_246 : i32
      scf.if %cond3A_247 {
        %add3A_420 = arith.constant 2 : i32
        %add3A_421 = arith.addi %add3A_232, %add3A_420 : i32
        %mul3A_422 = arith.constant 128 : i32
        %mul3A_423 = arith.muli %add3A_421, %mul3A_422 : i32
        %add3A_424 = arith.addi %mul3A_2, %mul3A_423 : i32
        %dma_start3A_425 = arith.constant 0 : i32
        %dma_start3A_426 = arith.constant 0 : i32
        %dma_start3A_427 = arith.constant 0 : i32
        %dma_start3A_428 = tpu.memref_slice %arg12[%dma_start3A_426, %dma_start3A_425, %dma_start3A_427] : memref<2x1x128xi32, #tpu.memory_space<vmem>> -> memref<2x1x128xi32, #tpu.memory_space<vmem>>
        %dma_start3A_429 = tpu.memref_squeeze %dma_start3A_428 : memref<2x1x128xi32, #tpu.memory_space<vmem>> -> memref<2x128xi32, #tpu.memory_space<vmem>>
        %dma_start3A_430 = arith.constant 0 : i32
        %dma_start3A_431 = tpu.memref_slice %arg3[%dma_start3A_430, %add3A_424] : memref<2x320000xi32, #tpu.memory_space<hbm>> -> memref<2x128xi32, #tpu.memory_space<hbm>>
        %dma_start3A_432 = arith.constant 0 : i32
        %dma_start3A_433 = arith.constant 0 : i32
        %dma_start3A_434 = tpu.memref_slice %arg12[%dma_start3A_432, %dma_start3A_425, %dma_start3A_433] : memref<2x1x128xi32, #tpu.memory_space<vmem>> -> memref<2x1x128xi32, #tpu.memory_space<vmem>>
        %dma_start3A_435 = tpu.memref_squeeze %dma_start3A_434 : memref<2x1x128xi32, #tpu.memory_space<vmem>> -> memref<2x128xi32, #tpu.memory_space<vmem>>
        %dma_start3A_436 = arith.constant 0 : i32
        %dma_start3A_437 = tpu.memref_slice %arg3[%dma_start3A_436, %add3A_424] : memref<2x320000xi32, #tpu.memory_space<hbm>> -> memref<2x128xi32, #tpu.memory_space<hbm>>
        tpu.enqueue_dma source(%dma_start3A_437 : memref<2x128xi32, #tpu.memory_space<hbm>>) target(%dma_start3A_435 : memref<2x128xi32, #tpu.memory_space<vmem>>) target_semaphore(%arg22 : memref<!tpu.dma_semaphore, #tpu.memory_space<semaphore_mem>>)
      } else {
      }
      %add3A_248 = arith.constant 1 : i32
      %add3A_249 = arith.addi %add3A_232, %add3A_248 : i32
      %lt3A_250 = arith.cmpi slt, %add3A_249, %select_n3A : i32
      %convert_element_type3A_251 = arith.extui %lt3A_250 : i1 to i32
      %cond3A_252 = arith.constant 0 : i32
      %cond3A_253 = arith.cmpi ne, %convert_element_type3A_251, %cond3A_252 : i32
      scf.if %cond3A_253 {
        %add3A_420 = arith.constant 1 : i32
        %add3A_421 = arith.addi %add3A_232, %add3A_420 : i32
        %mul3A_422 = arith.constant 128 : i32
        %mul3A_423 = arith.muli %add3A_421, %mul3A_422 : i32
        %add3A_424 = arith.addi %mul3A_2, %mul3A_423 : i32
        %dma_wait3A_425 = arith.constant 0 : i32
        %dma_wait3A_426 = arith.constant 0 : i32
        %dma_wait3A_427 = arith.constant 0 : i32
        %dma_wait3A_428 = tpu.memref_slice %arg11[%dma_wait3A_426, %dma_wait3A_425, %dma_wait3A_427] : memref<2x1x128xi32, #tpu.memory_space<vmem>> -> memref<2x1x128xi32, #tpu.memory_space<vmem>>
        %dma_wait3A_429 = tpu.memref_squeeze %dma_wait3A_428 : memref<2x1x128xi32, #tpu.memory_space<vmem>> -> memref<2x128xi32, #tpu.memory_space<vmem>>
        %dma_wait3A_430 = arith.constant 0 : i32
        %dma_wait3A_431 = tpu.memref_slice %arg3[%dma_wait3A_430, %add3A_424] : memref<2x320000xi32, #tpu.memory_space<hbm>> -> memref<2x128xi32, #tpu.memory_space<hbm>>
        %dma_wait3A_432 = arith.constant 0 : i32
        %dma_wait3A_433 = arith.constant 0 : i32
        %dma_wait3A_434 = tpu.memref_slice %arg11[%dma_wait3A_432, %dma_wait3A_425, %dma_wait3A_433] : memref<2x1x128xi32, #tpu.memory_space<vmem>> -> memref<2x1x128xi32, #tpu.memory_space<vmem>>
        %dma_wait3A_435 = tpu.memref_squeeze %dma_wait3A_434 : memref<2x1x128xi32, #tpu.memory_space<vmem>> -> memref<2x128xi32, #tpu.memory_space<vmem>>
        %dma_wait3A_436 = arith.constant 0 : i32
        %dma_wait3A_437 = tpu.memref_slice %arg3[%dma_wait3A_436, %add3A_424] : memref<2x320000xi32, #tpu.memory_space<hbm>> -> memref<2x128xi32, #tpu.memory_space<hbm>>
        tpu.wait_dma2 semaphore(%arg21 : memref<!tpu.dma_semaphore, #tpu.memory_space<semaphore_mem>>) src(%dma_wait3A_437 : memref<2x128xi32, #tpu.memory_space<hbm>>) dst(%dma_wait3A_435 : memref<2x128xi32, #tpu.memory_space<vmem>>)
        %dma_start3A_438 = arith.constant 0 : i32
        %dma_start3A_439 = arith.constant 0 : i32
        %dma_start3A_440 = arith.constant 0 : i32
        %dma_start3A_441 = tpu.memref_slice %arg11[%dma_start3A_438, %dma_start3A_439, %dma_start3A_440] : memref<2x1x128xi32, #tpu.memory_space<vmem>> -> memref<1x1x128xi32, #tpu.memory_space<vmem>>
        %dma_start3A_442 = tpu.memref_squeeze %dma_start3A_441 : memref<1x1x128xi32, #tpu.memory_space<vmem>> -> memref<128xi32, #tpu.memory_space<vmem>>
        %dma_start3A_443 = arith.constant 0 : i32
        %dma_start3A_444 = arith.constant 0 : i32
        %dma_start3A_445 = tpu.memref_slice %arg2[%dma_start3A_443, %dma_start3A_444] : memref<10000x128xf32, #tpu.memory_space<hbm>> -> memref<10000x128xf32, #tpu.memory_space<hbm>>
        tpu.enqueue_indirect_dma source(%dma_start3A_445 : memref<10000x128xf32, #tpu.memory_space<hbm>>) target(%arg13 : memref<128x128xf32, #tpu.memory_space<vmem>>) offsets(%dma_start3A_442 : memref<128xi32, #tpu.memory_space<vmem>>) semaphore(%arg23 : memref<!tpu.dma_semaphore, #tpu.memory_space<semaphore_mem>>)
      } else {
      }
      %lt3A_254 = arith.cmpi slt, %add3A_232, %select_n3A : i32
      %convert_element_type3A_255 = arith.extui %lt3A_254 : i1 to i32
      %cond3A_256 = arith.constant 0 : i32
      %cond3A_257 = arith.cmpi ne, %convert_element_type3A_255, %cond3A_256 : i32
      scf.if %cond3A_257 {
        %dma_wait3A_420 = arith.constant 0 : i32
        %dma_wait3A_421 = arith.constant 0 : i32
        %dma_wait3A_422 = arith.constant 0 : i32
        %dma_wait3A_423 = tpu.memref_slice %arg10[%dma_wait3A_420, %dma_wait3A_421, %dma_wait3A_422] : memref<2x1x128xi32, #tpu.memory_space<vmem>> -> memref<1x1x128xi32, #tpu.memory_space<vmem>>
        %dma_wait3A_424 = tpu.memref_squeeze %dma_wait3A_423 : memref<1x1x128xi32, #tpu.memory_space<vmem>> -> memref<128xi32, #tpu.memory_space<vmem>>
        %dma_wait3A_425 = arith.constant 0 : i32
        %dma_wait3A_426 = arith.constant 0 : i32
        %dma_wait3A_427 = tpu.memref_slice %arg2[%dma_wait3A_425, %dma_wait3A_426] : memref<10000x128xf32, #tpu.memory_space<hbm>> -> memref<10000x128xf32, #tpu.memory_space<hbm>>
        tpu.wait_indirect_dma semaphore(%arg25 : memref<!tpu.dma_semaphore, #tpu.memory_space<semaphore_mem>>) src(%dma_wait3A_427 : memref<10000x128xf32, #tpu.memory_space<hbm>>) dst(%arg15 : memref<128x128xf32, #tpu.memory_space<vmem>>)
        %dma_start3A_428 = arith.constant 1 : i32
        %dma_start3A_429 = arith.constant 0 : i32
        %dma_start3A_430 = arith.constant 0 : i32
        %dma_start3A_431 = tpu.memref_slice %arg10[%dma_start3A_428, %dma_start3A_429, %dma_start3A_430] : memref<2x1x128xi32, #tpu.memory_space<vmem>> -> memref<1x1x128xi32, #tpu.memory_space<vmem>>
        %dma_start3A_432 = tpu.memref_squeeze %dma_start3A_431 : memref<1x1x128xi32, #tpu.memory_space<vmem>> -> memref<128xi32, #tpu.memory_space<vmem>>
        %dma_start3A_433 = arith.constant 0 : i32
        %dma_start3A_434 = arith.constant 0 : i32
        %dma_start3A_435 = tpu.memref_slice %arg17[%dma_start3A_433, %dma_start3A_434] : memref<10016x128xf32, #tpu.memory_space<vmem_shared>> -> memref<10016x128xf32, #tpu.memory_space<vmem_shared>>
        tpu.enqueue_indirect_dma source(%arg15 : memref<128x128xf32, #tpu.memory_space<vmem>>) target(%dma_start3A_435 : memref<10016x128xf32, #tpu.memory_space<vmem_shared>>) offsets(%dma_start3A_432 : memref<128xi32, #tpu.memory_space<vmem>>) semaphore(%arg28 : memref<!tpu.dma_semaphore, #tpu.memory_space<semaphore_mem>>) {add = true}
        %dma_start3A_436 = arith.constant 1 : i32
        %dma_start3A_437 = arith.constant 0 : i32
        %dma_start3A_438 = arith.constant 0 : i32
        %dma_start3A_439 = tpu.memref_slice %arg10[%dma_start3A_436, %dma_start3A_437, %dma_start3A_438] : memref<2x1x128xi32, #tpu.memory_space<vmem>> -> memref<1x1x128xi32, #tpu.memory_space<vmem>>
        %dma_start3A_440 = tpu.memref_squeeze %dma_start3A_439 : memref<1x1x128xi32, #tpu.memory_space<vmem>> -> memref<128xi32, #tpu.memory_space<vmem>>
        %dma_start3A_441 = arith.constant 0 : i32
        %dma_start3A_442 = tpu.memref_slice %arg18[%dma_start3A_441] : memref<10112xf32, #tpu.memory_space<vmem_shared>> -> memref<10112xf32, #tpu.memory_space<vmem_shared>>
        tpu.enqueue_indirect_dma source(%arg16 : memref<128xf32, #tpu.memory_space<vmem>>) target(%dma_start3A_442 : memref<10112xf32, #tpu.memory_space<vmem_shared>>) offsets(%dma_start3A_440 : memref<128xi32, #tpu.memory_space<vmem>>) semaphore(%arg30 : memref<!tpu.dma_semaphore, #tpu.memory_space<semaphore_mem>>) {add = true}
      } else {
      }
      %add3A_258 = arith.constant 6 : i32
      %add3A_259 = arith.addi %mul3A_99, %add3A_258 : i32
      %ge3A_260 = arith.constant 2 : i32
      %ge3A_261 = arith.cmpi sge, %add3A_259, %ge3A_260 : i32
      %sub3A_262 = arith.constant 2 : i32
      %sub3A_263 = arith.subi %add3A_259, %sub3A_262 : i32
      %lt3A_264 = arith.cmpi slt, %sub3A_263, %select_n3A : i32
      %and3A_265 = arith.andi %ge3A_261, %lt3A_264 : i1
      %convert_element_type3A_266 = arith.extui %and3A_265 : i1 to i32
      %cond3A_267 = arith.constant 0 : i32
      %cond3A_268 = arith.cmpi ne, %convert_element_type3A_266, %cond3A_267 : i32
      scf.if %cond3A_268 {
        %dma_wait3A_420 = arith.constant 1 : i32
        %dma_wait3A_421 = arith.constant 0 : i32
        %dma_wait3A_422 = arith.constant 0 : i32
        %dma_wait3A_423 = tpu.memref_slice %arg9[%dma_wait3A_420, %dma_wait3A_421, %dma_wait3A_422] : memref<2x1x128xi32, #tpu.memory_space<vmem>> -> memref<1x1x128xi32, #tpu.memory_space<vmem>>
        %dma_wait3A_424 = tpu.memref_squeeze %dma_wait3A_423 : memref<1x1x128xi32, #tpu.memory_space<vmem>> -> memref<128xi32, #tpu.memory_space<vmem>>
        %dma_wait3A_425 = arith.constant 0 : i32
        %dma_wait3A_426 = arith.constant 0 : i32
        %dma_wait3A_427 = tpu.memref_slice %arg17[%dma_wait3A_425, %dma_wait3A_426] : memref<10016x128xf32, #tpu.memory_space<vmem_shared>> -> memref<10016x128xf32, #tpu.memory_space<vmem_shared>>
        tpu.wait_indirect_dma semaphore(%arg27 : memref<!tpu.dma_semaphore, #tpu.memory_space<semaphore_mem>>) src(%arg14 : memref<128x128xf32, #tpu.memory_space<vmem>>) dst(%dma_wait3A_427 : memref<10016x128xf32, #tpu.memory_space<vmem_shared>>)
        %dma_wait3A_428 = arith.constant 1 : i32
        %dma_wait3A_429 = arith.constant 0 : i32
        %dma_wait3A_430 = arith.constant 0 : i32
        %dma_wait3A_431 = tpu.memref_slice %arg9[%dma_wait3A_428, %dma_wait3A_429, %dma_wait3A_430] : memref<2x1x128xi32, #tpu.memory_space<vmem>> -> memref<1x1x128xi32, #tpu.memory_space<vmem>>
        %dma_wait3A_432 = tpu.memref_squeeze %dma_wait3A_431 : memref<1x1x128xi32, #tpu.memory_space<vmem>> -> memref<128xi32, #tpu.memory_space<vmem>>
        %dma_wait3A_433 = arith.constant 0 : i32
        %dma_wait3A_434 = tpu.memref_slice %arg18[%dma_wait3A_433] : memref<10112xf32, #tpu.memory_space<vmem_shared>> -> memref<10112xf32, #tpu.memory_space<vmem_shared>>
        tpu.wait_indirect_dma semaphore(%arg29 : memref<!tpu.dma_semaphore, #tpu.memory_space<semaphore_mem>>) src(%arg16 : memref<128xf32, #tpu.memory_space<vmem>>) dst(%dma_wait3A_434 : memref<10112xf32, #tpu.memory_space<vmem_shared>>)
      } else {
      }
      %add3A_269 = arith.constant 2 : i32
      %add3A_270 = arith.addi %add3A_259, %add3A_269 : i32
      %lt3A_271 = arith.cmpi slt, %add3A_270, %select_n3A : i32
      %convert_element_type3A_272 = arith.extui %lt3A_271 : i1 to i32
      %cond3A_273 = arith.constant 0 : i32
      %cond3A_274 = arith.cmpi ne, %convert_element_type3A_272, %cond3A_273 : i32
      scf.if %cond3A_274 {
        %add3A_420 = arith.constant 2 : i32
        %add3A_421 = arith.addi %add3A_259, %add3A_420 : i32
        %mul3A_422 = arith.constant 128 : i32
        %mul3A_423 = arith.muli %add3A_421, %mul3A_422 : i32
        %add3A_424 = arith.addi %mul3A_2, %mul3A_423 : i32
        %dma_start3A_425 = arith.constant 0 : i32
        %dma_start3A_426 = arith.constant 0 : i32
        %dma_start3A_427 = arith.constant 0 : i32
        %dma_start3A_428 = tpu.memref_slice %arg9[%dma_start3A_426, %dma_start3A_425, %dma_start3A_427] : memref<2x1x128xi32, #tpu.memory_space<vmem>> -> memref<2x1x128xi32, #tpu.memory_space<vmem>>
        %dma_start3A_429 = tpu.memref_squeeze %dma_start3A_428 : memref<2x1x128xi32, #tpu.memory_space<vmem>> -> memref<2x128xi32, #tpu.memory_space<vmem>>
        %dma_start3A_430 = arith.constant 0 : i32
        %dma_start3A_431 = tpu.memref_slice %arg3[%dma_start3A_430, %add3A_424] : memref<2x320000xi32, #tpu.memory_space<hbm>> -> memref<2x128xi32, #tpu.memory_space<hbm>>
        %dma_start3A_432 = arith.constant 0 : i32
        %dma_start3A_433 = arith.constant 0 : i32
        %dma_start3A_434 = tpu.memref_slice %arg9[%dma_start3A_432, %dma_start3A_425, %dma_start3A_433] : memref<2x1x128xi32, #tpu.memory_space<vmem>> -> memref<2x1x128xi32, #tpu.memory_space<vmem>>
        %dma_start3A_435 = tpu.memref_squeeze %dma_start3A_434 : memref<2x1x128xi32, #tpu.memory_space<vmem>> -> memref<2x128xi32, #tpu.memory_space<vmem>>
        %dma_start3A_436 = arith.constant 0 : i32
        %dma_start3A_437 = tpu.memref_slice %arg3[%dma_start3A_436, %add3A_424] : memref<2x320000xi32, #tpu.memory_space<hbm>> -> memref<2x128xi32, #tpu.memory_space<hbm>>
        tpu.enqueue_dma source(%dma_start3A_437 : memref<2x128xi32, #tpu.memory_space<hbm>>) target(%dma_start3A_435 : memref<2x128xi32, #tpu.memory_space<vmem>>) target_semaphore(%arg19 : memref<!tpu.dma_semaphore, #tpu.memory_space<semaphore_mem>>)
      } else {
      }
      %add3A_275 = arith.constant 1 : i32
      %add3A_276 = arith.addi %add3A_259, %add3A_275 : i32
      %lt3A_277 = arith.cmpi slt, %add3A_276, %select_n3A : i32
      %convert_element_type3A_278 = arith.extui %lt3A_277 : i1 to i32
      %cond3A_279 = arith.constant 0 : i32
      %cond3A_280 = arith.cmpi ne, %convert_element_type3A_278, %cond3A_279 : i32
      scf.if %cond3A_280 {
        %add3A_420 = arith.constant 1 : i32
        %add3A_421 = arith.addi %add3A_259, %add3A_420 : i32
        %mul3A_422 = arith.constant 128 : i32
        %mul3A_423 = arith.muli %add3A_421, %mul3A_422 : i32
        %add3A_424 = arith.addi %mul3A_2, %mul3A_423 : i32
        %dma_wait3A_425 = arith.constant 0 : i32
        %dma_wait3A_426 = arith.constant 0 : i32
        %dma_wait3A_427 = arith.constant 0 : i32
        %dma_wait3A_428 = tpu.memref_slice %arg12[%dma_wait3A_426, %dma_wait3A_425, %dma_wait3A_427] : memref<2x1x128xi32, #tpu.memory_space<vmem>> -> memref<2x1x128xi32, #tpu.memory_space<vmem>>
        %dma_wait3A_429 = tpu.memref_squeeze %dma_wait3A_428 : memref<2x1x128xi32, #tpu.memory_space<vmem>> -> memref<2x128xi32, #tpu.memory_space<vmem>>
        %dma_wait3A_430 = arith.constant 0 : i32
        %dma_wait3A_431 = tpu.memref_slice %arg3[%dma_wait3A_430, %add3A_424] : memref<2x320000xi32, #tpu.memory_space<hbm>> -> memref<2x128xi32, #tpu.memory_space<hbm>>
        %dma_wait3A_432 = arith.constant 0 : i32
        %dma_wait3A_433 = arith.constant 0 : i32
        %dma_wait3A_434 = tpu.memref_slice %arg12[%dma_wait3A_432, %dma_wait3A_425, %dma_wait3A_433] : memref<2x1x128xi32, #tpu.memory_space<vmem>> -> memref<2x1x128xi32, #tpu.memory_space<vmem>>
        %dma_wait3A_435 = tpu.memref_squeeze %dma_wait3A_434 : memref<2x1x128xi32, #tpu.memory_space<vmem>> -> memref<2x128xi32, #tpu.memory_space<vmem>>
        %dma_wait3A_436 = arith.constant 0 : i32
        %dma_wait3A_437 = tpu.memref_slice %arg3[%dma_wait3A_436, %add3A_424] : memref<2x320000xi32, #tpu.memory_space<hbm>> -> memref<2x128xi32, #tpu.memory_space<hbm>>
        tpu.wait_dma2 semaphore(%arg22 : memref<!tpu.dma_semaphore, #tpu.memory_space<semaphore_mem>>) src(%dma_wait3A_437 : memref<2x128xi32, #tpu.memory_space<hbm>>) dst(%dma_wait3A_435 : memref<2x128xi32, #tpu.memory_space<vmem>>)
        %dma_start3A_438 = arith.constant 0 : i32
        %dma_start3A_439 = arith.constant 0 : i32
        %dma_start3A_440 = arith.constant 0 : i32
        %dma_start3A_441 = tpu.memref_slice %arg12[%dma_start3A_438, %dma_start3A_439, %dma_start3A_440] : memref<2x1x128xi32, #tpu.memory_space<vmem>> -> memref<1x1x128xi32, #tpu.memory_space<vmem>>
        %dma_start3A_442 = tpu.memref_squeeze %dma_start3A_441 : memref<1x1x128xi32, #tpu.memory_space<vmem>> -> memref<128xi32, #tpu.memory_space<vmem>>
        %dma_start3A_443 = arith.constant 0 : i32
        %dma_start3A_444 = arith.constant 0 : i32
        %dma_start3A_445 = tpu.memref_slice %arg2[%dma_start3A_443, %dma_start3A_444] : memref<10000x128xf32, #tpu.memory_space<hbm>> -> memref<10000x128xf32, #tpu.memory_space<hbm>>
        tpu.enqueue_indirect_dma source(%dma_start3A_445 : memref<10000x128xf32, #tpu.memory_space<hbm>>) target(%arg14 : memref<128x128xf32, #tpu.memory_space<vmem>>) offsets(%dma_start3A_442 : memref<128xi32, #tpu.memory_space<vmem>>) semaphore(%arg24 : memref<!tpu.dma_semaphore, #tpu.memory_space<semaphore_mem>>)
      } else {
      }
      %lt3A_281 = arith.cmpi slt, %add3A_259, %select_n3A : i32
      %convert_element_type3A_282 = arith.extui %lt3A_281 : i1 to i32
      %cond3A_283 = arith.constant 0 : i32
      %cond3A_284 = arith.cmpi ne, %convert_element_type3A_282, %cond3A_283 : i32
      scf.if %cond3A_284 {
        %dma_wait3A_420 = arith.constant 0 : i32
        %dma_wait3A_421 = arith.constant 0 : i32
        %dma_wait3A_422 = arith.constant 0 : i32
        %dma_wait3A_423 = tpu.memref_slice %arg11[%dma_wait3A_420, %dma_wait3A_421, %dma_wait3A_422] : memref<2x1x128xi32, #tpu.memory_space<vmem>> -> memref<1x1x128xi32, #tpu.memory_space<vmem>>
        %dma_wait3A_424 = tpu.memref_squeeze %dma_wait3A_423 : memref<1x1x128xi32, #tpu.memory_space<vmem>> -> memref<128xi32, #tpu.memory_space<vmem>>
        %dma_wait3A_425 = arith.constant 0 : i32
        %dma_wait3A_426 = arith.constant 0 : i32
        %dma_wait3A_427 = tpu.memref_slice %arg2[%dma_wait3A_425, %dma_wait3A_426] : memref<10000x128xf32, #tpu.memory_space<hbm>> -> memref<10000x128xf32, #tpu.memory_space<hbm>>
        tpu.wait_indirect_dma semaphore(%arg23 : memref<!tpu.dma_semaphore, #tpu.memory_space<semaphore_mem>>) src(%dma_wait3A_427 : memref<10000x128xf32, #tpu.memory_space<hbm>>) dst(%arg13 : memref<128x128xf32, #tpu.memory_space<vmem>>)
        %dma_start3A_428 = arith.constant 1 : i32
        %dma_start3A_429 = arith.constant 0 : i32
        %dma_start3A_430 = arith.constant 0 : i32
        %dma_start3A_431 = tpu.memref_slice %arg11[%dma_start3A_428, %dma_start3A_429, %dma_start3A_430] : memref<2x1x128xi32, #tpu.memory_space<vmem>> -> memref<1x1x128xi32, #tpu.memory_space<vmem>>
        %dma_start3A_432 = tpu.memref_squeeze %dma_start3A_431 : memref<1x1x128xi32, #tpu.memory_space<vmem>> -> memref<128xi32, #tpu.memory_space<vmem>>
        %dma_start3A_433 = arith.constant 0 : i32
        %dma_start3A_434 = arith.constant 0 : i32
        %dma_start3A_435 = tpu.memref_slice %arg17[%dma_start3A_433, %dma_start3A_434] : memref<10016x128xf32, #tpu.memory_space<vmem_shared>> -> memref<10016x128xf32, #tpu.memory_space<vmem_shared>>
        tpu.enqueue_indirect_dma source(%arg13 : memref<128x128xf32, #tpu.memory_space<vmem>>) target(%dma_start3A_435 : memref<10016x128xf32, #tpu.memory_space<vmem_shared>>) offsets(%dma_start3A_432 : memref<128xi32, #tpu.memory_space<vmem>>) semaphore(%arg26 : memref<!tpu.dma_semaphore, #tpu.memory_space<semaphore_mem>>) {add = true}
        %dma_start3A_436 = arith.constant 1 : i32
        %dma_start3A_437 = arith.constant 0 : i32
        %dma_start3A_438 = arith.constant 0 : i32
        %dma_start3A_439 = tpu.memref_slice %arg11[%dma_start3A_436, %dma_start3A_437, %dma_start3A_438] : memref<2x1x128xi32, #tpu.memory_space<vmem>> -> memref<1x1x128xi32, #tpu.memory_space<vmem>>
        %dma_start3A_440 = tpu.memref_squeeze %dma_start3A_439 : memref<1x1x128xi32, #tpu.memory_space<vmem>> -> memref<128xi32, #tpu.memory_space<vmem>>
        %dma_start3A_441 = arith.constant 0 : i32
        %dma_start3A_442 = tpu.memref_slice %arg18[%dma_start3A_441] : memref<10112xf32, #tpu.memory_space<vmem_shared>> -> memref<10112xf32, #tpu.memory_space<vmem_shared>>
        tpu.enqueue_indirect_dma source(%arg16 : memref<128xf32, #tpu.memory_space<vmem>>) target(%dma_start3A_442 : memref<10112xf32, #tpu.memory_space<vmem_shared>>) offsets(%dma_start3A_440 : memref<128xi32, #tpu.memory_space<vmem>>) semaphore(%arg31 : memref<!tpu.dma_semaphore, #tpu.memory_space<semaphore_mem>>) {add = true}
      } else {
      }
      %add3A_285 = arith.constant 7 : i32
      %add3A_286 = arith.addi %mul3A_99, %add3A_285 : i32
      %ge3A_287 = arith.constant 2 : i32
      %ge3A_288 = arith.cmpi sge, %add3A_286, %ge3A_287 : i32
      %sub3A_289 = arith.constant 2 : i32
      %sub3A_290 = arith.subi %add3A_286, %sub3A_289 : i32
      %lt3A_291 = arith.cmpi slt, %sub3A_290, %select_n3A : i32
      %and3A_292 = arith.andi %ge3A_288, %lt3A_291 : i1
      %convert_element_type3A_293 = arith.extui %and3A_292 : i1 to i32
      %cond3A_294 = arith.constant 0 : i32
      %cond3A_295 = arith.cmpi ne, %convert_element_type3A_293, %cond3A_294 : i32
      scf.if %cond3A_295 {
        %dma_wait3A_420 = arith.constant 1 : i32
        %dma_wait3A_421 = arith.constant 0 : i32
        %dma_wait3A_422 = arith.constant 0 : i32
        %dma_wait3A_423 = tpu.memref_slice %arg10[%dma_wait3A_420, %dma_wait3A_421, %dma_wait3A_422] : memref<2x1x128xi32, #tpu.memory_space<vmem>> -> memref<1x1x128xi32, #tpu.memory_space<vmem>>
        %dma_wait3A_424 = tpu.memref_squeeze %dma_wait3A_423 : memref<1x1x128xi32, #tpu.memory_space<vmem>> -> memref<128xi32, #tpu.memory_space<vmem>>
        %dma_wait3A_425 = arith.constant 0 : i32
        %dma_wait3A_426 = arith.constant 0 : i32
        %dma_wait3A_427 = tpu.memref_slice %arg17[%dma_wait3A_425, %dma_wait3A_426] : memref<10016x128xf32, #tpu.memory_space<vmem_shared>> -> memref<10016x128xf32, #tpu.memory_space<vmem_shared>>
        tpu.wait_indirect_dma semaphore(%arg28 : memref<!tpu.dma_semaphore, #tpu.memory_space<semaphore_mem>>) src(%arg15 : memref<128x128xf32, #tpu.memory_space<vmem>>) dst(%dma_wait3A_427 : memref<10016x128xf32, #tpu.memory_space<vmem_shared>>)
        %dma_wait3A_428 = arith.constant 1 : i32
        %dma_wait3A_429 = arith.constant 0 : i32
        %dma_wait3A_430 = arith.constant 0 : i32
        %dma_wait3A_431 = tpu.memref_slice %arg10[%dma_wait3A_428, %dma_wait3A_429, %dma_wait3A_430] : memref<2x1x128xi32, #tpu.memory_space<vmem>> -> memref<1x1x128xi32, #tpu.memory_space<vmem>>
        %dma_wait3A_432 = tpu.memref_squeeze %dma_wait3A_431 : memref<1x1x128xi32, #tpu.memory_space<vmem>> -> memref<128xi32, #tpu.memory_space<vmem>>
        %dma_wait3A_433 = arith.constant 0 : i32
        %dma_wait3A_434 = tpu.memref_slice %arg18[%dma_wait3A_433] : memref<10112xf32, #tpu.memory_space<vmem_shared>> -> memref<10112xf32, #tpu.memory_space<vmem_shared>>
        tpu.wait_indirect_dma semaphore(%arg30 : memref<!tpu.dma_semaphore, #tpu.memory_space<semaphore_mem>>) src(%arg16 : memref<128xf32, #tpu.memory_space<vmem>>) dst(%dma_wait3A_434 : memref<10112xf32, #tpu.memory_space<vmem_shared>>)
      } else {
      }
      %add3A_296 = arith.constant 2 : i32
      %add3A_297 = arith.addi %add3A_286, %add3A_296 : i32
      %lt3A_298 = arith.cmpi slt, %add3A_297, %select_n3A : i32
      %convert_element_type3A_299 = arith.extui %lt3A_298 : i1 to i32
      %cond3A_300 = arith.constant 0 : i32
      %cond3A_301 = arith.cmpi ne, %convert_element_type3A_299, %cond3A_300 : i32
      scf.if %cond3A_301 {
        %add3A_420 = arith.constant 2 : i32
        %add3A_421 = arith.addi %add3A_286, %add3A_420 : i32
        %mul3A_422 = arith.constant 128 : i32
        %mul3A_423 = arith.muli %add3A_421, %mul3A_422 : i32
        %add3A_424 = arith.addi %mul3A_2, %mul3A_423 : i32
        %dma_start3A_425 = arith.constant 0 : i32
        %dma_start3A_426 = arith.constant 0 : i32
        %dma_start3A_427 = arith.constant 0 : i32
        %dma_start3A_428 = tpu.memref_slice %arg10[%dma_start3A_426, %dma_start3A_425, %dma_start3A_427] : memref<2x1x128xi32, #tpu.memory_space<vmem>> -> memref<2x1x128xi32, #tpu.memory_space<vmem>>
        %dma_start3A_429 = tpu.memref_squeeze %dma_start3A_428 : memref<2x1x128xi32, #tpu.memory_space<vmem>> -> memref<2x128xi32, #tpu.memory_space<vmem>>
        %dma_start3A_430 = arith.constant 0 : i32
        %dma_start3A_431 = tpu.memref_slice %arg3[%dma_start3A_430, %add3A_424] : memref<2x320000xi32, #tpu.memory_space<hbm>> -> memref<2x128xi32, #tpu.memory_space<hbm>>
        %dma_start3A_432 = arith.constant 0 : i32
        %dma_start3A_433 = arith.constant 0 : i32
        %dma_start3A_434 = tpu.memref_slice %arg10[%dma_start3A_432, %dma_start3A_425, %dma_start3A_433] : memref<2x1x128xi32, #tpu.memory_space<vmem>> -> memref<2x1x128xi32, #tpu.memory_space<vmem>>
        %dma_start3A_435 = tpu.memref_squeeze %dma_start3A_434 : memref<2x1x128xi32, #tpu.memory_space<vmem>> -> memref<2x128xi32, #tpu.memory_space<vmem>>
        %dma_start3A_436 = arith.constant 0 : i32
        %dma_start3A_437 = tpu.memref_slice %arg3[%dma_start3A_436, %add3A_424] : memref<2x320000xi32, #tpu.memory_space<hbm>> -> memref<2x128xi32, #tpu.memory_space<hbm>>
        tpu.enqueue_dma source(%dma_start3A_437 : memref<2x128xi32, #tpu.memory_space<hbm>>) target(%dma_start3A_435 : memref<2x128xi32, #tpu.memory_space<vmem>>) target_semaphore(%arg20 : memref<!tpu.dma_semaphore, #tpu.memory_space<semaphore_mem>>)
      } else {
      }
      %add3A_302 = arith.constant 1 : i32
      %add3A_303 = arith.addi %add3A_286, %add3A_302 : i32
      %lt3A_304 = arith.cmpi slt, %add3A_303, %select_n3A : i32
      %convert_element_type3A_305 = arith.extui %lt3A_304 : i1 to i32
      %cond3A_306 = arith.constant 0 : i32
      %cond3A_307 = arith.cmpi ne, %convert_element_type3A_305, %cond3A_306 : i32
      scf.if %cond3A_307 {
        %add3A_420 = arith.constant 1 : i32
        %add3A_421 = arith.addi %add3A_286, %add3A_420 : i32
        %mul3A_422 = arith.constant 128 : i32
        %mul3A_423 = arith.muli %add3A_421, %mul3A_422 : i32
        %add3A_424 = arith.addi %mul3A_2, %mul3A_423 : i32
        %dma_wait3A_425 = arith.constant 0 : i32
        %dma_wait3A_426 = arith.constant 0 : i32
        %dma_wait3A_427 = arith.constant 0 : i32
        %dma_wait3A_428 = tpu.memref_slice %arg9[%dma_wait3A_426, %dma_wait3A_425, %dma_wait3A_427] : memref<2x1x128xi32, #tpu.memory_space<vmem>> -> memref<2x1x128xi32, #tpu.memory_space<vmem>>
        %dma_wait3A_429 = tpu.memref_squeeze %dma_wait3A_428 : memref<2x1x128xi32, #tpu.memory_space<vmem>> -> memref<2x128xi32, #tpu.memory_space<vmem>>
        %dma_wait3A_430 = arith.constant 0 : i32
        %dma_wait3A_431 = tpu.memref_slice %arg3[%dma_wait3A_430, %add3A_424] : memref<2x320000xi32, #tpu.memory_space<hbm>> -> memref<2x128xi32, #tpu.memory_space<hbm>>
        %dma_wait3A_432 = arith.constant 0 : i32
        %dma_wait3A_433 = arith.constant 0 : i32
        %dma_wait3A_434 = tpu.memref_slice %arg9[%dma_wait3A_432, %dma_wait3A_425, %dma_wait3A_433] : memref<2x1x128xi32, #tpu.memory_space<vmem>> -> memref<2x1x128xi32, #tpu.memory_space<vmem>>
        %dma_wait3A_435 = tpu.memref_squeeze %dma_wait3A_434 : memref<2x1x128xi32, #tpu.memory_space<vmem>> -> memref<2x128xi32, #tpu.memory_space<vmem>>
        %dma_wait3A_436 = arith.constant 0 : i32
        %dma_wait3A_437 = tpu.memref_slice %arg3[%dma_wait3A_436, %add3A_424] : memref<2x320000xi32, #tpu.memory_space<hbm>> -> memref<2x128xi32, #tpu.memory_space<hbm>>
        tpu.wait_dma2 semaphore(%arg19 : memref<!tpu.dma_semaphore, #tpu.memory_space<semaphore_mem>>) src(%dma_wait3A_437 : memref<2x128xi32, #tpu.memory_space<hbm>>) dst(%dma_wait3A_435 : memref<2x128xi32, #tpu.memory_space<vmem>>)
        %dma_start3A_438 = arith.constant 0 : i32
        %dma_start3A_439 = arith.constant 0 : i32
        %dma_start3A_440 = arith.constant 0 : i32
        %dma_start3A_441 = tpu.memref_slice %arg9[%dma_start3A_438, %dma_start3A_439, %dma_start3A_440] : memref<2x1x128xi32, #tpu.memory_space<vmem>> -> memref<1x1x128xi32, #tpu.memory_space<vmem>>
        %dma_start3A_442 = tpu.memref_squeeze %dma_start3A_441 : memref<1x1x128xi32, #tpu.memory_space<vmem>> -> memref<128xi32, #tpu.memory_space<vmem>>
        %dma_start3A_443 = arith.constant 0 : i32
        %dma_start3A_444 = arith.constant 0 : i32
        %dma_start3A_445 = tpu.memref_slice %arg2[%dma_start3A_443, %dma_start3A_444] : memref<10000x128xf32, #tpu.memory_space<hbm>> -> memref<10000x128xf32, #tpu.memory_space<hbm>>
        tpu.enqueue_indirect_dma source(%dma_start3A_445 : memref<10000x128xf32, #tpu.memory_space<hbm>>) target(%arg15 : memref<128x128xf32, #tpu.memory_space<vmem>>) offsets(%dma_start3A_442 : memref<128xi32, #tpu.memory_space<vmem>>) semaphore(%arg25 : memref<!tpu.dma_semaphore, #tpu.memory_space<semaphore_mem>>)
      } else {
      }
      %lt3A_308 = arith.cmpi slt, %add3A_286, %select_n3A : i32
      %convert_element_type3A_309 = arith.extui %lt3A_308 : i1 to i32
      %cond3A_310 = arith.constant 0 : i32
      %cond3A_311 = arith.cmpi ne, %convert_element_type3A_309, %cond3A_310 : i32
      scf.if %cond3A_311 {
        %dma_wait3A_420 = arith.constant 0 : i32
        %dma_wait3A_421 = arith.constant 0 : i32
        %dma_wait3A_422 = arith.constant 0 : i32
        %dma_wait3A_423 = tpu.memref_slice %arg12[%dma_wait3A_420, %dma_wait3A_421, %dma_wait3A_422] : memref<2x1x128xi32, #tpu.memory_space<vmem>> -> memref<1x1x128xi32, #tpu.memory_space<vmem>>
        %dma_wait3A_424 = tpu.memref_squeeze %dma_wait3A_423 : memref<1x1x128xi32, #tpu.memory_space<vmem>> -> memref<128xi32, #tpu.memory_space<vmem>>
        %dma_wait3A_425 = arith.constant 0 : i32
        %dma_wait3A_426 = arith.constant 0 : i32
        %dma_wait3A_427 = tpu.memref_slice %arg2[%dma_wait3A_425, %dma_wait3A_426] : memref<10000x128xf32, #tpu.memory_space<hbm>> -> memref<10000x128xf32, #tpu.memory_space<hbm>>
        tpu.wait_indirect_dma semaphore(%arg24 : memref<!tpu.dma_semaphore, #tpu.memory_space<semaphore_mem>>) src(%dma_wait3A_427 : memref<10000x128xf32, #tpu.memory_space<hbm>>) dst(%arg14 : memref<128x128xf32, #tpu.memory_space<vmem>>)
        %dma_start3A_428 = arith.constant 1 : i32
        %dma_start3A_429 = arith.constant 0 : i32
        %dma_start3A_430 = arith.constant 0 : i32
        %dma_start3A_431 = tpu.memref_slice %arg12[%dma_start3A_428, %dma_start3A_429, %dma_start3A_430] : memref<2x1x128xi32, #tpu.memory_space<vmem>> -> memref<1x1x128xi32, #tpu.memory_space<vmem>>
        %dma_start3A_432 = tpu.memref_squeeze %dma_start3A_431 : memref<1x1x128xi32, #tpu.memory_space<vmem>> -> memref<128xi32, #tpu.memory_space<vmem>>
        %dma_start3A_433 = arith.constant 0 : i32
        %dma_start3A_434 = arith.constant 0 : i32
        %dma_start3A_435 = tpu.memref_slice %arg17[%dma_start3A_433, %dma_start3A_434] : memref<10016x128xf32, #tpu.memory_space<vmem_shared>> -> memref<10016x128xf32, #tpu.memory_space<vmem_shared>>
        tpu.enqueue_indirect_dma source(%arg14 : memref<128x128xf32, #tpu.memory_space<vmem>>) target(%dma_start3A_435 : memref<10016x128xf32, #tpu.memory_space<vmem_shared>>) offsets(%dma_start3A_432 : memref<128xi32, #tpu.memory_space<vmem>>) semaphore(%arg27 : memref<!tpu.dma_semaphore, #tpu.memory_space<semaphore_mem>>) {add = true}
        %dma_start3A_436 = arith.constant 1 : i32
        %dma_start3A_437 = arith.constant 0 : i32
        %dma_start3A_438 = arith.constant 0 : i32
        %dma_start3A_439 = tpu.memref_slice %arg12[%dma_start3A_436, %dma_start3A_437, %dma_start3A_438] : memref<2x1x128xi32, #tpu.memory_space<vmem>> -> memref<1x1x128xi32, #tpu.memory_space<vmem>>
        %dma_start3A_440 = tpu.memref_squeeze %dma_start3A_439 : memref<1x1x128xi32, #tpu.memory_space<vmem>> -> memref<128xi32, #tpu.memory_space<vmem>>
        %dma_start3A_441 = arith.constant 0 : i32
        %dma_start3A_442 = tpu.memref_slice %arg18[%dma_start3A_441] : memref<10112xf32, #tpu.memory_space<vmem_shared>> -> memref<10112xf32, #tpu.memory_space<vmem_shared>>
        tpu.enqueue_indirect_dma source(%arg16 : memref<128xf32, #tpu.memory_space<vmem>>) target(%dma_start3A_442 : memref<10112xf32, #tpu.memory_space<vmem_shared>>) offsets(%dma_start3A_440 : memref<128xi32, #tpu.memory_space<vmem>>) semaphore(%arg32 : memref<!tpu.dma_semaphore, #tpu.memory_space<semaphore_mem>>) {add = true}
      } else {
      }
      %add3A_312 = arith.constant 8 : i32
      %add3A_313 = arith.addi %mul3A_99, %add3A_312 : i32
      %ge3A_314 = arith.constant 2 : i32
      %ge3A_315 = arith.cmpi sge, %add3A_313, %ge3A_314 : i32
      %sub3A_316 = arith.constant 2 : i32
      %sub3A_317 = arith.subi %add3A_313, %sub3A_316 : i32
      %lt3A_318 = arith.cmpi slt, %sub3A_317, %select_n3A : i32
      %and3A_319 = arith.andi %ge3A_315, %lt3A_318 : i1
      %convert_element_type3A_320 = arith.extui %and3A_319 : i1 to i32
      %cond3A_321 = arith.constant 0 : i32
      %cond3A_322 = arith.cmpi ne, %convert_element_type3A_320, %cond3A_321 : i32
      scf.if %cond3A_322 {
        %dma_wait3A_420 = arith.constant 1 : i32
        %dma_wait3A_421 = arith.constant 0 : i32
        %dma_wait3A_422 = arith.constant 0 : i32
        %dma_wait3A_423 = tpu.memref_slice %arg11[%dma_wait3A_420, %dma_wait3A_421, %dma_wait3A_422] : memref<2x1x128xi32, #tpu.memory_space<vmem>> -> memref<1x1x128xi32, #tpu.memory_space<vmem>>
        %dma_wait3A_424 = tpu.memref_squeeze %dma_wait3A_423 : memref<1x1x128xi32, #tpu.memory_space<vmem>> -> memref<128xi32, #tpu.memory_space<vmem>>
        %dma_wait3A_425 = arith.constant 0 : i32
        %dma_wait3A_426 = arith.constant 0 : i32
        %dma_wait3A_427 = tpu.memref_slice %arg17[%dma_wait3A_425, %dma_wait3A_426] : memref<10016x128xf32, #tpu.memory_space<vmem_shared>> -> memref<10016x128xf32, #tpu.memory_space<vmem_shared>>
        tpu.wait_indirect_dma semaphore(%arg26 : memref<!tpu.dma_semaphore, #tpu.memory_space<semaphore_mem>>) src(%arg13 : memref<128x128xf32, #tpu.memory_space<vmem>>) dst(%dma_wait3A_427 : memref<10016x128xf32, #tpu.memory_space<vmem_shared>>)
        %dma_wait3A_428 = arith.constant 1 : i32
        %dma_wait3A_429 = arith.constant 0 : i32
        %dma_wait3A_430 = arith.constant 0 : i32
        %dma_wait3A_431 = tpu.memref_slice %arg11[%dma_wait3A_428, %dma_wait3A_429, %dma_wait3A_430] : memref<2x1x128xi32, #tpu.memory_space<vmem>> -> memref<1x1x128xi32, #tpu.memory_space<vmem>>
        %dma_wait3A_432 = tpu.memref_squeeze %dma_wait3A_431 : memref<1x1x128xi32, #tpu.memory_space<vmem>> -> memref<128xi32, #tpu.memory_space<vmem>>
        %dma_wait3A_433 = arith.constant 0 : i32
        %dma_wait3A_434 = tpu.memref_slice %arg18[%dma_wait3A_433] : memref<10112xf32, #tpu.memory_space<vmem_shared>> -> memref<10112xf32, #tpu.memory_space<vmem_shared>>
        tpu.wait_indirect_dma semaphore(%arg31 : memref<!tpu.dma_semaphore, #tpu.memory_space<semaphore_mem>>) src(%arg16 : memref<128xf32, #tpu.memory_space<vmem>>) dst(%dma_wait3A_434 : memref<10112xf32, #tpu.memory_space<vmem_shared>>)
      } else {
      }
      %add3A_323 = arith.constant 2 : i32
      %add3A_324 = arith.addi %add3A_313, %add3A_323 : i32
      %lt3A_325 = arith.cmpi slt, %add3A_324, %select_n3A : i32
      %convert_element_type3A_326 = arith.extui %lt3A_325 : i1 to i32
      %cond3A_327 = arith.constant 0 : i32
      %cond3A_328 = arith.cmpi ne, %convert_element_type3A_326, %cond3A_327 : i32
      scf.if %cond3A_328 {
        %add3A_420 = arith.constant 2 : i32
        %add3A_421 = arith.addi %add3A_313, %add3A_420 : i32
        %mul3A_422 = arith.constant 128 : i32
        %mul3A_423 = arith.muli %add3A_421, %mul3A_422 : i32
        %add3A_424 = arith.addi %mul3A_2, %mul3A_423 : i32
        %dma_start3A_425 = arith.constant 0 : i32
        %dma_start3A_426 = arith.constant 0 : i32
        %dma_start3A_427 = arith.constant 0 : i32
        %dma_start3A_428 = tpu.memref_slice %arg11[%dma_start3A_426, %dma_start3A_425, %dma_start3A_427] : memref<2x1x128xi32, #tpu.memory_space<vmem>> -> memref<2x1x128xi32, #tpu.memory_space<vmem>>
        %dma_start3A_429 = tpu.memref_squeeze %dma_start3A_428 : memref<2x1x128xi32, #tpu.memory_space<vmem>> -> memref<2x128xi32, #tpu.memory_space<vmem>>
        %dma_start3A_430 = arith.constant 0 : i32
        %dma_start3A_431 = tpu.memref_slice %arg3[%dma_start3A_430, %add3A_424] : memref<2x320000xi32, #tpu.memory_space<hbm>> -> memref<2x128xi32, #tpu.memory_space<hbm>>
        %dma_start3A_432 = arith.constant 0 : i32
        %dma_start3A_433 = arith.constant 0 : i32
        %dma_start3A_434 = tpu.memref_slice %arg11[%dma_start3A_432, %dma_start3A_425, %dma_start3A_433] : memref<2x1x128xi32, #tpu.memory_space<vmem>> -> memref<2x1x128xi32, #tpu.memory_space<vmem>>
        %dma_start3A_435 = tpu.memref_squeeze %dma_start3A_434 : memref<2x1x128xi32, #tpu.memory_space<vmem>> -> memref<2x128xi32, #tpu.memory_space<vmem>>
        %dma_start3A_436 = arith.constant 0 : i32
        %dma_start3A_437 = tpu.memref_slice %arg3[%dma_start3A_436, %add3A_424] : memref<2x320000xi32, #tpu.memory_space<hbm>> -> memref<2x128xi32, #tpu.memory_space<hbm>>
        tpu.enqueue_dma source(%dma_start3A_437 : memref<2x128xi32, #tpu.memory_space<hbm>>) target(%dma_start3A_435 : memref<2x128xi32, #tpu.memory_space<vmem>>) target_semaphore(%arg21 : memref<!tpu.dma_semaphore, #tpu.memory_space<semaphore_mem>>)
      } else {
      }
      %add3A_329 = arith.constant 1 : i32
      %add3A_330 = arith.addi %add3A_313, %add3A_329 : i32
      %lt3A_331 = arith.cmpi slt, %add3A_330, %select_n3A : i32
      %convert_element_type3A_332 = arith.extui %lt3A_331 : i1 to i32
      %cond3A_333 = arith.constant 0 : i32
      %cond3A_334 = arith.cmpi ne, %convert_element_type3A_332, %cond3A_333 : i32
      scf.if %cond3A_334 {
        %add3A_420 = arith.constant 1 : i32
        %add3A_421 = arith.addi %add3A_313, %add3A_420 : i32
        %mul3A_422 = arith.constant 128 : i32
        %mul3A_423 = arith.muli %add3A_421, %mul3A_422 : i32
        %add3A_424 = arith.addi %mul3A_2, %mul3A_423 : i32
        %dma_wait3A_425 = arith.constant 0 : i32
        %dma_wait3A_426 = arith.constant 0 : i32
        %dma_wait3A_427 = arith.constant 0 : i32
        %dma_wait3A_428 = tpu.memref_slice %arg10[%dma_wait3A_426, %dma_wait3A_425, %dma_wait3A_427] : memref<2x1x128xi32, #tpu.memory_space<vmem>> -> memref<2x1x128xi32, #tpu.memory_space<vmem>>
        %dma_wait3A_429 = tpu.memref_squeeze %dma_wait3A_428 : memref<2x1x128xi32, #tpu.memory_space<vmem>> -> memref<2x128xi32, #tpu.memory_space<vmem>>
        %dma_wait3A_430 = arith.constant 0 : i32
        %dma_wait3A_431 = tpu.memref_slice %arg3[%dma_wait3A_430, %add3A_424] : memref<2x320000xi32, #tpu.memory_space<hbm>> -> memref<2x128xi32, #tpu.memory_space<hbm>>
        %dma_wait3A_432 = arith.constant 0 : i32
        %dma_wait3A_433 = arith.constant 0 : i32
        %dma_wait3A_434 = tpu.memref_slice %arg10[%dma_wait3A_432, %dma_wait3A_425, %dma_wait3A_433] : memref<2x1x128xi32, #tpu.memory_space<vmem>> -> memref<2x1x128xi32, #tpu.memory_space<vmem>>
        %dma_wait3A_435 = tpu.memref_squeeze %dma_wait3A_434 : memref<2x1x128xi32, #tpu.memory_space<vmem>> -> memref<2x128xi32, #tpu.memory_space<vmem>>
        %dma_wait3A_436 = arith.constant 0 : i32
        %dma_wait3A_437 = tpu.memref_slice %arg3[%dma_wait3A_436, %add3A_424] : memref<2x320000xi32, #tpu.memory_space<hbm>> -> memref<2x128xi32, #tpu.memory_space<hbm>>
        tpu.wait_dma2 semaphore(%arg20 : memref<!tpu.dma_semaphore, #tpu.memory_space<semaphore_mem>>) src(%dma_wait3A_437 : memref<2x128xi32, #tpu.memory_space<hbm>>) dst(%dma_wait3A_435 : memref<2x128xi32, #tpu.memory_space<vmem>>)
        %dma_start3A_438 = arith.constant 0 : i32
        %dma_start3A_439 = arith.constant 0 : i32
        %dma_start3A_440 = arith.constant 0 : i32
        %dma_start3A_441 = tpu.memref_slice %arg10[%dma_start3A_438, %dma_start3A_439, %dma_start3A_440] : memref<2x1x128xi32, #tpu.memory_space<vmem>> -> memref<1x1x128xi32, #tpu.memory_space<vmem>>
        %dma_start3A_442 = tpu.memref_squeeze %dma_start3A_441 : memref<1x1x128xi32, #tpu.memory_space<vmem>> -> memref<128xi32, #tpu.memory_space<vmem>>
        %dma_start3A_443 = arith.constant 0 : i32
        %dma_start3A_444 = arith.constant 0 : i32
        %dma_start3A_445 = tpu.memref_slice %arg2[%dma_start3A_443, %dma_start3A_444] : memref<10000x128xf32, #tpu.memory_space<hbm>> -> memref<10000x128xf32, #tpu.memory_space<hbm>>
        tpu.enqueue_indirect_dma source(%dma_start3A_445 : memref<10000x128xf32, #tpu.memory_space<hbm>>) target(%arg13 : memref<128x128xf32, #tpu.memory_space<vmem>>) offsets(%dma_start3A_442 : memref<128xi32, #tpu.memory_space<vmem>>) semaphore(%arg23 : memref<!tpu.dma_semaphore, #tpu.memory_space<semaphore_mem>>)
      } else {
      }
      %lt3A_335 = arith.cmpi slt, %add3A_313, %select_n3A : i32
      %convert_element_type3A_336 = arith.extui %lt3A_335 : i1 to i32
      %cond3A_337 = arith.constant 0 : i32
      %cond3A_338 = arith.cmpi ne, %convert_element_type3A_336, %cond3A_337 : i32
      scf.if %cond3A_338 {
        %dma_wait3A_420 = arith.constant 0 : i32
        %dma_wait3A_421 = arith.constant 0 : i32
        %dma_wait3A_422 = arith.constant 0 : i32
        %dma_wait3A_423 = tpu.memref_slice %arg9[%dma_wait3A_420, %dma_wait3A_421, %dma_wait3A_422] : memref<2x1x128xi32, #tpu.memory_space<vmem>> -> memref<1x1x128xi32, #tpu.memory_space<vmem>>
        %dma_wait3A_424 = tpu.memref_squeeze %dma_wait3A_423 : memref<1x1x128xi32, #tpu.memory_space<vmem>> -> memref<128xi32, #tpu.memory_space<vmem>>
        %dma_wait3A_425 = arith.constant 0 : i32
        %dma_wait3A_426 = arith.constant 0 : i32
        %dma_wait3A_427 = tpu.memref_slice %arg2[%dma_wait3A_425, %dma_wait3A_426] : memref<10000x128xf32, #tpu.memory_space<hbm>> -> memref<10000x128xf32, #tpu.memory_space<hbm>>
        tpu.wait_indirect_dma semaphore(%arg25 : memref<!tpu.dma_semaphore, #tpu.memory_space<semaphore_mem>>) src(%dma_wait3A_427 : memref<10000x128xf32, #tpu.memory_space<hbm>>) dst(%arg15 : memref<128x128xf32, #tpu.memory_space<vmem>>)
        %dma_start3A_428 = arith.constant 1 : i32
        %dma_start3A_429 = arith.constant 0 : i32
        %dma_start3A_430 = arith.constant 0 : i32
        %dma_start3A_431 = tpu.memref_slice %arg9[%dma_start3A_428, %dma_start3A_429, %dma_start3A_430] : memref<2x1x128xi32, #tpu.memory_space<vmem>> -> memref<1x1x128xi32, #tpu.memory_space<vmem>>
        %dma_start3A_432 = tpu.memref_squeeze %dma_start3A_431 : memref<1x1x128xi32, #tpu.memory_space<vmem>> -> memref<128xi32, #tpu.memory_space<vmem>>
        %dma_start3A_433 = arith.constant 0 : i32
        %dma_start3A_434 = arith.constant 0 : i32
        %dma_start3A_435 = tpu.memref_slice %arg17[%dma_start3A_433, %dma_start3A_434] : memref<10016x128xf32, #tpu.memory_space<vmem_shared>> -> memref<10016x128xf32, #tpu.memory_space<vmem_shared>>
        tpu.enqueue_indirect_dma source(%arg15 : memref<128x128xf32, #tpu.memory_space<vmem>>) target(%dma_start3A_435 : memref<10016x128xf32, #tpu.memory_space<vmem_shared>>) offsets(%dma_start3A_432 : memref<128xi32, #tpu.memory_space<vmem>>) semaphore(%arg28 : memref<!tpu.dma_semaphore, #tpu.memory_space<semaphore_mem>>) {add = true}
        %dma_start3A_436 = arith.constant 1 : i32
        %dma_start3A_437 = arith.constant 0 : i32
        %dma_start3A_438 = arith.constant 0 : i32
        %dma_start3A_439 = tpu.memref_slice %arg9[%dma_start3A_436, %dma_start3A_437, %dma_start3A_438] : memref<2x1x128xi32, #tpu.memory_space<vmem>> -> memref<1x1x128xi32, #tpu.memory_space<vmem>>
        %dma_start3A_440 = tpu.memref_squeeze %dma_start3A_439 : memref<1x1x128xi32, #tpu.memory_space<vmem>> -> memref<128xi32, #tpu.memory_space<vmem>>
        %dma_start3A_441 = arith.constant 0 : i32
        %dma_start3A_442 = tpu.memref_slice %arg18[%dma_start3A_441] : memref<10112xf32, #tpu.memory_space<vmem_shared>> -> memref<10112xf32, #tpu.memory_space<vmem_shared>>
        tpu.enqueue_indirect_dma source(%arg16 : memref<128xf32, #tpu.memory_space<vmem>>) target(%dma_start3A_442 : memref<10112xf32, #tpu.memory_space<vmem_shared>>) offsets(%dma_start3A_440 : memref<128xi32, #tpu.memory_space<vmem>>) semaphore(%arg29 : memref<!tpu.dma_semaphore, #tpu.memory_space<semaphore_mem>>) {add = true}
      } else {
      }
      %add3A_339 = arith.constant 9 : i32
      %add3A_340 = arith.addi %mul3A_99, %add3A_339 : i32
      %ge3A_341 = arith.constant 2 : i32
      %ge3A_342 = arith.cmpi sge, %add3A_340, %ge3A_341 : i32
      %sub3A_343 = arith.constant 2 : i32
      %sub3A_344 = arith.subi %add3A_340, %sub3A_343 : i32
      %lt3A_345 = arith.cmpi slt, %sub3A_344, %select_n3A : i32
      %and3A_346 = arith.andi %ge3A_342, %lt3A_345 : i1
      %convert_element_type3A_347 = arith.extui %and3A_346 : i1 to i32
      %cond3A_348 = arith.constant 0 : i32
      %cond3A_349 = arith.cmpi ne, %convert_element_type3A_347, %cond3A_348 : i32
      scf.if %cond3A_349 {
        %dma_wait3A_420 = arith.constant 1 : i32
        %dma_wait3A_421 = arith.constant 0 : i32
        %dma_wait3A_422 = arith.constant 0 : i32
        %dma_wait3A_423 = tpu.memref_slice %arg12[%dma_wait3A_420, %dma_wait3A_421, %dma_wait3A_422] : memref<2x1x128xi32, #tpu.memory_space<vmem>> -> memref<1x1x128xi32, #tpu.memory_space<vmem>>
        %dma_wait3A_424 = tpu.memref_squeeze %dma_wait3A_423 : memref<1x1x128xi32, #tpu.memory_space<vmem>> -> memref<128xi32, #tpu.memory_space<vmem>>
        %dma_wait3A_425 = arith.constant 0 : i32
        %dma_wait3A_426 = arith.constant 0 : i32
        %dma_wait3A_427 = tpu.memref_slice %arg17[%dma_wait3A_425, %dma_wait3A_426] : memref<10016x128xf32, #tpu.memory_space<vmem_shared>> -> memref<10016x128xf32, #tpu.memory_space<vmem_shared>>
        tpu.wait_indirect_dma semaphore(%arg27 : memref<!tpu.dma_semaphore, #tpu.memory_space<semaphore_mem>>) src(%arg14 : memref<128x128xf32, #tpu.memory_space<vmem>>) dst(%dma_wait3A_427 : memref<10016x128xf32, #tpu.memory_space<vmem_shared>>)
        %dma_wait3A_428 = arith.constant 1 : i32
        %dma_wait3A_429 = arith.constant 0 : i32
        %dma_wait3A_430 = arith.constant 0 : i32
        %dma_wait3A_431 = tpu.memref_slice %arg12[%dma_wait3A_428, %dma_wait3A_429, %dma_wait3A_430] : memref<2x1x128xi32, #tpu.memory_space<vmem>> -> memref<1x1x128xi32, #tpu.memory_space<vmem>>
        %dma_wait3A_432 = tpu.memref_squeeze %dma_wait3A_431 : memref<1x1x128xi32, #tpu.memory_space<vmem>> -> memref<128xi32, #tpu.memory_space<vmem>>
        %dma_wait3A_433 = arith.constant 0 : i32
        %dma_wait3A_434 = tpu.memref_slice %arg18[%dma_wait3A_433] : memref<10112xf32, #tpu.memory_space<vmem_shared>> -> memref<10112xf32, #tpu.memory_space<vmem_shared>>
        tpu.wait_indirect_dma semaphore(%arg32 : memref<!tpu.dma_semaphore, #tpu.memory_space<semaphore_mem>>) src(%arg16 : memref<128xf32, #tpu.memory_space<vmem>>) dst(%dma_wait3A_434 : memref<10112xf32, #tpu.memory_space<vmem_shared>>)
      } else {
      }
      %add3A_350 = arith.constant 2 : i32
      %add3A_351 = arith.addi %add3A_340, %add3A_350 : i32
      %lt3A_352 = arith.cmpi slt, %add3A_351, %select_n3A : i32
      %convert_element_type3A_353 = arith.extui %lt3A_352 : i1 to i32
      %cond3A_354 = arith.constant 0 : i32
      %cond3A_355 = arith.cmpi ne, %convert_element_type3A_353, %cond3A_354 : i32
      scf.if %cond3A_355 {
        %add3A_420 = arith.constant 2 : i32
        %add3A_421 = arith.addi %add3A_340, %add3A_420 : i32
        %mul3A_422 = arith.constant 128 : i32
        %mul3A_423 = arith.muli %add3A_421, %mul3A_422 : i32
        %add3A_424 = arith.addi %mul3A_2, %mul3A_423 : i32
        %dma_start3A_425 = arith.constant 0 : i32
        %dma_start3A_426 = arith.constant 0 : i32
        %dma_start3A_427 = arith.constant 0 : i32
        %dma_start3A_428 = tpu.memref_slice %arg12[%dma_start3A_426, %dma_start3A_425, %dma_start3A_427] : memref<2x1x128xi32, #tpu.memory_space<vmem>> -> memref<2x1x128xi32, #tpu.memory_space<vmem>>
        %dma_start3A_429 = tpu.memref_squeeze %dma_start3A_428 : memref<2x1x128xi32, #tpu.memory_space<vmem>> -> memref<2x128xi32, #tpu.memory_space<vmem>>
        %dma_start3A_430 = arith.constant 0 : i32
        %dma_start3A_431 = tpu.memref_slice %arg3[%dma_start3A_430, %add3A_424] : memref<2x320000xi32, #tpu.memory_space<hbm>> -> memref<2x128xi32, #tpu.memory_space<hbm>>
        %dma_start3A_432 = arith.constant 0 : i32
        %dma_start3A_433 = arith.constant 0 : i32
        %dma_start3A_434 = tpu.memref_slice %arg12[%dma_start3A_432, %dma_start3A_425, %dma_start3A_433] : memref<2x1x128xi32, #tpu.memory_space<vmem>> -> memref<2x1x128xi32, #tpu.memory_space<vmem>>
        %dma_start3A_435 = tpu.memref_squeeze %dma_start3A_434 : memref<2x1x128xi32, #tpu.memory_space<vmem>> -> memref<2x128xi32, #tpu.memory_space<vmem>>
        %dma_start3A_436 = arith.constant 0 : i32
        %dma_start3A_437 = tpu.memref_slice %arg3[%dma_start3A_436, %add3A_424] : memref<2x320000xi32, #tpu.memory_space<hbm>> -> memref<2x128xi32, #tpu.memory_space<hbm>>
        tpu.enqueue_dma source(%dma_start3A_437 : memref<2x128xi32, #tpu.memory_space<hbm>>) target(%dma_start3A_435 : memref<2x128xi32, #tpu.memory_space<vmem>>) target_semaphore(%arg22 : memref<!tpu.dma_semaphore, #tpu.memory_space<semaphore_mem>>)
      } else {
      }
      %add3A_356 = arith.constant 1 : i32
      %add3A_357 = arith.addi %add3A_340, %add3A_356 : i32
      %lt3A_358 = arith.cmpi slt, %add3A_357, %select_n3A : i32
      %convert_element_type3A_359 = arith.extui %lt3A_358 : i1 to i32
      %cond3A_360 = arith.constant 0 : i32
      %cond3A_361 = arith.cmpi ne, %convert_element_type3A_359, %cond3A_360 : i32
      scf.if %cond3A_361 {
        %add3A_420 = arith.constant 1 : i32
        %add3A_421 = arith.addi %add3A_340, %add3A_420 : i32
        %mul3A_422 = arith.constant 128 : i32
        %mul3A_423 = arith.muli %add3A_421, %mul3A_422 : i32
        %add3A_424 = arith.addi %mul3A_2, %mul3A_423 : i32
        %dma_wait3A_425 = arith.constant 0 : i32
        %dma_wait3A_426 = arith.constant 0 : i32
        %dma_wait3A_427 = arith.constant 0 : i32
        %dma_wait3A_428 = tpu.memref_slice %arg11[%dma_wait3A_426, %dma_wait3A_425, %dma_wait3A_427] : memref<2x1x128xi32, #tpu.memory_space<vmem>> -> memref<2x1x128xi32, #tpu.memory_space<vmem>>
        %dma_wait3A_429 = tpu.memref_squeeze %dma_wait3A_428 : memref<2x1x128xi32, #tpu.memory_space<vmem>> -> memref<2x128xi32, #tpu.memory_space<vmem>>
        %dma_wait3A_430 = arith.constant 0 : i32
        %dma_wait3A_431 = tpu.memref_slice %arg3[%dma_wait3A_430, %add3A_424] : memref<2x320000xi32, #tpu.memory_space<hbm>> -> memref<2x128xi32, #tpu.memory_space<hbm>>
        %dma_wait3A_432 = arith.constant 0 : i32
        %dma_wait3A_433 = arith.constant 0 : i32
        %dma_wait3A_434 = tpu.memref_slice %arg11[%dma_wait3A_432, %dma_wait3A_425, %dma_wait3A_433] : memref<2x1x128xi32, #tpu.memory_space<vmem>> -> memref<2x1x128xi32, #tpu.memory_space<vmem>>
        %dma_wait3A_435 = tpu.memref_squeeze %dma_wait3A_434 : memref<2x1x128xi32, #tpu.memory_space<vmem>> -> memref<2x128xi32, #tpu.memory_space<vmem>>
        %dma_wait3A_436 = arith.constant 0 : i32
        %dma_wait3A_437 = tpu.memref_slice %arg3[%dma_wait3A_436, %add3A_424] : memref<2x320000xi32, #tpu.memory_space<hbm>> -> memref<2x128xi32, #tpu.memory_space<hbm>>
        tpu.wait_dma2 semaphore(%arg21 : memref<!tpu.dma_semaphore, #tpu.memory_space<semaphore_mem>>) src(%dma_wait3A_437 : memref<2x128xi32, #tpu.memory_space<hbm>>) dst(%dma_wait3A_435 : memref<2x128xi32, #tpu.memory_space<vmem>>)
        %dma_start3A_438 = arith.constant 0 : i32
        %dma_start3A_439 = arith.constant 0 : i32
        %dma_start3A_440 = arith.constant 0 : i32
        %dma_start3A_441 = tpu.memref_slice %arg11[%dma_start3A_438, %dma_start3A_439, %dma_start3A_440] : memref<2x1x128xi32, #tpu.memory_space<vmem>> -> memref<1x1x128xi32, #tpu.memory_space<vmem>>
        %dma_start3A_442 = tpu.memref_squeeze %dma_start3A_441 : memref<1x1x128xi32, #tpu.memory_space<vmem>> -> memref<128xi32, #tpu.memory_space<vmem>>
        %dma_start3A_443 = arith.constant 0 : i32
        %dma_start3A_444 = arith.constant 0 : i32
        %dma_start3A_445 = tpu.memref_slice %arg2[%dma_start3A_443, %dma_start3A_444] : memref<10000x128xf32, #tpu.memory_space<hbm>> -> memref<10000x128xf32, #tpu.memory_space<hbm>>
        tpu.enqueue_indirect_dma source(%dma_start3A_445 : memref<10000x128xf32, #tpu.memory_space<hbm>>) target(%arg14 : memref<128x128xf32, #tpu.memory_space<vmem>>) offsets(%dma_start3A_442 : memref<128xi32, #tpu.memory_space<vmem>>) semaphore(%arg24 : memref<!tpu.dma_semaphore, #tpu.memory_space<semaphore_mem>>)
      } else {
      }
      %lt3A_362 = arith.cmpi slt, %add3A_340, %select_n3A : i32
      %convert_element_type3A_363 = arith.extui %lt3A_362 : i1 to i32
      %cond3A_364 = arith.constant 0 : i32
      %cond3A_365 = arith.cmpi ne, %convert_element_type3A_363, %cond3A_364 : i32
      scf.if %cond3A_365 {
        %dma_wait3A_420 = arith.constant 0 : i32
        %dma_wait3A_421 = arith.constant 0 : i32
        %dma_wait3A_422 = arith.constant 0 : i32
        %dma_wait3A_423 = tpu.memref_slice %arg10[%dma_wait3A_420, %dma_wait3A_421, %dma_wait3A_422] : memref<2x1x128xi32, #tpu.memory_space<vmem>> -> memref<1x1x128xi32, #tpu.memory_space<vmem>>
        %dma_wait3A_424 = tpu.memref_squeeze %dma_wait3A_423 : memref<1x1x128xi32, #tpu.memory_space<vmem>> -> memref<128xi32, #tpu.memory_space<vmem>>
        %dma_wait3A_425 = arith.constant 0 : i32
        %dma_wait3A_426 = arith.constant 0 : i32
        %dma_wait3A_427 = tpu.memref_slice %arg2[%dma_wait3A_425, %dma_wait3A_426] : memref<10000x128xf32, #tpu.memory_space<hbm>> -> memref<10000x128xf32, #tpu.memory_space<hbm>>
        tpu.wait_indirect_dma semaphore(%arg23 : memref<!tpu.dma_semaphore, #tpu.memory_space<semaphore_mem>>) src(%dma_wait3A_427 : memref<10000x128xf32, #tpu.memory_space<hbm>>) dst(%arg13 : memref<128x128xf32, #tpu.memory_space<vmem>>)
        %dma_start3A_428 = arith.constant 1 : i32
        %dma_start3A_429 = arith.constant 0 : i32
        %dma_start3A_430 = arith.constant 0 : i32
        %dma_start3A_431 = tpu.memref_slice %arg10[%dma_start3A_428, %dma_start3A_429, %dma_start3A_430] : memref<2x1x128xi32, #tpu.memory_space<vmem>> -> memref<1x1x128xi32, #tpu.memory_space<vmem>>
        %dma_start3A_432 = tpu.memref_squeeze %dma_start3A_431 : memref<1x1x128xi32, #tpu.memory_space<vmem>> -> memref<128xi32, #tpu.memory_space<vmem>>
        %dma_start3A_433 = arith.constant 0 : i32
        %dma_start3A_434 = arith.constant 0 : i32
        %dma_start3A_435 = tpu.memref_slice %arg17[%dma_start3A_433, %dma_start3A_434] : memref<10016x128xf32, #tpu.memory_space<vmem_shared>> -> memref<10016x128xf32, #tpu.memory_space<vmem_shared>>
        tpu.enqueue_indirect_dma source(%arg13 : memref<128x128xf32, #tpu.memory_space<vmem>>) target(%dma_start3A_435 : memref<10016x128xf32, #tpu.memory_space<vmem_shared>>) offsets(%dma_start3A_432 : memref<128xi32, #tpu.memory_space<vmem>>) semaphore(%arg26 : memref<!tpu.dma_semaphore, #tpu.memory_space<semaphore_mem>>) {add = true}
        %dma_start3A_436 = arith.constant 1 : i32
        %dma_start3A_437 = arith.constant 0 : i32
        %dma_start3A_438 = arith.constant 0 : i32
        %dma_start3A_439 = tpu.memref_slice %arg10[%dma_start3A_436, %dma_start3A_437, %dma_start3A_438] : memref<2x1x128xi32, #tpu.memory_space<vmem>> -> memref<1x1x128xi32, #tpu.memory_space<vmem>>
        %dma_start3A_440 = tpu.memref_squeeze %dma_start3A_439 : memref<1x1x128xi32, #tpu.memory_space<vmem>> -> memref<128xi32, #tpu.memory_space<vmem>>
        %dma_start3A_441 = arith.constant 0 : i32
        %dma_start3A_442 = tpu.memref_slice %arg18[%dma_start3A_441] : memref<10112xf32, #tpu.memory_space<vmem_shared>> -> memref<10112xf32, #tpu.memory_space<vmem_shared>>
        tpu.enqueue_indirect_dma source(%arg16 : memref<128xf32, #tpu.memory_space<vmem>>) target(%dma_start3A_442 : memref<10112xf32, #tpu.memory_space<vmem_shared>>) offsets(%dma_start3A_440 : memref<128xi32, #tpu.memory_space<vmem>>) semaphore(%arg30 : memref<!tpu.dma_semaphore, #tpu.memory_space<semaphore_mem>>) {add = true}
      } else {
      }
      %add3A_366 = arith.constant 10 : i32
      %add3A_367 = arith.addi %mul3A_99, %add3A_366 : i32
      %ge3A_368 = arith.constant 2 : i32
      %ge3A_369 = arith.cmpi sge, %add3A_367, %ge3A_368 : i32
      %sub3A_370 = arith.constant 2 : i32
      %sub3A_371 = arith.subi %add3A_367, %sub3A_370 : i32
      %lt3A_372 = arith.cmpi slt, %sub3A_371, %select_n3A : i32
      %and3A_373 = arith.andi %ge3A_369, %lt3A_372 : i1
      %convert_element_type3A_374 = arith.extui %and3A_373 : i1 to i32
      %cond3A_375 = arith.constant 0 : i32
      %cond3A_376 = arith.cmpi ne, %convert_element_type3A_374, %cond3A_375 : i32
      scf.if %cond3A_376 {
        %dma_wait3A_420 = arith.constant 1 : i32
        %dma_wait3A_421 = arith.constant 0 : i32
        %dma_wait3A_422 = arith.constant 0 : i32
        %dma_wait3A_423 = tpu.memref_slice %arg9[%dma_wait3A_420, %dma_wait3A_421, %dma_wait3A_422] : memref<2x1x128xi32, #tpu.memory_space<vmem>> -> memref<1x1x128xi32, #tpu.memory_space<vmem>>
        %dma_wait3A_424 = tpu.memref_squeeze %dma_wait3A_423 : memref<1x1x128xi32, #tpu.memory_space<vmem>> -> memref<128xi32, #tpu.memory_space<vmem>>
        %dma_wait3A_425 = arith.constant 0 : i32
        %dma_wait3A_426 = arith.constant 0 : i32
        %dma_wait3A_427 = tpu.memref_slice %arg17[%dma_wait3A_425, %dma_wait3A_426] : memref<10016x128xf32, #tpu.memory_space<vmem_shared>> -> memref<10016x128xf32, #tpu.memory_space<vmem_shared>>
        tpu.wait_indirect_dma semaphore(%arg28 : memref<!tpu.dma_semaphore, #tpu.memory_space<semaphore_mem>>) src(%arg15 : memref<128x128xf32, #tpu.memory_space<vmem>>) dst(%dma_wait3A_427 : memref<10016x128xf32, #tpu.memory_space<vmem_shared>>)
        %dma_wait3A_428 = arith.constant 1 : i32
        %dma_wait3A_429 = arith.constant 0 : i32
        %dma_wait3A_430 = arith.constant 0 : i32
        %dma_wait3A_431 = tpu.memref_slice %arg9[%dma_wait3A_428, %dma_wait3A_429, %dma_wait3A_430] : memref<2x1x128xi32, #tpu.memory_space<vmem>> -> memref<1x1x128xi32, #tpu.memory_space<vmem>>
        %dma_wait3A_432 = tpu.memref_squeeze %dma_wait3A_431 : memref<1x1x128xi32, #tpu.memory_space<vmem>> -> memref<128xi32, #tpu.memory_space<vmem>>
        %dma_wait3A_433 = arith.constant 0 : i32
        %dma_wait3A_434 = tpu.memref_slice %arg18[%dma_wait3A_433] : memref<10112xf32, #tpu.memory_space<vmem_shared>> -> memref<10112xf32, #tpu.memory_space<vmem_shared>>
        tpu.wait_indirect_dma semaphore(%arg29 : memref<!tpu.dma_semaphore, #tpu.memory_space<semaphore_mem>>) src(%arg16 : memref<128xf32, #tpu.memory_space<vmem>>) dst(%dma_wait3A_434 : memref<10112xf32, #tpu.memory_space<vmem_shared>>)
      } else {
      }
      %add3A_377 = arith.constant 2 : i32
      %add3A_378 = arith.addi %add3A_367, %add3A_377 : i32
      %lt3A_379 = arith.cmpi slt, %add3A_378, %select_n3A : i32
      %convert_element_type3A_380 = arith.extui %lt3A_379 : i1 to i32
      %cond3A_381 = arith.constant 0 : i32
      %cond3A_382 = arith.cmpi ne, %convert_element_type3A_380, %cond3A_381 : i32
      scf.if %cond3A_382 {
        %add3A_420 = arith.constant 2 : i32
        %add3A_421 = arith.addi %add3A_367, %add3A_420 : i32
        %mul3A_422 = arith.constant 128 : i32
        %mul3A_423 = arith.muli %add3A_421, %mul3A_422 : i32
        %add3A_424 = arith.addi %mul3A_2, %mul3A_423 : i32
        %dma_start3A_425 = arith.constant 0 : i32
        %dma_start3A_426 = arith.constant 0 : i32
        %dma_start3A_427 = arith.constant 0 : i32
        %dma_start3A_428 = tpu.memref_slice %arg9[%dma_start3A_426, %dma_start3A_425, %dma_start3A_427] : memref<2x1x128xi32, #tpu.memory_space<vmem>> -> memref<2x1x128xi32, #tpu.memory_space<vmem>>
        %dma_start3A_429 = tpu.memref_squeeze %dma_start3A_428 : memref<2x1x128xi32, #tpu.memory_space<vmem>> -> memref<2x128xi32, #tpu.memory_space<vmem>>
        %dma_start3A_430 = arith.constant 0 : i32
        %dma_start3A_431 = tpu.memref_slice %arg3[%dma_start3A_430, %add3A_424] : memref<2x320000xi32, #tpu.memory_space<hbm>> -> memref<2x128xi32, #tpu.memory_space<hbm>>
        %dma_start3A_432 = arith.constant 0 : i32
        %dma_start3A_433 = arith.constant 0 : i32
        %dma_start3A_434 = tpu.memref_slice %arg9[%dma_start3A_432, %dma_start3A_425, %dma_start3A_433] : memref<2x1x128xi32, #tpu.memory_space<vmem>> -> memref<2x1x128xi32, #tpu.memory_space<vmem>>
        %dma_start3A_435 = tpu.memref_squeeze %dma_start3A_434 : memref<2x1x128xi32, #tpu.memory_space<vmem>> -> memref<2x128xi32, #tpu.memory_space<vmem>>
        %dma_start3A_436 = arith.constant 0 : i32
        %dma_start3A_437 = tpu.memref_slice %arg3[%dma_start3A_436, %add3A_424] : memref<2x320000xi32, #tpu.memory_space<hbm>> -> memref<2x128xi32, #tpu.memory_space<hbm>>
        tpu.enqueue_dma source(%dma_start3A_437 : memref<2x128xi32, #tpu.memory_space<hbm>>) target(%dma_start3A_435 : memref<2x128xi32, #tpu.memory_space<vmem>>) target_semaphore(%arg19 : memref<!tpu.dma_semaphore, #tpu.memory_space<semaphore_mem>>)
      } else {
      }
      %add3A_383 = arith.constant 1 : i32
      %add3A_384 = arith.addi %add3A_367, %add3A_383 : i32
      %lt3A_385 = arith.cmpi slt, %add3A_384, %select_n3A : i32
      %convert_element_type3A_386 = arith.extui %lt3A_385 : i1 to i32
      %cond3A_387 = arith.constant 0 : i32
      %cond3A_388 = arith.cmpi ne, %convert_element_type3A_386, %cond3A_387 : i32
      scf.if %cond3A_388 {
        %add3A_420 = arith.constant 1 : i32
        %add3A_421 = arith.addi %add3A_367, %add3A_420 : i32
        %mul3A_422 = arith.constant 128 : i32
        %mul3A_423 = arith.muli %add3A_421, %mul3A_422 : i32
        %add3A_424 = arith.addi %mul3A_2, %mul3A_423 : i32
        %dma_wait3A_425 = arith.constant 0 : i32
        %dma_wait3A_426 = arith.constant 0 : i32
        %dma_wait3A_427 = arith.constant 0 : i32
        %dma_wait3A_428 = tpu.memref_slice %arg12[%dma_wait3A_426, %dma_wait3A_425, %dma_wait3A_427] : memref<2x1x128xi32, #tpu.memory_space<vmem>> -> memref<2x1x128xi32, #tpu.memory_space<vmem>>
        %dma_wait3A_429 = tpu.memref_squeeze %dma_wait3A_428 : memref<2x1x128xi32, #tpu.memory_space<vmem>> -> memref<2x128xi32, #tpu.memory_space<vmem>>
        %dma_wait3A_430 = arith.constant 0 : i32
        %dma_wait3A_431 = tpu.memref_slice %arg3[%dma_wait3A_430, %add3A_424] : memref<2x320000xi32, #tpu.memory_space<hbm>> -> memref<2x128xi32, #tpu.memory_space<hbm>>
        %dma_wait3A_432 = arith.constant 0 : i32
        %dma_wait3A_433 = arith.constant 0 : i32
        %dma_wait3A_434 = tpu.memref_slice %arg12[%dma_wait3A_432, %dma_wait3A_425, %dma_wait3A_433] : memref<2x1x128xi32, #tpu.memory_space<vmem>> -> memref<2x1x128xi32, #tpu.memory_space<vmem>>
        %dma_wait3A_435 = tpu.memref_squeeze %dma_wait3A_434 : memref<2x1x128xi32, #tpu.memory_space<vmem>> -> memref<2x128xi32, #tpu.memory_space<vmem>>
        %dma_wait3A_436 = arith.constant 0 : i32
        %dma_wait3A_437 = tpu.memref_slice %arg3[%dma_wait3A_436, %add3A_424] : memref<2x320000xi32, #tpu.memory_space<hbm>> -> memref<2x128xi32, #tpu.memory_space<hbm>>
        tpu.wait_dma2 semaphore(%arg22 : memref<!tpu.dma_semaphore, #tpu.memory_space<semaphore_mem>>) src(%dma_wait3A_437 : memref<2x128xi32, #tpu.memory_space<hbm>>) dst(%dma_wait3A_435 : memref<2x128xi32, #tpu.memory_space<vmem>>)
        %dma_start3A_438 = arith.constant 0 : i32
        %dma_start3A_439 = arith.constant 0 : i32
        %dma_start3A_440 = arith.constant 0 : i32
        %dma_start3A_441 = tpu.memref_slice %arg12[%dma_start3A_438, %dma_start3A_439, %dma_start3A_440] : memref<2x1x128xi32, #tpu.memory_space<vmem>> -> memref<1x1x128xi32, #tpu.memory_space<vmem>>
        %dma_start3A_442 = tpu.memref_squeeze %dma_start3A_441 : memref<1x1x128xi32, #tpu.memory_space<vmem>> -> memref<128xi32, #tpu.memory_space<vmem>>
        %dma_start3A_443 = arith.constant 0 : i32
        %dma_start3A_444 = arith.constant 0 : i32
        %dma_start3A_445 = tpu.memref_slice %arg2[%dma_start3A_443, %dma_start3A_444] : memref<10000x128xf32, #tpu.memory_space<hbm>> -> memref<10000x128xf32, #tpu.memory_space<hbm>>
        tpu.enqueue_indirect_dma source(%dma_start3A_445 : memref<10000x128xf32, #tpu.memory_space<hbm>>) target(%arg15 : memref<128x128xf32, #tpu.memory_space<vmem>>) offsets(%dma_start3A_442 : memref<128xi32, #tpu.memory_space<vmem>>) semaphore(%arg25 : memref<!tpu.dma_semaphore, #tpu.memory_space<semaphore_mem>>)
      } else {
      }
      %lt3A_389 = arith.cmpi slt, %add3A_367, %select_n3A : i32
      %convert_element_type3A_390 = arith.extui %lt3A_389 : i1 to i32
      %cond3A_391 = arith.constant 0 : i32
      %cond3A_392 = arith.cmpi ne, %convert_element_type3A_390, %cond3A_391 : i32
      scf.if %cond3A_392 {
        %dma_wait3A_420 = arith.constant 0 : i32
        %dma_wait3A_421 = arith.constant 0 : i32
        %dma_wait3A_422 = arith.constant 0 : i32
        %dma_wait3A_423 = tpu.memref_slice %arg11[%dma_wait3A_420, %dma_wait3A_421, %dma_wait3A_422] : memref<2x1x128xi32, #tpu.memory_space<vmem>> -> memref<1x1x128xi32, #tpu.memory_space<vmem>>
        %dma_wait3A_424 = tpu.memref_squeeze %dma_wait3A_423 : memref<1x1x128xi32, #tpu.memory_space<vmem>> -> memref<128xi32, #tpu.memory_space<vmem>>
        %dma_wait3A_425 = arith.constant 0 : i32
        %dma_wait3A_426 = arith.constant 0 : i32
        %dma_wait3A_427 = tpu.memref_slice %arg2[%dma_wait3A_425, %dma_wait3A_426] : memref<10000x128xf32, #tpu.memory_space<hbm>> -> memref<10000x128xf32, #tpu.memory_space<hbm>>
        tpu.wait_indirect_dma semaphore(%arg24 : memref<!tpu.dma_semaphore, #tpu.memory_space<semaphore_mem>>) src(%dma_wait3A_427 : memref<10000x128xf32, #tpu.memory_space<hbm>>) dst(%arg14 : memref<128x128xf32, #tpu.memory_space<vmem>>)
        %dma_start3A_428 = arith.constant 1 : i32
        %dma_start3A_429 = arith.constant 0 : i32
        %dma_start3A_430 = arith.constant 0 : i32
        %dma_start3A_431 = tpu.memref_slice %arg11[%dma_start3A_428, %dma_start3A_429, %dma_start3A_430] : memref<2x1x128xi32, #tpu.memory_space<vmem>> -> memref<1x1x128xi32, #tpu.memory_space<vmem>>
        %dma_start3A_432 = tpu.memref_squeeze %dma_start3A_431 : memref<1x1x128xi32, #tpu.memory_space<vmem>> -> memref<128xi32, #tpu.memory_space<vmem>>
        %dma_start3A_433 = arith.constant 0 : i32
        %dma_start3A_434 = arith.constant 0 : i32
        %dma_start3A_435 = tpu.memref_slice %arg17[%dma_start3A_433, %dma_start3A_434] : memref<10016x128xf32, #tpu.memory_space<vmem_shared>> -> memref<10016x128xf32, #tpu.memory_space<vmem_shared>>
        tpu.enqueue_indirect_dma source(%arg14 : memref<128x128xf32, #tpu.memory_space<vmem>>) target(%dma_start3A_435 : memref<10016x128xf32, #tpu.memory_space<vmem_shared>>) offsets(%dma_start3A_432 : memref<128xi32, #tpu.memory_space<vmem>>) semaphore(%arg27 : memref<!tpu.dma_semaphore, #tpu.memory_space<semaphore_mem>>) {add = true}
        %dma_start3A_436 = arith.constant 1 : i32
        %dma_start3A_437 = arith.constant 0 : i32
        %dma_start3A_438 = arith.constant 0 : i32
        %dma_start3A_439 = tpu.memref_slice %arg11[%dma_start3A_436, %dma_start3A_437, %dma_start3A_438] : memref<2x1x128xi32, #tpu.memory_space<vmem>> -> memref<1x1x128xi32, #tpu.memory_space<vmem>>
        %dma_start3A_440 = tpu.memref_squeeze %dma_start3A_439 : memref<1x1x128xi32, #tpu.memory_space<vmem>> -> memref<128xi32, #tpu.memory_space<vmem>>
        %dma_start3A_441 = arith.constant 0 : i32
        %dma_start3A_442 = tpu.memref_slice %arg18[%dma_start3A_441] : memref<10112xf32, #tpu.memory_space<vmem_shared>> -> memref<10112xf32, #tpu.memory_space<vmem_shared>>
        tpu.enqueue_indirect_dma source(%arg16 : memref<128xf32, #tpu.memory_space<vmem>>) target(%dma_start3A_442 : memref<10112xf32, #tpu.memory_space<vmem_shared>>) offsets(%dma_start3A_440 : memref<128xi32, #tpu.memory_space<vmem>>) semaphore(%arg31 : memref<!tpu.dma_semaphore, #tpu.memory_space<semaphore_mem>>) {add = true}
      } else {
      }
      %add3A_393 = arith.constant 11 : i32
      %add3A_394 = arith.addi %mul3A_99, %add3A_393 : i32
      %ge3A_395 = arith.constant 2 : i32
      %ge3A_396 = arith.cmpi sge, %add3A_394, %ge3A_395 : i32
      %sub3A_397 = arith.constant 2 : i32
      %sub3A_398 = arith.subi %add3A_394, %sub3A_397 : i32
      %lt3A_399 = arith.cmpi slt, %sub3A_398, %select_n3A : i32
      %and3A_400 = arith.andi %ge3A_396, %lt3A_399 : i1
      %convert_element_type3A_401 = arith.extui %and3A_400 : i1 to i32
      %cond3A_402 = arith.constant 0 : i32
      %cond3A_403 = arith.cmpi ne, %convert_element_type3A_401, %cond3A_402 : i32
      scf.if %cond3A_403 {
        %dma_wait3A_420 = arith.constant 1 : i32
        %dma_wait3A_421 = arith.constant 0 : i32
        %dma_wait3A_422 = arith.constant 0 : i32
        %dma_wait3A_423 = tpu.memref_slice %arg10[%dma_wait3A_420, %dma_wait3A_421, %dma_wait3A_422] : memref<2x1x128xi32, #tpu.memory_space<vmem>> -> memref<1x1x128xi32, #tpu.memory_space<vmem>>
        %dma_wait3A_424 = tpu.memref_squeeze %dma_wait3A_423 : memref<1x1x128xi32, #tpu.memory_space<vmem>> -> memref<128xi32, #tpu.memory_space<vmem>>
        %dma_wait3A_425 = arith.constant 0 : i32
        %dma_wait3A_426 = arith.constant 0 : i32
        %dma_wait3A_427 = tpu.memref_slice %arg17[%dma_wait3A_425, %dma_wait3A_426] : memref<10016x128xf32, #tpu.memory_space<vmem_shared>> -> memref<10016x128xf32, #tpu.memory_space<vmem_shared>>
        tpu.wait_indirect_dma semaphore(%arg26 : memref<!tpu.dma_semaphore, #tpu.memory_space<semaphore_mem>>) src(%arg13 : memref<128x128xf32, #tpu.memory_space<vmem>>) dst(%dma_wait3A_427 : memref<10016x128xf32, #tpu.memory_space<vmem_shared>>)
        %dma_wait3A_428 = arith.constant 1 : i32
        %dma_wait3A_429 = arith.constant 0 : i32
        %dma_wait3A_430 = arith.constant 0 : i32
        %dma_wait3A_431 = tpu.memref_slice %arg10[%dma_wait3A_428, %dma_wait3A_429, %dma_wait3A_430] : memref<2x1x128xi32, #tpu.memory_space<vmem>> -> memref<1x1x128xi32, #tpu.memory_space<vmem>>
        %dma_wait3A_432 = tpu.memref_squeeze %dma_wait3A_431 : memref<1x1x128xi32, #tpu.memory_space<vmem>> -> memref<128xi32, #tpu.memory_space<vmem>>
        %dma_wait3A_433 = arith.constant 0 : i32
        %dma_wait3A_434 = tpu.memref_slice %arg18[%dma_wait3A_433] : memref<10112xf32, #tpu.memory_space<vmem_shared>> -> memref<10112xf32, #tpu.memory_space<vmem_shared>>
        tpu.wait_indirect_dma semaphore(%arg30 : memref<!tpu.dma_semaphore, #tpu.memory_space<semaphore_mem>>) src(%arg16 : memref<128xf32, #tpu.memory_space<vmem>>) dst(%dma_wait3A_434 : memref<10112xf32, #tpu.memory_space<vmem_shared>>)
      } else {
      }
      %add3A_404 = arith.constant 2 : i32
      %add3A_405 = arith.addi %add3A_394, %add3A_404 : i32
      %lt3A_406 = arith.cmpi slt, %add3A_405, %select_n3A : i32
      %convert_element_type3A_407 = arith.extui %lt3A_406 : i1 to i32
      %cond3A_408 = arith.constant 0 : i32
      %cond3A_409 = arith.cmpi ne, %convert_element_type3A_407, %cond3A_408 : i32
      scf.if %cond3A_409 {
        %add3A_420 = arith.constant 2 : i32
        %add3A_421 = arith.addi %add3A_394, %add3A_420 : i32
        %mul3A_422 = arith.constant 128 : i32
        %mul3A_423 = arith.muli %add3A_421, %mul3A_422 : i32
        %add3A_424 = arith.addi %mul3A_2, %mul3A_423 : i32
        %dma_start3A_425 = arith.constant 0 : i32
        %dma_start3A_426 = arith.constant 0 : i32
        %dma_start3A_427 = arith.constant 0 : i32
        %dma_start3A_428 = tpu.memref_slice %arg10[%dma_start3A_426, %dma_start3A_425, %dma_start3A_427] : memref<2x1x128xi32, #tpu.memory_space<vmem>> -> memref<2x1x128xi32, #tpu.memory_space<vmem>>
        %dma_start3A_429 = tpu.memref_squeeze %dma_start3A_428 : memref<2x1x128xi32, #tpu.memory_space<vmem>> -> memref<2x128xi32, #tpu.memory_space<vmem>>
        %dma_start3A_430 = arith.constant 0 : i32
        %dma_start3A_431 = tpu.memref_slice %arg3[%dma_start3A_430, %add3A_424] : memref<2x320000xi32, #tpu.memory_space<hbm>> -> memref<2x128xi32, #tpu.memory_space<hbm>>
        %dma_start3A_432 = arith.constant 0 : i32
        %dma_start3A_433 = arith.constant 0 : i32
        %dma_start3A_434 = tpu.memref_slice %arg10[%dma_start3A_432, %dma_start3A_425, %dma_start3A_433] : memref<2x1x128xi32, #tpu.memory_space<vmem>> -> memref<2x1x128xi32, #tpu.memory_space<vmem>>
        %dma_start3A_435 = tpu.memref_squeeze %dma_start3A_434 : memref<2x1x128xi32, #tpu.memory_space<vmem>> -> memref<2x128xi32, #tpu.memory_space<vmem>>
        %dma_start3A_436 = arith.constant 0 : i32
        %dma_start3A_437 = tpu.memref_slice %arg3[%dma_start3A_436, %add3A_424] : memref<2x320000xi32, #tpu.memory_space<hbm>> -> memref<2x128xi32, #tpu.memory_space<hbm>>
        tpu.enqueue_dma source(%dma_start3A_437 : memref<2x128xi32, #tpu.memory_space<hbm>>) target(%dma_start3A_435 : memref<2x128xi32, #tpu.memory_space<vmem>>) target_semaphore(%arg20 : memref<!tpu.dma_semaphore, #tpu.memory_space<semaphore_mem>>)
      } else {
      }
      %add3A_410 = arith.constant 1 : i32
      %add3A_411 = arith.addi %add3A_394, %add3A_410 : i32
      %lt3A_412 = arith.cmpi slt, %add3A_411, %select_n3A : i32
      %convert_element_type3A_413 = arith.extui %lt3A_412 : i1 to i32
      %cond3A_414 = arith.constant 0 : i32
      %cond3A_415 = arith.cmpi ne, %convert_element_type3A_413, %cond3A_414 : i32
      scf.if %cond3A_415 {
        %add3A_420 = arith.constant 1 : i32
        %add3A_421 = arith.addi %add3A_394, %add3A_420 : i32
        %mul3A_422 = arith.constant 128 : i32
        %mul3A_423 = arith.muli %add3A_421, %mul3A_422 : i32
        %add3A_424 = arith.addi %mul3A_2, %mul3A_423 : i32
        %dma_wait3A_425 = arith.constant 0 : i32
        %dma_wait3A_426 = arith.constant 0 : i32
        %dma_wait3A_427 = arith.constant 0 : i32
        %dma_wait3A_428 = tpu.memref_slice %arg9[%dma_wait3A_426, %dma_wait3A_425, %dma_wait3A_427] : memref<2x1x128xi32, #tpu.memory_space<vmem>> -> memref<2x1x128xi32, #tpu.memory_space<vmem>>
        %dma_wait3A_429 = tpu.memref_squeeze %dma_wait3A_428 : memref<2x1x128xi32, #tpu.memory_space<vmem>> -> memref<2x128xi32, #tpu.memory_space<vmem>>
        %dma_wait3A_430 = arith.constant 0 : i32
        %dma_wait3A_431 = tpu.memref_slice %arg3[%dma_wait3A_430, %add3A_424] : memref<2x320000xi32, #tpu.memory_space<hbm>> -> memref<2x128xi32, #tpu.memory_space<hbm>>
        %dma_wait3A_432 = arith.constant 0 : i32
        %dma_wait3A_433 = arith.constant 0 : i32
        %dma_wait3A_434 = tpu.memref_slice %arg9[%dma_wait3A_432, %dma_wait3A_425, %dma_wait3A_433] : memref<2x1x128xi32, #tpu.memory_space<vmem>> -> memref<2x1x128xi32, #tpu.memory_space<vmem>>
        %dma_wait3A_435 = tpu.memref_squeeze %dma_wait3A_434 : memref<2x1x128xi32, #tpu.memory_space<vmem>> -> memref<2x128xi32, #tpu.memory_space<vmem>>
        %dma_wait3A_436 = arith.constant 0 : i32
        %dma_wait3A_437 = tpu.memref_slice %arg3[%dma_wait3A_436, %add3A_424] : memref<2x320000xi32, #tpu.memory_space<hbm>> -> memref<2x128xi32, #tpu.memory_space<hbm>>
        tpu.wait_dma2 semaphore(%arg19 : memref<!tpu.dma_semaphore, #tpu.memory_space<semaphore_mem>>) src(%dma_wait3A_437 : memref<2x128xi32, #tpu.memory_space<hbm>>) dst(%dma_wait3A_435 : memref<2x128xi32, #tpu.memory_space<vmem>>)
        %dma_start3A_438 = arith.constant 0 : i32
        %dma_start3A_439 = arith.constant 0 : i32
        %dma_start3A_440 = arith.constant 0 : i32
        %dma_start3A_441 = tpu.memref_slice %arg9[%dma_start3A_438, %dma_start3A_439, %dma_start3A_440] : memref<2x1x128xi32, #tpu.memory_space<vmem>> -> memref<1x1x128xi32, #tpu.memory_space<vmem>>
        %dma_start3A_442 = tpu.memref_squeeze %dma_start3A_441 : memref<1x1x128xi32, #tpu.memory_space<vmem>> -> memref<128xi32, #tpu.memory_space<vmem>>
        %dma_start3A_443 = arith.constant 0 : i32
        %dma_start3A_444 = arith.constant 0 : i32
        %dma_start3A_445 = tpu.memref_slice %arg2[%dma_start3A_443, %dma_start3A_444] : memref<10000x128xf32, #tpu.memory_space<hbm>> -> memref<10000x128xf32, #tpu.memory_space<hbm>>
        tpu.enqueue_indirect_dma source(%dma_start3A_445 : memref<10000x128xf32, #tpu.memory_space<hbm>>) target(%arg13 : memref<128x128xf32, #tpu.memory_space<vmem>>) offsets(%dma_start3A_442 : memref<128xi32, #tpu.memory_space<vmem>>) semaphore(%arg23 : memref<!tpu.dma_semaphore, #tpu.memory_space<semaphore_mem>>)
      } else {
      }
      %lt3A_416 = arith.cmpi slt, %add3A_394, %select_n3A : i32
      %convert_element_type3A_417 = arith.extui %lt3A_416 : i1 to i32
      %cond3A_418 = arith.constant 0 : i32
      %cond3A_419 = arith.cmpi ne, %convert_element_type3A_417, %cond3A_418 : i32
      scf.if %cond3A_419 {
        %dma_wait3A_420 = arith.constant 0 : i32
        %dma_wait3A_421 = arith.constant 0 : i32
        %dma_wait3A_422 = arith.constant 0 : i32
        %dma_wait3A_423 = tpu.memref_slice %arg12[%dma_wait3A_420, %dma_wait3A_421, %dma_wait3A_422] : memref<2x1x128xi32, #tpu.memory_space<vmem>> -> memref<1x1x128xi32, #tpu.memory_space<vmem>>
        %dma_wait3A_424 = tpu.memref_squeeze %dma_wait3A_423 : memref<1x1x128xi32, #tpu.memory_space<vmem>> -> memref<128xi32, #tpu.memory_space<vmem>>
        %dma_wait3A_425 = arith.constant 0 : i32
        %dma_wait3A_426 = arith.constant 0 : i32
        %dma_wait3A_427 = tpu.memref_slice %arg2[%dma_wait3A_425, %dma_wait3A_426] : memref<10000x128xf32, #tpu.memory_space<hbm>> -> memref<10000x128xf32, #tpu.memory_space<hbm>>
        tpu.wait_indirect_dma semaphore(%arg25 : memref<!tpu.dma_semaphore, #tpu.memory_space<semaphore_mem>>) src(%dma_wait3A_427 : memref<10000x128xf32, #tpu.memory_space<hbm>>) dst(%arg15 : memref<128x128xf32, #tpu.memory_space<vmem>>)
        %dma_start3A_428 = arith.constant 1 : i32
        %dma_start3A_429 = arith.constant 0 : i32
        %dma_start3A_430 = arith.constant 0 : i32
        %dma_start3A_431 = tpu.memref_slice %arg12[%dma_start3A_428, %dma_start3A_429, %dma_start3A_430] : memref<2x1x128xi32, #tpu.memory_space<vmem>> -> memref<1x1x128xi32, #tpu.memory_space<vmem>>
        %dma_start3A_432 = tpu.memref_squeeze %dma_start3A_431 : memref<1x1x128xi32, #tpu.memory_space<vmem>> -> memref<128xi32, #tpu.memory_space<vmem>>
        %dma_start3A_433 = arith.constant 0 : i32
        %dma_start3A_434 = arith.constant 0 : i32
        %dma_start3A_435 = tpu.memref_slice %arg17[%dma_start3A_433, %dma_start3A_434] : memref<10016x128xf32, #tpu.memory_space<vmem_shared>> -> memref<10016x128xf32, #tpu.memory_space<vmem_shared>>
        tpu.enqueue_indirect_dma source(%arg15 : memref<128x128xf32, #tpu.memory_space<vmem>>) target(%dma_start3A_435 : memref<10016x128xf32, #tpu.memory_space<vmem_shared>>) offsets(%dma_start3A_432 : memref<128xi32, #tpu.memory_space<vmem>>) semaphore(%arg28 : memref<!tpu.dma_semaphore, #tpu.memory_space<semaphore_mem>>) {add = true}
        %dma_start3A_436 = arith.constant 1 : i32
        %dma_start3A_437 = arith.constant 0 : i32
        %dma_start3A_438 = arith.constant 0 : i32
        %dma_start3A_439 = tpu.memref_slice %arg12[%dma_start3A_436, %dma_start3A_437, %dma_start3A_438] : memref<2x1x128xi32, #tpu.memory_space<vmem>> -> memref<1x1x128xi32, #tpu.memory_space<vmem>>
        %dma_start3A_440 = tpu.memref_squeeze %dma_start3A_439 : memref<1x1x128xi32, #tpu.memory_space<vmem>> -> memref<128xi32, #tpu.memory_space<vmem>>
        %dma_start3A_441 = arith.constant 0 : i32
        %dma_start3A_442 = tpu.memref_slice %arg18[%dma_start3A_441] : memref<10112xf32, #tpu.memory_space<vmem_shared>> -> memref<10112xf32, #tpu.memory_space<vmem_shared>>
        tpu.enqueue_indirect_dma source(%arg16 : memref<128xf32, #tpu.memory_space<vmem>>) target(%dma_start3A_442 : memref<10112xf32, #tpu.memory_space<vmem_shared>>) offsets(%dma_start3A_440 : memref<128xi32, #tpu.memory_space<vmem>>) semaphore(%arg32 : memref<!tpu.dma_semaphore, #tpu.memory_space<semaphore_mem>>) {add = true}
      } else {
      }
    }
    %scan3A_82 = arith.constant 7 : i32
    %barrier3A_83 = arith.constant 0 : index
    tpu.barrier barrier_id(%barrier3A_83)
    %convert_element_type3A_84 = arith.extui %eq3A_8 : i1 to i32
    %cond3A_85 = arith.constant 0 : i32
    %cond3A_86 = arith.cmpi ne, %convert_element_type3A_84, %cond3A_85 : i32
    scf.if %cond3A_86 {
      "tpu.region"() ({
        %run_scoped3A = tpu.sem_alloc : memref<!tpu.dma_semaphore, #tpu.memory_space<semaphore_mem>>
        %dma_start3A_97 = arith.constant 0 : i32
        %dma_start3A_98 = tpu.memref_slice %arg7[%arg0, %mul3A_4, %dma_start3A_97] : memref<2x10016x128xf32, #tpu.memory_space<hbm>> -> memref<1x656x128xf32, #tpu.memory_space<hbm>>
        %dma_start3A_99 = tpu.memref_squeeze %dma_start3A_98 : memref<1x656x128xf32, #tpu.memory_space<hbm>> -> memref<656x128xf32, #tpu.memory_space<hbm>>
        %dma_start3A_100 = arith.constant 0 : i32
        %dma_start3A_101 = tpu.memref_slice %arg17[%mul3A_4, %dma_start3A_100] : memref<10016x128xf32, #tpu.memory_space<vmem_shared>> -> memref<656x128xf32, #tpu.memory_space<vmem_shared>>
        tpu.enqueue_dma source(%dma_start3A_101 : memref<656x128xf32, #tpu.memory_space<vmem_shared>>) target(%dma_start3A_99 : memref<656x128xf32, #tpu.memory_space<hbm>>) target_semaphore(%run_scoped3A : memref<!tpu.dma_semaphore, #tpu.memory_space<semaphore_mem>>)
        %dma_wait3A_102 = arith.constant 0 : i32
        %dma_wait3A_103 = tpu.memref_slice %arg7[%arg0, %mul3A_4, %dma_wait3A_102] : memref<2x10016x128xf32, #tpu.memory_space<hbm>> -> memref<1x656x128xf32, #tpu.memory_space<hbm>>
        %dma_wait3A_104 = tpu.memref_squeeze %dma_wait3A_103 : memref<1x656x128xf32, #tpu.memory_space<hbm>> -> memref<656x128xf32, #tpu.memory_space<hbm>>
        %dma_wait3A_105 = arith.constant 0 : i32
        %dma_wait3A_106 = tpu.memref_slice %arg17[%mul3A_4, %dma_wait3A_105] : memref<10016x128xf32, #tpu.memory_space<vmem_shared>> -> memref<656x128xf32, #tpu.memory_space<vmem_shared>>
        tpu.wait_dma2 semaphore(%run_scoped3A : memref<!tpu.dma_semaphore, #tpu.memory_space<semaphore_mem>>) src(%dma_wait3A_106 : memref<656x128xf32, #tpu.memory_space<vmem_shared>>) dst(%dma_wait3A_104 : memref<656x128xf32, #tpu.memory_space<hbm>>)
        tpu.yield
      }) : () -> ()
    } else {
    }
    %not3A_87 = arith.constant true
    %not3A_88 = arith.xori %eq3A_8, %not3A_87 : i1
    %convert_element_type3A_89 = arith.extui %not3A_88 : i1 to i32
    %cond3A_90 = arith.constant 0 : i32
    %cond3A_91 = arith.cmpi ne, %convert_element_type3A_89, %cond3A_90 : i32
    scf.if %cond3A_91 {
      "tpu.region"() ({
        %run_scoped3A = tpu.sem_alloc : memref<!tpu.dma_semaphore, #tpu.memory_space<semaphore_mem>>
        %dma_start3A_97 = arith.constant 0 : i32
        %dma_start3A_98 = tpu.memref_slice %arg7[%arg0, %mul3A_4, %dma_start3A_97] : memref<2x10016x128xf32, #tpu.memory_space<hbm>> -> memref<1x624x128xf32, #tpu.memory_space<hbm>>
        %dma_start3A_99 = tpu.memref_squeeze %dma_start3A_98 : memref<1x624x128xf32, #tpu.memory_space<hbm>> -> memref<624x128xf32, #tpu.memory_space<hbm>>
        %dma_start3A_100 = arith.constant 0 : i32
        %dma_start3A_101 = tpu.memref_slice %arg17[%mul3A_4, %dma_start3A_100] : memref<10016x128xf32, #tpu.memory_space<vmem_shared>> -> memref<624x128xf32, #tpu.memory_space<vmem_shared>>
        tpu.enqueue_dma source(%dma_start3A_101 : memref<624x128xf32, #tpu.memory_space<vmem_shared>>) target(%dma_start3A_99 : memref<624x128xf32, #tpu.memory_space<hbm>>) target_semaphore(%run_scoped3A : memref<!tpu.dma_semaphore, #tpu.memory_space<semaphore_mem>>)
        %dma_wait3A_102 = arith.constant 0 : i32
        %dma_wait3A_103 = tpu.memref_slice %arg7[%arg0, %mul3A_4, %dma_wait3A_102] : memref<2x10016x128xf32, #tpu.memory_space<hbm>> -> memref<1x624x128xf32, #tpu.memory_space<hbm>>
        %dma_wait3A_104 = tpu.memref_squeeze %dma_wait3A_103 : memref<1x624x128xf32, #tpu.memory_space<hbm>> -> memref<624x128xf32, #tpu.memory_space<hbm>>
        %dma_wait3A_105 = arith.constant 0 : i32
        %dma_wait3A_106 = tpu.memref_slice %arg17[%mul3A_4, %dma_wait3A_105] : memref<10016x128xf32, #tpu.memory_space<vmem_shared>> -> memref<624x128xf32, #tpu.memory_space<vmem_shared>>
        tpu.wait_dma2 semaphore(%run_scoped3A : memref<!tpu.dma_semaphore, #tpu.memory_space<semaphore_mem>>) src(%dma_wait3A_106 : memref<624x128xf32, #tpu.memory_space<vmem_shared>>) dst(%dma_wait3A_104 : memref<624x128xf32, #tpu.memory_space<hbm>>)
        tpu.yield
      }) : () -> ()
    } else {
    }
    %eq3A_92 = arith.constant 0 : i32
    %eq3A_93 = arith.cmpi eq, %arg1, %eq3A_92 : i32
    %convert_element_type3A_94 = arith.extui %eq3A_93 : i1 to i32
    %cond3A_95 = arith.constant 0 : i32
    %cond3A_96 = arith.cmpi ne, %convert_element_type3A_94, %cond3A_95 : i32
    scf.if %cond3A_96 {
      %run_scoped3A = arith.constant 0 : i32
      "tpu.region"() ({
        %run_scoped3A_97 = tpu.sem_alloc : memref<!tpu.dma_semaphore, #tpu.memory_space<semaphore_mem>>
        %dma_start3A_98 = arith.constant 0 : i32
        %dma_start3A_99 = tpu.memref_slice %arg8[%arg0, %run_scoped3A, %dma_start3A_98] : memref<2x1x10112xf32, #tpu.memory_space<hbm>> -> memref<1x1x10112xf32, #tpu.memory_space<hbm>>
        %dma_start3A_100 = tpu.memref_squeeze %dma_start3A_99 : memref<1x1x10112xf32, #tpu.memory_space<hbm>> -> memref<10112xf32, #tpu.memory_space<hbm>>
        tpu.enqueue_dma source(%arg18 : memref<10112xf32, #tpu.memory_space<vmem_shared>>) target(%dma_start3A_100 : memref<10112xf32, #tpu.memory_space<hbm>>) target_semaphore(%run_scoped3A_97 : memref<!tpu.dma_semaphore, #tpu.memory_space<semaphore_mem>>)
        %dma_wait3A_101 = arith.constant 0 : i32
        %dma_wait3A_102 = tpu.memref_slice %arg8[%arg0, %run_scoped3A, %dma_wait3A_101] : memref<2x1x10112xf32, #tpu.memory_space<hbm>> -> memref<1x1x10112xf32, #tpu.memory_space<hbm>>
        %dma_wait3A_103 = tpu.memref_squeeze %dma_wait3A_102 : memref<1x1x10112xf32, #tpu.memory_space<hbm>> -> memref<10112xf32, #tpu.memory_space<hbm>>
        tpu.wait_dma2 semaphore(%run_scoped3A_97 : memref<!tpu.dma_semaphore, #tpu.memory_space<semaphore_mem>>) src(%arg18 : memref<10112xf32, #tpu.memory_space<vmem_shared>>) dst(%dma_wait3A_103 : memref<10112xf32, #tpu.memory_space<hbm>>)
        tpu.yield
      }) : () -> ()
    } else {
    }
    return
  }
}

module attributes {stable_mosaic.version = 14 : i64} {
  func.func @_tc_final_body(%arg0: i32, %arg1: memref<2x2000x128xf32, #tpu.memory_space<vmem>>, %arg2: memref<2x2000x1xf32, #tpu.memory_space<vmem>>, %arg3: memref<2000x128xf32, #tpu.memory_space<vmem>>, %arg4: memref<128x128xf32, #tpu.memory_space<vmem>>, %arg5: memref<128x128xf32, #tpu.memory_space<vmem>>, %arg6: memref<1x128xf32, #tpu.memory_space<vmem>>, %arg7: memref<1x128xf32, #tpu.memory_space<vmem>>, %arg8: memref<1xf32, #tpu.memory_space<smem>>, %arg9: memref<2000x1xf32, #tpu.memory_space<vmem>>) attributes {dimension_semantics = [#tpu.dimension_semantics<arbitrary>], iteration_bounds = array<i64: 5>, scalar_prefetch = 0 : i64, scratch_operands = 0 : i64, tpu.core_type = #tpu.core_type<tc>, window_params = [{transform_indices = @transform_0, window_bounds = array<i64: 2, 2000, 128>}, {transform_indices = @transform_1, window_bounds = array<i64: 2, 2000, 1>}, {transform_indices = @transform_2, window_bounds = array<i64: 2000, 128>}, {pipeline_mode = #tpu.pipeline_mode<synchronous>, transform_indices = @transform_3, window_bounds = array<i64: 128, 128>}, {pipeline_mode = #tpu.pipeline_mode<synchronous>, transform_indices = @transform_4, window_bounds = array<i64: 128, 128>}, {pipeline_mode = #tpu.pipeline_mode<synchronous>, transform_indices = @transform_5, window_bounds = array<i64: 1, 128>}, {pipeline_mode = #tpu.pipeline_mode<synchronous>, transform_indices = @transform_6, window_bounds = array<i64: 1, 128>}, {transform_indices = @transform_7, window_bounds = array<i64: 1>}, {transform_indices = @transform_8, window_bounds = array<i64: 2000, 1>}]} {
    %get3A = arith.constant 0 : index
    %get3A_0 = arith.constant 0 : index
    %get3A_1 = arith.constant 0 : index
    %get3A_2 = vector.load %arg2[%get3A, %get3A_0, %get3A_1] : memref<2x2000x1xf32, #tpu.memory_space<vmem>>, vector<1x2000x1xf32>
    %get3A_3 = vector.shape_cast %get3A_2 : vector<1x2000x1xf32> to vector<2000x1xf32>
    %get3A_4 = arith.constant 1 : index
    %get3A_5 = arith.constant 0 : index
    %get3A_6 = arith.constant 0 : index
    %get3A_7 = vector.load %arg2[%get3A_4, %get3A_5, %get3A_6] : memref<2x2000x1xf32, #tpu.memory_space<vmem>>, vector<1x2000x1xf32>
    %get3A_8 = vector.shape_cast %get3A_7 : vector<1x2000x1xf32> to vector<2000x1xf32>
    %add3A = arith.addf %get3A_3, %get3A_8 : vector<2000x1xf32>
    %max3A = arith.constant 1.000000e+00 : f32
    %max3A_9 = vector.broadcast %max3A : f32 to vector<2000x1xf32>
    %max3A_10 = arith.maximumf %add3A, %max3A_9 : vector<2000x1xf32>
    %get3A_11 = arith.constant 0 : index
    %get3A_12 = arith.constant 0 : index
    %get3A_13 = arith.constant 0 : index
    %get3A_14 = vector.load %arg1[%get3A_11, %get3A_12, %get3A_13] : memref<2x2000x128xf32, #tpu.memory_space<vmem>>, vector<1x2000x128xf32>
    %get3A_15 = vector.shape_cast %get3A_14 : vector<1x2000x128xf32> to vector<2000x128xf32>
    %get3A_16 = arith.constant 1 : index
    %get3A_17 = arith.constant 0 : index
    %get3A_18 = arith.constant 0 : index
    %get3A_19 = vector.load %arg1[%get3A_16, %get3A_17, %get3A_18] : memref<2x2000x128xf32, #tpu.memory_space<vmem>>, vector<1x2000x128xf32>
    %get3A_20 = vector.shape_cast %get3A_19 : vector<1x2000x128xf32> to vector<2000x128xf32>
    %add3A_21 = arith.addf %get3A_15, %get3A_20 : vector<2000x128xf32>
    %div3A = vector.broadcast %max3A_10 : vector<2000x1xf32> to vector<2000x128xf32>
    %div3A_22 = arith.divf %add3A_21, %div3A : vector<2000x128xf32>
    %get3A_23 = arith.constant 0 : index
    %get3A_24 = arith.constant 0 : index
    %get3A_25 = vector.load %arg4[%get3A_23, %get3A_24] : memref<128x128xf32, #tpu.memory_space<vmem>>, vector<128x128xf32>
    %dot_general3A = arith.constant dense<0.000000e+00> : vector<2000x128xf32>
    %dot_general3A_26 = tpu.matmul %div3A_22, %get3A_25, %dot_general3A {dimension_numbers = #tpu.dot_dimension_numbers<[1], [1], [0], [0], [0, 0, 1, 0], [], []>, transpose_lhs_hint = false} : vector<2000x128xf32>, vector<128x128xf32>, vector<2000x128xf32> -> vector<2000x128xf32>
    %get3A_27 = arith.constant 0 : index
    %get3A_28 = arith.constant 0 : index
    %get3A_29 = vector.load %arg3[%get3A_27, %get3A_28] : memref<2000x128xf32, #tpu.memory_space<vmem>>, vector<2000x128xf32>
    %get3A_30 = arith.constant 0 : index
    %get3A_31 = arith.constant 0 : index
    %get3A_32 = vector.load %arg5[%get3A_30, %get3A_31] : memref<128x128xf32, #tpu.memory_space<vmem>>, vector<128x128xf32>
    %dot_general3A_33 = arith.constant dense<0.000000e+00> : vector<2000x128xf32>
    %dot_general3A_34 = tpu.matmul %get3A_29, %get3A_32, %dot_general3A_33 {dimension_numbers = #tpu.dot_dimension_numbers<[1], [1], [0], [0], [0, 0, 1, 0], [], []>, transpose_lhs_hint = false} : vector<2000x128xf32>, vector<128x128xf32>, vector<2000x128xf32> -> vector<2000x128xf32>
    %add3A_35 = arith.addf %dot_general3A_26, %dot_general3A_34 : vector<2000x128xf32>
    %get3A_36 = arith.constant 0 : index
    %get3A_37 = arith.constant 0 : index
    %get3A_38 = vector.load %arg6[%get3A_36, %get3A_37] : memref<1x128xf32, #tpu.memory_space<vmem>>, vector<1x128xf32>
    %add3A_39 = vector.broadcast %get3A_38 : vector<1x128xf32> to vector<2000x128xf32>
    %add3A_40 = arith.addf %add3A_35, %add3A_39 : vector<2000x128xf32>
    %max3A_41 = arith.constant 0.000000e+00 : f32
    %max3A_42 = vector.broadcast %max3A_41 : f32 to vector<2000x128xf32>
    %max3A_43 = arith.maximumf %add3A_40, %max3A_42 : vector<2000x128xf32>
    %get3A_44 = arith.constant 0 : index
    %get3A_45 = arith.constant 0 : index
    %get3A_46 = vector.load %arg7[%get3A_44, %get3A_45] : memref<1x128xf32, #tpu.memory_space<vmem>>, vector<1x128xf32>
    %mul3A = vector.broadcast %get3A_46 : vector<1x128xf32> to vector<2000x128xf32>
    %mul3A_47 = arith.mulf %max3A_43, %mul3A : vector<2000x128xf32>
    %reduce_sum3A = arith.constant dense<0.000000e+00> : vector<2000xf32>
    %reduce_sum3A_48 = vector.multi_reduction <add>, %mul3A_47, %reduce_sum3A [1] : vector<2000x128xf32> to vector<2000xf32>
    %broadcast_in_dim3A = vector.shape_cast %reduce_sum3A_48 : vector<2000xf32> to vector<2000x1xf32>
    %get3A_49 = arith.constant 0 : index
    %get3A_50 = memref.load %arg8[%get3A_49] : memref<1xf32, #tpu.memory_space<smem>>
    %add3A_51 = vector.broadcast %get3A_50 : f32 to vector<2000x1xf32>
    %add3A_52 = arith.addf %broadcast_in_dim3A, %add3A_51 : vector<2000x1xf32>
    %logistic3A = arith.negf %add3A_52 : vector<2000x1xf32>
    %logistic3A_53 = math.exp %logistic3A : vector<2000x1xf32>
    %logistic3A_54 = arith.constant 1.000000e+00 : f32
    %logistic3A_55 = vector.broadcast %logistic3A_54 : f32 to vector<2000x1xf32>
    %logistic3A_56 = arith.addf %logistic3A_55, %logistic3A_53 : vector<2000x1xf32>
    %logistic3A_57 = arith.divf %logistic3A_55, %logistic3A_56 : vector<2000x1xf32>
    %swap3A = arith.constant 0 : index
    %swap3A_58 = arith.constant 0 : index
    %swap3A_59 = vector.load %arg9[%swap3A, %swap3A_58] : memref<2000x1xf32, #tpu.memory_space<vmem>>, vector<2000x1xf32>
    tpu.vector_store %arg9[%swap3A, %swap3A_58], %logistic3A_57 {strides = array<i32>} : memref<2000x1xf32, #tpu.memory_space<vmem>>, vector<2000x1xf32>,
    return
  }
  func.func @transform_0(%arg0: i32) -> (i32, i32, i32) {
    %c0_i32 = arith.constant 0 : i32
    %c0_i32_0 = arith.constant 0 : i32
    %c0_i32_1 = arith.constant 0 : i32
    return %c0_i32, %arg0, %c0_i32_0 : i32, i32, i32
  }
  func.func @transform_1(%arg0: i32) -> (i32, i32, i32) {
    %c0_i32 = arith.constant 0 : i32
    %c0_i32_0 = arith.constant 0 : i32
    %c0_i32_1 = arith.constant 0 : i32
    return %c0_i32, %arg0, %c0_i32_0 : i32, i32, i32
  }
  func.func @transform_2(%arg0: i32) -> (i32, i32) {
    %c0_i32 = arith.constant 0 : i32
    %c0_i32_0 = arith.constant 0 : i32
    return %arg0, %c0_i32 : i32, i32
  }
  func.func @transform_3(%arg0: i32) -> (i32, i32) {
    %c0_i32 = arith.constant 0 : i32
    %c0_i32_0 = arith.constant 0 : i32
    %c0_i32_1 = arith.constant 0 : i32
    return %c0_i32, %c0_i32_0 : i32, i32
  }
  func.func @transform_4(%arg0: i32) -> (i32, i32) {
    %c0_i32 = arith.constant 0 : i32
    %c0_i32_0 = arith.constant 0 : i32
    %c0_i32_1 = arith.constant 0 : i32
    return %c0_i32, %c0_i32_0 : i32, i32
  }
  func.func @transform_5(%arg0: i32) -> (i32, i32) {
    %c0_i32 = arith.constant 0 : i32
    %c0_i32_0 = arith.constant 0 : i32
    %c0_i32_1 = arith.constant 0 : i32
    return %c0_i32, %c0_i32_0 : i32, i32
  }
  func.func @transform_6(%arg0: i32) -> (i32, i32) {
    %c0_i32 = arith.constant 0 : i32
    %c0_i32_0 = arith.constant 0 : i32
    %c0_i32_1 = arith.constant 0 : i32
    return %c0_i32, %c0_i32_0 : i32, i32
  }
  func.func @transform_7(%arg0: i32) -> i32 {
    %c0_i32 = arith.constant 0 : i32
    %c0_i32_0 = arith.constant 0 : i32
    return %c0_i32 : i32
  }
  func.func @transform_8(%arg0: i32) -> (i32, i32) {
    %c0_i32 = arith.constant 0 : i32
    %c0_i32_0 = arith.constant 0 : i32
    return %arg0, %c0_i32 : i32, i32
  }
}

module attributes {stable_mosaic.version = 14 : i64} {
  func.func @_tc_layer_body(%arg0: i32, %arg1: memref<2x2000x128xf32, #tpu.memory_space<vmem>>, %arg2: memref<2x2000x1xf32, #tpu.memory_space<vmem>>, %arg3: memref<2000x128xf32, #tpu.memory_space<vmem>>, %arg4: memref<128x128xf32, #tpu.memory_space<vmem>>, %arg5: memref<128x128xf32, #tpu.memory_space<vmem>>, %arg6: memref<1x128xf32, #tpu.memory_space<vmem>>, %arg7: memref<2000x128xf32, #tpu.memory_space<vmem>>) attributes {dimension_semantics = [#tpu.dimension_semantics<arbitrary>], iteration_bounds = array<i64: 5>, scalar_prefetch = 0 : i64, scratch_operands = 0 : i64, tpu.core_type = #tpu.core_type<tc>, window_params = [{transform_indices = @transform_0, window_bounds = array<i64: 2, 2000, 128>}, {transform_indices = @transform_1, window_bounds = array<i64: 2, 2000, 1>}, {transform_indices = @transform_2, window_bounds = array<i64: 2000, 128>}, {pipeline_mode = #tpu.pipeline_mode<synchronous>, transform_indices = @transform_3, window_bounds = array<i64: 128, 128>}, {pipeline_mode = #tpu.pipeline_mode<synchronous>, transform_indices = @transform_4, window_bounds = array<i64: 128, 128>}, {pipeline_mode = #tpu.pipeline_mode<synchronous>, transform_indices = @transform_5, window_bounds = array<i64: 1, 128>}, {transform_indices = @transform_6, window_bounds = array<i64: 2000, 128>}]} {
    %get3A = arith.constant 0 : index
    %get3A_0 = arith.constant 0 : index
    %get3A_1 = arith.constant 0 : index
    %get3A_2 = vector.load %arg2[%get3A, %get3A_0, %get3A_1] : memref<2x2000x1xf32, #tpu.memory_space<vmem>>, vector<1x2000x1xf32>
    %get3A_3 = vector.shape_cast %get3A_2 : vector<1x2000x1xf32> to vector<2000x1xf32>
    %get3A_4 = arith.constant 1 : index
    %get3A_5 = arith.constant 0 : index
    %get3A_6 = arith.constant 0 : index
    %get3A_7 = vector.load %arg2[%get3A_4, %get3A_5, %get3A_6] : memref<2x2000x1xf32, #tpu.memory_space<vmem>>, vector<1x2000x1xf32>
    %get3A_8 = vector.shape_cast %get3A_7 : vector<1x2000x1xf32> to vector<2000x1xf32>
    %add3A = arith.addf %get3A_3, %get3A_8 : vector<2000x1xf32>
    %max3A = arith.constant 1.000000e+00 : f32
    %max3A_9 = vector.broadcast %max3A : f32 to vector<2000x1xf32>
    %max3A_10 = arith.maximumf %add3A, %max3A_9 : vector<2000x1xf32>
    %get3A_11 = arith.constant 0 : index
    %get3A_12 = arith.constant 0 : index
    %get3A_13 = arith.constant 0 : index
    %get3A_14 = vector.load %arg1[%get3A_11, %get3A_12, %get3A_13] : memref<2x2000x128xf32, #tpu.memory_space<vmem>>, vector<1x2000x128xf32>
    %get3A_15 = vector.shape_cast %get3A_14 : vector<1x2000x128xf32> to vector<2000x128xf32>
    %get3A_16 = arith.constant 1 : index
    %get3A_17 = arith.constant 0 : index
    %get3A_18 = arith.constant 0 : index
    %get3A_19 = vector.load %arg1[%get3A_16, %get3A_17, %get3A_18] : memref<2x2000x128xf32, #tpu.memory_space<vmem>>, vector<1x2000x128xf32>
    %get3A_20 = vector.shape_cast %get3A_19 : vector<1x2000x128xf32> to vector<2000x128xf32>
    %add3A_21 = arith.addf %get3A_15, %get3A_20 : vector<2000x128xf32>
    %div3A = vector.broadcast %max3A_10 : vector<2000x1xf32> to vector<2000x128xf32>
    %div3A_22 = arith.divf %add3A_21, %div3A : vector<2000x128xf32>
    %get3A_23 = arith.constant 0 : index
    %get3A_24 = arith.constant 0 : index
    %get3A_25 = vector.load %arg4[%get3A_23, %get3A_24] : memref<128x128xf32, #tpu.memory_space<vmem>>, vector<128x128xf32>
    %dot_general3A = arith.constant dense<0.000000e+00> : vector<2000x128xf32>
    %dot_general3A_26 = tpu.matmul %div3A_22, %get3A_25, %dot_general3A {dimension_numbers = #tpu.dot_dimension_numbers<[1], [1], [0], [0], [0, 0, 1, 0], [], []>, transpose_lhs_hint = false} : vector<2000x128xf32>, vector<128x128xf32>, vector<2000x128xf32> -> vector<2000x128xf32>
    %get3A_27 = arith.constant 0 : index
    %get3A_28 = arith.constant 0 : index
    %get3A_29 = vector.load %arg3[%get3A_27, %get3A_28] : memref<2000x128xf32, #tpu.memory_space<vmem>>, vector<2000x128xf32>
    %get3A_30 = arith.constant 0 : index
    %get3A_31 = arith.constant 0 : index
    %get3A_32 = vector.load %arg5[%get3A_30, %get3A_31] : memref<128x128xf32, #tpu.memory_space<vmem>>, vector<128x128xf32>
    %dot_general3A_33 = arith.constant dense<0.000000e+00> : vector<2000x128xf32>
    %dot_general3A_34 = tpu.matmul %get3A_29, %get3A_32, %dot_general3A_33 {dimension_numbers = #tpu.dot_dimension_numbers<[1], [1], [0], [0], [0, 0, 1, 0], [], []>, transpose_lhs_hint = false} : vector<2000x128xf32>, vector<128x128xf32>, vector<2000x128xf32> -> vector<2000x128xf32>
    %add3A_35 = arith.addf %dot_general3A_26, %dot_general3A_34 : vector<2000x128xf32>
    %get3A_36 = arith.constant 0 : index
    %get3A_37 = arith.constant 0 : index
    %get3A_38 = vector.load %arg6[%get3A_36, %get3A_37] : memref<1x128xf32, #tpu.memory_space<vmem>>, vector<1x128xf32>
    %add3A_39 = vector.broadcast %get3A_38 : vector<1x128xf32> to vector<2000x128xf32>
    %add3A_40 = arith.addf %add3A_35, %add3A_39 : vector<2000x128xf32>
    %max3A_41 = arith.constant 0.000000e+00 : f32
    %max3A_42 = vector.broadcast %max3A_41 : f32 to vector<2000x128xf32>
    %max3A_43 = arith.maximumf %add3A_40, %max3A_42 : vector<2000x128xf32>
    %swap3A = arith.constant 0 : index
    %swap3A_44 = arith.constant 0 : index
    %swap3A_45 = vector.load %arg7[%swap3A, %swap3A_44] : memref<2000x128xf32, #tpu.memory_space<vmem>>, vector<2000x128xf32>
    tpu.vector_store %arg7[%swap3A, %swap3A_44], %max3A_43 {strides = array<i32>} : memref<2000x128xf32, #tpu.memory_space<vmem>>, vector<2000x128xf32>,
    return
  }
  func.func @transform_0(%arg0: i32) -> (i32, i32, i32) {
    %c0_i32 = arith.constant 0 : i32
    %c0_i32_0 = arith.constant 0 : i32
    %c0_i32_1 = arith.constant 0 : i32
    return %c0_i32, %arg0, %c0_i32_0 : i32, i32, i32
  }
  func.func @transform_1(%arg0: i32) -> (i32, i32, i32) {
    %c0_i32 = arith.constant 0 : i32
    %c0_i32_0 = arith.constant 0 : i32
    %c0_i32_1 = arith.constant 0 : i32
    return %c0_i32, %arg0, %c0_i32_0 : i32, i32, i32
  }
  func.func @transform_2(%arg0: i32) -> (i32, i32) {
    %c0_i32 = arith.constant 0 : i32
    %c0_i32_0 = arith.constant 0 : i32
    return %arg0, %c0_i32 : i32, i32
  }
  func.func @transform_3(%arg0: i32) -> (i32, i32) {
    %c0_i32 = arith.constant 0 : i32
    %c0_i32_0 = arith.constant 0 : i32
    %c0_i32_1 = arith.constant 0 : i32
    return %c0_i32, %c0_i32_0 : i32, i32
  }
  func.func @transform_4(%arg0: i32) -> (i32, i32) {
    %c0_i32 = arith.constant 0 : i32
    %c0_i32_0 = arith.constant 0 : i32
    %c0_i32_1 = arith.constant 0 : i32
    return %c0_i32, %c0_i32_0 : i32, i32
  }
  func.func @transform_5(%arg0: i32) -> (i32, i32) {
    %c0_i32 = arith.constant 0 : i32
    %c0_i32_0 = arith.constant 0 : i32
    %c0_i32_1 = arith.constant 0 : i32
    return %c0_i32, %c0_i32_0 : i32, i32
  }
  func.func @transform_6(%arg0: i32) -> (i32, i32) {
    %c0_i32 = arith.constant 0 : i32
    %c0_i32_0 = arith.constant 0 : i32
    return %arg0, %c0_i32 : i32, i32
  }
}

</mosaic_0001>

<sc_bundles>
// kernel: kernel.6.cloned.1.call-start
scs
__scs_entry_jumppad:
0x0: {  	(pc) =	sbr.rel $0x88, $3  }
0x1: {  	(tag) =	ssettag $0x0;
	lr =	simm.s32 $0x1  }
0x2: {  	[smem:$0x3F97] =	sst lr;
	_ =	strace $0xD0000000  }
0x3: {  	_ = 	snop  }
0x4: {  	_ = 	snop  }
0x5: {  	_ = 	snop  }
0x6: {  	_ = 	snop  }
0x7: {  	_ = 	snop  }
__scs_overlays_trampoline_lowered:
0x8: {  	[smem:$0x3FA6] =	sst s0  }
0x9: {  	[smem:$0x3FA7] =	sst s1  }
0xa: {  	[smem:$0x3FA8] =	sst s2  }
0xb: {  	[smem:$0x3FA9] =	sst s3  }
0xc: {  	[smem:$0x3FAA] =	sst s4  }
0xd: {  	[smem:$0x3FAB] =	sst s5  }
0xe: {  	[smem:$0x3FAC] =	sst s6  }
0xf: {  	[smem:$0x3FAD] =	sst s7  }
0x10: {  	[smem:$0x3FAE] =	sst s8  }
0x11: {  	[smem:$0x3FAF] =	sst s9;
	s0 =	simm.s32 @!p0 $0x0  }
0x12: {  	s1 =	sld [smem:$0x3F95];
	s0 =	simm.s32 @p0 $0x1  }
0x13: {  	[smem:$0x3FB0] =	sst s0;
	s0 =	simm.s32 @!p1 $0x0  }
0x14: {  	s2 =	sld [smem:$0x3F94];
	s0 =	simm.s32 @p1 $0x1  }
0x15: {  	[smem:$0x3FB1] =	sst s0;
	s0 =	simm.s32 @!p2 $0x0  }
0x16: {  	s3 =	sld [smem:$0x3FDB];
	s0 =	simm.s32 @p2 $0x1  }
0x17: {  	s4 =	simm.s32 $0x1BF5;
	[smem:$0x3FB3] =	sst s0  }
0x18: {  	s0 =	sld [smem:$0x3F96];
	_ =	swait.ge [sflag:s4], $0x0  }
0x19: {  	s7 =	sld [smem:$0x3F97]  }
0x1a: {  	s8 =	sadd.s32 $0xFFFFE003, lr  }
0x1b: {  	s9 =	sadd.s32 $0xFFFFFEF7, lr;
	s5 =	simm.s32 $0xFFFFFFFF;
	p2 =	slt.u32 s8, $0xFFFFF086  }
0x1c: {  	p1 =	slt.u32 s9, $0xF7A;
	s5 =	simm.s32 @!p2 $0x0  }
0x1d: {  	s5 =	simm.s32 @p1 $0x1;
	p0 =	seq.s32 s7, s2  }
0x1e: {  	s7 =	smul.u32 @!p0 $0xF7A, s2;
	p2 =	seq.s32 @!p0 s5, $0x0  }
0x1f: {  	s9 =	smul.u32 $0xF7A, s1;
	s8 =	simm.s32 @!p0 $0x1BF5;
	p2 =	por !p2, p0  }
0x20: {  	[sflag:s8] =	ssyncset.s32 @!p0 $0xFFFFF086;
	s6 =	sadd.s32 @!p0 s3, s7;
	s7 =	simm.s32 @!p0 $0x108  }
0x21: {  	s3 =	sadd.s32 s3, s9;
	s6 =	sadd.s32 @!p0 $0x88, s6;
	s7 =	simm.s32 @p2 $0x1082  }
0x22: {  	[simem:s7], [sflag:s8] =	dma.local @!p0 [hbm:s6], $0xF7A  }
0x23: {  	s9 =	sor.u32 $0xD0000000, s2;
	s6 =	simm.s32 $0x108;
	_ =	swait.ge @!p0 [sflag:s8], $0x0  }
0x24: {  	s3 =	sadd.s32 $0x88, s3;
	s6 =	simm.s32 @!p1 $0x1082;
	[sflag:s4] =	ssyncset.s32 $0xFFFFF086  }
0x25: {  	[simem:s6], [sflag:s4] =	dma.local [hbm:s3], $0xF7A  }
0x26: {  	[smem:$0x3F97] =	sst s1;
	(tag) =	ssettag s2;
	_ =	strace s9  }
0x27: {  	s1 =	sld [smem:$0x3FA7]  }
0x28: {  	s2 =	sld [smem:$0x3FA8]  }
0x29: {  	s4 =	sld [smem:$0x3FAA]  }
0x2a: {  	p0 =	seq.s32 s5, $0x0;
	s5 =	sld [smem:$0x3FAB]  }
0x2b: {  	s6 =	sld [smem:$0x3FAC]  }
0x2c: {  	s7 =	sld [smem:$0x3FAD]  }
0x2d: {  	s3 =	simm.s32 $0x108;
	s8 =	sld [smem:$0x3FAE]  }
0x2e: {  	s3 =	simm.s32 @!p0 $0x1082;
	s9 =	sld [smem:$0x3FAF]  }
0x2f: {  	lr =	sadd.s32 s0, s3;
	s0 =	sld [smem:$0x3FA6]  }
0x30: {  	s3 =	sld [smem:$0x3FA9]  }
0x31: {  	[smem:$0x3FB2] =	sst s10  }
0x32: {  	s10 =	sld [smem:$0x3FB0];
	_ =	sdelay $0x3  }
0x33: {  	p0 =	seq.s32 s10, $0x1;
	s10 =	sld [smem:$0x3FB2];
	_ =	sdelay $0x3  }
0x34: {  	[smem:$0x3FB2] =	sst s10  }
0x35: {  	s10 =	sld [smem:$0x3FB1];
	_ =	sdelay $0x3  }
0x36: {  	p1 =	seq.s32 s10, $0x1;
	s10 =	sld [smem:$0x3FB2];
	_ =	sdelay $0x3  }
0x37: {  	[smem:$0x3FB2] =	sst s10  }
0x38: {  	s10 =	sld [smem:$0x3FB3]  }
0x39: {  	_ = 	snop;
	(pc) =	sbr.ind lr, $3  }
0x3a: {  	_ = 	snop  }
0x3b: {  	_ = 	snop  }
0x3c: {  	p2 =	seq.s32 s10, $0x1;
	s10 =	sld [smem:$0x3FB2]  }
0x3d: {  	_ =	shalt  }
0x3e: {  	_ =	shalt  }
0x3f: {  	_ =	shalt  }
0x40: {  	_ =	shalt  }
0x41: {  	_ =	shalt  }
0x42: {  	_ =	shalt  }
0x43: {  	_ =	shalt  }
0x44: {  	_ =	shalt  }
0x45: {  	_ =	shalt  }
0x46: {  	_ =	shalt  }
0x47: {  	_ =	shalt  }
0x48: {  	_ =	shalt  }
0x49: {  	_ =	shalt  }
0x4a: {  	_ =	shalt  }
0x4b: {  	_ =	shalt  }
0x4c: {  	_ =	shalt  }
0x4d: {  	_ =	shalt  }
0x4e: {  	_ =	shalt  }
0x4f: {  	_ =	shalt  }
0x50: {  	_ =	shalt  }
0x51: {  	_ =	shalt  }
0x52: {  	_ =	shalt  }
0x53: {  	_ =	shalt  }
0x54: {  	_ =	shalt  }
0x55: {  	_ =	shalt  }
0x56: {  	_ =	shalt  }
0x57: {  	_ =	shalt  }
0x58: {  	_ =	shalt  }
0x59: {  	_ =	shalt  }
0x5a: {  	_ =	shalt  }
0x5b: {  	_ =	shalt  }
0x5c: {  	_ =	shalt  }
0x5d: {  	_ =	shalt  }
0x5e: {  	_ =	shalt  }
0x5f: {  	_ =	shalt  }
0x60: {  	_ =	shalt  }
0x61: {  	_ =	shalt  }
0x62: {  	_ =	shalt  }
0x63: {  	_ =	shalt  }
0x64: {  	_ =	shalt  }
0x65: {  	_ =	shalt  }
0x66: {  	_ =	shalt  }
0x67: {  	_ =	shalt  }
0x68: {  	_ =	shalt  }
0x69: {  	_ =	shalt  }
0x6a: {  	_ =	shalt  }
0x6b: {  	_ =	shalt  }
0x6c: {  	_ =	shalt  }
0x6d: {  	_ =	shalt  }
0x6e: {  	_ =	shalt  }
0x6f: {  	_ =	shalt  }
0x70: {  	_ =	shalt  }
0x71: {  	_ =	shalt  }
0x72: {  	_ =	shalt  }
0x73: {  	_ =	shalt  }
0x74: {  	_ =	shalt  }
0x75: {  	_ =	shalt  }
0x76: {  	_ =	shalt  }
0x77: {  	_ =	shalt  }
0x78: {  	_ =	shalt  }
0x79: {  	_ =	shalt  }
0x7a: {  	_ =	shalt  }
0x7b: {  	_ =	shalt  }
0x7c: {  	_ =	shalt  }
0x7d: {  	_ =	shalt  }
0x7e: {  	_ =	shalt  }
0x7f: {  	_ =	shalt  }
0x80: {  	_ =	shalt  }
0x81: {  	_ =	shalt  }
0x82: {  	_ =	shalt  }
0x83: {  	_ =	shalt  }
0x84: {  	_ =	shalt  }
0x85: {  	_ =	shalt  }
0x86: {  	_ =	shalt  }
0x87: {  	_ =	shalt  }
.Lfunc_end0:
.L_simem_size_0:
called_computation_lowered:
.L_overlay_start_0:
0x88: {  	s2 =	sld [smem:$0x3FD9]  }
0x89: {  	s3 =	sld [smem:$0x3FFE];
	_ =	sdelay $0x1  }
0x8a: {  	s1 =	srdreg.scid  }
0x8b: {  	s0 =	sand.u32 $0x1, s1  }
0x8c: {  	s17 =	sshll.u32 s0, $0xA;
	s2 =	sadd.s32 s3, s2  }
0x8d: {  	s2 =	sadd.s32 s2, s17  }
0x8e: {  	[smem:$0x3FBE] =	sst s2  }
0x8f: {  	_ = 	snop  }
0x90: {  	s2 =	sld [smem:$0x3FC9]  }
0x91: {  	s18 =	sld [smem:$0x3FC8]  }
0x92: {  	s4 =	sld [smem:$0x3FD0];
	(tm) =	ssettm $0x1  }
0x93: {  	s5 =	sld [smem:$0x3FFB];
	_ =	sdelay $0x3  }
0x94: {  	_ =	strace s5  }
0x95: {  	s5 =	sld [smem:$0x3FFC];
	_ =	sdelay $0x3  }
0x96: {  	_ =	strace s5  }
0x97: {  	s5 =	sld [smem:$0x3FFD];
	_ =	sdelay $0x3  }
0x98: {  	_ =	strace s5  }
0x99: {  	_ =	strace $0x8FFFFFFF  }
0x9a: {  	s19 =	sld [smem:$0x3FDB];
	_ =	sdelay $0x1  }
0x9b: {  	s6 =	simm.s32 $_scs_section_size  }
0x9c: {  	s7 =	simm.s32 $_size__tile_overlayer_lowered;
	s8 =	simm.s32 $_tile_overlayer_lowered  }
0x9d: {  	s22 =	simm.s32 $0x1BFF;
	s21 =	sshll.u32 s8, $0x1;
	s5 =	sadd.s32 s6, s19  }
0x9e: {  	s9 =	simm.s32 $0x0;
	s20 =	sshll.u32 s7, $0x1;
	s7 =	sadd.s32 s21, s5  }
0x9f: {  	[timem:s9], [sflag:s22] =	dma.local [hbm:s7], s20  }
0xa0: {  	_ =	swait.ge [sflag:s22], s20  }
0xa1: {  	s6 =	ssub.s32 $0x0, s20;
	[sflag:s22] =	ssyncset.done $0x0  }
0xa2: {  	[sflag:s22] =	ssyncadd.s32 s6;
	_ =	sdelay $0x1  }
0xa3: {  	s23 =	simm.s32 $0x1B8B  }
0xa4: {  	_ =	swait.ge [sflag:s23], $0x1  }
0xa5: {  	[sflag:s23] =	ssyncset.done $0x0  }
0xa6: {  	s25 =	simm.s32 $0x1B8E;
	s24 =	sld [smem:$0x3FFE];
	[sflag:s23] =	ssyncadd.s32 $0xFFFFFFFF  }
0xa7: {  	s26 =	simm.s32 $execute0_lowered;
	[smem:$0x3FD2] =	sst s25  }
0xa8: {  	s7 =	sshll.u32 s26, $0x1;
	_ =	strace $0x80000046;
	[dreg:$0x1] =	wrdreg $0xFFFFFFFF  }
0xa9: {  	s28 =	simm.s32 $_size_execute0_lowered;
	s5 =	sadd.s32 s5, s7;
	[dreg:$0x0] =	wrdreg $0x0  }
0xaa: {  	s7 =	sshll.u32 s28, $0x1;
	[dreg:$0x2] =	wrdreg s5  }
0xab: {  	[dreg:$0x3] =	wrdreg s7  }
0xac: {  	[dreg:$0x4] =	wrdreg $0xC0  }
0xad: {  	_ =	task [dreg:s9], $0x5FFFF  }
0xae: {  	[dreg:$0x1] =	wrdreg $0xFFFFFFFF  }
0xaf: {  	[dreg:$0x0] =	wrdreg $0x60  }
0xb0: {  	[dreg:$0x2] =	wrdreg s2  }
0xb1: {  	[dreg:$0x3] =	wrdreg s18  }
0xb2: {  	[dreg:$0x4] =	wrdreg s24  }
0xb3: {  	[dreg:$0x5] =	wrdreg s4  }
0xb4: {  	[dreg:$0x6] =	wrdreg $0xC4800  }
0xb5: {  	[dreg:$0x7] =	wrdreg $0x1FD800  }
0xb6: {  	[dreg:$0x8] =	wrdreg $0x9  }
0xb7: {  	_ =	task.clear_ibuf [dreg:s9], $0x9FFFF;
	_ =	strace $0x90000046  }
0xb8: {  	s29 =	simm.s32 $0x9;
	_ =	strace $0x80000048  }
0xb9: {  	_ =	swait.ge [sflag:s29], $0x1  }
0xba: {  	[sflag:s29] =	ssyncadd.s32 $0xFFFFFFFF  }
0xbb: {  	_ =	strace $0x90000048  }
0xbc: {  	_ =	sfence  }
0xbd: {  	s30 =	sld [smem:$0x0];
	_ =	sdelay $0x2  }
0xbe: {  	s31 =	sshll.u32 s1, $0xD;
	s1 =	sshrl.u32 s1, $0x2  }
0xbf: {  	s3 =	sand.u32 $0x4000, s31;
	s1 =	sadd.s32 s1, s30  }
0xc0: {  	s0 =	sor.u32 s3, s0;
	s1 =	sshll.u32 s1, $0x11  }
0xc1: {  	s0 =	sor.u32 s1, s0  }
0xc2: {  	s0 =	sadd.s32 $0x8F2B, s0  }
0xc3: {  	[sflag:s0] =	ssyncadd.remote.s32 $0x1  }
0xc4: {  	_ =	sfence.sel $0xFFFF  }
0xc5: {  	[dreg:$0x0] =	wrdreg $0xFFFFFFFF;
	(pc) =	sbr.abs _section_cstart, $3  }
0xc6: {  	[dreg:$0x1] =	wrdreg $0xFFFFFFFF  }
0xc7: {  	_ =	task.clear_ibuf [dreg:s9], $0x2FFFF;
	_ =	strace $0x9FFFFFFF  }
0xc8: {  	(tm) =	ssettm $0x7FFFFFFF  }
0xc9: {  	_ =	shalt  }
tec
execute0_lowered:
.L_overlay_start_1:
0x0: {  	(tag) =	ssettag $0x1  }
0x1: {  	s0 =	rddreg [dreg:$0x0]  }
0x2: {  	s2 =	rddreg [dreg:$0x1]  }
0x3: {  	s1 =	rddreg [dreg:$0x2]  }
0x4: {  	s4 =	rddreg [dreg:$0x4]  }
0x5: {  	s5 =	rddreg [dreg:$0x5];
	s9 =	stileid.u32  }
0x6: {  	s6 =	simm.s32 $0x0;
	s18 =	srdreg.scid;
	s14 =	smul.u32 $0x4E000, s9  }
0x7: {  	[smem:$0x7FF] =	sst s6;
	s7 =	sadd.s32 $0x2C00, s1;
	s20 =	smul.u32 $0xA0, s9  }
0x8: {  	s3 =	sadd.s32 $0x2600, s1;
	s8 =	sadd.s32 $0x6000, s1;
	s22 =	smul.u32 $0x13800, s9  }
0x9: {  	_ =	strace $0x80000047;
	[dreg:$0xe] =	wrdreg s3;
	s3 =	sand.u32 $0x1, s18  }
0xa: {  	s12 =	sshll.u32 s9, $0x1;
	s21 =	sadd.s32 $0x124800, s4;
	s10 =	smul.u32 $0x4F0, s3  }
0xb: {  	[dreg:$0x10] =	wrdreg s21;
	s11 =	ssub.s32 $0x2, s3;
	s15 =	smul.u32 $0x50, s3  }
0xc: {  	s12 =	sor.u32 s3, s12;
	s14 =	sshrl.u32 s14, $0x2;
	s3 =	smul.u32 $0x139000, s3  }
0xd: {  	s13 =	sshrl.u32 s11, $0x1;
	s19 =	smul.u32 $0xA00, s12;
	p0 =	seq.s32 s12, $0x1F  }
0xe: {  	s14 =	sadd.s32 s14, s4;
	s1 =	sadd.s32 s10, s1;
	s11 =	ssub.s32 s11, s13  }
0xf: {  	s10 =	simm.s32 $0x14;
	[dreg:$0xf] =	wrdreg s14;
	s12 =	sadd.s32 s15, s20  }
0x10: {  	s24 =	sadd.s32 s22, s3;
	s13 =	sadd.s32 s2, s19;
	s1 =	sadd.s32 $0x5600, s1  }
0x11: {  	s10 =	simm.s32 @!p0 $0x50;
	s23 =	sadd.s32 $0x20, s13;
	[dreg:$0x13] =	wrdreg s1  }
0x12: {  	s15 =	sshll.u32 s12, $0x5;
	s16 =	sadd.s32 $0xFFFFFFFF, s10;
	[dreg:$0x11] =	wrdreg s23  }
0x13: {  	s12 =	sshrl.u32 s24, $0x3;
	s25 =	sor.u32 $0x40, s15;
	[dreg:$0x8] =	wrdreg s16  }
0x14: {  	s12 =	sadd.s32 s8, s12;
	[dreg:$0x7] =	wrdreg s25  }
0x15: {  	p2 =	sne.s32 s9, $0xF;
	s26 =	sor.u32 $0x180, s15;
	[dreg:$0x12] =	wrdreg s12  }
0x16: {  	s3 =	sshrl.u32 s3, $0x3;
	s28 =	sor.u32 $0x140, s15;
	[dreg:$0xd] =	wrdreg s26  }
0x17: {  	s3 =	sadd.s32 s8, s3;
	s29 =	sor.u32 $0x100, s15;
	[dreg:$0xc] =	wrdreg s28  }
0x18: {  	p0 =	sne.s32 s9, $0x0;
	s30 =	sor.u32 $0xC0, s15;
	[dreg:$0xb] =	wrdreg s29  }
0x19: {  	s3 =	sadd.s32 $0x24900, s3;
	s1 =	simm.s32 @!p0 $0x0;
	[dreg:$0xa] =	wrdreg s30  }
0x1a: {  	s21 =	simm.s32 $0x10;
	[dreg:$0x14] =	wrdreg s3;
	s1 =	simm.s32 @p0 $0x1  }
0x1b: {  	s31 =	sor.u32 $0x80, s15;
	[smem:$0x7FC] =	sst s1;
	s1 =	simm.s32 @!p2 $0x0  }
0x1c: {  	s19 =	smax.u32 s11, $0x1;
	[dreg:$0x9] =	wrdreg s31;
	s1 =	simm.s32 @p2 $0x1  }
0x1d: {  	s23 =	simm.s32 $0x1;
	s26 =	simm.s32 $0x0;
	[smem:$0x7FD] =	sst s1  }
.LBB2_1:
0x1e: {  	s29 =	sshll.u32 @p2 s9, $0x6;
	s3 =	rddreg [dreg:$0xf]  }
0x1f: {  	s1 =	sor.u32 @p2 $0x1C0F, s29;
	s30 =	sshrl.u32 @p2 s3, $0x3  }
0x20: {  	[spmem:s30], [sflag:s1] =	dma.local @p2 [hbm:s7], $0x2700  }
0x21: {  	s1 =	rddreg [dreg:$0x10]  }
0x22: {  	s28 =	sshrl.u32 @!p2 s1, $0x3;
	s1 =	simm.s32 @!p2 $0x1FCF  }
0x23: {  	[spmem:s28], [sflag:s1] =	dma.local @!p2 [hbm:s7], $0x2900  }
0x24: {  	s16 =	simm.s32 $0xC400;
	s1 =	rddreg [dreg:$0x3]  }
0x25: {  	[tilespmem:s16], [sflag:$0x10] =	stream.linear.gather [hbm4b:s1+s6], $0x80, $0x38;
	v63 =	vld [tilespmem:$0x0]  }
0x26: {  	_ =	swait.ge [sflag:s21], $0x80  }
0x27: {  	s17 =	sld [smem:$0x7FC];
	_ =	sdelay $0x2  }
0x28: {  	[sflag:s21] =	ssyncset.done $0x0;
	s8 =	rddreg [dreg:$0xe];
	p0 =	seq.s32 s17, $0x1  }
0x29: {  	[sflag:s21] =	ssyncadd.s32 $0xFFFFFF80;
	s1 =	sshrl.u32 @!p0 s5, $0x3;
	s3 =	simm.s32 @!p0 $0x1C10  }
0x2a: {  	[spmem:s1], [sflag:s3] =	dma.local @!p0 [hbm:s8], $0x4F0  }
0x2b: {  	s1 =	simm.s32 @!p0 $0x10  }
0x2c: {  	_ =	swait.ge @!p0 [sflag:s1], $0x4F0  }
0x2d: {  	[sflag:s1] =	ssyncset.done @!p0 $0x0  }
0x2e: {  	[sflag:s1] =	ssyncadd.s32 @!p0 $0xFFFFFB10  }
0x2f: {  	[tilespmem:s6], [sflag:$0x1] =	stream.linear.gather [hbm4b:s13+s6], $0x100, $0x38;
	v63 =	vld [tilespmem:$0x0]  }
0x30: {  	s20 =	simm.s32 $0x100;
	s18 =	rddreg [dreg:$0x11]  }
0x31: {  	[tilespmem:s20], [sflag:$0x2] =	stream.linear.gather [hbm4b:s18+s6], $0x100, $0x38;
	v63 =	vld [tilespmem:$0x0]  }
0x32: {  	_ =	swait.ge [sflag:s23], $0x100  }
0x33: {  	s22 =	simm.s32 $0x80;
	[sflag:s23] =	ssyncset.done $0x0  }
0x34: {  	s24 =	simm.s32 $0x400;
	s1 =	simm.s32 @p2 $0xF;
	[sflag:s23] =	ssyncadd.s32 $0xFFFFFF00  }
0x35: {  	[tilespmem:s24], [sflag:$0x5] =	stream.indirect.gather [hbm4b:s0+s22], $0x80, s6, s22, $0xb8;
	v63 =	vld [tilespmem:$0x0]  }
0x36: {  	_ =	swait.ge @p2 [sflag:s1], $0x2700  }
0x37: {  	[sflag:s1] =	ssyncset.done @p2 $0x0  }
0x38: {  	[sflag:s1] =	ssyncadd.s32 @p2 $0xFFFFD900;
	s1 =	simm.s32 @!p2 $0xF  }
0x39: {  	p6 =	por $0x0, $0x0;
	p1 =	sge.u32 s10, $0x0;
	_ =	swait.ge @!p2 [sflag:s1], $0x2900  }
0x3a: {  	p0 =	por !p6, !p1;
	[sflag:s1] =	ssyncset.done @!p2 $0x0  }
0x3b: {  	p3 =	por !p0, !p0;
	[sflag:s1] =	ssyncadd.s32 @!p2 $0xFFFFD700  }
0x3c: {  	s1 =	simm.s32 @p3 $0x9;
	[bflag:$0x0] =	sbarrier.arrive $0xFFFF  }
0x3d: {  	_ =	swait.ge @p3 [sflag:s1], $0x4000  }
0x3e: {  	[sflag:s1] =	ssyncset.done @p3 $0x0  }
0x3f: {  	[sflag:s1] =	ssyncadd.s32 @p3 $0xFFFFC000;
	s1 =	simm.s32 @p3 $0xD  }
0x40: {  	p2 =	sle.u32 s10, $0x2;
	_ =	swait.ge @p3 [sflag:s1], $0x80  }
0x41: {  	s3 =	simm.s32 @!p2 $0x200;
	s25 =	rddreg [dreg:$0x8];
	[sflag:s1] =	ssyncset.done @p3 $0x0  }
0x42: {  	s8 =	rddreg [dreg:$0x7];
	[sflag:s1] =	ssyncadd.s32 @p3 $0xFFFFFF80;
	p4 =	sle.u32 s25, $0x0  }
0x43: {  	s1 =	simm.s32 @!p2 $0x0;
	s8 =	sadd.s32 @!p2 s2, s8;
	s11 =	simm.s32 @!p4 $0x2  }
0x44: {  	[tilespmem:s3], [sflag:$0x3] =	stream.linear.gather @!p2 [hbm4b:s8+s1], $0x100, $0x38;
	v63 =	vld [tilespmem:$0x0]  }
0x45: {  	p1 =	sle.u32 s10, $0x0;
	_ =	swait.ge @!p4 [sflag:s11], $0x100  }
0x46: {  	s1 =	simm.s32 @!p4 $0x4400;
	s8 =	simm.s32 @!p4 $0x80;
	[sflag:s11] =	ssyncset.done @!p4 $0x0  }
0x47: {  	s12 =	simm.s32 @!p4 $0x100;
	[sflag:s11] =	ssyncadd.s32 @!p4 $0xFFFFFF00;
	s11 =	simm.s32 @!p1 $0x5  }
0x48: {  	[tilespmem:s1], [sflag:$0x6] =	stream.indirect.gather @!p4 [hbm4b:s0+s8], $0x80, s12, s8, $0xb8;
	v63 =	vld [tilespmem:$0x0]  }
0x49: {  	_ =	swait.ge @!p1 [sflag:s11], $0x4000  }
0x4a: {  	[sflag:s11] =	ssyncset.done @!p1 $0x0  }
0x4b: {  	s14 =	simm.s32 @!p1 $0x400;
	s12 =	simm.s32 @!p1 $0x80;
	[sflag:s11] =	ssyncadd.s32 @!p1 $0xFFFFC000  }
0x4c: {  	[spmem:s4] =	stream.indirect.scatter.add.f32 @!p1 [tilespmem:s14], [sflag:$0x8], $0x80, s12, s12, $0xb8;
	v63 =	vld [tilespmem:$0x0]  }
0x4d: {  	s11 =	simm.s32 @!p1 $0xC400;
	s14 =	simm.s32 @p3 $0xA  }
0x4e: {  	[spmem:s5] =	stream.indirect.scatter.add.f32 @!p1 [tilespmem:s11], [sflag:$0xB], $0x1, s12, s12, $0xb8;
	v63 =	vld [tilespmem:$0x0]  }
0x4f: {  	_ =	swait.ge @p3 [sflag:s14], $0x4000  }
0x50: {  	[sflag:s14] =	ssyncset.done @p3 $0x0  }
0x51: {  	p0 =	sle.u32 s10, $0x3;
	s11 =	simm.s32 @p3 $0xE;
	[sflag:s14] =	ssyncadd.s32 @p3 $0xFFFFC000  }
0x52: {  	s12 =	sadd.s32 @!p0 s2, s15;
	_ =	swait.ge @p3 [sflag:s11], $0x80  }
0x53: {  	s16 =	simm.s32 @!p0 $0x0;
	s12 =	sadd.s32 @!p0 $0x60, s12;
	[sflag:s11] =	ssyncset.done @p3 $0x0  }
0x54: {  	s14 =	simm.s32 @!p0 $0x300;
	[sflag:s11] =	ssyncadd.s32 @p3 $0xFFFFFF80;
	s11 =	simm.s32 @!p2 $0x3  }
0x55: {  	[tilespmem:s14], [sflag:$0x4] =	stream.linear.gather @!p0 [hbm4b:s12+s16], $0x100, $0x38;
	v63 =	vld [tilespmem:$0x0]  }
0x56: {  	_ =	swait.ge @!p2 [sflag:s11], $0x100  }
0x57: {  	s12 =	simm.s32 @!p2 $0x80;
	[sflag:s11] =	ssyncset.done @!p2 $0x0  }
0x58: {  	s16 =	simm.s32 @!p2 $0x8400;
	[sflag:s11] =	ssyncadd.s32 @!p2 $0xFFFFFF00;
	s11 =	simm.s32 @!p4 $0x6  }
0x59: {  	[tilespmem:s16], [sflag:$0x7] =	stream.indirect.gather @!p2 [hbm4b:s0+s12], $0x80, s3, s12, $0xb8;
	v63 =	vld [tilespmem:$0x0]  }
0x5a: {  	_ =	swait.ge @!p4 [sflag:s11], $0x4000  }
0x5b: {  	[sflag:s11] =	ssyncset.done @!p4 $0x0  }
0x5c: {  	s3 =	simm.s32 @!p4 $0x180;
	[sflag:s11] =	ssyncadd.s32 @!p4 $0xFFFFC000  }
0x5d: {  	[spmem:s4] =	stream.indirect.scatter.add.f32 @!p4 [tilespmem:s1], [sflag:$0x9], $0x80, s3, s8, $0xb8;
	v63 =	vld [tilespmem:$0x0]  }
0x5e: {  	s11 =	simm.s32 @!p1 $0x8;
	s1 =	simm.s32 @!p4 $0xC400  }
0x5f: {  	[spmem:s5] =	stream.indirect.scatter.add.f32 @!p4 [tilespmem:s1], [sflag:$0xC], $0x1, s3, s8, $0xb8;
	v63 =	vld [tilespmem:$0x0]  }
0x60: {  	_ =	swait.ge @!p1 [sflag:s11], $0x4000  }
0x61: {  	[sflag:s11] =	ssyncset.done @!p1 $0x0  }
0x62: {  	s1 =	simm.s32 @!p1 $0xB;
	[sflag:s11] =	ssyncadd.s32 @!p1 $0xFFFFC000  }
0x63: {  	p3 =	sle.u32 s10, $0x4;
	_ =	swait.ge @!p1 [sflag:s1], $0x80  }
0x64: {  	s8 =	simm.s32 @!p0 $0x4;
	s3 =	rddreg [dreg:$0x9];
	[sflag:s1] =	ssyncset.done @!p1 $0x0  }
0x65: {  	[sflag:s1] =	ssyncadd.s32 @!p1 $0xFFFFFF80;
	s1 =	simm.s32 @!p3 $0x0;
	s3 =	sadd.s32 @!p3 s2, s3  }
0x66: {  	[tilespmem:s1], [sflag:$0x1] =	stream.linear.gather @!p3 [hbm4b:s3+s1], $0x100, $0x38;
	v63 =	vld [tilespmem:$0x0]  }
0x67: {  	_ =	swait.ge @!p0 [sflag:s8], $0x100  }
0x68: {  	s11 =	simm.s32 @!p0 $0x400;
	[sflag:s8] =	ssyncset.done @!p0 $0x0  }
0x69: {  	s3 =	simm.s32 @!p0 $0x80;
	[sflag:s8] =	ssyncadd.s32 @!p0 $0xFFFFFF00;
	s8 =	simm.s32 @!p2 $0x7  }
0x6a: {  	[tilespmem:s11], [sflag:$0x5] =	stream.indirect.gather @!p0 [hbm4b:s0+s3], $0x80, s14, s3, $0xb8;
	v63 =	vld [tilespmem:$0x0]  }
0x6b: {  	_ =	swait.ge @!p2 [sflag:s8], $0x4000  }
0x6c: {  	[sflag:s8] =	ssyncset.done @!p2 $0x0  }
0x6d: {  	s14 =	simm.s32 @!p2 $0x280;
	[sflag:s8] =	ssyncadd.s32 @!p2 $0xFFFFC000  }
0x6e: {  	[spmem:s4] =	stream.indirect.scatter.add.f32 @!p2 [tilespmem:s16], [sflag:$0xA], $0x80, s14, s12, $0xb8;
	v63 =	vld [tilespmem:$0x0]  }
0x6f: {  	s8 =	simm.s32 @!p2 $0xC400;
	s16 =	simm.s32 @!p4 $0x9  }
0x70: {  	[spmem:s5] =	stream.indirect.scatter.add.f32 @!p2 [tilespmem:s8], [sflag:$0xD], $0x1, s14, s12, $0xb8;
	v63 =	vld [tilespmem:$0x0]  }
0x71: {  	_ =	swait.ge @!p4 [sflag:s16], $0x4000  }
0x72: {  	[sflag:s16] =	ssyncset.done @!p4 $0x0  }
0x73: {  	p1 =	sle.u32 s10, $0x5;
	s8 =	simm.s32 @!p4 $0xC;
	[sflag:s16] =	ssyncadd.s32 @!p4 $0xFFFFC000  }
0x74: {  	s12 =	sadd.s32 @!p1 s2, s15;
	_ =	swait.ge @!p4 [sflag:s8], $0x80  }
0x75: {  	s14 =	simm.s32 @!p1 $0x100;
	s12 =	sadd.s32 @!p1 $0xA0, s12;
	[sflag:s8] =	ssyncset.done @!p4 $0x0  }
0x76: {  	s16 =	simm.s32 @!p1 $0x0;
	[sflag:s8] =	ssyncadd.s32 @!p4 $0xFFFFFF80;
	s8 =	simm.s32 @!p3 $0x1  }
0x77: {  	[tilespmem:s14], [sflag:$0x2] =	stream.linear.gather @!p1 [hbm4b:s12+s16], $0x100, $0x38;
	v63 =	vld [tilespmem:$0x0]  }
0x78: {  	_ =	swait.ge @!p3 [sflag:s8], $0x100  }
0x79: {  	s12 =	simm.s32 @!p3 $0x80;
	[sflag:s8] =	ssyncset.done @!p3 $0x0  }
0x7a: {  	s16 =	simm.s32 @!p3 $0x4400;
	[sflag:s8] =	ssyncadd.s32 @!p3 $0xFFFFFF00;
	s8 =	simm.s32 @!p0 $0x5  }
0x7b: {  	[tilespmem:s16], [sflag:$0x6] =	stream.indirect.gather @!p3 [hbm4b:s0+s12], $0x80, s1, s12, $0xb8;
	v63 =	vld [tilespmem:$0x0]  }
0x7c: {  	_ =	swait.ge @!p0 [sflag:s8], $0x4000  }
0x7d: {  	[sflag:s8] =	ssyncset.done @!p0 $0x0  }
0x7e: {  	s1 =	simm.s32 @!p0 $0x380;
	[sflag:s8] =	ssyncadd.s32 @!p0 $0xFFFFC000  }
0x7f: {  	[spmem:s4] =	stream.indirect.scatter.add.f32 @!p0 [tilespmem:s11], [sflag:$0x8], $0x80, s1, s3, $0xb8;
	v63 =	vld [tilespmem:$0x0]  }
0x80: {  	s8 =	simm.s32 @!p0 $0xC400;
	s11 =	simm.s32 @!p2 $0xA  }
0x81: {  	[spmem:s5] =	stream.indirect.scatter.add.f32 @!p0 [tilespmem:s8], [sflag:$0xE], $0x1, s1, s3, $0xb8;
	v63 =	vld [tilespmem:$0x0]  }
0x82: {  	_ =	swait.ge @!p2 [sflag:s11], $0x4000  }
0x83: {  	[sflag:s11] =	ssyncset.done @!p2 $0x0  }
0x84: {  	p4 =	sle.u32 s10, $0x6;
	s1 =	simm.s32 @!p2 $0xD;
	[sflag:s11] =	ssyncadd.s32 @!p2 $0xFFFFC000  }
0x85: {  	s8 =	simm.s32 @!p4 $0x200;
	_ =	swait.ge @!p2 [sflag:s1], $0x80  }
0x86: {  	s11 =	simm.s32 @!p1 $0x2;
	s3 =	rddreg [dreg:$0xa];
	[sflag:s1] =	ssyncset.done @!p2 $0x0  }
0x87: {  	[sflag:s1] =	ssyncadd.s32 @!p2 $0xFFFFFF80;
	s1 =	simm.s32 @!p4 $0x0;
	s3 =	sadd.s32 @!p4 s2, s3  }
0x88: {  	[tilespmem:s8], [sflag:$0x3] =	stream.linear.gather @!p4 [hbm4b:s3+s1], $0x100, $0x38;
	v63 =	vld [tilespmem:$0x0]  }
0x89: {  	_ =	swait.ge @!p1 [sflag:s11], $0x100  }
0x8a: {  	s1 =	simm.s32 @!p1 $0x80;
	[sflag:s11] =	ssyncset.done @!p1 $0x0  }
0x8b: {  	s3 =	simm.s32 @!p1 $0x8400;
	[sflag:s11] =	ssyncadd.s32 @!p1 $0xFFFFFF00;
	s11 =	simm.s32 @!p3 $0x6  }
0x8c: {  	[tilespmem:s3], [sflag:$0x7] =	stream.indirect.gather @!p1 [hbm4b:s0+s1], $0x80, s14, s1, $0xb8;
	v63 =	vld [tilespmem:$0x0]  }
0x8d: {  	_ =	swait.ge @!p3 [sflag:s11], $0x4000  }
0x8e: {  	[sflag:s11] =	ssyncset.done @!p3 $0x0  }
0x8f: {  	[sflag:s11] =	ssyncadd.s32 @!p3 $0xFFFFC000  }
0x90: {  	[spmem:s4] =	stream.indirect.scatter.add.f32 @!p3 [tilespmem:s16], [sflag:$0x9], $0x80, s12, s12, $0xb8;
	v63 =	vld [tilespmem:$0x0]  }
0x91: {  	s14 =	simm.s32 @!p0 $0x8;
	s11 =	simm.s32 @!p3 $0xC400  }
0x92: {  	[spmem:s5] =	stream.indirect.scatter.add.f32 @!p3 [tilespmem:s11], [sflag:$0xB], $0x1, s12, s12, $0xb8;
	v63 =	vld [tilespmem:$0x0]  }
0x93: {  	_ =	swait.ge @!p0 [sflag:s14], $0x4000  }
0x94: {  	[sflag:s14] =	ssyncset.done @!p0 $0x0  }
0x95: {  	p2 =	sle.u32 s10, $0x7;
	s11 =	simm.s32 @!p0 $0xE;
	[sflag:s14] =	ssyncadd.s32 @!p0 $0xFFFFC000  }
0x96: {  	s12 =	sadd.s32 @!p2 s2, s15;
	_ =	swait.ge @!p0 [sflag:s11], $0x80  }
0x97: {  	s16 =	simm.s32 @!p2 $0x0;
	s12 =	sadd.s32 @!p2 $0xE0, s12;
	[sflag:s11] =	ssyncset.done @!p0 $0x0  }
0x98: {  	s14 =	simm.s32 @!p2 $0x300;
	[sflag:s11] =	ssyncadd.s32 @!p0 $0xFFFFFF80;
	s11 =	simm.s32 @!p4 $0x3  }
0x99: {  	[tilespmem:s14], [sflag:$0x4] =	stream.linear.gather @!p2 [hbm4b:s12+s16], $0x100, $0x38;
	v63 =	vld [tilespmem:$0x0]  }
0x9a: {  	_ =	swait.ge @!p4 [sflag:s11], $0x100  }
0x9b: {  	s12 =	simm.s32 @!p4 $0x80;
	[sflag:s11] =	ssyncset.done @!p4 $0x0  }
0x9c: {  	s16 =	simm.s32 @!p4 $0x400;
	[sflag:s11] =	ssyncadd.s32 @!p4 $0xFFFFFF00;
	s11 =	simm.s32 @!p1 $0x7  }
0x9d: {  	[tilespmem:s16], [sflag:$0x5] =	stream.indirect.gather @!p4 [hbm4b:s0+s12], $0x80, s8, s12, $0xb8;
	v63 =	vld [tilespmem:$0x0]  }
0x9e: {  	_ =	swait.ge @!p1 [sflag:s11], $0x4000  }
0x9f: {  	[sflag:s11] =	ssyncset.done @!p1 $0x0  }
0xa0: {  	s8 =	simm.s32 @!p1 $0x180;
	[sflag:s11] =	ssyncadd.s32 @!p1 $0xFFFFC000  }
0xa1: {  	[spmem:s4] =	stream.indirect.scatter.add.f32 @!p1 [tilespmem:s3], [sflag:$0xA], $0x80, s8, s1, $0xb8;
	v63 =	vld [tilespmem:$0x0]  }
0xa2: {  	s11 =	simm.s32 @!p3 $0x9;
	s3 =	simm.s32 @!p1 $0xC400  }
0xa3: {  	[spmem:s5] =	stream.indirect.scatter.add.f32 @!p1 [tilespmem:s3], [sflag:$0xC], $0x1, s8, s1, $0xb8;
	v63 =	vld [tilespmem:$0x0]  }
0xa4: {  	_ =	swait.ge @!p3 [sflag:s11], $0x4000  }
0xa5: {  	[sflag:s11] =	ssyncset.done @!p3 $0x0  }
0xa6: {  	s1 =	simm.s32 @!p3 $0xB;
	[sflag:s11] =	ssyncadd.s32 @!p3 $0xFFFFC000  }
0xa7: {  	p5 =	sle.u32 s10, $0x8;
	_ =	swait.ge @!p3 [sflag:s1], $0x80  }
0xa8: {  	s8 =	simm.s32 @!p2 $0x4;
	s3 =	rddreg [dreg:$0xb];
	[sflag:s1] =	ssyncset.done @!p3 $0x0  }
0xa9: {  	[sflag:s1] =	ssyncadd.s32 @!p3 $0xFFFFFF80;
	s1 =	simm.s32 @!p5 $0x0;
	s3 =	sadd.s32 @!p5 s2, s3  }
0xaa: {  	[tilespmem:s1], [sflag:$0x1] =	stream.linear.gather @!p5 [hbm4b:s3+s1], $0x100, $0x38;
	v63 =	vld [tilespmem:$0x0]  }
0xab: {  	_ =	swait.ge @!p2 [sflag:s8], $0x100  }
0xac: {  	s11 =	simm.s32 @!p2 $0x4400;
	[sflag:s8] =	ssyncset.done @!p2 $0x0  }
0xad: {  	s3 =	simm.s32 @!p2 $0x80;
	[sflag:s8] =	ssyncadd.s32 @!p2 $0xFFFFFF00;
	s8 =	simm.s32 @!p4 $0x5  }
0xae: {  	[tilespmem:s11], [sflag:$0x6] =	stream.indirect.gather @!p2 [hbm4b:s0+s3], $0x80, s14, s3, $0xb8;
	v63 =	vld [tilespmem:$0x0]  }
0xaf: {  	_ =	swait.ge @!p4 [sflag:s8], $0x4000  }
0xb0: {  	[sflag:s8] =	ssyncset.done @!p4 $0x0  }
0xb1: {  	s14 =	simm.s32 @!p4 $0x280;
	[sflag:s8] =	ssyncadd.s32 @!p4 $0xFFFFC000  }
0xb2: {  	[spmem:s4] =	stream.indirect.scatter.add.f32 @!p4 [tilespmem:s16], [sflag:$0x8], $0x80, s14, s12, $0xb8;
	v63 =	vld [tilespmem:$0x0]  }
0xb3: {  	s8 =	simm.s32 @!p4 $0xC400;
	s16 =	simm.s32 @!p1 $0xA  }
0xb4: {  	[spmem:s5] =	stream.indirect.scatter.add.f32 @!p4 [tilespmem:s8], [sflag:$0xD], $0x1, s14, s12, $0xb8;
	v63 =	vld [tilespmem:$0x0]  }
0xb5: {  	_ =	swait.ge @!p1 [sflag:s16], $0x4000  }
0xb6: {  	[sflag:s16] =	ssyncset.done @!p1 $0x0  }
0xb7: {  	p0 =	sle.u32 s10, $0x9;
	s8 =	simm.s32 @!p1 $0xC;
	[sflag:s16] =	ssyncadd.s32 @!p1 $0xFFFFC000  }
0xb8: {  	s12 =	sadd.s32 @!p0 s2, s15;
	_ =	swait.ge @!p1 [sflag:s8], $0x80  }
0xb9: {  	s14 =	simm.s32 @!p0 $0x100;
	s12 =	sadd.s32 @!p0 $0x120, s12;
	[sflag:s8] =	ssyncset.done @!p1 $0x0  }
0xba: {  	s16 =	simm.s32 @!p0 $0x0;
	[sflag:s8] =	ssyncadd.s32 @!p1 $0xFFFFFF80;
	s8 =	simm.s32 @!p5 $0x1  }
0xbb: {  	[tilespmem:s14], [sflag:$0x2] =	stream.linear.gather @!p0 [hbm4b:s12+s16], $0x100, $0x38;
	v63 =	vld [tilespmem:$0x0]  }
0xbc: {  	_ =	swait.ge @!p5 [sflag:s8], $0x100  }
0xbd: {  	s12 =	simm.s32 @!p5 $0x80;
	[sflag:s8] =	ssyncset.done @!p5 $0x0  }
0xbe: {  	s16 =	simm.s32 @!p5 $0x8400;
	[sflag:s8] =	ssyncadd.s32 @!p5 $0xFFFFFF00;
	s8 =	simm.s32 @!p2 $0x6  }
0xbf: {  	[tilespmem:s16], [sflag:$0x7] =	stream.indirect.gather @!p5 [hbm4b:s0+s12], $0x80, s1, s12, $0xb8;
	v63 =	vld [tilespmem:$0x0]  }
0xc0: {  	_ =	swait.ge @!p2 [sflag:s8], $0x4000  }
0xc1: {  	[sflag:s8] =	ssyncset.done @!p2 $0x0  }
0xc2: {  	s1 =	simm.s32 @!p2 $0x380;
	[sflag:s8] =	ssyncadd.s32 @!p2 $0xFFFFC000  }
0xc3: {  	[spmem:s4] =	stream.indirect.scatter.add.f32 @!p2 [tilespmem:s11], [sflag:$0x9], $0x80, s1, s3, $0xb8;
	v63 =	vld [tilespmem:$0x0]  }
0xc4: {  	s8 =	simm.s32 @!p2 $0xC400;
	s11 =	simm.s32 @!p4 $0x8  }
0xc5: {  	[spmem:s5] =	stream.indirect.scatter.add.f32 @!p2 [tilespmem:s8], [sflag:$0xE], $0x1, s1, s3, $0xb8;
	v63 =	vld [tilespmem:$0x0]  }
0xc6: {  	_ =	swait.ge @!p4 [sflag:s11], $0x4000  }
0xc7: {  	[sflag:s11] =	ssyncset.done @!p4 $0x0  }
0xc8: {  	p1 =	sle.u32 s10, $0xA;
	s1 =	simm.s32 @!p4 $0xD;
	[sflag:s11] =	ssyncadd.s32 @!p4 $0xFFFFC000  }
0xc9: {  	s8 =	simm.s32 @!p1 $0x200;
	_ =	swait.ge @!p4 [sflag:s1], $0x80  }
0xca: {  	s11 =	simm.s32 @!p0 $0x2;
	s3 =	rddreg [dreg:$0xc];
	[sflag:s1] =	ssyncset.done @!p4 $0x0  }
0xcb: {  	[sflag:s1] =	ssyncadd.s32 @!p4 $0xFFFFFF80;
	s1 =	simm.s32 @!p1 $0x0;
	s3 =	sadd.s32 @!p1 s2, s3  }
0xcc: {  	[tilespmem:s8], [sflag:$0x3] =	stream.linear.gather @!p1 [hbm4b:s3+s1], $0x100, $0x38;
	v63 =	vld [tilespmem:$0x0]  }
0xcd: {  	_ =	swait.ge @!p0 [sflag:s11], $0x100  }
0xce: {  	s1 =	simm.s32 @!p0 $0x80;
	[sflag:s11] =	ssyncset.done @!p0 $0x0  }
0xcf: {  	s3 =	simm.s32 @!p0 $0x400;
	[sflag:s11] =	ssyncadd.s32 @!p0 $0xFFFFFF00;
	s11 =	simm.s32 @!p5 $0x7  }
0xd0: {  	[tilespmem:s3], [sflag:$0x5] =	stream.indirect.gather @!p0 [hbm4b:s0+s1], $0x80, s14, s1, $0xb8;
	v63 =	vld [tilespmem:$0x0]  }
0xd1: {  	_ =	swait.ge @!p5 [sflag:s11], $0x4000  }
0xd2: {  	[sflag:s11] =	ssyncset.done @!p5 $0x0  }
0xd3: {  	[sflag:s11] =	ssyncadd.s32 @!p5 $0xFFFFC000  }
0xd4: {  	[spmem:s4] =	stream.indirect.scatter.add.f32 @!p5 [tilespmem:s16], [sflag:$0xA], $0x80, s12, s12, $0xb8;
	v63 =	vld [tilespmem:$0x0]  }
0xd5: {  	s14 =	simm.s32 @!p2 $0x9;
	s11 =	simm.s32 @!p5 $0xC400  }
0xd6: {  	[spmem:s5] =	stream.indirect.scatter.add.f32 @!p5 [tilespmem:s11], [sflag:$0xB], $0x1, s12, s12, $0xb8;
	v63 =	vld [tilespmem:$0x0]  }
0xd7: {  	_ =	swait.ge @!p2 [sflag:s14], $0x4000  }
0xd8: {  	[sflag:s14] =	ssyncset.done @!p2 $0x0  }
0xd9: {  	p3 =	sle.u32 s10, $0xB;
	s11 =	simm.s32 @!p2 $0xE;
	[sflag:s14] =	ssyncadd.s32 @!p2 $0xFFFFC000  }
0xda: {  	s12 =	sadd.s32 @!p3 s2, s15;
	_ =	swait.ge @!p2 [sflag:s11], $0x80  }
0xdb: {  	s16 =	simm.s32 @!p1 $0x3;
	s12 =	sadd.s32 @!p3 $0x160, s12;
	[sflag:s11] =	ssyncset.done @!p2 $0x0  }
0xdc: {  	s14 =	simm.s32 @!p3 $0x300;
	[sflag:s11] =	ssyncadd.s32 @!p2 $0xFFFFFF80;
	s11 =	simm.s32 @!p3 $0x0  }
0xdd: {  	[tilespmem:s14], [sflag:$0x4] =	stream.linear.gather @!p3 [hbm4b:s12+s11], $0x100, $0x38;
	v63 =	vld [tilespmem:$0x0]  }
0xde: {  	_ =	swait.ge @!p1 [sflag:s16], $0x100  }
0xdf: {  	s11 =	simm.s32 @!p1 $0x80;
	[sflag:s16] =	ssyncset.done @!p1 $0x0  }
0xe0: {  	s12 =	simm.s32 @!p1 $0x4400;
	[sflag:s16] =	ssyncadd.s32 @!p1 $0xFFFFFF00;
	s16 =	simm.s32 @!p0 $0x5  }
0xe1: {  	[tilespmem:s12], [sflag:$0x6] =	stream.indirect.gather @!p1 [hbm4b:s0+s11], $0x80, s8, s11, $0xb8;
	v63 =	vld [tilespmem:$0x0]  }
0xe2: {  	_ =	swait.ge @!p0 [sflag:s16], $0x4000  }
0xe3: {  	[sflag:s16] =	ssyncset.done @!p0 $0x0  }
0xe4: {  	s8 =	simm.s32 @!p0 $0x180;
	[sflag:s16] =	ssyncadd.s32 @!p0 $0xFFFFC000  }
0xe5: {  	[spmem:s4] =	stream.indirect.scatter.add.f32 @!p0 [tilespmem:s3], [sflag:$0x8], $0x80, s8, s1, $0xb8;
	v63 =	vld [tilespmem:$0x0]  }
0xe6: {  	s16 =	simm.s32 @!p5 $0xA;
	s3 =	simm.s32 @!p0 $0xC400  }
0xe7: {  	[spmem:s5] =	stream.indirect.scatter.add.f32 @!p0 [tilespmem:s3], [sflag:$0xC], $0x1, s8, s1, $0xb8;
	v63 =	vld [tilespmem:$0x0]  }
0xe8: {  	_ =	swait.ge @!p5 [sflag:s16], $0x4000  }
0xe9: {  	[sflag:s16] =	ssyncset.done @!p5 $0x0  }
0xea: {  	s1 =	simm.s32 @!p5 $0xB;
	[sflag:s16] =	ssyncadd.s32 @!p5 $0xFFFFC000  }
0xeb: {  	p2 =	sle.u32 s10, $0xC;
	_ =	swait.ge @!p5 [sflag:s1], $0x80  }
0xec: {  	s16 =	simm.s32 @!p3 $0x4;
	s3 =	rddreg [dreg:$0xd];
	[sflag:s1] =	ssyncset.done @!p5 $0x0  }
0xed: {  	[sflag:s1] =	ssyncadd.s32 @!p5 $0xFFFFFF80;
	s1 =	simm.s32 @!p2 $0x0;
	s3 =	sadd.s32 @!p2 s2, s3  }
0xee: {  	[tilespmem:s1], [sflag:$0x1] =	stream.linear.gather @!p2 [hbm4b:s3+s1], $0x100, $0x38;
	v63 =	vld [tilespmem:$0x0]  }
0xef: {  	_ =	swait.ge @!p3 [sflag:s16], $0x100  }
0xf0: {  	s25 =	simm.s32 @!p3 $0x80;
	[sflag:s16] =	ssyncset.done @!p3 $0x0  }
0xf1: {  	s8 =	simm.s32 @!p3 $0x8400;
	s3 =	simm.s32 @!p1 $0x6;
	[sflag:s16] =	ssyncadd.s32 @!p3 $0xFFFFFF00  }
0xf2: {  	[tilespmem:s8], [sflag:$0x7] =	stream.indirect.gather @!p3 [hbm4b:s0+s25], $0x80, s14, s25, $0xb8;
	v63 =	vld [tilespmem:$0x0]  }
0xf3: {  	_ =	swait.ge @!p1 [sflag:s3], $0x4000  }
0xf4: {  	[sflag:s3] =	ssyncset.done @!p1 $0x0  }
0xf5: {  	s14 =	simm.s32 @!p1 $0x280;
	[sflag:s3] =	ssyncadd.s32 @!p1 $0xFFFFC000  }
0xf6: {  	[spmem:s4] =	stream.indirect.scatter.add.f32 @!p1 [tilespmem:s12], [sflag:$0x9], $0x80, s14, s11, $0xb8;
	v63 =	vld [tilespmem:$0x0]  }
0xf7: {  	s3 =	simm.s32 @!p1 $0xC400;
	s12 =	simm.s32 @!p0 $0x8  }
0xf8: {  	[spmem:s5] =	stream.indirect.scatter.add.f32 @!p1 [tilespmem:s3], [sflag:$0xD], $0x1, s14, s11, $0xb8;
	v63 =	vld [tilespmem:$0x0]  }
0xf9: {  	_ =	swait.ge @!p0 [sflag:s12], $0x4000  }
0xfa: {  	[sflag:s12] =	ssyncset.done @!p0 $0x0  }
0xfb: {  	s3 =	simm.s32 @!p0 $0xC;
	p1 =	sle.u32 s10, $0xD;
	[sflag:s12] =	ssyncadd.s32 @!p0 $0xFFFFC000  }
0xfc: {  	s11 =	sadd.s32 @!p1 s2, s15;
	_ =	swait.ge @!p0 [sflag:s3], $0x80  }
0xfd: {  	s14 =	simm.s32 @!p1 $0x0;
	s11 =	sadd.s32 @!p1 $0x1A0, s11;
	[sflag:s3] =	ssyncset.done @!p0 $0x0  }
0xfe: {  	s12 =	simm.s32 @!p1 $0x100;
	[sflag:s3] =	ssyncadd.s32 @!p0 $0xFFFFFF80;
	s3 =	simm.s32 @!p2 $0x1  }
0xff: {  	[tilespmem:s12], [sflag:$0x2] =	stream.linear.gather @!p1 [hbm4b:s11+s14], $0x100, $0x38;
	v63 =	vld [tilespmem:$0x0]  }
0x100: {  	s31 =	simm.s32 $0xC;
	_ =	swait.ge @!p2 [sflag:s3], $0x100  }
0x101: {  	s20 =	simm.s32 $0x18;
	s24 =	simm.s32 @!p3 $0x380;
	[sflag:s3] =	ssyncset.done @!p2 $0x0  }
0x102: {  	s11 =	simm.s32 @!p2 $0x80;
	[sflag:s3] =	ssyncadd.s32 @!p2 $0xFFFFFF00;
	s3 =	simm.s32 @!p2 $0x400  }
0x103: {  	[tilespmem:s3], [sflag:$0x5] =	stream.indirect.gather @!p2 [hbm4b:s0+s11], $0x80, s1, s11, $0xb8;
	v63 =	vld [tilespmem:$0x0]  }
0x104: {  	p0 =	por $0x1, $0x1;
	p1 =	sge.u32 s10, $0xC;
	s11 =	simm.s32 @!p3 $0x7  }
0x105: {  	s1 =	sadd.s32 $0x180, s2;
	s3 =	simm.s32 $0x18;
	_ =	swait.ge @!p3 [sflag:s11], $0x4000  }
.LBB2_2:
0x106: {  	p0 =	por !p0, !p1  }
0x107: {  	[sflag:s11] =	ssyncset.done @!p3 $0x0;
	s22 =	smov.u32 s20;
	s20 =	sadd.s32 $0xC, s20  }
0x108: {  	p1 =	por !p0, !p0;
	[sflag:s11] =	ssyncadd.s32 @!p3 $0xFFFFC000;
	p0 =	sne.s32 s20, $0x54  }
0x109: {  	[spmem:s4] =	stream.indirect.scatter.add.f32 @!p3 [tilespmem:s8], [sflag:$0xA], $0x80, s24, s25, $0xb8;
	v63 =	vld [tilespmem:$0x0]  }
0x10a: {  	s8 =	simm.s32 @!p0 $0x0  }
0x10b: {  	s8 =	simm.s32 @p0 $0x1  }
0x10c: {  	s11 =	simm.s32 @!p3 $0xC400;
	[smem:$0x7FB] =	sst s8;
	s8 =	simm.s32 @p1 $0x9  }
0x10d: {  	[spmem:s5] =	stream.indirect.scatter.add.f32 @!p3 [tilespmem:s11], [sflag:$0xE], $0x1, s24, s25, $0xb8;
	v63 =	vld [tilespmem:$0x0]  }
0x10e: {  	_ =	swait.ge @p1 [sflag:s8], $0x4000  }
0x10f: {  	[sflag:s8] =	ssyncset.done @p1 $0x0  }
0x110: {  	s17 =	sadd.s32 $0x2, s31;
	[sflag:s8] =	ssyncadd.s32 @p1 $0xFFFFC000;
	s8 =	simm.s32 @p1 $0xD  }
0x111: {  	p4 =	sge.u32 s17, s10;
	_ =	swait.ge @p1 [sflag:s8], $0x80  }
0x112: {  	s12 =	simm.s32 @!p4 $0x200;
	[sflag:s8] =	ssyncset.done @p1 $0x0;
	s16 =	rddreg [dreg:$0x8]  }
0x113: {  	s14 =	rddreg [dreg:$0x7];
	[sflag:s8] =	ssyncadd.s32 @p1 $0xFFFFFF80;
	p0 =	sge.u32 s31, s16  }
0x114: {  	s8 =	simm.s32 @!p4 $0x0;
	s14 =	sadd.s32 @!p4 s1, s14;
	s11 =	simm.s32 @!p0 $0x2  }
0x115: {  	[tilespmem:s12], [sflag:$0x3] =	stream.linear.gather @!p4 [hbm4b:s14+s8], $0x100, $0x38;
	v63 =	vld [tilespmem:$0x0]  }
0x116: {  	p2 =	sge.u32 s31, s10;
	_ =	swait.ge @!p0 [sflag:s11], $0x100  }
0x117: {  	s24 =	simm.s32 @!p0 $0x4400;
	s8 =	simm.s32 @!p0 $0x80;
	[sflag:s11] =	ssyncset.done @!p0 $0x0  }
0x118: {  	s14 =	simm.s32 @!p0 $0x100;
	[sflag:s11] =	ssyncadd.s32 @!p0 $0xFFFFFF00;
	s11 =	simm.s32 @!p2 $0x5  }
0x119: {  	[tilespmem:s24], [sflag:$0x6] =	stream.indirect.gather @!p0 [hbm4b:s0+s8], $0x80, s14, s8, $0xb8;
	v63 =	vld [tilespmem:$0x0]  }
0x11a: {  	_ =	swait.ge @!p2 [sflag:s11], $0x4000  }
0x11b: {  	[sflag:s11] =	ssyncset.done @!p2 $0x0  }
0x11c: {  	s16 =	simm.s32 @!p2 $0x400;
	s14 =	simm.s32 @!p2 $0x80;
	[sflag:s11] =	ssyncadd.s32 @!p2 $0xFFFFC000  }
0x11d: {  	[spmem:s4] =	stream.indirect.scatter.add.f32 @!p2 [tilespmem:s16], [sflag:$0x8], $0x80, s14, s14, $0xb8;
	v63 =	vld [tilespmem:$0x0]  }
0x11e: {  	s11 =	simm.s32 @!p2 $0xC400;
	s16 =	simm.s32 @p1 $0xA  }
0x11f: {  	[spmem:s5] =	stream.indirect.scatter.add.f32 @!p2 [tilespmem:s11], [sflag:$0xB], $0x1, s14, s14, $0xb8;
	v63 =	vld [tilespmem:$0x0]  }
0x120: {  	_ =	swait.ge @p1 [sflag:s16], $0x4000  }
0x121: {  	[sflag:s16] =	ssyncset.done @p1 $0x0  }
0x122: {  	s18 =	sadd.s32 $0x3, s31;
	s11 =	simm.s32 @p1 $0xE;
	[sflag:s16] =	ssyncadd.s32 @p1 $0xFFFFC000  }
0x123: {  	s17 =	simm.s32 @!p4 $0x3;
	p3 =	sge.u32 s18, s10;
	_ =	swait.ge @p1 [sflag:s11], $0x80  }
0x124: {  	s25 =	simm.s32 @!p3 $0x300;
	s14 =	sadd.s32 @!p3 s1, s15;
	[sflag:s11] =	ssyncset.done @p1 $0x0  }
0x125: {  	s14 =	sadd.s32 @!p3 $0x60, s14;
	s16 =	simm.s32 @!p3 $0x0;
	[sflag:s11] =	ssyncadd.s32 @p1 $0xFFFFFF80  }
0x126: {  	[tilespmem:s25], [sflag:$0x4] =	stream.linear.gather @!p3 [hbm4b:s14+s16], $0x100, $0x38;
	v63 =	vld [tilespmem:$0x0]  }
0x127: {  	_ =	swait.ge @!p4 [sflag:s17], $0x100  }
0x128: {  	s11 =	simm.s32 @!p4 $0x80;
	[sflag:s17] =	ssyncset.done @!p4 $0x0  }
0x129: {  	s14 =	simm.s32 @!p4 $0x8400;
	s16 =	simm.s32 @!p0 $0x6;
	[sflag:s17] =	ssyncadd.s32 @!p4 $0xFFFFFF00  }
0x12a: {  	[tilespmem:s14], [sflag:$0x7] =	stream.indirect.gather @!p4 [hbm4b:s0+s11], $0x80, s12, s11, $0xb8;
	v63 =	vld [tilespmem:$0x0]  }
0x12b: {  	_ =	swait.ge @!p0 [sflag:s16], $0x4000  }
0x12c: {  	[sflag:s16] =	ssyncset.done @!p0 $0x0  }
0x12d: {  	s12 =	simm.s32 @!p0 $0x180;
	[sflag:s16] =	ssyncadd.s32 @!p0 $0xFFFFC000  }
0x12e: {  	[spmem:s4] =	stream.indirect.scatter.add.f32 @!p0 [tilespmem:s24], [sflag:$0x9], $0x80, s12, s8, $0xb8;
	v63 =	vld [tilespmem:$0x0]  }
0x12f: {  	s17 =	simm.s32 @!p2 $0x8;
	s16 =	simm.s32 @!p0 $0xC400  }
0x130: {  	[spmem:s5] =	stream.indirect.scatter.add.f32 @!p0 [tilespmem:s16], [sflag:$0xC], $0x1, s12, s8, $0xb8;
	v63 =	vld [tilespmem:$0x0]  }
0x131: {  	_ =	swait.ge @!p2 [sflag:s17], $0x4000  }
0x132: {  	[sflag:s17] =	ssyncset.done @!p2 $0x0  }
0x133: {  	s24 =	sadd.s32 $0x4, s31;
	s8 =	simm.s32 @!p2 $0xB;
	[sflag:s17] =	ssyncadd.s32 @!p2 $0xFFFFC000  }
0x134: {  	p1 =	sge.u32 s24, s10;
	_ =	swait.ge @!p2 [sflag:s8], $0x80  }
0x135: {  	s12 =	simm.s32 @!p1 $0x0;
	s16 =	rddreg [dreg:$0x9];
	[sflag:s8] =	ssyncset.done @!p2 $0x0  }
0x136: {  	[sflag:s8] =	ssyncadd.s32 @!p2 $0xFFFFFF80;
	s8 =	sadd.s32 @!p1 s1, s16;
	s16 =	simm.s32 @!p3 $0x4  }
0x137: {  	[tilespmem:s12], [sflag:$0x1] =	stream.linear.gather @!p1 [hbm4b:s8+s12], $0x100, $0x38;
	v63 =	vld [tilespmem:$0x0]  }
0x138: {  	_ =	swait.ge @!p3 [sflag:s16], $0x100  }
0x139: {  	s24 =	simm.s32 @!p3 $0x80;
	[sflag:s16] =	ssyncset.done @!p3 $0x0  }
0x13a: {  	s17 =	simm.s32 @!p3 $0x400;
	s8 =	simm.s32 @!p4 $0x7;
	[sflag:s16] =	ssyncadd.s32 @!p3 $0xFFFFFF00  }
0x13b: {  	[tilespmem:s17], [sflag:$0x5] =	stream.indirect.gather @!p3 [hbm4b:s0+s24], $0x80, s25, s24, $0xb8;
	v63 =	vld [tilespmem:$0x0]  }
0x13c: {  	_ =	swait.ge @!p4 [sflag:s8], $0x4000  }
0x13d: {  	[sflag:s8] =	ssyncset.done @!p4 $0x0  }
0x13e: {  	s16 =	simm.s32 @!p4 $0x280;
	[sflag:s8] =	ssyncadd.s32 @!p4 $0xFFFFC000  }
0x13f: {  	[spmem:s4] =	stream.indirect.scatter.add.f32 @!p4 [tilespmem:s14], [sflag:$0xA], $0x80, s16, s11, $0xb8;
	v63 =	vld [tilespmem:$0x0]  }
0x140: {  	s8 =	simm.s32 @!p4 $0xC400;
	s14 =	simm.s32 @!p0 $0x9  }
0x141: {  	[spmem:s5] =	stream.indirect.scatter.add.f32 @!p4 [tilespmem:s8], [sflag:$0xD], $0x1, s16, s11, $0xb8;
	v63 =	vld [tilespmem:$0x0]  }
0x142: {  	_ =	swait.ge @!p0 [sflag:s14], $0x4000  }
0x143: {  	[sflag:s14] =	ssyncset.done @!p0 $0x0  }
0x144: {  	s11 =	simm.s32 @!p0 $0xC;
	s16 =	sadd.s32 $0x5, s31;
	[sflag:s14] =	ssyncadd.s32 @!p0 $0xFFFFC000  }
0x145: {  	s25 =	simm.s32 @!p1 $0x1;
	p5 =	sge.u32 s16, s10;
	_ =	swait.ge @!p0 [sflag:s11], $0x80  }
0x146: {  	s8 =	simm.s32 @!p5 $0x100;
	s14 =	sadd.s32 @!p5 s1, s15;
	[sflag:s11] =	ssyncset.done @!p0 $0x0  }
0x147: {  	s16 =	simm.s32 @!p5 $0x0;
	s14 =	sadd.s32 @!p5 $0xA0, s14;
	[sflag:s11] =	ssyncadd.s32 @!p0 $0xFFFFFF80  }
0x148: {  	[tilespmem:s8], [sflag:$0x2] =	stream.linear.gather @!p5 [hbm4b:s14+s16], $0x100, $0x38;
	v63 =	vld [tilespmem:$0x0]  }
0x149: {  	_ =	swait.ge @!p1 [sflag:s25], $0x100  }
0x14a: {  	s11 =	simm.s32 @!p1 $0x80;
	[sflag:s25] =	ssyncset.done @!p1 $0x0  }
0x14b: {  	s14 =	simm.s32 @!p1 $0x4400;
	s16 =	simm.s32 @!p3 $0x5;
	[sflag:s25] =	ssyncadd.s32 @!p1 $0xFFFFFF00  }
0x14c: {  	[tilespmem:s14], [sflag:$0x6] =	stream.indirect.gather @!p1 [hbm4b:s0+s11], $0x80, s12, s11, $0xb8;
	v63 =	vld [tilespmem:$0x0]  }
0x14d: {  	_ =	swait.ge @!p3 [sflag:s16], $0x4000  }
0x14e: {  	[sflag:s16] =	ssyncset.done @!p3 $0x0  }
0x14f: {  	s12 =	simm.s32 @!p3 $0x380;
	[sflag:s16] =	ssyncadd.s32 @!p3 $0xFFFFC000  }
0x150: {  	[spmem:s4] =	stream.indirect.scatter.add.f32 @!p3 [tilespmem:s17], [sflag:$0x8], $0x80, s12, s24, $0xb8;
	v63 =	vld [tilespmem:$0x0]  }
0x151: {  	s16 =	simm.s32 @!p3 $0xC400;
	s17 =	simm.s32 @!p4 $0xA  }
0x152: {  	[spmem:s5] =	stream.indirect.scatter.add.f32 @!p3 [tilespmem:s16], [sflag:$0xE], $0x1, s12, s24, $0xb8;
	v63 =	vld [tilespmem:$0x0]  }
0x153: {  	_ =	swait.ge @!p4 [sflag:s17], $0x4000  }
0x154: {  	s18 =	sadd.s32 $0x6, s31;
	[sflag:s17] =	ssyncset.done @!p4 $0x0  }
0x155: {  	p0 =	sge.u32 s18, s10;
	s12 =	simm.s32 @!p4 $0xD;
	[sflag:s17] =	ssyncadd.s32 @!p4 $0xFFFFC000  }
0x156: {  	s16 =	simm.s32 @!p0 $0x200;
	_ =	swait.ge @!p4 [sflag:s12], $0x80  }
0x157: {  	s24 =	simm.s32 @!p5 $0x2;
	s17 =	rddreg [dreg:$0xa];
	[sflag:s12] =	ssyncset.done @!p4 $0x0  }
0x158: {  	[sflag:s12] =	ssyncadd.s32 @!p4 $0xFFFFFF80;
	s12 =	simm.s32 @!p0 $0x0;
	s17 =	sadd.s32 @!p0 s1, s17  }
0x159: {  	[tilespmem:s16], [sflag:$0x3] =	stream.linear.gather @!p0 [hbm4b:s17+s12], $0x100, $0x38;
	v63 =	vld [tilespmem:$0x0]  }
0x15a: {  	_ =	swait.ge @!p5 [sflag:s24], $0x100  }
0x15b: {  	s12 =	simm.s32 @!p5 $0x80;
	[sflag:s24] =	ssyncset.done @!p5 $0x0  }
0x15c: {  	s17 =	simm.s32 @!p5 $0x8400;
	[sflag:s24] =	ssyncadd.s32 @!p5 $0xFFFFFF00;
	s24 =	simm.s32 @!p1 $0x6  }
0x15d: {  	[tilespmem:s17], [sflag:$0x7] =	stream.indirect.gather @!p5 [hbm4b:s0+s12], $0x80, s8, s12, $0xb8;
	v63 =	vld [tilespmem:$0x0]  }
0x15e: {  	_ =	swait.ge @!p1 [sflag:s24], $0x4000  }
0x15f: {  	[sflag:s24] =	ssyncset.done @!p1 $0x0  }
0x160: {  	[sflag:s24] =	ssyncadd.s32 @!p1 $0xFFFFC000  }
0x161: {  	[spmem:s4] =	stream.indirect.scatter.add.f32 @!p1 [tilespmem:s14], [sflag:$0x9], $0x80, s11, s11, $0xb8;
	v63 =	vld [tilespmem:$0x0]  }
0x162: {  	s8 =	simm.s32 @!p1 $0xC400;
	s14 =	simm.s32 @!p3 $0x8  }
0x163: {  	[spmem:s5] =	stream.indirect.scatter.add.f32 @!p1 [tilespmem:s8], [sflag:$0xB], $0x1, s11, s11, $0xb8;
	v63 =	vld [tilespmem:$0x0]  }
0x164: {  	_ =	swait.ge @!p3 [sflag:s14], $0x4000  }
0x165: {  	[sflag:s14] =	ssyncset.done @!p3 $0x0  }
0x166: {  	s24 =	sadd.s32 $0x7, s31;
	s11 =	simm.s32 @!p3 $0xE;
	[sflag:s14] =	ssyncadd.s32 @!p3 $0xFFFFC000  }
0x167: {  	s25 =	simm.s32 @!p0 $0x3;
	p6 =	sge.u32 s24, s10;
	_ =	swait.ge @!p3 [sflag:s11], $0x80  }
0x168: {  	s24 =	simm.s32 @!p6 $0x0;
	s14 =	sadd.s32 @!p6 s1, s15;
	[sflag:s11] =	ssyncset.done @!p3 $0x0  }
0x169: {  	s8 =	simm.s32 @!p6 $0x300;
	s14 =	sadd.s32 @!p6 $0xE0, s14;
	[sflag:s11] =	ssyncadd.s32 @!p3 $0xFFFFFF80  }
0x16a: {  	[tilespmem:s8], [sflag:$0x4] =	stream.linear.gather @!p6 [hbm4b:s14+s24], $0x100, $0x38;
	v63 =	vld [tilespmem:$0x0]  }
0x16b: {  	_ =	swait.ge @!p0 [sflag:s25], $0x100  }
0x16c: {  	s11 =	simm.s32 @!p0 $0x80;
	[sflag:s25] =	ssyncset.done @!p0 $0x0  }
0x16d: {  	s14 =	simm.s32 @!p0 $0x400;
	s24 =	simm.s32 @!p5 $0x7;
	[sflag:s25] =	ssyncadd.s32 @!p0 $0xFFFFFF00  }
0x16e: {  	[tilespmem:s14], [sflag:$0x5] =	stream.indirect.gather @!p0 [hbm4b:s0+s11], $0x80, s16, s11, $0xb8;
	v63 =	vld [tilespmem:$0x0]  }
0x16f: {  	_ =	swait.ge @!p5 [sflag:s24], $0x4000  }
0x170: {  	[sflag:s24] =	ssyncset.done @!p5 $0x0  }
0x171: {  	s16 =	simm.s32 @!p5 $0x180;
	[sflag:s24] =	ssyncadd.s32 @!p5 $0xFFFFC000  }
0x172: {  	[spmem:s4] =	stream.indirect.scatter.add.f32 @!p5 [tilespmem:s17], [sflag:$0xA], $0x80, s16, s12, $0xb8;
	v63 =	vld [tilespmem:$0x0]  }
0x173: {  	s24 =	simm.s32 @!p5 $0xC400;
	s17 =	simm.s32 @!p1 $0x9  }
0x174: {  	[spmem:s5] =	stream.indirect.scatter.add.f32 @!p5 [tilespmem:s24], [sflag:$0xC], $0x1, s16, s12, $0xb8;
	v63 =	vld [tilespmem:$0x0]  }
0x175: {  	_ =	swait.ge @!p1 [sflag:s17], $0x4000  }
0x176: {  	[sflag:s17] =	ssyncset.done @!p1 $0x0  }
0x177: {  	s12 =	simm.s32 @!p1 $0xB;
	[sflag:s17] =	ssyncadd.s32 @!p1 $0xFFFFC000  }
0x178: {  	_ =	swait.ge @!p1 [sflag:s12], $0x80  }
0x179: {  	s25 =	sadd.s32 $0x8, s31;
	[sflag:s12] =	ssyncset.done @!p1 $0x0  }
0x17a: {  	p2 =	sge.u32 s25, s10;
	s17 =	rddreg [dreg:$0xb];
	[sflag:s12] =	ssyncadd.s32 @!p1 $0xFFFFFF80  }
0x17b: {  	s12 =	simm.s32 @!p2 $0x0;
	s16 =	sadd.s32 @!p2 s1, s17;
	s17 =	simm.s32 @!p6 $0x4  }
0x17c: {  	[tilespmem:s12], [sflag:$0x1] =	stream.linear.gather @!p2 [hbm4b:s16+s12], $0x100, $0x38;
	v63 =	vld [tilespmem:$0x0]  }
0x17d: {  	_ =	swait.ge @!p6 [sflag:s17], $0x100  }
0x17e: {  	s24 =	simm.s32 @!p6 $0x80;
	[sflag:s17] =	ssyncset.done @!p6 $0x0  }
0x17f: {  	s16 =	simm.s32 @!p6 $0x4400;
	[sflag:s17] =	ssyncadd.s32 @!p6 $0xFFFFFF00;
	s17 =	simm.s32 @!p0 $0x5  }
0x180: {  	[tilespmem:s16], [sflag:$0x6] =	stream.indirect.gather @!p6 [hbm4b:s0+s24], $0x80, s8, s24, $0xb8;
	v63 =	vld [tilespmem:$0x0]  }
0x181: {  	_ =	swait.ge @!p0 [sflag:s17], $0x4000  }
0x182: {  	[sflag:s17] =	ssyncset.done @!p0 $0x0  }
0x183: {  	s8 =	simm.s32 @!p0 $0x280;
	[sflag:s17] =	ssyncadd.s32 @!p0 $0xFFFFC000  }
0x184: {  	[spmem:s4] =	stream.indirect.scatter.add.f32 @!p0 [tilespmem:s14], [sflag:$0x8], $0x80, s8, s11, $0xb8;
	v63 =	vld [tilespmem:$0x0]  }
0x185: {  	s17 =	simm.s32 @!p0 $0xC400;
	s14 =	simm.s32 @!p5 $0xA  }
0x186: {  	[spmem:s5] =	stream.indirect.scatter.add.f32 @!p0 [tilespmem:s17], [sflag:$0xD], $0x1, s8, s11, $0xb8;
	v63 =	vld [tilespmem:$0x0]  }
0x187: {  	_ =	swait.ge @!p5 [sflag:s14], $0x4000  }
0x188: {  	[sflag:s14] =	ssyncset.done @!p5 $0x0  }
0x189: {  	s18 =	sadd.s32 $0x9, s31;
	s11 =	simm.s32 @!p5 $0xC;
	[sflag:s14] =	ssyncadd.s32 @!p5 $0xFFFFC000  }
0x18a: {  	p4 =	sge.u32 s18, s10;
	s25 =	simm.s32 @!p2 $0x1;
	_ =	swait.ge @!p5 [sflag:s11], $0x80  }
0x18b: {  	s8 =	simm.s32 @!p4 $0x100;
	s14 =	sadd.s32 @!p4 s1, s15;
	[sflag:s11] =	ssyncset.done @!p5 $0x0  }
0x18c: {  	s17 =	simm.s32 @!p4 $0x0;
	s14 =	sadd.s32 @!p4 $0x120, s14;
	[sflag:s11] =	ssyncadd.s32 @!p5 $0xFFFFFF80  }
0x18d: {  	[tilespmem:s8], [sflag:$0x2] =	stream.linear.gather @!p4 [hbm4b:s14+s17], $0x100, $0x38;
	v63 =	vld [tilespmem:$0x0]  }
0x18e: {  	_ =	swait.ge @!p2 [sflag:s25], $0x100  }
0x18f: {  	s11 =	simm.s32 @!p2 $0x80;
	[sflag:s25] =	ssyncset.done @!p2 $0x0  }
0x190: {  	s14 =	simm.s32 @!p2 $0x8400;
	s17 =	simm.s32 @!p6 $0x6;
	[sflag:s25] =	ssyncadd.s32 @!p2 $0xFFFFFF00  }
0x191: {  	[tilespmem:s14], [sflag:$0x7] =	stream.indirect.gather @!p2 [hbm4b:s0+s11], $0x80, s12, s11, $0xb8;
	v63 =	vld [tilespmem:$0x0]  }
0x192: {  	_ =	swait.ge @!p6 [sflag:s17], $0x4000  }
0x193: {  	[sflag:s17] =	ssyncset.done @!p6 $0x0  }
0x194: {  	s12 =	simm.s32 @!p6 $0x380;
	[sflag:s17] =	ssyncadd.s32 @!p6 $0xFFFFC000  }
0x195: {  	[spmem:s4] =	stream.indirect.scatter.add.f32 @!p6 [tilespmem:s16], [sflag:$0x9], $0x80, s12, s24, $0xb8;
	v63 =	vld [tilespmem:$0x0]  }
0x196: {  	s17 =	simm.s32 @!p6 $0xC400;
	s16 =	simm.s32 @!p0 $0x8  }
0x197: {  	[spmem:s5] =	stream.indirect.scatter.add.f32 @!p6 [tilespmem:s17], [sflag:$0xE], $0x1, s12, s24, $0xb8;
	v63 =	vld [tilespmem:$0x0]  }
0x198: {  	_ =	swait.ge @!p0 [sflag:s16], $0x4000  }
0x199: {  	[sflag:s16] =	ssyncset.done @!p0 $0x0  }
0x19a: {  	s25 =	sadd.s32 $0xA, s31;
	s12 =	simm.s32 @!p0 $0xD;
	[sflag:s16] =	ssyncadd.s32 @!p0 $0xFFFFC000  }
0x19b: {  	p1 =	sge.u32 s25, s10;
	s24 =	simm.s32 @!p4 $0x2;
	_ =	swait.ge @!p0 [sflag:s12], $0x80  }
0x19c: {  	s16 =	simm.s32 @!p1 $0x200;
	s17 =	rddreg [dreg:$0xc];
	[sflag:s12] =	ssyncset.done @!p0 $0x0  }
0x19d: {  	[sflag:s12] =	ssyncadd.s32 @!p0 $0xFFFFFF80;
	s12 =	simm.s32 @!p1 $0x0;
	s17 =	sadd.s32 @!p1 s1, s17  }
0x19e: {  	[tilespmem:s16], [sflag:$0x3] =	stream.linear.gather @!p1 [hbm4b:s17+s12], $0x100, $0x38;
	v63 =	vld [tilespmem:$0x0]  }
0x19f: {  	_ =	swait.ge @!p4 [sflag:s24], $0x100  }
0x1a0: {  	s18 =	simm.s32 @!p4 $0x400;
	[sflag:s24] =	ssyncset.done @!p4 $0x0  }
0x1a1: {  	s25 =	simm.s32 @!p4 $0x80;
	s12 =	simm.s32 @!p2 $0x7;
	[sflag:s24] =	ssyncadd.s32 @!p4 $0xFFFFFF00  }
0x1a2: {  	[tilespmem:s18], [sflag:$0x5] =	stream.indirect.gather @!p4 [hbm4b:s0+s25], $0x80, s8, s25, $0xb8;
	v63 =	vld [tilespmem:$0x0]  }
0x1a3: {  	_ =	swait.ge @!p2 [sflag:s12], $0x4000  }
0x1a4: {  	[sflag:s12] =	ssyncset.done @!p2 $0x0  }
0x1a5: {  	[sflag:s12] =	ssyncadd.s32 @!p2 $0xFFFFC000  }
0x1a6: {  	[spmem:s4] =	stream.indirect.scatter.add.f32 @!p2 [tilespmem:s14], [sflag:$0xA], $0x80, s11, s11, $0xb8;
	v63 =	vld [tilespmem:$0x0]  }
0x1a7: {  	s8 =	simm.s32 @!p2 $0xC400;
	s12 =	simm.s32 @!p6 $0x9  }
0x1a8: {  	[spmem:s5] =	stream.indirect.scatter.add.f32 @!p2 [tilespmem:s8], [sflag:$0xB], $0x1, s11, s11, $0xb8;
	v63 =	vld [tilespmem:$0x0]  }
0x1a9: {  	_ =	swait.ge @!p6 [sflag:s12], $0x4000  }
0x1aa: {  	s17 =	sadd.s32 $0xB, s31;
	[sflag:s12] =	ssyncset.done @!p6 $0x0  }
0x1ab: {  	p3 =	sge.u32 s17, s10;
	s8 =	simm.s32 @!p6 $0xE;
	[sflag:s12] =	ssyncadd.s32 @!p6 $0xFFFFC000  }
0x1ac: {  	s11 =	sadd.s32 @!p3 s1, s15;
	_ =	swait.ge @!p6 [sflag:s8], $0x80  }
0x1ad: {  	s14 =	simm.s32 @!p1 $0x3;
	s11 =	sadd.s32 @!p3 $0x160, s11;
	[sflag:s8] =	ssyncset.done @!p6 $0x0  }
0x1ae: {  	s12 =	simm.s32 @!p3 $0x300;
	[sflag:s8] =	ssyncadd.s32 @!p6 $0xFFFFFF80;
	s8 =	simm.s32 @!p3 $0x0  }
0x1af: {  	[tilespmem:s12], [sflag:$0x4] =	stream.linear.gather @!p3 [hbm4b:s11+s8], $0x100, $0x38;
	v63 =	vld [tilespmem:$0x0]  }
0x1b0: {  	_ =	swait.ge @!p1 [sflag:s14], $0x100  }
0x1b1: {  	s17 =	simm.s32 @!p1 $0x4400;
	[sflag:s14] =	ssyncset.done @!p1 $0x0  }
0x1b2: {  	s11 =	simm.s32 @!p1 $0x80;
	s8 =	simm.s32 @!p4 $0x5;
	[sflag:s14] =	ssyncadd.s32 @!p1 $0xFFFFFF00  }
0x1b3: {  	[tilespmem:s17], [sflag:$0x6] =	stream.indirect.gather @!p1 [hbm4b:s0+s11], $0x80, s16, s11, $0xb8;
	v63 =	vld [tilespmem:$0x0]  }
0x1b4: {  	_ =	swait.ge @!p4 [sflag:s8], $0x4000  }
0x1b5: {  	[sflag:s8] =	ssyncset.done @!p4 $0x0  }
0x1b6: {  	s14 =	simm.s32 @!p4 $0x180;
	[sflag:s8] =	ssyncadd.s32 @!p4 $0xFFFFC000  }
0x1b7: {  	[spmem:s4] =	stream.indirect.scatter.add.f32 @!p4 [tilespmem:s18], [sflag:$0x8], $0x80, s14, s25, $0xb8;
	v63 =	vld [tilespmem:$0x0]  }
0x1b8: {  	s16 =	simm.s32 @!p2 $0xA;
	s8 =	simm.s32 @!p4 $0xC400  }
0x1b9: {  	[spmem:s5] =	stream.indirect.scatter.add.f32 @!p4 [tilespmem:s8], [sflag:$0xC], $0x1, s14, s25, $0xb8;
	v63 =	vld [tilespmem:$0x0]  }
0x1ba: {  	_ =	swait.ge @!p2 [sflag:s16], $0x4000  }
0x1bb: {  	[sflag:s16] =	ssyncset.done @!p2 $0x0  }
0x1bc: {  	s8 =	simm.s32 @!p2 $0xB;
	[sflag:s16] =	ssyncadd.s32 @!p2 $0xFFFFC000  }
0x1bd: {  	p0 =	sge.u32 s3, s10;
	_ =	swait.ge @!p2 [sflag:s8], $0x80  }
0x1be: {  	s14 =	simm.s32 @!p0 $0x0;
	s16 =	rddreg [dreg:$0xd];
	[sflag:s8] =	ssyncset.done @!p2 $0x0  }
0x1bf: {  	[sflag:s8] =	ssyncadd.s32 @!p2 $0xFFFFFF80;
	s8 =	sadd.s32 @!p0 s1, s16;
	s16 =	simm.s32 @!p3 $0x4  }
0x1c0: {  	[tilespmem:s14], [sflag:$0x1] =	stream.linear.gather @!p0 [hbm4b:s8+s14], $0x100, $0x38;
	v63 =	vld [tilespmem:$0x0]  }
0x1c1: {  	_ =	swait.ge @!p3 [sflag:s16], $0x100  }
0x1c2: {  	s25 =	simm.s32 @!p3 $0x80;
	[sflag:s16] =	ssyncset.done @!p3 $0x0  }
0x1c3: {  	s8 =	simm.s32 @!p3 $0x8400;
	[sflag:s16] =	ssyncadd.s32 @!p3 $0xFFFFFF00;
	s16 =	simm.s32 @!p1 $0x6  }
0x1c4: {  	[tilespmem:s8], [sflag:$0x7] =	stream.indirect.gather @!p3 [hbm4b:s0+s25], $0x80, s12, s25, $0xb8;
	v63 =	vld [tilespmem:$0x0]  }
0x1c5: {  	_ =	swait.ge @!p1 [sflag:s16], $0x4000  }
0x1c6: {  	[sflag:s16] =	ssyncset.done @!p1 $0x0  }
0x1c7: {  	s12 =	simm.s32 @!p1 $0x280;
	[sflag:s16] =	ssyncadd.s32 @!p1 $0xFFFFC000  }
0x1c8: {  	[spmem:s4] =	stream.indirect.scatter.add.f32 @!p1 [tilespmem:s17], [sflag:$0x9], $0x80, s12, s11, $0xb8;
	v63 =	vld [tilespmem:$0x0]  }
0x1c9: {  	s16 =	simm.s32 @!p1 $0xC400;
	s17 =	simm.s32 @!p4 $0x8  }
0x1ca: {  	[spmem:s5] =	stream.indirect.scatter.add.f32 @!p1 [tilespmem:s16], [sflag:$0xD], $0x1, s12, s11, $0xb8;
	v63 =	vld [tilespmem:$0x0]  }
0x1cb: {  	_ =	swait.ge @!p4 [sflag:s17], $0x4000  }
0x1cc: {  	s18 =	sadd.s32 $0xD, s31;
	[sflag:s17] =	ssyncset.done @!p4 $0x0  }
0x1cd: {  	s11 =	simm.s32 @!p4 $0xC;
	p1 =	sge.u32 s18, s10;
	[sflag:s17] =	ssyncadd.s32 @!p4 $0xFFFFC000  }
0x1ce: {  	s12 =	sadd.s32 @!p1 s1, s15;
	_ =	swait.ge @!p4 [sflag:s11], $0x80  }
0x1cf: {  	s16 =	simm.s32 @!p1 $0x100;
	s12 =	sadd.s32 @!p1 $0x1A0, s12;
	[sflag:s11] =	ssyncset.done @!p4 $0x0  }
0x1d0: {  	s17 =	simm.s32 @!p1 $0x0;
	[sflag:s11] =	ssyncadd.s32 @!p4 $0xFFFFFF80;
	s11 =	simm.s32 @!p0 $0x1  }
0x1d1: {  	[tilespmem:s16], [sflag:$0x2] =	stream.linear.gather @!p1 [hbm4b:s12+s17], $0x100, $0x38;
	v63 =	vld [tilespmem:$0x0]  }
0x1d2: {  	_ =	swait.ge @!p0 [sflag:s11], $0x100  }
0x1d3: {  	s12 =	simm.s32 @!p0 $0x80;
	[sflag:s11] =	ssyncset.done @!p0 $0x0  }
0x1d4: {  	s16 =	simm.s32 @!p0 $0x400;
	[sflag:s11] =	ssyncadd.s32 @!p0 $0xFFFFFF00;
	s11 =	simm.s32 @!p3 $0x7  }
0x1d5: {  	[tilespmem:s16], [sflag:$0x5] =	stream.indirect.gather @!p0 [hbm4b:s0+s12], $0x80, s14, s12, $0xb8;
	v63 =	vld [tilespmem:$0x0]  }
0x1d6: {  	_ =	swait.ge @!p3 [sflag:s11], $0x4000  }
0x1d7: {  	s31 =	smov.u32 s22;
	s22 =	sld [smem:$0x7FB];
	_ =	sdelay $0x2  }
0x1d8: {  	p2 =	seq.s32 s22, $0x1  }
.Ltmp0:
0x1d9: {  	_ = 	snop;
	(pc) =	sbr.rel @p2 .LBB2_2-.Ltmp0, $3  }
0x1da: {  	_ =	sdelay $0x1  }
0x1db: {  	s3 =	smov.u32 s20;
	s24 =	simm.s32 @!p3 $0x380  }
0x1dc: {  	s1 =	sadd.s32 $0x180, s1;
	p1 =	sle.u32 s31, s10;
	p0 =	sne.s32 s31, $0x0  }
0x1dd: {  	p0 =	por !p0, !p1;
	[sflag:s11] =	ssyncset.done @!p3 $0x0  }
0x1de: {  	p5 =	por !p0, !p0;
	[sflag:s11] =	ssyncadd.s32 @!p3 $0xFFFFC000  }
0x1df: {  	[spmem:s4] =	stream.indirect.scatter.add.f32 @!p3 [tilespmem:s8], [sflag:$0xA], $0x80, s24, s25, $0xb8;
	v63 =	vld [tilespmem:$0x0]  }
0x1e0: {  	s8 =	simm.s32 @!p3 $0xC400;
	s11 =	simm.s32 @p5 $0x9  }
0x1e1: {  	[spmem:s5] =	stream.indirect.scatter.add.f32 @!p3 [tilespmem:s8], [sflag:$0xE], $0x1, s24, s25, $0xb8;
	v63 =	vld [tilespmem:$0x0]  }
0x1e2: {  	_ =	swait.ge @p5 [sflag:s11], $0x4000  }
0x1e3: {  	[sflag:s11] =	ssyncset.done @p5 $0x0  }
0x1e4: {  	s12 =	sadd.s32 $0x2, s31;
	s8 =	simm.s32 @p5 $0xD;
	[sflag:s11] =	ssyncadd.s32 @p5 $0xFFFFC000  }
0x1e5: {  	p2 =	sge.u32 s12, s10;
	_ =	swait.ge @p5 [sflag:s8], $0x80  }
0x1e6: {  	s11 =	simm.s32 @!p2 $0x200;
	s17 =	rddreg [dreg:$0x8];
	[sflag:s8] =	ssyncset.done @p5 $0x0  }
0x1e7: {  	s14 =	rddreg [dreg:$0x7];
	[sflag:s8] =	ssyncadd.s32 @p5 $0xFFFFFF80;
	p4 =	sge.u32 s31, s17  }
0x1e8: {  	s8 =	simm.s32 @!p2 $0x0;
	s14 =	sadd.s32 @!p2 s1, s14;
	s12 =	simm.s32 @!p4 $0x2  }
0x1e9: {  	[tilespmem:s11], [sflag:$0x3] =	stream.linear.gather @!p2 [hbm4b:s14+s8], $0x100, $0x38;
	v63 =	vld [tilespmem:$0x0]  }
0x1ea: {  	p1 =	sge.u32 s31, s10;
	_ =	swait.ge @!p4 [sflag:s12], $0x100  }
0x1eb: {  	s8 =	simm.s32 @!p4 $0x4400;
	s14 =	simm.s32 @!p4 $0x80;
	[sflag:s12] =	ssyncset.done @!p4 $0x0  }
0x1ec: {  	s16 =	simm.s32 @!p4 $0x100;
	[sflag:s12] =	ssyncadd.s32 @!p4 $0xFFFFFF00;
	s12 =	simm.s32 @!p1 $0x5  }
0x1ed: {  	[tilespmem:s8], [sflag:$0x6] =	stream.indirect.gather @!p4 [hbm4b:s0+s14], $0x80, s16, s14, $0xb8;
	v63 =	vld [tilespmem:$0x0]  }
0x1ee: {  	_ =	swait.ge @!p1 [sflag:s12], $0x4000  }
0x1ef: {  	[sflag:s12] =	ssyncset.done @!p1 $0x0  }
0x1f0: {  	s17 =	simm.s32 @!p1 $0x400;
	s16 =	simm.s32 @!p1 $0x80;
	[sflag:s12] =	ssyncadd.s32 @!p1 $0xFFFFC000  }
0x1f1: {  	[spmem:s4] =	stream.indirect.scatter.add.f32 @!p1 [tilespmem:s17], [sflag:$0x8], $0x80, s16, s16, $0xb8;
	v63 =	vld [tilespmem:$0x0]  }
0x1f2: {  	s12 =	simm.s32 @!p1 $0xC400;
	s17 =	simm.s32 @p5 $0xA  }
0x1f3: {  	[spmem:s5] =	stream.indirect.scatter.add.f32 @!p1 [tilespmem:s12], [sflag:$0xB], $0x1, s16, s16, $0xb8;
	v63 =	vld [tilespmem:$0x0]  }
0x1f4: {  	_ =	swait.ge @p5 [sflag:s17], $0x4000  }
0x1f5: {  	s18 =	sadd.s32 $0x3, s31;
	[sflag:s17] =	ssyncset.done @p5 $0x0  }
0x1f6: {  	p0 =	sge.u32 s18, s10;
	s16 =	simm.s32 @p5 $0xE;
	[sflag:s17] =	ssyncadd.s32 @p5 $0xFFFFC000  }
0x1f7: {  	s12 =	sadd.s32 @!p0 s1, s15;
	_ =	swait.ge @p5 [sflag:s16], $0x80  }
0x1f8: {  	s18 =	simm.s32 @!p0 $0x0;
	s12 =	sadd.s32 @!p0 $0x60, s12;
	[sflag:s16] =	ssyncset.done @p5 $0x0  }
0x1f9: {  	s17 =	simm.s32 @!p0 $0x300;
	[sflag:s16] =	ssyncadd.s32 @p5 $0xFFFFFF80;
	s16 =	simm.s32 @!p2 $0x3  }
0x1fa: {  	[tilespmem:s17], [sflag:$0x4] =	stream.linear.gather @!p0 [hbm4b:s12+s18], $0x100, $0x38;
	v63 =	vld [tilespmem:$0x0]  }
0x1fb: {  	_ =	swait.ge @!p2 [sflag:s16], $0x100  }
0x1fc: {  	s12 =	simm.s32 @!p2 $0x80;
	[sflag:s16] =	ssyncset.done @!p2 $0x0  }
0x1fd: {  	s18 =	simm.s32 @!p2 $0x8400;
	[sflag:s16] =	ssyncadd.s32 @!p2 $0xFFFFFF00;
	s16 =	simm.s32 @!p4 $0x6  }
0x1fe: {  	[tilespmem:s18], [sflag:$0x7] =	stream.indirect.gather @!p2 [hbm4b:s0+s12], $0x80, s11, s12, $0xb8;
	v63 =	vld [tilespmem:$0x0]  }
0x1ff: {  	_ =	swait.ge @!p4 [sflag:s16], $0x4000  }
0x200: {  	[sflag:s16] =	ssyncset.done @!p4 $0x0  }
0x201: {  	s11 =	simm.s32 @!p4 $0x180;
	[sflag:s16] =	ssyncadd.s32 @!p4 $0xFFFFC000  }
0x202: {  	[spmem:s4] =	stream.indirect.scatter.add.f32 @!p4 [tilespmem:s8], [sflag:$0x9], $0x80, s11, s14, $0xb8;
	v63 =	vld [tilespmem:$0x0]  }
0x203: {  	s16 =	simm.s32 @!p1 $0x8;
	s8 =	simm.s32 @!p4 $0xC400  }
0x204: {  	[spmem:s5] =	stream.indirect.scatter.add.f32 @!p4 [tilespmem:s8], [sflag:$0xC], $0x1, s11, s14, $0xb8;
	v63 =	vld [tilespmem:$0x0]  }
0x205: {  	_ =	swait.ge @!p1 [sflag:s16], $0x4000  }
0x206: {  	[sflag:s16] =	ssyncset.done @!p1 $0x0  }
0x207: {  	s20 =	sadd.s32 $0x4, s31;
	s8 =	simm.s32 @!p1 $0xB;
	[sflag:s16] =	ssyncadd.s32 @!p1 $0xFFFFC000  }
0x208: {  	p3 =	sge.u32 s20, s10;
	_ =	swait.ge @!p1 [sflag:s8], $0x80  }
0x209: {  	s14 =	simm.s32 @!p0 $0x4;
	s11 =	rddreg [dreg:$0x9];
	[sflag:s8] =	ssyncset.done @!p1 $0x0  }
0x20a: {  	[sflag:s8] =	ssyncadd.s32 @!p1 $0xFFFFFF80;
	s8 =	simm.s32 @!p3 $0x0;
	s11 =	sadd.s32 @!p3 s1, s11  }
0x20b: {  	[tilespmem:s8], [sflag:$0x1] =	stream.linear.gather @!p3 [hbm4b:s11+s8], $0x100, $0x38;
	v63 =	vld [tilespmem:$0x0]  }
0x20c: {  	_ =	swait.ge @!p0 [sflag:s14], $0x100  }
0x20d: {  	s16 =	simm.s32 @!p0 $0x400;
	[sflag:s14] =	ssyncset.done @!p0 $0x0  }
0x20e: {  	s11 =	simm.s32 @!p0 $0x80;
	[sflag:s14] =	ssyncadd.s32 @!p0 $0xFFFFFF00;
	s14 =	simm.s32 @!p2 $0x7  }
0x20f: {  	[tilespmem:s16], [sflag:$0x5] =	stream.indirect.gather @!p0 [hbm4b:s0+s11], $0x80, s17, s11, $0xb8;
	v63 =	vld [tilespmem:$0x0]  }
0x210: {  	_ =	swait.ge @!p2 [sflag:s14], $0x4000  }
0x211: {  	[sflag:s14] =	ssyncset.done @!p2 $0x0  }
0x212: {  	s17 =	simm.s32 @!p2 $0x280;
	[sflag:s14] =	ssyncadd.s32 @!p2 $0xFFFFC000  }
0x213: {  	[spmem:s4] =	stream.indirect.scatter.add.f32 @!p2 [tilespmem:s18], [sflag:$0xA], $0x80, s17, s12, $0xb8;
	v63 =	vld [tilespmem:$0x0]  }
0x214: {  	s14 =	simm.s32 @!p2 $0xC400;
	s18 =	simm.s32 @!p4 $0x9  }
0x215: {  	[spmem:s5] =	stream.indirect.scatter.add.f32 @!p2 [tilespmem:s14], [sflag:$0xD], $0x1, s17, s12, $0xb8;
	v63 =	vld [tilespmem:$0x0]  }
0x216: {  	_ =	swait.ge @!p4 [sflag:s18], $0x4000  }
0x217: {  	s22 =	sadd.s32 $0x5, s31;
	[sflag:s18] =	ssyncset.done @!p4 $0x0  }
0x218: {  	p1 =	sge.u32 s22, s10;
	s14 =	simm.s32 @!p4 $0xC;
	[sflag:s18] =	ssyncadd.s32 @!p4 $0xFFFFC000  }
0x219: {  	s12 =	sadd.s32 @!p1 s1, s15;
	_ =	swait.ge @!p4 [sflag:s14], $0x80  }
0x21a: {  	s17 =	simm.s32 @!p1 $0x100;
	s12 =	sadd.s32 @!p1 $0xA0, s12;
	[sflag:s14] =	ssyncset.done @!p4 $0x0  }
0x21b: {  	s18 =	simm.s32 @!p1 $0x0;
	[sflag:s14] =	ssyncadd.s32 @!p4 $0xFFFFFF80;
	s14 =	simm.s32 @!p3 $0x1  }
0x21c: {  	[tilespmem:s17], [sflag:$0x2] =	stream.linear.gather @!p1 [hbm4b:s12+s18], $0x100, $0x38;
	v63 =	vld [tilespmem:$0x0]  }
0x21d: {  	_ =	swait.ge @!p3 [sflag:s14], $0x100  }
0x21e: {  	s12 =	simm.s32 @!p3 $0x80;
	[sflag:s14] =	ssyncset.done @!p3 $0x0  }
0x21f: {  	s18 =	simm.s32 @!p3 $0x4400;
	[sflag:s14] =	ssyncadd.s32 @!p3 $0xFFFFFF00;
	s14 =	simm.s32 @!p0 $0x5  }
0x220: {  	[tilespmem:s18], [sflag:$0x6] =	stream.indirect.gather @!p3 [hbm4b:s0+s12], $0x80, s8, s12, $0xb8;
	v63 =	vld [tilespmem:$0x0]  }
0x221: {  	_ =	swait.ge @!p0 [sflag:s14], $0x4000  }
0x222: {  	[sflag:s14] =	ssyncset.done @!p0 $0x0  }
0x223: {  	s8 =	simm.s32 @!p0 $0x380;
	[sflag:s14] =	ssyncadd.s32 @!p0 $0xFFFFC000  }
0x224: {  	[spmem:s4] =	stream.indirect.scatter.add.f32 @!p0 [tilespmem:s16], [sflag:$0x8], $0x80, s8, s11, $0xb8;
	v63 =	vld [tilespmem:$0x0]  }
0x225: {  	s14 =	simm.s32 @!p0 $0xC400;
	s16 =	simm.s32 @!p2 $0xA  }
0x226: {  	[spmem:s5] =	stream.indirect.scatter.add.f32 @!p0 [tilespmem:s14], [sflag:$0xE], $0x1, s8, s11, $0xb8;
	v63 =	vld [tilespmem:$0x0]  }
0x227: {  	_ =	swait.ge @!p2 [sflag:s16], $0x4000  }
0x228: {  	s24 =	sadd.s32 $0x6, s31;
	[sflag:s16] =	ssyncset.done @!p2 $0x0  }
0x229: {  	p4 =	sge.u32 s24, s10;
	s8 =	simm.s32 @!p2 $0xD;
	[sflag:s16] =	ssyncadd.s32 @!p2 $0xFFFFC000  }
0x22a: {  	s11 =	simm.s32 @!p4 $0x200;
	_ =	swait.ge @!p2 [sflag:s8], $0x80  }
0x22b: {  	s16 =	simm.s32 @!p1 $0x2;
	s14 =	rddreg [dreg:$0xa];
	[sflag:s8] =	ssyncset.done @!p2 $0x0  }
0x22c: {  	[sflag:s8] =	ssyncadd.s32 @!p2 $0xFFFFFF80;
	s8 =	simm.s32 @!p4 $0x0;
	s14 =	sadd.s32 @!p4 s1, s14  }
0x22d: {  	[tilespmem:s11], [sflag:$0x3] =	stream.linear.gather @!p4 [hbm4b:s14+s8], $0x100, $0x38;
	v63 =	vld [tilespmem:$0x0]  }
0x22e: {  	_ =	swait.ge @!p1 [sflag:s16], $0x100  }
0x22f: {  	s8 =	simm.s32 @!p1 $0x80;
	[sflag:s16] =	ssyncset.done @!p1 $0x0  }
0x230: {  	s14 =	simm.s32 @!p1 $0x8400;
	[sflag:s16] =	ssyncadd.s32 @!p1 $0xFFFFFF00;
	s16 =	simm.s32 @!p3 $0x6  }
0x231: {  	[tilespmem:s14], [sflag:$0x7] =	stream.indirect.gather @!p1 [hbm4b:s0+s8], $0x80, s17, s8, $0xb8;
	v63 =	vld [tilespmem:$0x0]  }
0x232: {  	_ =	swait.ge @!p3 [sflag:s16], $0x4000  }
0x233: {  	[sflag:s16] =	ssyncset.done @!p3 $0x0  }
0x234: {  	[sflag:s16] =	ssyncadd.s32 @!p3 $0xFFFFC000  }
0x235: {  	[spmem:s4] =	stream.indirect.scatter.add.f32 @!p3 [tilespmem:s18], [sflag:$0x9], $0x80, s12, s12, $0xb8;
	v63 =	vld [tilespmem:$0x0]  }
0x236: {  	s17 =	simm.s32 @!p0 $0x8;
	s16 =	simm.s32 @!p3 $0xC400  }
0x237: {  	[spmem:s5] =	stream.indirect.scatter.add.f32 @!p3 [tilespmem:s16], [sflag:$0xB], $0x1, s12, s12, $0xb8;
	v63 =	vld [tilespmem:$0x0]  }
0x238: {  	_ =	swait.ge @!p0 [sflag:s17], $0x4000  }
0x239: {  	s25 =	sadd.s32 $0x7, s31;
	[sflag:s17] =	ssyncset.done @!p0 $0x0  }
0x23a: {  	p2 =	sge.u32 s25, s10;
	s16 =	simm.s32 @!p0 $0xE;
	[sflag:s17] =	ssyncadd.s32 @!p0 $0xFFFFC000  }
0x23b: {  	s12 =	sadd.s32 @!p2 s1, s15;
	_ =	swait.ge @!p0 [sflag:s16], $0x80  }
0x23c: {  	s18 =	simm.s32 @!p2 $0x0;
	s12 =	sadd.s32 @!p2 $0xE0, s12;
	[sflag:s16] =	ssyncset.done @!p0 $0x0  }
0x23d: {  	s17 =	simm.s32 @!p2 $0x300;
	[sflag:s16] =	ssyncadd.s32 @!p0 $0xFFFFFF80;
	s16 =	simm.s32 @!p4 $0x3  }
0x23e: {  	[tilespmem:s17], [sflag:$0x4] =	stream.linear.gather @!p2 [hbm4b:s12+s18], $0x100, $0x38;
	v63 =	vld [tilespmem:$0x0]  }
0x23f: {  	_ =	swait.ge @!p4 [sflag:s16], $0x100  }
0x240: {  	s12 =	simm.s32 @!p4 $0x80;
	[sflag:s16] =	ssyncset.done @!p4 $0x0  }
0x241: {  	s18 =	simm.s32 @!p4 $0x400;
	[sflag:s16] =	ssyncadd.s32 @!p4 $0xFFFFFF00;
	s16 =	simm.s32 @!p1 $0x7  }
0x242: {  	[tilespmem:s18], [sflag:$0x5] =	stream.indirect.gather @!p4 [hbm4b:s0+s12], $0x80, s11, s12, $0xb8;
	v63 =	vld [tilespmem:$0x0]  }
0x243: {  	_ =	swait.ge @!p1 [sflag:s16], $0x4000  }
0x244: {  	[sflag:s16] =	ssyncset.done @!p1 $0x0  }
0x245: {  	s11 =	simm.s32 @!p1 $0x180;
	[sflag:s16] =	ssyncadd.s32 @!p1 $0xFFFFC000  }
0x246: {  	[spmem:s4] =	stream.indirect.scatter.add.f32 @!p1 [tilespmem:s14], [sflag:$0xA], $0x80, s11, s8, $0xb8;
	v63 =	vld [tilespmem:$0x0]  }
0x247: {  	s16 =	simm.s32 @!p3 $0x9;
	s14 =	simm.s32 @!p1 $0xC400  }
0x248: {  	[spmem:s5] =	stream.indirect.scatter.add.f32 @!p1 [tilespmem:s14], [sflag:$0xC], $0x1, s11, s8, $0xb8;
	v63 =	vld [tilespmem:$0x0]  }
0x249: {  	_ =	swait.ge @!p3 [sflag:s16], $0x4000  }
0x24a: {  	[sflag:s16] =	ssyncset.done @!p3 $0x0  }
0x24b: {  	s8 =	simm.s32 @!p3 $0xB;
	[sflag:s16] =	ssyncadd.s32 @!p3 $0xFFFFC000  }
0x24c: {  	s14 =	simm.s32 @!p2 $0x4;
	s16 =	sadd.s32 $0x8, s31;
	_ =	swait.ge @!p3 [sflag:s8], $0x80  }
0x24d: {  	p5 =	sge.u32 s16, s10;
	s11 =	rddreg [dreg:$0xb];
	[sflag:s8] =	ssyncset.done @!p3 $0x0  }
0x24e: {  	[sflag:s8] =	ssyncadd.s32 @!p3 $0xFFFFFF80;
	s8 =	simm.s32 @!p5 $0x0;
	s11 =	sadd.s32 @!p5 s1, s11  }
0x24f: {  	[tilespmem:s8], [sflag:$0x1] =	stream.linear.gather @!p5 [hbm4b:s11+s8], $0x100, $0x38;
	v63 =	vld [tilespmem:$0x0]  }
0x250: {  	_ =	swait.ge @!p2 [sflag:s14], $0x100  }
0x251: {  	s16 =	simm.s32 @!p2 $0x4400;
	[sflag:s14] =	ssyncset.done @!p2 $0x0  }
0x252: {  	s11 =	simm.s32 @!p2 $0x80;
	[sflag:s14] =	ssyncadd.s32 @!p2 $0xFFFFFF00;
	s14 =	simm.s32 @!p4 $0x5  }
0x253: {  	[tilespmem:s16], [sflag:$0x6] =	stream.indirect.gather @!p2 [hbm4b:s0+s11], $0x80, s17, s11, $0xb8;
	v63 =	vld [tilespmem:$0x0]  }
0x254: {  	_ =	swait.ge @!p4 [sflag:s14], $0x4000  }
0x255: {  	[sflag:s14] =	ssyncset.done @!p4 $0x0  }
0x256: {  	s17 =	simm.s32 @!p4 $0x280;
	[sflag:s14] =	ssyncadd.s32 @!p4 $0xFFFFC000  }
0x257: {  	[spmem:s4] =	stream.indirect.scatter.add.f32 @!p4 [tilespmem:s18], [sflag:$0x8], $0x80, s17, s12, $0xb8;
	v63 =	vld [tilespmem:$0x0]  }
0x258: {  	s14 =	simm.s32 @!p4 $0xC400;
	s18 =	simm.s32 @!p1 $0xA  }
0x259: {  	[spmem:s5] =	stream.indirect.scatter.add.f32 @!p4 [tilespmem:s14], [sflag:$0xD], $0x1, s17, s12, $0xb8;
	v63 =	vld [tilespmem:$0x0]  }
0x25a: {  	_ =	swait.ge @!p1 [sflag:s18], $0x4000  }
0x25b: {  	s20 =	sadd.s32 $0x9, s31;
	[sflag:s18] =	ssyncset.done @!p1 $0x0  }
0x25c: {  	p0 =	sge.u32 s20, s10;
	s14 =	simm.s32 @!p1 $0xC;
	[sflag:s18] =	ssyncadd.s32 @!p1 $0xFFFFC000  }
0x25d: {  	s12 =	sadd.s32 @!p0 s1, s15;
	_ =	swait.ge @!p1 [sflag:s14], $0x80  }
0x25e: {  	s17 =	simm.s32 @!p0 $0x100;
	s12 =	sadd.s32 @!p0 $0x120, s12;
	[sflag:s14] =	ssyncset.done @!p1 $0x0  }
0x25f: {  	s18 =	simm.s32 @!p0 $0x0;
	[sflag:s14] =	ssyncadd.s32 @!p1 $0xFFFFFF80;
	s14 =	simm.s32 @!p5 $0x1  }
0x260: {  	[tilespmem:s17], [sflag:$0x2] =	stream.linear.gather @!p0 [hbm4b:s12+s18], $0x100, $0x38;
	v63 =	vld [tilespmem:$0x0]  }
0x261: {  	_ =	swait.ge @!p5 [sflag:s14], $0x100  }
0x262: {  	s12 =	simm.s32 @!p5 $0x80;
	[sflag:s14] =	ssyncset.done @!p5 $0x0  }
0x263: {  	s18 =	simm.s32 @!p5 $0x8400;
	[sflag:s14] =	ssyncadd.s32 @!p5 $0xFFFFFF00;
	s14 =	simm.s32 @!p2 $0x6  }
0x264: {  	[tilespmem:s18], [sflag:$0x7] =	stream.indirect.gather @!p5 [hbm4b:s0+s12], $0x80, s8, s12, $0xb8;
	v63 =	vld [tilespmem:$0x0]  }
0x265: {  	_ =	swait.ge @!p2 [sflag:s14], $0x4000  }
0x266: {  	[sflag:s14] =	ssyncset.done @!p2 $0x0  }
0x267: {  	s8 =	simm.s32 @!p2 $0x380;
	[sflag:s14] =	ssyncadd.s32 @!p2 $0xFFFFC000  }
0x268: {  	[spmem:s4] =	stream.indirect.scatter.add.f32 @!p2 [tilespmem:s16], [sflag:$0x9], $0x80, s8, s11, $0xb8;
	v63 =	vld [tilespmem:$0x0]  }
0x269: {  	s14 =	simm.s32 @!p2 $0xC400;
	s16 =	simm.s32 @!p4 $0x8  }
0x26a: {  	[spmem:s5] =	stream.indirect.scatter.add.f32 @!p2 [tilespmem:s14], [sflag:$0xE], $0x1, s8, s11, $0xb8;
	v63 =	vld [tilespmem:$0x0]  }
0x26b: {  	_ =	swait.ge @!p4 [sflag:s16], $0x4000  }
0x26c: {  	s22 =	sadd.s32 $0xA, s31;
	[sflag:s16] =	ssyncset.done @!p4 $0x0  }
0x26d: {  	p3 =	sge.u32 s22, s10;
	s8 =	simm.s32 @!p4 $0xD;
	[sflag:s16] =	ssyncadd.s32 @!p4 $0xFFFFC000  }
0x26e: {  	s11 =	simm.s32 @!p3 $0x200;
	_ =	swait.ge @!p4 [sflag:s8], $0x80  }
0x26f: {  	s16 =	simm.s32 @!p0 $0x2;
	s14 =	rddreg [dreg:$0xc];
	[sflag:s8] =	ssyncset.done @!p4 $0x0  }
0x270: {  	[sflag:s8] =	ssyncadd.s32 @!p4 $0xFFFFFF80;
	s8 =	simm.s32 @!p3 $0x0;
	s14 =	sadd.s32 @!p3 s1, s14  }
0x271: {  	[tilespmem:s11], [sflag:$0x3] =	stream.linear.gather @!p3 [hbm4b:s14+s8], $0x100, $0x38;
	v63 =	vld [tilespmem:$0x0]  }
0x272: {  	_ =	swait.ge @!p0 [sflag:s16], $0x100  }
0x273: {  	s8 =	simm.s32 @!p0 $0x80;
	[sflag:s16] =	ssyncset.done @!p0 $0x0  }
0x274: {  	s14 =	simm.s32 @!p0 $0x400;
	[sflag:s16] =	ssyncadd.s32 @!p0 $0xFFFFFF00;
	s16 =	simm.s32 @!p5 $0x7  }
0x275: {  	[tilespmem:s14], [sflag:$0x5] =	stream.indirect.gather @!p0 [hbm4b:s0+s8], $0x80, s17, s8, $0xb8;
	v63 =	vld [tilespmem:$0x0]  }
0x276: {  	_ =	swait.ge @!p5 [sflag:s16], $0x4000  }
0x277: {  	[sflag:s16] =	ssyncset.done @!p5 $0x0  }
0x278: {  	[sflag:s16] =	ssyncadd.s32 @!p5 $0xFFFFC000  }
0x279: {  	[spmem:s4] =	stream.indirect.scatter.add.f32 @!p5 [tilespmem:s18], [sflag:$0xA], $0x80, s12, s12, $0xb8;
	v63 =	vld [tilespmem:$0x0]  }
0x27a: {  	s17 =	simm.s32 @!p2 $0x9;
	s16 =	simm.s32 @!p5 $0xC400  }
0x27b: {  	[spmem:s5] =	stream.indirect.scatter.add.f32 @!p5 [tilespmem:s16], [sflag:$0xB], $0x1, s12, s12, $0xb8;
	v63 =	vld [tilespmem:$0x0]  }
0x27c: {  	_ =	swait.ge @!p2 [sflag:s17], $0x4000  }
0x27d: {  	s24 =	sadd.s32 $0xB, s31;
	[sflag:s17] =	ssyncset.done @!p2 $0x0  }
0x27e: {  	p1 =	sge.u32 s24, s10;
	s16 =	simm.s32 @!p2 $0xE;
	[sflag:s17] =	ssyncadd.s32 @!p2 $0xFFFFC000  }
0x27f: {  	s12 =	sadd.s32 @!p1 s1, s15;
	_ =	swait.ge @!p2 [sflag:s16], $0x80  }
0x280: {  	s18 =	simm.s32 @!p3 $0x3;
	s12 =	sadd.s32 @!p1 $0x160, s12;
	[sflag:s16] =	ssyncset.done @!p2 $0x0  }
0x281: {  	s17 =	simm.s32 @!p1 $0x300;
	[sflag:s16] =	ssyncadd.s32 @!p2 $0xFFFFFF80;
	s16 =	simm.s32 @!p1 $0x0  }
0x282: {  	[tilespmem:s17], [sflag:$0x4] =	stream.linear.gather @!p1 [hbm4b:s12+s16], $0x100, $0x38;
	v63 =	vld [tilespmem:$0x0]  }
0x283: {  	_ =	swait.ge @!p3 [sflag:s18], $0x100  }
0x284: {  	s12 =	simm.s32 @!p3 $0x80;
	[sflag:s18] =	ssyncset.done @!p3 $0x0  }
0x285: {  	s16 =	simm.s32 @!p3 $0x4400;
	[sflag:s18] =	ssyncadd.s32 @!p3 $0xFFFFFF00;
	s18 =	simm.s32 @!p0 $0x5  }
0x286: {  	[tilespmem:s16], [sflag:$0x6] =	stream.indirect.gather @!p3 [hbm4b:s0+s12], $0x80, s11, s12, $0xb8;
	v63 =	vld [tilespmem:$0x0]  }
0x287: {  	_ =	swait.ge @!p0 [sflag:s18], $0x4000  }
0x288: {  	[sflag:s18] =	ssyncset.done @!p0 $0x0  }
0x289: {  	s11 =	simm.s32 @!p0 $0x180;
	[sflag:s18] =	ssyncadd.s32 @!p0 $0xFFFFC000  }
0x28a: {  	[spmem:s4] =	stream.indirect.scatter.add.f32 @!p0 [tilespmem:s14], [sflag:$0x8], $0x80, s11, s8, $0xb8;
	v63 =	vld [tilespmem:$0x0]  }
0x28b: {  	s18 =	simm.s32 @!p5 $0xA;
	s14 =	simm.s32 @!p0 $0xC400  }
0x28c: {  	[spmem:s5] =	stream.indirect.scatter.add.f32 @!p0 [tilespmem:s14], [sflag:$0xC], $0x1, s11, s8, $0xb8;
	v63 =	vld [tilespmem:$0x0]  }
0x28d: {  	_ =	swait.ge @!p5 [sflag:s18], $0x4000  }
0x28e: {  	[sflag:s18] =	ssyncset.done @!p5 $0x0  }
0x28f: {  	s8 =	simm.s32 @!p5 $0xB;
	[sflag:s18] =	ssyncadd.s32 @!p5 $0xFFFFC000  }
0x290: {  	p2 =	sge.u32 s3, s10;
	_ =	swait.ge @!p5 [sflag:s8], $0x80  }
0x291: {  	s3 =	simm.s32 @!p2 $0x0;
	s11 =	rddreg [dreg:$0xd];
	[sflag:s8] =	ssyncset.done @!p5 $0x0  }
0x292: {  	[sflag:s8] =	ssyncadd.s32 @!p5 $0xFFFFFF80;
	s8 =	sadd.s32 @!p2 s1, s11;
	s11 =	simm.s32 @!p1 $0x4  }
0x293: {  	[tilespmem:s3], [sflag:$0x1] =	stream.linear.gather @!p2 [hbm4b:s8+s3], $0x100, $0x38;
	v63 =	vld [tilespmem:$0x0]  }
0x294: {  	_ =	swait.ge @!p1 [sflag:s11], $0x100  }
0x295: {  	s14 =	simm.s32 @!p1 $0x8400;
	[sflag:s11] =	ssyncset.done @!p1 $0x0  }
0x296: {  	s8 =	simm.s32 @!p1 $0x80;
	[sflag:s11] =	ssyncadd.s32 @!p1 $0xFFFFFF00;
	s11 =	simm.s32 @!p3 $0x6  }
0x297: {  	[tilespmem:s14], [sflag:$0x7] =	stream.indirect.gather @!p1 [hbm4b:s0+s8], $0x80, s17, s8, $0xb8;
	v63 =	vld [tilespmem:$0x0]  }
0x298: {  	_ =	swait.ge @!p3 [sflag:s11], $0x4000  }
0x299: {  	[sflag:s11] =	ssyncset.done @!p3 $0x0  }
0x29a: {  	s17 =	simm.s32 @!p3 $0x280;
	[sflag:s11] =	ssyncadd.s32 @!p3 $0xFFFFC000  }
0x29b: {  	[spmem:s4] =	stream.indirect.scatter.add.f32 @!p3 [tilespmem:s16], [sflag:$0x9], $0x80, s17, s12, $0xb8;
	v63 =	vld [tilespmem:$0x0]  }
0x29c: {  	s11 =	simm.s32 @!p3 $0xC400;
	s16 =	simm.s32 @!p0 $0x8  }
0x29d: {  	[spmem:s5] =	stream.indirect.scatter.add.f32 @!p3 [tilespmem:s11], [sflag:$0xD], $0x1, s17, s12, $0xb8;
	v63 =	vld [tilespmem:$0x0]  }
0x29e: {  	_ =	swait.ge @!p0 [sflag:s16], $0x4000  }
0x29f: {  	s25 =	sadd.s32 $0xD, s31;
	[sflag:s16] =	ssyncset.done @!p0 $0x0  }
0x2a0: {  	s12 =	simm.s32 @!p0 $0xC;
	p3 =	sge.u32 s25, s10;
	[sflag:s16] =	ssyncadd.s32 @!p0 $0xFFFFC000  }
0x2a1: {  	s1 =	sadd.s32 @!p3 s1, s15;
	_ =	swait.ge @!p0 [sflag:s12], $0x80  }
0x2a2: {  	s11 =	simm.s32 @!p3 $0x100;
	s1 =	sadd.s32 @!p3 $0x1A0, s1;
	[sflag:s12] =	ssyncset.done @!p0 $0x0  }
0x2a3: {  	s16 =	simm.s32 @!p3 $0x0;
	[sflag:s12] =	ssyncadd.s32 @!p0 $0xFFFFFF80;
	s12 =	simm.s32 @!p2 $0x1  }
0x2a4: {  	[tilespmem:s11], [sflag:$0x2] =	stream.linear.gather @!p3 [hbm4b:s1+s16], $0x100, $0x38;
	v63 =	vld [tilespmem:$0x0]  }
0x2a5: {  	_ =	swait.ge @!p2 [sflag:s12], $0x100  }
0x2a6: {  	s1 =	simm.s32 @!p2 $0x80;
	[sflag:s12] =	ssyncset.done @!p2 $0x0  }
0x2a7: {  	s11 =	simm.s32 @!p2 $0x400;
	[sflag:s12] =	ssyncadd.s32 @!p2 $0xFFFFFF00;
	s12 =	simm.s32 @!p1 $0x7  }
0x2a8: {  	[tilespmem:s11], [sflag:$0x5] =	stream.indirect.gather @!p2 [hbm4b:s0+s1], $0x80, s3, s1, $0xb8;
	v63 =	vld [tilespmem:$0x0]  }
0x2a9: {  	_ =	swait.ge @!p1 [sflag:s12], $0x4000  }
0x2aa: {  	[sflag:s12] =	ssyncset.done @!p1 $0x0  }
0x2ab: {  	s1 =	simm.s32 @!p1 $0x380;
	[sflag:s12] =	ssyncadd.s32 @!p1 $0xFFFFC000  }
0x2ac: {  	[spmem:s4] =	stream.indirect.scatter.add.f32 @!p1 [tilespmem:s14], [sflag:$0xA], $0x80, s1, s8, $0xb8;
	v63 =	vld [tilespmem:$0x0]  }
0x2ad: {  	s3 =	simm.s32 @!p1 $0xC400  }
0x2ae: {  	[spmem:s5] =	stream.indirect.scatter.add.f32 @!p1 [tilespmem:s3], [sflag:$0xE], $0x1, s1, s8, $0xb8;
	v63 =	vld [tilespmem:$0x0]  }
0x2af: {  	[bflag:$0x0] =	sbarrier.arrive $0xFFFF  }
0x2b0: {  	s31 =	sld [smem:$0x7FD];
	_ =	sdelay $0x2  }
0x2b1: {  	p2 =	seq.s32 s31, $0x1  }
0x2b2: {  	s3 =	rddreg [dreg:$0x12];
	s1 =	sor.u32 @p2 $0x1C10, s29  }
0x2b3: {  	[hbm:s3], [sflag:s1] =	dma.local @p2 [spmem:s30], $0x2700  }
0x2b4: {  	p0 =	sne.s32 @p2 s9, $0x0;
	s1 =	simm.s32 @p2 $0x10  }
0x2b5: {  	p0 =	por p0, !p2;
	_ =	swait.ge @p2 [sflag:s1], $0x2700  }
0x2b6: {  	s3 =	simm.s32 @!p0 $0x1C10;
	[sflag:s1] =	ssyncset.done @p2 $0x0  }
0x2b7: {  	s8 =	rddreg [dreg:$0x13];
	[sflag:s1] =	ssyncadd.s32 @p2 $0xFFFFD900;
	s1 =	sshrl.u32 @!p0 s5, $0x3  }
0x2b8: {  	[hbm:s8], [sflag:s3] =	dma.local @!p0 [spmem:s1], $0x4F0  }
0x2b9: {  	s1 =	simm.s32 @!p0 $0x10  }
0x2ba: {  	_ =	swait.ge @!p0 [sflag:s1], $0x4F0  }
0x2bb: {  	s26 =	sadd.s32 $0x1, s26;
	[sflag:s1] =	ssyncset.done @!p0 $0x0;
	s3 =	rddreg [dreg:$0x14]  }
0x2bc: {  	[sflag:s1] =	ssyncadd.s32 @!p0 $0xFFFFFB10;
	s1 =	simm.s32 @!p2 $0x1FD0;
	p0 =	sne.s32 s26, s19  }
0x2bd: {  	[hbm:s3], [sflag:s1] =	dma.local @!p2 [spmem:s28], $0x2900  }
.Ltmp1:
0x2be: {  	_ = 	snop;
	(pc) =	sbr.rel @p0 .LBB2_1-.Ltmp1, $4  }
0x2bf: {  	s1 =	simm.s32 @!p2 $0x10  }
0x2c0: {  	_ =	swait.ge @!p2 [sflag:s1], $0x2900  }
0x2c1: {  	[sflag:s1] =	ssyncset.done @!p2 $0x0  }
0x2c2: {  	[sflag:s1] =	ssyncadd.s32 @!p2 $0xFFFFD700  }
0x2c3: {  	_ =	sfence.sel $0x180000  }
0x2c4: {  	[bflag:$0x0] =	sbarrier.arrive $0xFFFF  }
0x2c5: {  	_ =	strace $0x90000047  }
0x2c6: {  	[bflag:$0x2] =	sbarrier.arrive $0xFFFF  }
0x2c7: {  	s1 =	sld [smem:$0x7FC];
	_ =	sdelay $0x2  }
0x2c8: {  	s0 =	rddreg [dreg:$0x6];
	p0 =	seq.s32 s1, $0x1  }
0x2c9: {  	s0 =	sadd.s32 @!p0 $0x100000, s0  }
0x2ca: {  	[sflag:s0] =	ssyncadd.tile.s32 @!p0 $0x1;
	_ =	shalt  }
.Lfunc_end2:
_tile_overlayer_lowered:
.L_overlay_start_2:
0x2cb: {  	(tag) =	ssettag $0x2  }
0x2cc: {  	s0 =	rddreg [dreg:$0x0];
	s2 =	stileid.u32  }
0x2cd: {  	s1 =	rddreg [dreg:$0x1];
	p0 =	sne.s32 s2, $0x0  }
0x2ce: {  	s3 =	rddreg [dreg:$0x2];
	[bflag:$0x3] =	sbarrier.arrive $0xFFFF;
	s2 =	simm.s32 @!p0 $0x1C10  }
0x2cf: {  	[timem:s3], [sflag:s2] =	dma.local @!p0 [hbm:s0], s1  }
0x2d0: {  	s0 =	simm.s32 @!p0 $0x10  }
0x2d1: {  	_ =	swait.ge @!p0 [sflag:s0], s1  }
0x2d2: {  	s1 =	ssub.s32 @!p0 $0x0, s1;
	[sflag:s0] =	ssyncset.done @!p0 $0x0  }
0x2d3: {  	[sflag:s0] =	ssyncadd.s32 @!p0 s1  }
0x2d4: {  	[bflag:$0x3] =	sbarrier.arrive $0xFFFF  }
0x2d5: {  	_ =	shalt  }

// kernel: kernel.9.cloned.1.call-start
scs
__scs_entry_jumppad:
0x0: {  	(pc) =	sbr.rel $0x88, $3  }
0x1: {  	(tag) =	ssettag $0x0;
	lr =	simm.s32 $0x1  }
0x2: {  	[smem:$0x3F97] =	sst lr;
	_ =	strace $0xD0000000  }
0x3: {  	_ = 	snop  }
0x4: {  	_ = 	snop  }
0x5: {  	_ = 	snop  }
0x6: {  	_ = 	snop  }
0x7: {  	_ = 	snop  }
__scs_overlays_trampoline_lowered:
0x8: {  	[smem:$0x3FA6] =	sst s0  }
0x9: {  	[smem:$0x3FA7] =	sst s1  }
0xa: {  	[smem:$0x3FA8] =	sst s2  }
0xb: {  	[smem:$0x3FA9] =	sst s3  }
0xc: {  	[smem:$0x3FAA] =	sst s4  }
0xd: {  	[smem:$0x3FAB] =	sst s5  }
0xe: {  	[smem:$0x3FAC] =	sst s6  }
0xf: {  	[smem:$0x3FAD] =	sst s7  }
0x10: {  	[smem:$0x3FAE] =	sst s8  }
0x11: {  	[smem:$0x3FAF] =	sst s9;
	s0 =	simm.s32 @!p0 $0x0  }
0x12: {  	s1 =	sld [smem:$0x3F95];
	s0 =	simm.s32 @p0 $0x1  }
0x13: {  	[smem:$0x3FB0] =	sst s0;
	s0 =	simm.s32 @!p1 $0x0  }
0x14: {  	s2 =	sld [smem:$0x3F94];
	s0 =	simm.s32 @p1 $0x1  }
0x15: {  	[smem:$0x3FB1] =	sst s0;
	s0 =	simm.s32 @!p2 $0x0  }
0x16: {  	s3 =	sld [smem:$0x3FDB];
	s0 =	simm.s32 @p2 $0x1  }
0x17: {  	s4 =	simm.s32 $0x1BF5;
	[smem:$0x3FB3] =	sst s0  }
0x18: {  	s0 =	sld [smem:$0x3F96];
	_ =	swait.ge [sflag:s4], $0x0  }
0x19: {  	s7 =	sld [smem:$0x3F97]  }
0x1a: {  	s8 =	sadd.s32 $0xFFFFE003, lr  }
0x1b: {  	s9 =	sadd.s32 $0xFFFFFEF7, lr;
	s5 =	simm.s32 $0xFFFFFFFF;
	p2 =	slt.u32 s8, $0xFFFFF086  }
0x1c: {  	p1 =	slt.u32 s9, $0xF7A;
	s5 =	simm.s32 @!p2 $0x0  }
0x1d: {  	s5 =	simm.s32 @p1 $0x1;
	p0 =	seq.s32 s7, s2  }
0x1e: {  	s7 =	smul.u32 @!p0 $0xF7A, s2;
	p2 =	seq.s32 @!p0 s5, $0x0  }
0x1f: {  	s9 =	smul.u32 $0xF7A, s1;
	s8 =	simm.s32 @!p0 $0x1BF5;
	p2 =	por !p2, p0  }
0x20: {  	[sflag:s8] =	ssyncset.s32 @!p0 $0xFFFFF086;
	s6 =	sadd.s32 @!p0 s3, s7;
	s7 =	simm.s32 @!p0 $0x108  }
0x21: {  	s3 =	sadd.s32 s3, s9;
	s6 =	sadd.s32 @!p0 $0x88, s6;
	s7 =	simm.s32 @p2 $0x1082  }
0x22: {  	[simem:s7], [sflag:s8] =	dma.local @!p0 [hbm:s6], $0xF7A  }
0x23: {  	s9 =	sor.u32 $0xD0000000, s2;
	s6 =	simm.s32 $0x108;
	_ =	swait.ge @!p0 [sflag:s8], $0x0  }
0x24: {  	s3 =	sadd.s32 $0x88, s3;
	s6 =	simm.s32 @!p1 $0x1082;
	[sflag:s4] =	ssyncset.s32 $0xFFFFF086  }
0x25: {  	[simem:s6], [sflag:s4] =	dma.local [hbm:s3], $0xF7A  }
0x26: {  	[smem:$0x3F97] =	sst s1;
	(tag) =	ssettag s2;
	_ =	strace s9  }
0x27: {  	s1 =	sld [smem:$0x3FA7]  }
0x28: {  	s2 =	sld [smem:$0x3FA8]  }
0x29: {  	s4 =	sld [smem:$0x3FAA]  }
0x2a: {  	p0 =	seq.s32 s5, $0x0;
	s5 =	sld [smem:$0x3FAB]  }
0x2b: {  	s6 =	sld [smem:$0x3FAC]  }
0x2c: {  	s7 =	sld [smem:$0x3FAD]  }
0x2d: {  	s3 =	simm.s32 $0x108;
	s8 =	sld [smem:$0x3FAE]  }
0x2e: {  	s3 =	simm.s32 @!p0 $0x1082;
	s9 =	sld [smem:$0x3FAF]  }
0x2f: {  	lr =	sadd.s32 s0, s3;
	s0 =	sld [smem:$0x3FA6]  }
0x30: {  	s3 =	sld [smem:$0x3FA9]  }
0x31: {  	[smem:$0x3FB2] =	sst s10  }
0x32: {  	s10 =	sld [smem:$0x3FB0];
	_ =	sdelay $0x3  }
0x33: {  	p0 =	seq.s32 s10, $0x1;
	s10 =	sld [smem:$0x3FB2];
	_ =	sdelay $0x3  }
0x34: {  	[smem:$0x3FB2] =	sst s10  }
0x35: {  	s10 =	sld [smem:$0x3FB1];
	_ =	sdelay $0x3  }
0x36: {  	p1 =	seq.s32 s10, $0x1;
	s10 =	sld [smem:$0x3FB2];
	_ =	sdelay $0x3  }
0x37: {  	[smem:$0x3FB2] =	sst s10  }
0x38: {  	s10 =	sld [smem:$0x3FB3]  }
0x39: {  	_ = 	snop;
	(pc) =	sbr.ind lr, $3  }
0x3a: {  	_ = 	snop  }
0x3b: {  	_ = 	snop  }
0x3c: {  	p2 =	seq.s32 s10, $0x1;
	s10 =	sld [smem:$0x3FB2]  }
0x3d: {  	_ =	shalt  }
0x3e: {  	_ =	shalt  }
0x3f: {  	_ =	shalt  }
0x40: {  	_ =	shalt  }
0x41: {  	_ =	shalt  }
0x42: {  	_ =	shalt  }
0x43: {  	_ =	shalt  }
0x44: {  	_ =	shalt  }
0x45: {  	_ =	shalt  }
0x46: {  	_ =	shalt  }
0x47: {  	_ =	shalt  }
0x48: {  	_ =	shalt  }
0x49: {  	_ =	shalt  }
0x4a: {  	_ =	shalt  }
0x4b: {  	_ =	shalt  }
0x4c: {  	_ =	shalt  }
0x4d: {  	_ =	shalt  }
0x4e: {  	_ =	shalt  }
0x4f: {  	_ =	shalt  }
0x50: {  	_ =	shalt  }
0x51: {  	_ =	shalt  }
0x52: {  	_ =	shalt  }
0x53: {  	_ =	shalt  }
0x54: {  	_ =	shalt  }
0x55: {  	_ =	shalt  }
0x56: {  	_ =	shalt  }
0x57: {  	_ =	shalt  }
0x58: {  	_ =	shalt  }
0x59: {  	_ =	shalt  }
0x5a: {  	_ =	shalt  }
0x5b: {  	_ =	shalt  }
0x5c: {  	_ =	shalt  }
0x5d: {  	_ =	shalt  }
0x5e: {  	_ =	shalt  }
0x5f: {  	_ =	shalt  }
0x60: {  	_ =	shalt  }
0x61: {  	_ =	shalt  }
0x62: {  	_ =	shalt  }
0x63: {  	_ =	shalt  }
0x64: {  	_ =	shalt  }
0x65: {  	_ =	shalt  }
0x66: {  	_ =	shalt  }
0x67: {  	_ =	shalt  }
0x68: {  	_ =	shalt  }
0x69: {  	_ =	shalt  }
0x6a: {  	_ =	shalt  }
0x6b: {  	_ =	shalt  }
0x6c: {  	_ =	shalt  }
0x6d: {  	_ =	shalt  }
0x6e: {  	_ =	shalt  }
0x6f: {  	_ =	shalt  }
0x70: {  	_ =	shalt  }
0x71: {  	_ =	shalt  }
0x72: {  	_ =	shalt  }
0x73: {  	_ =	shalt  }
0x74: {  	_ =	shalt  }
0x75: {  	_ =	shalt  }
0x76: {  	_ =	shalt  }
0x77: {  	_ =	shalt  }
0x78: {  	_ =	shalt  }
0x79: {  	_ =	shalt  }
0x7a: {  	_ =	shalt  }
0x7b: {  	_ =	shalt  }
0x7c: {  	_ =	shalt  }
0x7d: {  	_ =	shalt  }
0x7e: {  	_ =	shalt  }
0x7f: {  	_ =	shalt  }
0x80: {  	_ =	shalt  }
0x81: {  	_ =	shalt  }
0x82: {  	_ =	shalt  }
0x83: {  	_ =	shalt  }
0x84: {  	_ =	shalt  }
0x85: {  	_ =	shalt  }
0x86: {  	_ =	shalt  }
0x87: {  	_ =	shalt  }
.Lfunc_end0:
.L_simem_size_0:
called_computation.1_lowered:
.L_overlay_start_0:
0x88: {  	s2 =	sld [smem:$0x3FD9]  }
0x89: {  	s3 =	sld [smem:$0x3FFE];
	_ =	sdelay $0x1  }
0x8a: {  	s1 =	srdreg.scid  }
0x8b: {  	s0 =	sand.u32 $0x1, s1  }
0x8c: {  	s17 =	sshll.u32 s0, $0xA;
	s2 =	sadd.s32 s3, s2  }
0x8d: {  	s2 =	sadd.s32 s2, s17  }
0x8e: {  	[smem:$0x3FBE] =	sst s2  }
0x8f: {  	_ = 	snop  }
0x90: {  	s2 =	sld [smem:$0x3FC8];
	(tm) =	ssettm $0x1  }
0x91: {  	s18 =	sld [smem:$0x3FFB];
	_ =	sdelay $0x3  }
0x92: {  	_ =	strace s18  }
0x93: {  	s3 =	sld [smem:$0x3FFC];
	_ =	sdelay $0x3  }
0x94: {  	_ =	strace s3  }
0x95: {  	s3 =	sld [smem:$0x3FFD];
	_ =	sdelay $0x3  }
0x96: {  	_ =	strace s3  }
0x97: {  	_ =	strace $0x8FFFFFFF  }
0x98: {  	s19 =	sld [smem:$0x3FDB];
	_ =	sdelay $0x1  }
0x99: {  	s4 =	simm.s32 $_scs_section_size  }
0x9a: {  	s5 =	simm.s32 $_size__tile_overlayer_lowered;
	s6 =	simm.s32 $_tile_overlayer_lowered  }
0x9b: {  	s22 =	simm.s32 $0x1BFF;
	s21 =	sshll.u32 s6, $0x1;
	s3 =	sadd.s32 s4, s19  }
0x9c: {  	s7 =	simm.s32 $0x0;
	s20 =	sshll.u32 s5, $0x1;
	s5 =	sadd.s32 s21, s3  }
0x9d: {  	[timem:s7], [sflag:s22] =	dma.local [hbm:s5], s20  }
0x9e: {  	_ =	swait.ge [sflag:s22], s20  }
0x9f: {  	s4 =	ssub.s32 $0x0, s20;
	[sflag:s22] =	ssyncset.done $0x0  }
0xa0: {  	[sflag:s22] =	ssyncadd.s32 s4;
	_ =	sdelay $0x1  }
0xa1: {  	s23 =	simm.s32 $0x1B8B  }
0xa2: {  	_ =	swait.ge [sflag:s23], $0x1  }
0xa3: {  	[sflag:s23] =	ssyncset.done $0x0  }
0xa4: {  	s25 =	simm.s32 $0x1B8E;
	s24 =	sld [smem:$0x3FFE];
	[sflag:s23] =	ssyncadd.s32 $0xFFFFFFFF  }
0xa5: {  	s26 =	simm.s32 $execute0_lowered;
	[smem:$0x3FD2] =	sst s25  }
0xa6: {  	s5 =	sshll.u32 s26, $0x1;
	_ =	strace $0x80000049;
	[dreg:$0x1] =	wrdreg $0xFFFFFFFF  }
0xa7: {  	s28 =	simm.s32 $_size_execute0_lowered;
	s3 =	sadd.s32 s3, s5;
	[dreg:$0x0] =	wrdreg $0x0  }
0xa8: {  	s5 =	sshll.u32 s28, $0x1;
	[dreg:$0x2] =	wrdreg s3  }
0xa9: {  	[dreg:$0x3] =	wrdreg s5  }
0xaa: {  	[dreg:$0x4] =	wrdreg $0xC0  }
0xab: {  	_ =	task [dreg:s7], $0x5FFFF  }
0xac: {  	[dreg:$0x1] =	wrdreg $0xFFFFFFFF  }
0xad: {  	[dreg:$0x0] =	wrdreg $0x60  }
0xae: {  	[dreg:$0x2] =	wrdreg s24  }
0xaf: {  	[dreg:$0x3] =	wrdreg s2  }
0xb0: {  	[dreg:$0x4] =	wrdreg $0xC4000  }
0xb1: {  	[dreg:$0x5] =	wrdreg $0x9  }
0xb2: {  	_ =	task.clear_ibuf [dreg:s7], $0x6FFFF;
	_ =	strace $0x90000049  }
0xb3: {  	s29 =	simm.s32 $0x9;
	_ =	strace $0x8000004B  }
0xb4: {  	_ =	swait.ge [sflag:s29], $0x1  }
0xb5: {  	[sflag:s29] =	ssyncadd.s32 $0xFFFFFFFF  }
0xb6: {  	_ =	strace $0x9000004B  }
0xb7: {  	_ =	sfence  }
0xb8: {  	s30 =	sld [smem:$0x0];
	_ =	sdelay $0x2  }
0xb9: {  	s31 =	sshll.u32 s1, $0xD;
	s1 =	sshrl.u32 s1, $0x2  }
0xba: {  	s3 =	sand.u32 $0x4000, s31;
	s1 =	sadd.s32 s1, s30  }
0xbb: {  	s0 =	sor.u32 s3, s0;
	s1 =	sshll.u32 s1, $0x11  }
0xbc: {  	s0 =	sor.u32 s1, s0  }
0xbd: {  	s0 =	sadd.s32 $0x8F2B, s0  }
0xbe: {  	[sflag:s0] =	ssyncadd.remote.s32 $0x1  }
0xbf: {  	_ =	sfence.sel $0xFFFF  }
0xc0: {  	[dreg:$0x0] =	wrdreg $0xFFFFFFFF;
	(pc) =	sbr.abs _section_cstart, $3  }
0xc1: {  	[dreg:$0x1] =	wrdreg $0xFFFFFFFF  }
0xc2: {  	_ =	task.clear_ibuf [dreg:s7], $0x2FFFF;
	_ =	strace $0x9FFFFFFF  }
0xc3: {  	(tm) =	ssettm $0x7FFFFFFF  }
tec
execute0_lowered:
.L_overlay_start_1:
0x0: {  	(tag) =	ssettag $0x1  }
0x1: {  	s0 =	rddreg [dreg:$0x0]  }
0x2: {  	s1 =	rddreg [dreg:$0x1]  }
0x3: {  	s3 =	rddreg [dreg:$0x2]  }
0x4: {  	s4 =	simm.s32 $0x0;
	s2 =	srdreg.scid;
	s16 =	stileid.u32  }
0x5: {  	s19 =	simm.s32 $0x1;
	[smem:$0x7FF] =	sst s4;
	s8 =	smul.u32 $0x4E000, s16  }
0x6: {  	s2 =	sand.u32 $0x1, s2;
	s5 =	sshll.u32 s16, $0x1;
	s20 =	smul.u32 $0x13800, s16  }
0x7: {  	s6 =	sadd.s32 $0x2C00, s0;
	s12 =	smul.u32 $0xA0, s16;
	s21 =	sadd.s32 $0x124800, s3  }
0x8: {  	p2 =	sne.s32 s16, $0xF;
	_ =	strace $0x8000004A;
	s7 =	sor.u32 s2, s5  }
0x9: {  	s5 =	sadd.s32 $0x5600, s0;
	s9 =	ssub.s32 $0x2, s2;
	s13 =	smul.u32 $0x139000, s2  }
0xa: {  	s0 =	sadd.s32 $0xA3400, s0;
	s2 =	smul.u32 $0x50, s2;
	[dreg:$0xb] =	wrdreg s21  }
0xb: {  	s10 =	smul.u32 $0xA00, s7;
	s11 =	sshrl.u32 s9, $0x1;
	p0 =	seq.s32 s7, $0x1F  }
0xc: {  	s7 =	simm.s32 $0x14;
	s8 =	sshrl.u32 s8, $0x2;
	s15 =	ssub.s32 s9, s11  }
0xd: {  	s7 =	simm.s32 @!p0 $0x50;
	s17 =	sadd.s32 s8, s3;
	s11 =	sadd.s32 s20, s13  }
0xe: {  	s2 =	sadd.s32 s2, s12;
	s9 =	sadd.s32 s1, s10;
	s23 =	sadd.s32 $0xFFFFFFFF, s7  }
0xf: {  	s14 =	sshrl.u32 s11, $0x3;
	s22 =	sadd.s32 $0x20, s9;
	[dreg:$0x5] =	wrdreg s23  }
0x10: {  	s11 =	sshll.u32 s2, $0x5;
	s24 =	sadd.s32 s0, s14;
	[dreg:$0xc] =	wrdreg s22  }
0x11: {  	s13 =	sshrl.u32 s13, $0x3;
	s25 =	sor.u32 $0x40, s11;
	[dreg:$0xd] =	wrdreg s24  }
0x12: {  	s15 =	smax.u32 s15, $0x1;
	s26 =	sor.u32 $0x180, s11;
	[dreg:$0x4] =	wrdreg s25  }
0x13: {  	s17 =	sshrl.u32 @p2 s17, $0x3;
	s28 =	sor.u32 $0x140, s11;
	[dreg:$0xa] =	wrdreg s26  }
0x14: {  	s0 =	sadd.s32 s0, s13;
	s29 =	sor.u32 $0x100, s11;
	[dreg:$0x9] =	wrdreg s28  }
0x15: {  	s30 =	sor.u32 $0xC0, s11;
	s31 =	sor.u32 $0x80, s11;
	[dreg:$0x8] =	wrdreg s29  }
0x16: {  	s13 =	sadd.s32 $0x24900, s0;
	[dreg:$0x7] =	wrdreg s30;
	s0 =	simm.s32 @!p2 $0x0  }
0x17: {  	s14 =	sshll.u32 @p2 s16, $0x6;
	[dreg:$0x6] =	wrdreg s31;
	s0 =	simm.s32 @p2 $0x1  }
0x18: {  	s16 =	sor.u32 @p2 $0x1C0B, s14;
	s22 =	simm.s32 $0x0;
	[smem:$0x7FD] =	sst s0  }
.LBB2_1:
0x19: {  	[spmem:s17], [sflag:s16] =	dma.local @p2 [hbm:s6], $0x2700  }
0x1a: {  	s0 =	rddreg [dreg:$0xb]  }
0x1b: {  	s23 =	sshrl.u32 @!p2 s0, $0x3;
	s0 =	simm.s32 @!p2 $0x1FCB  }
0x1c: {  	[spmem:s23], [sflag:s0] =	dma.local @!p2 [hbm:s6], $0x2900  }
0x1d: {  	[tilespmem:s4], [sflag:$0x1] =	stream.linear.gather [hbm4b:s9+s4], $0x100, $0x38;
	[tilespmem:$0x1FD00] =	vst v63  }
0x1e: {  	s2 =	simm.s32 $0x100;
	s0 =	rddreg [dreg:$0xc]  }
0x1f: {  	[tilespmem:s2], [sflag:$0x2] =	stream.linear.gather [hbm4b:s0+s4], $0x100, $0x38;
	[tilespmem:$0x1FD00] =	vst v63  }
0x20: {  	_ =	swait.ge [sflag:s19], $0x100  }
0x21: {  	s24 =	simm.s32 $0x80;
	[sflag:s19] =	ssyncset.done $0x0  }
0x22: {  	s25 =	simm.s32 $0x400;
	s0 =	simm.s32 @p2 $0xB;
	[sflag:s19] =	ssyncadd.s32 $0xFFFFFF00  }
0x23: {  	[tilespmem:s25], [sflag:$0x5] =	stream.indirect.gather [hbm4b:s5+s24], $0x80, s4, s24, $0xb8;
	[tilespmem:$0x1FD00] =	vst v63  }
0x24: {  	_ =	swait.ge @p2 [sflag:s0], $0x2700  }
0x25: {  	[sflag:s0] =	ssyncset.done @p2 $0x0  }
0x26: {  	[sflag:s0] =	ssyncadd.s32 @p2 $0xFFFFD900;
	s0 =	simm.s32 @!p2 $0xB  }
0x27: {  	p0 =	por $0x0, $0x0;
	p1 =	sge.u32 s7, $0x0;
	_ =	swait.ge @!p2 [sflag:s0], $0x2900  }
0x28: {  	p0 =	por !p0, !p1;
	[sflag:s0] =	ssyncset.done @!p2 $0x0  }
0x29: {  	p3 =	por !p0, !p0;
	[sflag:s0] =	ssyncadd.s32 @!p2 $0xFFFFD700  }
0x2a: {  	s0 =	simm.s32 @p3 $0x9;
	[bflag:$0x0] =	sbarrier.arrive $0xFFFF  }
0x2b: {  	p2 =	sle.u32 s7, $0x2;
	_ =	swait.ge @p3 [sflag:s0], $0x4000  }
0x2c: {  	s2 =	simm.s32 @!p2 $0x200;
	s26 =	rddreg [dreg:$0x5];
	[sflag:s0] =	ssyncset.done @p3 $0x0  }
0x2d: {  	s18 =	rddreg [dreg:$0x4];
	[sflag:s0] =	ssyncadd.s32 @p3 $0xFFFFC000;
	p4 =	sle.u32 s26, $0x0  }
0x2e: {  	s0 =	simm.s32 @!p2 $0x0;
	s18 =	sadd.s32 @!p2 s1, s18;
	s20 =	simm.s32 @!p4 $0x2  }
0x2f: {  	[tilespmem:s2], [sflag:$0x3] =	stream.linear.gather @!p2 [hbm4b:s18+s0], $0x100, $0x38;
	[tilespmem:$0x1FD00] =	vst v63  }
0x30: {  	p1 =	sle.u32 s7, $0x0;
	_ =	swait.ge @!p4 [sflag:s20], $0x100  }
0x31: {  	s21 =	simm.s32 @!p1 $0x5;
	s0 =	simm.s32 @!p4 $0x100;
	[sflag:s20] =	ssyncset.done @!p4 $0x0  }
0x32: {  	s18 =	simm.s32 @!p4 $0x4400;
	[sflag:s20] =	ssyncadd.s32 @!p4 $0xFFFFFF00;
	s20 =	simm.s32 @!p4 $0x80  }
0x33: {  	[tilespmem:s18], [sflag:$0x6] =	stream.indirect.gather @!p4 [hbm4b:s5+s20], $0x80, s0, s20, $0xb8;
	[tilespmem:$0x1FD00] =	vst v63  }
0x34: {  	_ =	swait.ge @!p1 [sflag:s21], $0x4000  }
0x35: {  	p0 =	sle.u32 s7, $0x3;
	s24 =	simm.s32 @!p1 $0x400;
	[sflag:s21] =	ssyncset.done @!p1 $0x0  }
0x36: {  	s0 =	simm.s32 @p3 $0xA;
	[sflag:s21] =	ssyncadd.s32 @!p1 $0xFFFFC000;
	s21 =	simm.s32 @!p1 $0x80  }
0x37: {  	[spmem:s3] =	stream.indirect.scatter.add.f32 @!p1 [tilespmem:s24], [sflag:$0x8], $0x80, s21, s21, $0xb8;
	[tilespmem:$0x1FD00] =	vst v63  }
0x38: {  	s25 =	simm.s32 @!p0 $0x300;
	_ =	swait.ge @p3 [sflag:s0], $0x4000  }
0x39: {  	s21 =	sadd.s32 @!p0 s1, s11;
	s24 =	simm.s32 @!p2 $0x3;
	[sflag:s0] =	ssyncset.done @p3 $0x0  }
0x3a: {  	s21 =	sadd.s32 @!p0 $0x60, s21;
	[sflag:s0] =	ssyncadd.s32 @p3 $0xFFFFC000;
	s0 =	simm.s32 @!p0 $0x0  }
0x3b: {  	[tilespmem:s25], [sflag:$0x4] =	stream.linear.gather @!p0 [hbm4b:s21+s0], $0x100, $0x38;
	[tilespmem:$0x1FD00] =	vst v63  }
0x3c: {  	_ =	swait.ge @!p2 [sflag:s24], $0x100  }
0x3d: {  	s0 =	simm.s32 @!p2 $0x8400;
	[sflag:s24] =	ssyncset.done @!p2 $0x0  }
0x3e: {  	s21 =	simm.s32 @!p2 $0x80;
	[sflag:s24] =	ssyncadd.s32 @!p2 $0xFFFFFF00;
	s24 =	simm.s32 @!p4 $0x6  }
0x3f: {  	[tilespmem:s0], [sflag:$0x7] =	stream.indirect.gather @!p2 [hbm4b:s5+s21], $0x80, s2, s21, $0xb8;
	[tilespmem:$0x1FD00] =	vst v63  }
0x40: {  	_ =	swait.ge @!p4 [sflag:s24], $0x4000  }
0x41: {  	[sflag:s24] =	ssyncset.done @!p4 $0x0  }
0x42: {  	s26 =	simm.s32 @!p1 $0x8;
	s2 =	simm.s32 @!p4 $0x180;
	[sflag:s24] =	ssyncadd.s32 @!p4 $0xFFFFC000  }
0x43: {  	[spmem:s3] =	stream.indirect.scatter.add.f32 @!p4 [tilespmem:s18], [sflag:$0x9], $0x80, s2, s20, $0xb8;
	[tilespmem:$0x1FD00] =	vst v63  }
0x44: {  	p3 =	sle.u32 s7, $0x4;
	_ =	swait.ge @!p1 [sflag:s26], $0x4000  }
0x45: {  	s18 =	simm.s32 @!p3 $0x0;
	s2 =	rddreg [dreg:$0x6];
	[sflag:s26] =	ssyncset.done @!p1 $0x0  }
0x46: {  	s20 =	simm.s32 @!p0 $0x4;
	[sflag:s26] =	ssyncadd.s32 @!p1 $0xFFFFC000;
	s2 =	sadd.s32 @!p3 s1, s2  }
0x47: {  	[tilespmem:s18], [sflag:$0x1] =	stream.linear.gather @!p3 [hbm4b:s2+s18], $0x100, $0x38;
	[tilespmem:$0x1FD00] =	vst v63  }
0x48: {  	_ =	swait.ge @!p0 [sflag:s20], $0x100  }
0x49: {  	s24 =	simm.s32 @!p2 $0x7;
	[sflag:s20] =	ssyncset.done @!p0 $0x0  }
0x4a: {  	s2 =	simm.s32 @!p0 $0x400;
	[sflag:s20] =	ssyncadd.s32 @!p0 $0xFFFFFF00;
	s20 =	simm.s32 @!p0 $0x80  }
0x4b: {  	[tilespmem:s2], [sflag:$0x5] =	stream.indirect.gather @!p0 [hbm4b:s5+s20], $0x80, s25, s20, $0xb8;
	[tilespmem:$0x1FD00] =	vst v63  }
0x4c: {  	_ =	swait.ge @!p2 [sflag:s24], $0x4000  }
0x4d: {  	p1 =	sle.u32 s7, $0x5;
	[sflag:s24] =	ssyncset.done @!p2 $0x0  }
0x4e: {  	s25 =	simm.s32 @!p2 $0x280;
	[sflag:s24] =	ssyncadd.s32 @!p2 $0xFFFFC000;
	s24 =	simm.s32 @!p4 $0x9  }
0x4f: {  	[spmem:s3] =	stream.indirect.scatter.add.f32 @!p2 [tilespmem:s0], [sflag:$0xA], $0x80, s25, s21, $0xb8;
	[tilespmem:$0x1FD00] =	vst v63  }
0x50: {  	s0 =	sadd.s32 @!p1 s1, s11;
	_ =	swait.ge @!p4 [sflag:s24], $0x4000  }
0x51: {  	s21 =	simm.s32 @!p3 $0x1;
	s25 =	simm.s32 @!p1 $0x100;
	[sflag:s24] =	ssyncset.done @!p4 $0x0  }
0x52: {  	s0 =	sadd.s32 @!p1 $0xA0, s0;
	[sflag:s24] =	ssyncadd.s32 @!p4 $0xFFFFC000;
	s24 =	simm.s32 @!p1 $0x0  }
0x53: {  	[tilespmem:s25], [sflag:$0x2] =	stream.linear.gather @!p1 [hbm4b:s0+s24], $0x100, $0x38;
	[tilespmem:$0x1FD00] =	vst v63  }
0x54: {  	_ =	swait.ge @!p3 [sflag:s21], $0x100  }
0x55: {  	s0 =	simm.s32 @!p3 $0x4400;
	[sflag:s21] =	ssyncset.done @!p3 $0x0  }
0x56: {  	s24 =	simm.s32 @!p3 $0x80;
	[sflag:s21] =	ssyncadd.s32 @!p3 $0xFFFFFF00;
	s21 =	simm.s32 @!p0 $0x5  }
0x57: {  	[tilespmem:s0], [sflag:$0x6] =	stream.indirect.gather @!p3 [hbm4b:s5+s24], $0x80, s18, s24, $0xb8;
	[tilespmem:$0x1FD00] =	vst v63  }
0x58: {  	_ =	swait.ge @!p0 [sflag:s21], $0x4000  }
0x59: {  	p6 =	sle.u32 s7, $0x6;
	[sflag:s21] =	ssyncset.done @!p0 $0x0  }
0x5a: {  	s18 =	simm.s32 @!p0 $0x380;
	[sflag:s21] =	ssyncadd.s32 @!p0 $0xFFFFC000;
	s21 =	simm.s32 @!p2 $0xA  }
0x5b: {  	[spmem:s3] =	stream.indirect.scatter.add.f32 @!p0 [tilespmem:s2], [sflag:$0x8], $0x80, s18, s20, $0xb8;
	[tilespmem:$0x1FD00] =	vst v63  }
0x5c: {  	s18 =	simm.s32 @!p6 $0x0;
	_ =	swait.ge @!p2 [sflag:s21], $0x4000  }
0x5d: {  	s20 =	simm.s32 @!p6 $0x200;
	s2 =	rddreg [dreg:$0x7];
	[sflag:s21] =	ssyncset.done @!p2 $0x0  }
0x5e: {  	[sflag:s21] =	ssyncadd.s32 @!p2 $0xFFFFC000;
	s21 =	simm.s32 @!p1 $0x2;
	s2 =	sadd.s32 @!p6 s1, s2  }
0x5f: {  	[tilespmem:s20], [sflag:$0x3] =	stream.linear.gather @!p6 [hbm4b:s2+s18], $0x100, $0x38;
	[tilespmem:$0x1FD00] =	vst v63  }
0x60: {  	_ =	swait.ge @!p1 [sflag:s21], $0x100  }
0x61: {  	s2 =	simm.s32 @!p3 $0x6;
	[sflag:s21] =	ssyncset.done @!p1 $0x0  }
0x62: {  	s18 =	simm.s32 @!p1 $0x80;
	[sflag:s21] =	ssyncadd.s32 @!p1 $0xFFFFFF00;
	s21 =	simm.s32 @!p1 $0x8400  }
0x63: {  	[tilespmem:s21], [sflag:$0x7] =	stream.indirect.gather @!p1 [hbm4b:s5+s18], $0x80, s25, s18, $0xb8;
	[tilespmem:$0x1FD00] =	vst v63  }
0x64: {  	_ =	swait.ge @!p3 [sflag:s2], $0x4000  }
0x65: {  	[sflag:s2] =	ssyncset.done @!p3 $0x0  }
0x66: {  	p5 =	sle.u32 s7, $0x7;
	[sflag:s2] =	ssyncadd.s32 @!p3 $0xFFFFC000;
	s2 =	simm.s32 @!p0 $0x8  }
0x67: {  	[spmem:s3] =	stream.indirect.scatter.add.f32 @!p3 [tilespmem:s0], [sflag:$0x9], $0x80, s24, s24, $0xb8;
	[tilespmem:$0x1FD00] =	vst v63  }
0x68: {  	s25 =	simm.s32 @!p5 $0x300;
	_ =	swait.ge @!p0 [sflag:s2], $0x4000  }
0x69: {  	s0 =	sadd.s32 @!p5 s1, s11;
	s24 =	simm.s32 @!p6 $0x3;
	[sflag:s2] =	ssyncset.done @!p0 $0x0  }
0x6a: {  	s0 =	sadd.s32 @!p5 $0xE0, s0;
	[sflag:s2] =	ssyncadd.s32 @!p0 $0xFFFFC000;
	s2 =	simm.s32 @!p5 $0x0  }
0x6b: {  	[tilespmem:s25], [sflag:$0x4] =	stream.linear.gather @!p5 [hbm4b:s0+s2], $0x100, $0x38;
	[tilespmem:$0x1FD00] =	vst v63  }
0x6c: {  	_ =	swait.ge @!p6 [sflag:s24], $0x100  }
0x6d: {  	s0 =	simm.s32 @!p6 $0x400;
	[sflag:s24] =	ssyncset.done @!p6 $0x0  }
0x6e: {  	s2 =	simm.s32 @!p6 $0x80;
	[sflag:s24] =	ssyncadd.s32 @!p6 $0xFFFFFF00;
	s24 =	simm.s32 @!p1 $0x7  }
0x6f: {  	[tilespmem:s0], [sflag:$0x5] =	stream.indirect.gather @!p6 [hbm4b:s5+s2], $0x80, s20, s2, $0xb8;
	[tilespmem:$0x1FD00] =	vst v63  }
0x70: {  	_ =	swait.ge @!p1 [sflag:s24], $0x4000  }
0x71: {  	[sflag:s24] =	ssyncset.done @!p1 $0x0  }
0x72: {  	s20 =	simm.s32 @!p3 $0x9;
	[sflag:s24] =	ssyncadd.s32 @!p1 $0xFFFFC000;
	s24 =	simm.s32 @!p1 $0x180  }
0x73: {  	[spmem:s3] =	stream.indirect.scatter.add.f32 @!p1 [tilespmem:s21], [sflag:$0xA], $0x80, s24, s18, $0xb8;
	[tilespmem:$0x1FD00] =	vst v63  }
0x74: {  	p0 =	sle.u32 s7, $0x8;
	_ =	swait.ge @!p3 [sflag:s20], $0x4000  }
0x75: {  	s21 =	simm.s32 @!p0 $0x0;
	s18 =	rddreg [dreg:$0x8];
	[sflag:s20] =	ssyncset.done @!p3 $0x0  }
0x76: {  	[sflag:s20] =	ssyncadd.s32 @!p3 $0xFFFFC000;
	s18 =	sadd.s32 @!p0 s1, s18;
	s20 =	simm.s32 @!p5 $0x4  }
0x77: {  	[tilespmem:s21], [sflag:$0x1] =	stream.linear.gather @!p0 [hbm4b:s18+s21], $0x100, $0x38;
	[tilespmem:$0x1FD00] =	vst v63  }
0x78: {  	_ =	swait.ge @!p5 [sflag:s20], $0x100  }
0x79: {  	s24 =	simm.s32 @!p5 $0x4400;
	[sflag:s20] =	ssyncset.done @!p5 $0x0  }
0x7a: {  	s18 =	simm.s32 @!p6 $0x5;
	[sflag:s20] =	ssyncadd.s32 @!p5 $0xFFFFFF00;
	s20 =	simm.s32 @!p5 $0x80  }
0x7b: {  	[tilespmem:s24], [sflag:$0x6] =	stream.indirect.gather @!p5 [hbm4b:s5+s20], $0x80, s25, s20, $0xb8;
	[tilespmem:$0x1FD00] =	vst v63  }
0x7c: {  	_ =	swait.ge @!p6 [sflag:s18], $0x4000  }
0x7d: {  	p2 =	sle.u32 s7, $0x9;
	[sflag:s18] =	ssyncset.done @!p6 $0x0  }
0x7e: {  	s25 =	simm.s32 @!p6 $0x280;
	[sflag:s18] =	ssyncadd.s32 @!p6 $0xFFFFC000;
	s18 =	simm.s32 @!p1 $0xA  }
0x7f: {  	[spmem:s3] =	stream.indirect.scatter.add.f32 @!p6 [tilespmem:s0], [sflag:$0x8], $0x80, s25, s2, $0xb8;
	[tilespmem:$0x1FD00] =	vst v63  }
0x80: {  	s0 =	sadd.s32 @!p2 s1, s11;
	_ =	swait.ge @!p1 [sflag:s18], $0x4000  }
0x81: {  	s2 =	simm.s32 @!p0 $0x1;
	s25 =	simm.s32 @!p2 $0x100;
	[sflag:s18] =	ssyncset.done @!p1 $0x0  }
0x82: {  	s0 =	sadd.s32 @!p2 $0x120, s0;
	[sflag:s18] =	ssyncadd.s32 @!p1 $0xFFFFC000;
	s18 =	simm.s32 @!p2 $0x0  }
0x83: {  	[tilespmem:s25], [sflag:$0x2] =	stream.linear.gather @!p2 [hbm4b:s0+s18], $0x100, $0x38;
	[tilespmem:$0x1FD00] =	vst v63  }
0x84: {  	_ =	swait.ge @!p0 [sflag:s2], $0x100  }
0x85: {  	s0 =	simm.s32 @!p0 $0x80;
	[sflag:s2] =	ssyncset.done @!p0 $0x0  }
0x86: {  	s18 =	simm.s32 @!p5 $0x6;
	[sflag:s2] =	ssyncadd.s32 @!p0 $0xFFFFFF00;
	s2 =	simm.s32 @!p0 $0x8400  }
0x87: {  	[tilespmem:s2], [sflag:$0x7] =	stream.indirect.gather @!p0 [hbm4b:s5+s0], $0x80, s21, s0, $0xb8;
	[tilespmem:$0x1FD00] =	vst v63  }
0x88: {  	_ =	swait.ge @!p5 [sflag:s18], $0x4000  }
0x89: {  	p4 =	sle.u32 s7, $0xA;
	[sflag:s18] =	ssyncset.done @!p5 $0x0  }
0x8a: {  	s21 =	simm.s32 @!p6 $0x8;
	[sflag:s18] =	ssyncadd.s32 @!p5 $0xFFFFC000;
	s18 =	simm.s32 @!p5 $0x380  }
0x8b: {  	[spmem:s3] =	stream.indirect.scatter.add.f32 @!p5 [tilespmem:s24], [sflag:$0x9], $0x80, s18, s20, $0xb8;
	[tilespmem:$0x1FD00] =	vst v63  }
0x8c: {  	s20 =	simm.s32 @!p4 $0x0;
	_ =	swait.ge @!p6 [sflag:s21], $0x4000  }
0x8d: {  	s24 =	simm.s32 @!p2 $0x2;
	s18 =	rddreg [dreg:$0x9];
	[sflag:s21] =	ssyncset.done @!p6 $0x0  }
0x8e: {  	[sflag:s21] =	ssyncadd.s32 @!p6 $0xFFFFC000;
	s21 =	simm.s32 @!p4 $0x200;
	s18 =	sadd.s32 @!p4 s1, s18  }
0x8f: {  	[tilespmem:s21], [sflag:$0x3] =	stream.linear.gather @!p4 [hbm4b:s18+s20], $0x100, $0x38;
	[tilespmem:$0x1FD00] =	vst v63  }
0x90: {  	_ =	swait.ge @!p2 [sflag:s24], $0x100  }
0x91: {  	s26 =	simm.s32 @!p2 $0x80;
	[sflag:s24] =	ssyncset.done @!p2 $0x0  }
0x92: {  	s18 =	simm.s32 @!p0 $0x7;
	[sflag:s24] =	ssyncadd.s32 @!p2 $0xFFFFFF00;
	s24 =	simm.s32 @!p2 $0x400  }
0x93: {  	[tilespmem:s24], [sflag:$0x5] =	stream.indirect.gather @!p2 [hbm4b:s5+s26], $0x80, s25, s26, $0xb8;
	[tilespmem:$0x1FD00] =	vst v63  }
0x94: {  	_ =	swait.ge @!p0 [sflag:s18], $0x4000  }
0x95: {  	[sflag:s18] =	ssyncset.done @!p0 $0x0  }
0x96: {  	p3 =	sle.u32 s7, $0xB;
	[sflag:s18] =	ssyncadd.s32 @!p0 $0xFFFFC000;
	s18 =	simm.s32 @!p5 $0x9  }
0x97: {  	[spmem:s3] =	stream.indirect.scatter.add.f32 @!p0 [tilespmem:s2], [sflag:$0xA], $0x80, s0, s0, $0xb8;
	[tilespmem:$0x1FD00] =	vst v63  }
0x98: {  	s20 =	simm.s32 @!p3 $0x300;
	_ =	swait.ge @!p5 [sflag:s18], $0x4000  }
0x99: {  	s25 =	simm.s32 @!p4 $0x3;
	s0 =	sadd.s32 @!p3 s1, s11;
	[sflag:s18] =	ssyncset.done @!p5 $0x0  }
0x9a: {  	s2 =	simm.s32 @!p3 $0x0;
	s0 =	sadd.s32 @!p3 $0x160, s0;
	[sflag:s18] =	ssyncadd.s32 @!p5 $0xFFFFC000  }
0x9b: {  	[tilespmem:s20], [sflag:$0x4] =	stream.linear.gather @!p3 [hbm4b:s0+s2], $0x100, $0x38;
	[tilespmem:$0x1FD00] =	vst v63  }
0x9c: {  	_ =	swait.ge @!p4 [sflag:s25], $0x100  }
0x9d: {  	s18 =	simm.s32 @!p4 $0x4400;
	[sflag:s25] =	ssyncset.done @!p4 $0x0  }
0x9e: {  	s0 =	simm.s32 @!p4 $0x80;
	s2 =	simm.s32 @!p2 $0x5;
	[sflag:s25] =	ssyncadd.s32 @!p4 $0xFFFFFF00  }
0x9f: {  	[tilespmem:s18], [sflag:$0x6] =	stream.indirect.gather @!p4 [hbm4b:s5+s0], $0x80, s21, s0, $0xb8;
	[tilespmem:$0x1FD00] =	vst v63  }
0xa0: {  	s29 =	simm.s32 $0x18;
	s28 =	simm.s32 $0x0;
	_ =	swait.ge @!p2 [sflag:s2], $0x4000  }
0xa1: {  	s30 =	smov.u32 s1;
	s31 =	simm.s32 @!p3 $0x8400;
	[sflag:s2] =	ssyncset.done @!p2 $0x0  }
0xa2: {  	s25 =	simm.s32 @!p0 $0xA;
	s21 =	simm.s32 @!p2 $0x180;
	[sflag:s2] =	ssyncadd.s32 @!p2 $0xFFFFC000  }
0xa3: {  	[spmem:s3] =	stream.indirect.scatter.add.f32 @!p2 [tilespmem:s24], [sflag:$0x8], $0x80, s21, s26, $0xb8;
	[tilespmem:$0x1FD00] =	vst v63  }
0xa4: {  	p1 =	por p0, p0;
	s26 =	smov.u32 s1;
	_ =	swait.ge @!p0 [sflag:s25], $0x4000  }
0xa5: {  	s21 =	rddreg [dreg:$0xa];
	[sflag:s25] =	ssyncset.done @!p0 $0x0;
	p0 =	sle.u32 s7, $0xC  }
0xa6: {  	[sflag:s25] =	ssyncadd.s32 @!p1 $0xFFFFC000;
	s2 =	simm.s32 @!p0 $0x0;
	s21 =	sadd.s32 @!p0 s1, s21  }
0xa7: {  	[tilespmem:s2], [sflag:$0x1] =	stream.linear.gather @!p0 [hbm4b:s21+s2], $0x100, $0x38;
	[tilespmem:$0x1FD00] =	vst v63  }
0xa8: {  	s24 =	simm.s32 $0x18;
	s25 =	simm.s32 $0xC;
	s21 =	simm.s32 @!p3 $0x4  }
.LBB2_2:
0xa9: {  	_ =	swait.ge @!p3 [sflag:s21], $0x100  }
0xaa: {  	[sflag:s21] =	ssyncset.done @!p3 $0x0  }
0xab: {  	s10 =	simm.s32 @!p3 $0x80;
	s12 =	simm.s32 @!p4 $0x6;
	[sflag:s21] =	ssyncadd.s32 @!p3 $0xFFFFFF00  }
0xac: {  	[tilespmem:s31], [sflag:$0x7] =	stream.indirect.gather @!p3 [hbm4b:s5+s10], $0x80, s20, s10, $0xb8;
	[tilespmem:$0x1FD00] =	vst v63  }
0xad: {  	s21 =	simm.s32 @!p4 $0x280;
	_ =	swait.ge @!p4 [sflag:s12], $0x4000  }
0xae: {  	s20 =	sadd.s32 $0xD, s28;
	s28 =	smov.u32 s25;
	[sflag:s12] =	ssyncset.done @!p4 $0x0  }
0xaf: {  	s25 =	simm.s32 @!p2 $0x8;
	p6 =	sge.u32 s20, s7;
	[sflag:s12] =	ssyncadd.s32 @!p4 $0xFFFFC000  }
0xb0: {  	[spmem:s3] =	stream.indirect.scatter.add.f32 @!p4 [tilespmem:s18], [sflag:$0x9], $0x80, s21, s0, $0xb8;
	[tilespmem:$0x1FD00] =	vst v63  }
0xb1: {  	s20 =	simm.s32 @!p6 $0x100;
	_ =	swait.ge @!p2 [sflag:s25], $0x4000  }
0xb2: {  	s12 =	simm.s32 @!p6 $0x0;
	s0 =	sadd.s32 @!p6 s30, s11;
	[sflag:s25] =	ssyncset.done @!p2 $0x0  }
0xb3: {  	s18 =	simm.s32 @!p0 $0x1;
	s0 =	sadd.s32 @!p6 $0x1A0, s0;
	[sflag:s25] =	ssyncadd.s32 @!p2 $0xFFFFC000  }
0xb4: {  	[tilespmem:s20], [sflag:$0x2] =	stream.linear.gather @!p6 [hbm4b:s0+s12], $0x100, $0x38;
	[tilespmem:$0x1FD00] =	vst v63  }
0xb5: {  	s8 =	smov.u32 s29;
	p5 =	sne.s32 s28, $0x0;
	_ =	swait.ge @!p0 [sflag:s18], $0x100  }
0xb6: {  	s21 =	simm.s32 @!p0 $0x400;
	p6 =	sle.u32 s28, s7;
	[sflag:s18] =	ssyncset.done @!p0 $0x0  }
0xb7: {  	s0 =	simm.s32 @!p3 $0x7;
	[sflag:s18] =	ssyncadd.s32 @!p0 $0xFFFFFF00;
	s18 =	simm.s32 @!p0 $0x80  }
0xb8: {  	[tilespmem:s21], [sflag:$0x5] =	stream.indirect.gather @!p0 [hbm4b:s5+s18], $0x80, s2, s18, $0xb8;
	[tilespmem:$0x1FD00] =	vst v63  }
0xb9: {  	s25 =	smov.u32 s8;
	p2 =	por !p5, !p6;
	_ =	swait.ge @!p3 [sflag:s0], $0x4000  }
0xba: {  	s8 =	simm.s32 @!p3 $0x380;
	p4 =	por !p2, !p2;
	[sflag:s0] =	ssyncset.done @!p3 $0x0  }
0xbb: {  	s12 =	sadd.s32 $0x2, s28;
	s2 =	simm.s32 @p4 $0x9;
	[sflag:s0] =	ssyncadd.s32 @!p3 $0xFFFFC000  }
0xbc: {  	[spmem:s3] =	stream.indirect.scatter.add.f32 @!p3 [tilespmem:s31], [sflag:$0xA], $0x80, s8, s10, $0xb8;
	[tilespmem:$0x1FD00] =	vst v63  }
0xbd: {  	s26 =	sadd.s32 $0x180, s26;
	p6 =	sge.u32 s12, s7;
	_ =	swait.ge @p4 [sflag:s2], $0x4000  }
0xbe: {  	s10 =	simm.s32 @!p6 $0x200;
	s20 =	rddreg [dreg:$0x5];
	[sflag:s2] =	ssyncset.done @p4 $0x0  }
0xbf: {  	s8 =	rddreg [dreg:$0x4];
	[sflag:s2] =	ssyncadd.s32 @p4 $0xFFFFC000;
	p0 =	sge.u32 s28, s20  }
0xc0: {  	s2 =	simm.s32 @!p6 $0x0;
	s8 =	sadd.s32 @!p6 s26, s8;
	s0 =	simm.s32 @!p0 $0x2  }
0xc1: {  	[tilespmem:s10], [sflag:$0x3] =	stream.linear.gather @!p6 [hbm4b:s8+s2], $0x100, $0x38;
	[tilespmem:$0x1FD00] =	vst v63  }
0xc2: {  	p5 =	sge.u32 s28, s7;
	_ =	swait.ge @!p0 [sflag:s0], $0x100  }
0xc3: {  	s2 =	simm.s32 @!p0 $0x100;
	s12 =	simm.s32 @!p0 $0x4400;
	[sflag:s0] =	ssyncset.done @!p0 $0x0  }
0xc4: {  	s18 =	simm.s32 @!p0 $0x80;
	[sflag:s0] =	ssyncadd.s32 @!p0 $0xFFFFFF00;
	s0 =	simm.s32 @!p5 $0x5  }
0xc5: {  	[tilespmem:s12], [sflag:$0x6] =	stream.indirect.gather @!p0 [hbm4b:s5+s18], $0x80, s2, s18, $0xb8;
	[tilespmem:$0x1FD00] =	vst v63  }
0xc6: {  	s21 =	sadd.s32 $0x3, s28;
	_ =	swait.ge @!p5 [sflag:s0], $0x4000  }
0xc7: {  	p2 =	sge.u32 s21, s7;
	s8 =	simm.s32 @!p5 $0x400;
	[sflag:s0] =	ssyncset.done @!p5 $0x0  }
0xc8: {  	s2 =	simm.s32 @p4 $0xA;
	[sflag:s0] =	ssyncadd.s32 @!p5 $0xFFFFC000;
	s0 =	simm.s32 @!p5 $0x80  }
0xc9: {  	[spmem:s3] =	stream.indirect.scatter.add.f32 @!p5 [tilespmem:s8], [sflag:$0x8], $0x80, s0, s0, $0xb8;
	[tilespmem:$0x1FD00] =	vst v63  }
0xca: {  	s20 =	sadd.s32 @!p2 s26, s11;
	_ =	swait.ge @p4 [sflag:s2], $0x4000  }
0xcb: {  	s21 =	simm.s32 @!p2 $0x300;
	s20 =	sadd.s32 @!p2 $0x60, s20;
	[sflag:s2] =	ssyncset.done @p4 $0x0  }
0xcc: {  	s8 =	simm.s32 @!p6 $0x3;
	[sflag:s2] =	ssyncadd.s32 @p4 $0xFFFFC000;
	s2 =	simm.s32 @!p2 $0x0  }
0xcd: {  	[tilespmem:s21], [sflag:$0x4] =	stream.linear.gather @!p2 [hbm4b:s20+s2], $0x100, $0x38;
	[tilespmem:$0x1FD00] =	vst v63  }
0xce: {  	_ =	swait.ge @!p6 [sflag:s8], $0x100  }
0xcf: {  	s0 =	simm.s32 @!p6 $0x8400;
	[sflag:s8] =	ssyncset.done @!p6 $0x0  }
0xd0: {  	s2 =	simm.s32 @!p6 $0x80;
	[sflag:s8] =	ssyncadd.s32 @!p6 $0xFFFFFF00;
	s8 =	simm.s32 @!p0 $0x6  }
0xd1: {  	[tilespmem:s0], [sflag:$0x7] =	stream.indirect.gather @!p6 [hbm4b:s5+s2], $0x80, s10, s2, $0xb8;
	[tilespmem:$0x1FD00] =	vst v63  }
0xd2: {  	s20 =	sadd.s32 $0x4, s28;
	_ =	swait.ge @!p0 [sflag:s8], $0x4000  }
0xd3: {  	p4 =	sge.u32 s20, s7;
	[sflag:s8] =	ssyncset.done @!p0 $0x0  }
0xd4: {  	s20 =	simm.s32 @!p5 $0x8;
	s10 =	simm.s32 @!p0 $0x180;
	[sflag:s8] =	ssyncadd.s32 @!p0 $0xFFFFC000  }
0xd5: {  	[spmem:s3] =	stream.indirect.scatter.add.f32 @!p0 [tilespmem:s12], [sflag:$0x9], $0x80, s10, s18, $0xb8;
	[tilespmem:$0x1FD00] =	vst v63  }
0xd6: {  	_ =	swait.ge @!p5 [sflag:s20], $0x4000  }
0xd7: {  	s10 =	simm.s32 @!p4 $0x0;
	[sflag:s20] =	ssyncset.done @!p5 $0x0;
	s12 =	rddreg [dreg:$0x6]  }
0xd8: {  	s18 =	simm.s32 @!p2 $0x4;
	[sflag:s20] =	ssyncadd.s32 @!p5 $0xFFFFC000;
	s12 =	sadd.s32 @!p4 s26, s12  }
0xd9: {  	[tilespmem:s10], [sflag:$0x1] =	stream.linear.gather @!p4 [hbm4b:s12+s10], $0x100, $0x38;
	[tilespmem:$0x1FD00] =	vst v63  }
0xda: {  	_ =	swait.ge @!p2 [sflag:s18], $0x100  }
0xdb: {  	s20 =	simm.s32 @!p6 $0x7;
	[sflag:s18] =	ssyncset.done @!p2 $0x0  }
0xdc: {  	s12 =	simm.s32 @!p2 $0x400;
	[sflag:s18] =	ssyncadd.s32 @!p2 $0xFFFFFF00;
	s18 =	simm.s32 @!p2 $0x80  }
0xdd: {  	[tilespmem:s12], [sflag:$0x5] =	stream.indirect.gather @!p2 [hbm4b:s5+s18], $0x80, s21, s18, $0xb8;
	[tilespmem:$0x1FD00] =	vst v63  }
0xde: {  	s8 =	sadd.s32 $0x5, s28;
	_ =	swait.ge @!p6 [sflag:s20], $0x4000  }
0xdf: {  	p3 =	sge.u32 s8, s7;
	[sflag:s20] =	ssyncset.done @!p6 $0x0  }
0xe0: {  	s21 =	simm.s32 @!p6 $0x280;
	[sflag:s20] =	ssyncadd.s32 @!p6 $0xFFFFC000;
	s20 =	simm.s32 @!p0 $0x9  }
0xe1: {  	[spmem:s3] =	stream.indirect.scatter.add.f32 @!p6 [tilespmem:s0], [sflag:$0xA], $0x80, s21, s2, $0xb8;
	[tilespmem:$0x1FD00] =	vst v63  }
0xe2: {  	s8 =	sadd.s32 @!p3 s26, s11;
	_ =	swait.ge @!p0 [sflag:s20], $0x4000  }
0xe3: {  	s31 =	simm.s32 @!p4 $0x1;
	s8 =	sadd.s32 @!p3 $0xA0, s8;
	[sflag:s20] =	ssyncset.done @!p0 $0x0  }
0xe4: {  	s2 =	simm.s32 @!p3 $0x100;
	[sflag:s20] =	ssyncadd.s32 @!p0 $0xFFFFC000;
	s20 =	simm.s32 @!p3 $0x0  }
0xe5: {  	[tilespmem:s2], [sflag:$0x2] =	stream.linear.gather @!p3 [hbm4b:s8+s20], $0x100, $0x38;
	[tilespmem:$0x1FD00] =	vst v63  }
0xe6: {  	_ =	swait.ge @!p4 [sflag:s31], $0x100  }
0xe7: {  	s0 =	simm.s32 @!p4 $0x4400;
	[sflag:s31] =	ssyncset.done @!p4 $0x0  }
0xe8: {  	s8 =	simm.s32 @!p4 $0x80;
	s20 =	simm.s32 @!p2 $0x5;
	[sflag:s31] =	ssyncadd.s32 @!p4 $0xFFFFFF00  }
0xe9: {  	[tilespmem:s0], [sflag:$0x6] =	stream.indirect.gather @!p4 [hbm4b:s5+s8], $0x80, s10, s8, $0xb8;
	[tilespmem:$0x1FD00] =	vst v63  }
0xea: {  	s21 =	sadd.s32 $0x6, s28;
	_ =	swait.ge @!p2 [sflag:s20], $0x4000  }
0xeb: {  	p0 =	sge.u32 s21, s7;
	[sflag:s20] =	ssyncset.done @!p2 $0x0  }
0xec: {  	s10 =	simm.s32 @!p2 $0x380;
	[sflag:s20] =	ssyncadd.s32 @!p2 $0xFFFFC000;
	s20 =	simm.s32 @!p6 $0xA  }
0xed: {  	[spmem:s3] =	stream.indirect.scatter.add.f32 @!p2 [tilespmem:s12], [sflag:$0x8], $0x80, s10, s18, $0xb8;
	[tilespmem:$0x1FD00] =	vst v63  }
0xee: {  	s10 =	simm.s32 @!p0 $0x0;
	_ =	swait.ge @!p6 [sflag:s20], $0x4000  }
0xef: {  	s18 =	simm.s32 @!p0 $0x200;
	s12 =	rddreg [dreg:$0x7];
	[sflag:s20] =	ssyncset.done @!p6 $0x0  }
0xf0: {  	[sflag:s20] =	ssyncadd.s32 @!p6 $0xFFFFC000;
	s20 =	simm.s32 @!p3 $0x2;
	s12 =	sadd.s32 @!p0 s26, s12  }
0xf1: {  	[tilespmem:s18], [sflag:$0x3] =	stream.linear.gather @!p0 [hbm4b:s12+s10], $0x100, $0x38;
	[tilespmem:$0x1FD00] =	vst v63  }
0xf2: {  	_ =	swait.ge @!p3 [sflag:s20], $0x100  }
0xf3: {  	s31 =	simm.s32 @!p4 $0x6;
	[sflag:s20] =	ssyncset.done @!p3 $0x0  }
0xf4: {  	s10 =	simm.s32 @!p3 $0x80;
	s12 =	simm.s32 @!p3 $0x8400;
	[sflag:s20] =	ssyncadd.s32 @!p3 $0xFFFFFF00  }
0xf5: {  	[tilespmem:s12], [sflag:$0x7] =	stream.indirect.gather @!p3 [hbm4b:s5+s10], $0x80, s2, s10, $0xb8;
	[tilespmem:$0x1FD00] =	vst v63  }
0xf6: {  	_ =	swait.ge @!p4 [sflag:s31], $0x4000  }
0xf7: {  	s21 =	sadd.s32 $0x7, s28;
	[sflag:s31] =	ssyncset.done @!p4 $0x0  }
0xf8: {  	p5 =	sge.u32 s21, s7;
	s2 =	simm.s32 @!p2 $0x8;
	[sflag:s31] =	ssyncadd.s32 @!p4 $0xFFFFC000  }
0xf9: {  	[spmem:s3] =	stream.indirect.scatter.add.f32 @!p4 [tilespmem:s0], [sflag:$0x9], $0x80, s8, s8, $0xb8;
	[tilespmem:$0x1FD00] =	vst v63  }
0xfa: {  	s21 =	sadd.s32 @!p5 s26, s11;
	_ =	swait.ge @!p2 [sflag:s2], $0x4000  }
0xfb: {  	s21 =	sadd.s32 @!p5 $0xE0, s21;
	s0 =	simm.s32 @!p0 $0x3;
	[sflag:s2] =	ssyncset.done @!p2 $0x0  }
0xfc: {  	s8 =	simm.s32 @!p5 $0x300;
	[sflag:s2] =	ssyncadd.s32 @!p2 $0xFFFFC000;
	s2 =	simm.s32 @!p5 $0x0  }
0xfd: {  	[tilespmem:s8], [sflag:$0x4] =	stream.linear.gather @!p5 [hbm4b:s21+s2], $0x100, $0x38;
	[tilespmem:$0x1FD00] =	vst v63  }
0xfe: {  	_ =	swait.ge @!p0 [sflag:s0], $0x100  }
0xff: {  	s20 =	simm.s32 @!p0 $0x400;
	[sflag:s0] =	ssyncset.done @!p0 $0x0  }
0x100: {  	s2 =	simm.s32 @!p0 $0x80;
	[sflag:s0] =	ssyncadd.s32 @!p0 $0xFFFFFF00;
	s0 =	simm.s32 @!p3 $0x7  }
0x101: {  	[tilespmem:s20], [sflag:$0x5] =	stream.indirect.gather @!p0 [hbm4b:s5+s2], $0x80, s18, s2, $0xb8;
	[tilespmem:$0x1FD00] =	vst v63  }
0x102: {  	_ =	swait.ge @!p3 [sflag:s0], $0x4000  }
0x103: {  	s21 =	sadd.s32 $0x8, s28;
	[sflag:s0] =	ssyncset.done @!p3 $0x0  }
0x104: {  	s18 =	simm.s32 @!p4 $0x9;
	[sflag:s0] =	ssyncadd.s32 @!p3 $0xFFFFC000;
	s0 =	simm.s32 @!p3 $0x180  }
0x105: {  	[spmem:s3] =	stream.indirect.scatter.add.f32 @!p3 [tilespmem:s12], [sflag:$0xA], $0x80, s0, s10, $0xb8;
	[tilespmem:$0x1FD00] =	vst v63  }
0x106: {  	p6 =	sge.u32 s21, s7;
	_ =	swait.ge @!p4 [sflag:s18], $0x4000  }
0x107: {  	s21 =	simm.s32 @!p6 $0x0;
	[sflag:s18] =	ssyncset.done @!p4 $0x0;
	s0 =	rddreg [dreg:$0x8]  }
0x108: {  	s10 =	simm.s32 @!p5 $0x4;
	[sflag:s18] =	ssyncadd.s32 @!p4 $0xFFFFC000;
	s0 =	sadd.s32 @!p6 s26, s0  }
0x109: {  	[tilespmem:s21], [sflag:$0x1] =	stream.linear.gather @!p6 [hbm4b:s0+s21], $0x100, $0x38;
	[tilespmem:$0x1FD00] =	vst v63  }
0x10a: {  	_ =	swait.ge @!p5 [sflag:s10], $0x100  }
0x10b: {  	s12 =	simm.s32 @!p5 $0x4400;
	[sflag:s10] =	ssyncset.done @!p5 $0x0  }
0x10c: {  	s0 =	simm.s32 @!p0 $0x5;
	[sflag:s10] =	ssyncadd.s32 @!p5 $0xFFFFFF00;
	s10 =	simm.s32 @!p5 $0x80  }
0x10d: {  	[tilespmem:s12], [sflag:$0x6] =	stream.indirect.gather @!p5 [hbm4b:s5+s10], $0x80, s8, s10, $0xb8;
	[tilespmem:$0x1FD00] =	vst v63  }
0x10e: {  	s18 =	sadd.s32 $0x9, s28;
	_ =	swait.ge @!p0 [sflag:s0], $0x4000  }
0x10f: {  	p2 =	sge.u32 s18, s7;
	[sflag:s0] =	ssyncset.done @!p0 $0x0  }
0x110: {  	s8 =	simm.s32 @!p0 $0x280;
	[sflag:s0] =	ssyncadd.s32 @!p0 $0xFFFFC000;
	s0 =	simm.s32 @!p3 $0xA  }
0x111: {  	[spmem:s3] =	stream.indirect.scatter.add.f32 @!p0 [tilespmem:s20], [sflag:$0x8], $0x80, s8, s2, $0xb8;
	[tilespmem:$0x1FD00] =	vst v63  }
0x112: {  	s18 =	sadd.s32 @!p2 s26, s11;
	_ =	swait.ge @!p3 [sflag:s0], $0x4000  }
0x113: {  	s2 =	sadd.s32 @!p2 $0x120, s18;
	s8 =	simm.s32 @!p6 $0x1;
	[sflag:s0] =	ssyncset.done @!p3 $0x0  }
0x114: {  	s18 =	simm.s32 @!p2 $0x100;
	[sflag:s0] =	ssyncadd.s32 @!p3 $0xFFFFC000;
	s0 =	simm.s32 @!p2 $0x0  }
0x115: {  	[tilespmem:s18], [sflag:$0x2] =	stream.linear.gather @!p2 [hbm4b:s2+s0], $0x100, $0x38;
	[tilespmem:$0x1FD00] =	vst v63  }
0x116: {  	_ =	swait.ge @!p6 [sflag:s8], $0x100  }
0x117: {  	s0 =	simm.s32 @!p6 $0x80;
	[sflag:s8] =	ssyncset.done @!p6 $0x0  }
0x118: {  	s2 =	simm.s32 @!p6 $0x8400;
	[sflag:s8] =	ssyncadd.s32 @!p6 $0xFFFFFF00;
	s8 =	simm.s32 @!p5 $0x6  }
0x119: {  	[tilespmem:s2], [sflag:$0x7] =	stream.indirect.gather @!p6 [hbm4b:s5+s0], $0x80, s21, s0, $0xb8;
	[tilespmem:$0x1FD00] =	vst v63  }
0x11a: {  	_ =	swait.ge @!p5 [sflag:s8], $0x4000  }
0x11b: {  	s20 =	simm.s32 @!p0 $0x8;
	s21 =	sadd.s32 $0xA, s28;
	[sflag:s8] =	ssyncset.done @!p5 $0x0  }
0x11c: {  	p4 =	sge.u32 s21, s7;
	[sflag:s8] =	ssyncadd.s32 @!p5 $0xFFFFC000;
	s8 =	simm.s32 @!p5 $0x380  }
0x11d: {  	[spmem:s3] =	stream.indirect.scatter.add.f32 @!p5 [tilespmem:s12], [sflag:$0x9], $0x80, s8, s10, $0xb8;
	[tilespmem:$0x1FD00] =	vst v63  }
0x11e: {  	s10 =	simm.s32 @!p4 $0x0;
	_ =	swait.ge @!p0 [sflag:s20], $0x4000  }
0x11f: {  	s12 =	simm.s32 @!p4 $0x200;
	[sflag:s20] =	ssyncset.done @!p0 $0x0;
	s8 =	rddreg [dreg:$0x9]  }
0x120: {  	[sflag:s20] =	ssyncadd.s32 @!p0 $0xFFFFC000;
	s20 =	simm.s32 @!p2 $0x2;
	s8 =	sadd.s32 @!p4 s26, s8  }
0x121: {  	[tilespmem:s12], [sflag:$0x3] =	stream.linear.gather @!p4 [hbm4b:s8+s10], $0x100, $0x38;
	[tilespmem:$0x1FD00] =	vst v63  }
0x122: {  	s21 =	sadd.s32 $0xB, s28;
	_ =	swait.ge @!p2 [sflag:s20], $0x100  }
0x123: {  	p3 =	sge.u32 s21, s7;
	s21 =	simm.s32 @!p2 $0x400;
	[sflag:s20] =	ssyncset.done @!p2 $0x0  }
0x124: {  	s8 =	simm.s32 @!p2 $0x80;
	s10 =	simm.s32 @!p6 $0x7;
	[sflag:s20] =	ssyncadd.s32 @!p2 $0xFFFFFF00  }
0x125: {  	[tilespmem:s21], [sflag:$0x5] =	stream.indirect.gather @!p2 [hbm4b:s5+s8], $0x80, s18, s8, $0xb8;
	[tilespmem:$0x1FD00] =	vst v63  }
0x126: {  	_ =	swait.ge @!p6 [sflag:s10], $0x4000  }
0x127: {  	[sflag:s10] =	ssyncset.done @!p6 $0x0  }
0x128: {  	[sflag:s10] =	ssyncadd.s32 @!p6 $0xFFFFC000;
	s10 =	simm.s32 @!p5 $0x9  }
0x129: {  	[spmem:s3] =	stream.indirect.scatter.add.f32 @!p6 [tilespmem:s2], [sflag:$0xA], $0x80, s0, s0, $0xb8;
	[tilespmem:$0x1FD00] =	vst v63  }
0x12a: {  	s18 =	sadd.s32 @!p3 s26, s11;
	_ =	swait.ge @!p5 [sflag:s10], $0x4000  }
0x12b: {  	s20 =	simm.s32 @!p3 $0x300;
	s18 =	sadd.s32 @!p3 $0x160, s18;
	[sflag:s10] =	ssyncset.done @!p5 $0x0  }
0x12c: {  	s0 =	simm.s32 @!p3 $0x0;
	s2 =	simm.s32 @!p4 $0x3;
	[sflag:s10] =	ssyncadd.s32 @!p5 $0xFFFFC000  }
0x12d: {  	[tilespmem:s20], [sflag:$0x4] =	stream.linear.gather @!p3 [hbm4b:s18+s0], $0x100, $0x38;
	[tilespmem:$0x1FD00] =	vst v63  }
0x12e: {  	_ =	swait.ge @!p4 [sflag:s2], $0x100  }
0x12f: {  	s10 =	simm.s32 @!p2 $0x5;
	[sflag:s2] =	ssyncset.done @!p4 $0x0  }
0x130: {  	s0 =	simm.s32 @!p4 $0x80;
	s18 =	simm.s32 @!p4 $0x4400;
	[sflag:s2] =	ssyncadd.s32 @!p4 $0xFFFFFF00  }
0x131: {  	[tilespmem:s18], [sflag:$0x6] =	stream.indirect.gather @!p4 [hbm4b:s5+s0], $0x80, s12, s0, $0xb8;
	[tilespmem:$0x1FD00] =	vst v63  }
0x132: {  	s29 =	sadd.s32 $0xC, s29;
	_ =	swait.ge @!p2 [sflag:s10], $0x4000  }
0x133: {  	p1 =	sne.s32 s29, $0x54;
	[sflag:s10] =	ssyncset.done @!p2 $0x0  }
0x134: {  	s30 =	smov.u32 s26;
	s2 =	simm.s32 @!p2 $0x180;
	[sflag:s10] =	ssyncadd.s32 @!p2 $0xFFFFC000  }
0x135: {  	[spmem:s3] =	stream.indirect.scatter.add.f32 @!p2 [tilespmem:s21], [sflag:$0x8], $0x80, s2, s8, $0xb8;
	[tilespmem:$0x1FD00] =	vst v63  }
.Ltmp0:
0x136: {  	s31 =	simm.s32 @!p3 $0x8400;
	s12 =	simm.s32 @!p6 $0xA;
	(pc) =	sbr.rel @p1 .LBB2_2-.Ltmp0, $4  }
0x137: {  	p0 =	sge.u32 s24, s7;
	s24 =	smov.u32 s29;
	_ =	swait.ge @!p6 [sflag:s12], $0x4000  }
0x138: {  	s21 =	simm.s32 @!p3 $0x4;
	[sflag:s12] =	ssyncset.done @!p6 $0x0;
	s8 =	rddreg [dreg:$0xa]  }
0x139: {  	s2 =	simm.s32 @!p0 $0x0;
	[sflag:s12] =	ssyncadd.s32 @!p6 $0xFFFFC000;
	s8 =	sadd.s32 @!p0 s26, s8  }
0x13a: {  	[tilespmem:s2], [sflag:$0x1] =	stream.linear.gather @!p0 [hbm4b:s8+s2], $0x100, $0x38;
	[tilespmem:$0x1FD00] =	vst v63  }
0x13b: {  	_ =	swait.ge @!p3 [sflag:s21], $0x100  }
0x13c: {  	[sflag:s21] =	ssyncset.done @!p3 $0x0  }
0x13d: {  	s8 =	simm.s32 @!p3 $0x80;
	s10 =	simm.s32 @!p4 $0x6;
	[sflag:s21] =	ssyncadd.s32 @!p3 $0xFFFFFF00  }
0x13e: {  	[tilespmem:s31], [sflag:$0x7] =	stream.indirect.gather @!p3 [hbm4b:s5+s8], $0x80, s20, s8, $0xb8;
	[tilespmem:$0x1FD00] =	vst v63  }
0x13f: {  	_ =	swait.ge @!p4 [sflag:s10], $0x4000  }
0x140: {  	s12 =	sadd.s32 $0xD, s28;
	[sflag:s10] =	ssyncset.done @!p4 $0x0  }
0x141: {  	s21 =	simm.s32 @!p2 $0x8;
	s20 =	simm.s32 @!p4 $0x280;
	[sflag:s10] =	ssyncadd.s32 @!p4 $0xFFFFC000  }
0x142: {  	[spmem:s3] =	stream.indirect.scatter.add.f32 @!p4 [tilespmem:s18], [sflag:$0x9], $0x80, s20, s0, $0xb8;
	[tilespmem:$0x1FD00] =	vst v63  }
0x143: {  	p1 =	sge.u32 s12, s7;
	s12 =	simm.s32 @!p0 $0x1;
	_ =	swait.ge @!p2 [sflag:s21], $0x4000  }
0x144: {  	s10 =	simm.s32 @!p1 $0x0;
	s0 =	sadd.s32 @!p1 s30, s11;
	[sflag:s21] =	ssyncset.done @!p2 $0x0  }
0x145: {  	s18 =	simm.s32 @!p1 $0x100;
	s0 =	sadd.s32 @!p1 $0x1A0, s0;
	[sflag:s21] =	ssyncadd.s32 @!p2 $0xFFFFC000  }
0x146: {  	[tilespmem:s18], [sflag:$0x2] =	stream.linear.gather @!p1 [hbm4b:s0+s10], $0x100, $0x38;
	[tilespmem:$0x1FD00] =	vst v63  }
0x147: {  	p5 =	sle.u32 s25, s7;
	_ =	swait.ge @!p0 [sflag:s12], $0x100  }
0x148: {  	p4 =	sne.s32 s25, $0x0;
	s0 =	simm.s32 @!p0 $0x400;
	[sflag:s12] =	ssyncset.done @!p0 $0x0  }
0x149: {  	s10 =	simm.s32 @!p3 $0x7;
	[sflag:s12] =	ssyncadd.s32 @!p0 $0xFFFFFF00;
	s12 =	simm.s32 @!p0 $0x80  }
0x14a: {  	[tilespmem:s0], [sflag:$0x5] =	stream.indirect.gather @!p0 [hbm4b:s5+s12], $0x80, s2, s12, $0xb8;
	[tilespmem:$0x1FD00] =	vst v63  }
0x14b: {  	p6 =	por !p4, !p5;
	_ =	swait.ge @!p3 [sflag:s10], $0x4000  }
0x14c: {  	s20 =	sadd.s32 $0x2, s25;
	p1 =	por !p6, !p6;
	[sflag:s10] =	ssyncset.done @!p3 $0x0  }
0x14d: {  	s0 =	simm.s32 @p1 $0x9;
	s2 =	simm.s32 @!p3 $0x380;
	[sflag:s10] =	ssyncadd.s32 @!p3 $0xFFFFC000  }
0x14e: {  	[spmem:s3] =	stream.indirect.scatter.add.f32 @!p3 [tilespmem:s31], [sflag:$0xA], $0x80, s2, s8, $0xb8;
	[tilespmem:$0x1FD00] =	vst v63  }
0x14f: {  	s26 =	sadd.s32 $0x180, s26;
	p2 =	sge.u32 s20, s7;
	_ =	swait.ge @p1 [sflag:s0], $0x4000  }
0x150: {  	s2 =	simm.s32 @!p2 $0x200;
	s18 =	rddreg [dreg:$0x5];
	[sflag:s0] =	ssyncset.done @p1 $0x0  }
0x151: {  	s10 =	rddreg [dreg:$0x4];
	[sflag:s0] =	ssyncadd.s32 @p1 $0xFFFFC000;
	p4 =	sge.u32 s25, s18  }
0x152: {  	s0 =	simm.s32 @!p2 $0x0;
	s8 =	sadd.s32 @!p2 s26, s10;
	s10 =	simm.s32 @!p4 $0x2  }
0x153: {  	[tilespmem:s2], [sflag:$0x3] =	stream.linear.gather @!p2 [hbm4b:s8+s0], $0x100, $0x38;
	[tilespmem:$0x1FD00] =	vst v63  }
0x154: {  	p5 =	sge.u32 s25, s7;
	_ =	swait.ge @!p4 [sflag:s10], $0x100  }
0x155: {  	s12 =	simm.s32 @!p5 $0x5;
	s0 =	simm.s32 @!p4 $0x100;
	[sflag:s10] =	ssyncset.done @!p4 $0x0  }
0x156: {  	s8 =	simm.s32 @!p4 $0x4400;
	[sflag:s10] =	ssyncadd.s32 @!p4 $0xFFFFFF00;
	s10 =	simm.s32 @!p4 $0x80  }
0x157: {  	[tilespmem:s8], [sflag:$0x6] =	stream.indirect.gather @!p4 [hbm4b:s5+s10], $0x80, s0, s10, $0xb8;
	[tilespmem:$0x1FD00] =	vst v63  }
0x158: {  	s21 =	sadd.s32 $0x3, s25;
	_ =	swait.ge @!p5 [sflag:s12], $0x4000  }
0x159: {  	p0 =	sge.u32 s21, s7;
	s18 =	simm.s32 @p1 $0xA;
	[sflag:s12] =	ssyncset.done @!p5 $0x0  }
0x15a: {  	s0 =	simm.s32 @!p5 $0x400;
	[sflag:s12] =	ssyncadd.s32 @!p5 $0xFFFFC000;
	s12 =	simm.s32 @!p5 $0x80  }
0x15b: {  	[spmem:s3] =	stream.indirect.scatter.add.f32 @!p5 [tilespmem:s0], [sflag:$0x8], $0x80, s12, s12, $0xb8;
	[tilespmem:$0x1FD00] =	vst v63  }
0x15c: {  	s20 =	simm.s32 @!p0 $0x300;
	_ =	swait.ge @p1 [sflag:s18], $0x4000  }
0x15d: {  	s0 =	sadd.s32 @!p0 s26, s11;
	s12 =	simm.s32 @!p2 $0x3;
	[sflag:s18] =	ssyncset.done @p1 $0x0  }
0x15e: {  	s0 =	sadd.s32 @!p0 $0x60, s0;
	[sflag:s18] =	ssyncadd.s32 @p1 $0xFFFFC000;
	s18 =	simm.s32 @!p0 $0x0  }
0x15f: {  	[tilespmem:s20], [sflag:$0x4] =	stream.linear.gather @!p0 [hbm4b:s0+s18], $0x100, $0x38;
	[tilespmem:$0x1FD00] =	vst v63  }
0x160: {  	_ =	swait.ge @!p2 [sflag:s12], $0x100  }
0x161: {  	s0 =	simm.s32 @!p2 $0x8400;
	[sflag:s12] =	ssyncset.done @!p2 $0x0  }
0x162: {  	s18 =	simm.s32 @!p2 $0x80;
	[sflag:s12] =	ssyncadd.s32 @!p2 $0xFFFFFF00;
	s12 =	simm.s32 @!p4 $0x6  }
0x163: {  	[tilespmem:s0], [sflag:$0x7] =	stream.indirect.gather @!p2 [hbm4b:s5+s18], $0x80, s2, s18, $0xb8;
	[tilespmem:$0x1FD00] =	vst v63  }
0x164: {  	_ =	swait.ge @!p4 [sflag:s12], $0x4000  }
0x165: {  	s28 =	sadd.s32 $0x4, s25;
	[sflag:s12] =	ssyncset.done @!p4 $0x0  }
0x166: {  	s21 =	simm.s32 @!p5 $0x8;
	s2 =	simm.s32 @!p4 $0x180;
	[sflag:s12] =	ssyncadd.s32 @!p4 $0xFFFFC000  }
0x167: {  	[spmem:s3] =	stream.indirect.scatter.add.f32 @!p4 [tilespmem:s8], [sflag:$0x9], $0x80, s2, s10, $0xb8;
	[tilespmem:$0x1FD00] =	vst v63  }
0x168: {  	p3 =	sge.u32 s28, s7;
	_ =	swait.ge @!p5 [sflag:s21], $0x4000  }
0x169: {  	s2 =	simm.s32 @!p3 $0x0;
	s8 =	rddreg [dreg:$0x6];
	[sflag:s21] =	ssyncset.done @!p5 $0x0  }
0x16a: {  	s10 =	simm.s32 @!p0 $0x4;
	[sflag:s21] =	ssyncadd.s32 @!p5 $0xFFFFC000;
	s8 =	sadd.s32 @!p3 s26, s8  }
0x16b: {  	[tilespmem:s2], [sflag:$0x1] =	stream.linear.gather @!p3 [hbm4b:s8+s2], $0x100, $0x38;
	[tilespmem:$0x1FD00] =	vst v63  }
0x16c: {  	_ =	swait.ge @!p0 [sflag:s10], $0x100  }
0x16d: {  	s12 =	simm.s32 @!p2 $0x7;
	[sflag:s10] =	ssyncset.done @!p0 $0x0  }
0x16e: {  	s8 =	simm.s32 @!p0 $0x400;
	[sflag:s10] =	ssyncadd.s32 @!p0 $0xFFFFFF00;
	s10 =	simm.s32 @!p0 $0x80  }
0x16f: {  	[tilespmem:s8], [sflag:$0x5] =	stream.indirect.gather @!p0 [hbm4b:s5+s10], $0x80, s20, s10, $0xb8;
	[tilespmem:$0x1FD00] =	vst v63  }
0x170: {  	s29 =	sadd.s32 $0x5, s25;
	_ =	swait.ge @!p2 [sflag:s12], $0x4000  }
0x171: {  	p1 =	sge.u32 s29, s7;
	[sflag:s12] =	ssyncset.done @!p2 $0x0  }
0x172: {  	s20 =	simm.s32 @!p2 $0x280;
	[sflag:s12] =	ssyncadd.s32 @!p2 $0xFFFFC000;
	s12 =	simm.s32 @!p4 $0x9  }
0x173: {  	[spmem:s3] =	stream.indirect.scatter.add.f32 @!p2 [tilespmem:s0], [sflag:$0xA], $0x80, s20, s18, $0xb8;
	[tilespmem:$0x1FD00] =	vst v63  }
0x174: {  	s0 =	sadd.s32 @!p1 s26, s11;
	_ =	swait.ge @!p4 [sflag:s12], $0x4000  }
0x175: {  	s18 =	simm.s32 @!p3 $0x1;
	s20 =	simm.s32 @!p1 $0x100;
	[sflag:s12] =	ssyncset.done @!p4 $0x0  }
0x176: {  	s0 =	sadd.s32 @!p1 $0xA0, s0;
	[sflag:s12] =	ssyncadd.s32 @!p4 $0xFFFFC000;
	s12 =	simm.s32 @!p1 $0x0  }
0x177: {  	[tilespmem:s20], [sflag:$0x2] =	stream.linear.gather @!p1 [hbm4b:s0+s12], $0x100, $0x38;
	[tilespmem:$0x1FD00] =	vst v63  }
0x178: {  	_ =	swait.ge @!p3 [sflag:s18], $0x100  }
0x179: {  	s0 =	simm.s32 @!p3 $0x4400;
	[sflag:s18] =	ssyncset.done @!p3 $0x0  }
0x17a: {  	s12 =	simm.s32 @!p3 $0x80;
	[sflag:s18] =	ssyncadd.s32 @!p3 $0xFFFFFF00;
	s18 =	simm.s32 @!p0 $0x5  }
0x17b: {  	[tilespmem:s0], [sflag:$0x6] =	stream.indirect.gather @!p3 [hbm4b:s5+s12], $0x80, s2, s12, $0xb8;
	[tilespmem:$0x1FD00] =	vst v63  }
0x17c: {  	s30 =	sadd.s32 $0x6, s25;
	_ =	swait.ge @!p0 [sflag:s18], $0x4000  }
0x17d: {  	p4 =	sge.u32 s30, s7;
	[sflag:s18] =	ssyncset.done @!p0 $0x0  }
0x17e: {  	s2 =	simm.s32 @!p0 $0x380;
	[sflag:s18] =	ssyncadd.s32 @!p0 $0xFFFFC000;
	s18 =	simm.s32 @!p2 $0xA  }
0x17f: {  	[spmem:s3] =	stream.indirect.scatter.add.f32 @!p0 [tilespmem:s8], [sflag:$0x8], $0x80, s2, s10, $0xb8;
	[tilespmem:$0x1FD00] =	vst v63  }
0x180: {  	s2 =	simm.s32 @!p4 $0x0;
	_ =	swait.ge @!p2 [sflag:s18], $0x4000  }
0x181: {  	s10 =	simm.s32 @!p4 $0x200;
	s8 =	rddreg [dreg:$0x7];
	[sflag:s18] =	ssyncset.done @!p2 $0x0  }
0x182: {  	[sflag:s18] =	ssyncadd.s32 @!p2 $0xFFFFC000;
	s18 =	simm.s32 @!p1 $0x2;
	s8 =	sadd.s32 @!p4 s26, s8  }
0x183: {  	[tilespmem:s10], [sflag:$0x3] =	stream.linear.gather @!p4 [hbm4b:s8+s2], $0x100, $0x38;
	[tilespmem:$0x1FD00] =	vst v63  }
0x184: {  	_ =	swait.ge @!p1 [sflag:s18], $0x100  }
0x185: {  	s2 =	simm.s32 @!p3 $0x6;
	[sflag:s18] =	ssyncset.done @!p1 $0x0  }
0x186: {  	s8 =	simm.s32 @!p1 $0x80;
	[sflag:s18] =	ssyncadd.s32 @!p1 $0xFFFFFF00;
	s18 =	simm.s32 @!p1 $0x8400  }
0x187: {  	[tilespmem:s18], [sflag:$0x7] =	stream.indirect.gather @!p1 [hbm4b:s5+s8], $0x80, s20, s8, $0xb8;
	[tilespmem:$0x1FD00] =	vst v63  }
0x188: {  	_ =	swait.ge @!p3 [sflag:s2], $0x4000  }
0x189: {  	s31 =	sadd.s32 $0x7, s25;
	[sflag:s2] =	ssyncset.done @!p3 $0x0  }
0x18a: {  	p2 =	sge.u32 s31, s7;
	[sflag:s2] =	ssyncadd.s32 @!p3 $0xFFFFC000;
	s2 =	simm.s32 @!p0 $0x8  }
0x18b: {  	[spmem:s3] =	stream.indirect.scatter.add.f32 @!p3 [tilespmem:s0], [sflag:$0x9], $0x80, s12, s12, $0xb8;
	[tilespmem:$0x1FD00] =	vst v63  }
0x18c: {  	s20 =	simm.s32 @!p2 $0x300;
	_ =	swait.ge @!p0 [sflag:s2], $0x4000  }
0x18d: {  	s0 =	sadd.s32 @!p2 s26, s11;
	s12 =	simm.s32 @!p4 $0x3;
	[sflag:s2] =	ssyncset.done @!p0 $0x0  }
0x18e: {  	s0 =	sadd.s32 @!p2 $0xE0, s0;
	[sflag:s2] =	ssyncadd.s32 @!p0 $0xFFFFC000;
	s2 =	simm.s32 @!p2 $0x0  }
0x18f: {  	[tilespmem:s20], [sflag:$0x4] =	stream.linear.gather @!p2 [hbm4b:s0+s2], $0x100, $0x38;
	[tilespmem:$0x1FD00] =	vst v63  }
0x190: {  	_ =	swait.ge @!p4 [sflag:s12], $0x100  }
0x191: {  	s0 =	simm.s32 @!p4 $0x400;
	[sflag:s12] =	ssyncset.done @!p4 $0x0  }
0x192: {  	s2 =	simm.s32 @!p4 $0x80;
	[sflag:s12] =	ssyncadd.s32 @!p4 $0xFFFFFF00;
	s12 =	simm.s32 @!p1 $0x7  }
0x193: {  	[tilespmem:s0], [sflag:$0x5] =	stream.indirect.gather @!p4 [hbm4b:s5+s2], $0x80, s10, s2, $0xb8;
	[tilespmem:$0x1FD00] =	vst v63  }
0x194: {  	_ =	swait.ge @!p1 [sflag:s12], $0x4000  }
0x195: {  	[sflag:s12] =	ssyncset.done @!p1 $0x0  }
0x196: {  	[sflag:s12] =	ssyncadd.s32 @!p1 $0xFFFFC000;
	s12 =	simm.s32 @!p1 $0x180  }
0x197: {  	[spmem:s3] =	stream.indirect.scatter.add.f32 @!p1 [tilespmem:s18], [sflag:$0xA], $0x80, s12, s8, $0xb8;
	[tilespmem:$0x1FD00] =	vst v63  }
0x198: {  	s10 =	simm.s32 @!p3 $0x9;
	s18 =	sadd.s32 $0x8, s25  }
0x199: {  	_ =	swait.ge @!p3 [sflag:s10], $0x4000;
	p5 =	sge.u32 s18, s7  }
0x19a: {  	s12 =	rddreg [dreg:$0x8];
	s8 =	simm.s32 @!p5 $0x0;
	[sflag:s10] =	ssyncset.done @!p3 $0x0  }
0x19b: {  	[sflag:s10] =	ssyncadd.s32 @!p3 $0xFFFFC000;
	s10 =	sadd.s32 @!p5 s26, s12;
	s12 =	simm.s32 @!p2 $0x4  }
0x19c: {  	[tilespmem:s8], [sflag:$0x1] =	stream.linear.gather @!p5 [hbm4b:s10+s8], $0x100, $0x38;
	[tilespmem:$0x1FD00] =	vst v63  }
0x19d: {  	_ =	swait.ge @!p2 [sflag:s12], $0x100  }
0x19e: {  	s18 =	simm.s32 @!p2 $0x4400;
	[sflag:s12] =	ssyncset.done @!p2 $0x0  }
0x19f: {  	s10 =	simm.s32 @!p4 $0x5;
	[sflag:s12] =	ssyncadd.s32 @!p2 $0xFFFFFF00;
	s12 =	simm.s32 @!p2 $0x80  }
0x1a0: {  	[tilespmem:s18], [sflag:$0x6] =	stream.indirect.gather @!p2 [hbm4b:s5+s12], $0x80, s20, s12, $0xb8;
	[tilespmem:$0x1FD00] =	vst v63  }
0x1a1: {  	s21 =	sadd.s32 $0x9, s25;
	_ =	swait.ge @!p4 [sflag:s10], $0x4000  }
0x1a2: {  	p0 =	sge.u32 s21, s7;
	[sflag:s10] =	ssyncset.done @!p4 $0x0  }
0x1a3: {  	s20 =	simm.s32 @!p4 $0x280;
	[sflag:s10] =	ssyncadd.s32 @!p4 $0xFFFFC000;
	s10 =	simm.s32 @!p1 $0xA  }
0x1a4: {  	[spmem:s3] =	stream.indirect.scatter.add.f32 @!p4 [tilespmem:s0], [sflag:$0x8], $0x80, s20, s2, $0xb8;
	[tilespmem:$0x1FD00] =	vst v63  }
0x1a5: {  	s0 =	sadd.s32 @!p0 s26, s11;
	_ =	swait.ge @!p1 [sflag:s10], $0x4000  }
0x1a6: {  	s2 =	simm.s32 @!p5 $0x1;
	s20 =	simm.s32 @!p0 $0x100;
	[sflag:s10] =	ssyncset.done @!p1 $0x0  }
0x1a7: {  	s0 =	sadd.s32 @!p0 $0x120, s0;
	[sflag:s10] =	ssyncadd.s32 @!p1 $0xFFFFC000;
	s10 =	simm.s32 @!p0 $0x0  }
0x1a8: {  	[tilespmem:s20], [sflag:$0x2] =	stream.linear.gather @!p0 [hbm4b:s0+s10], $0x100, $0x38;
	[tilespmem:$0x1FD00] =	vst v63  }
0x1a9: {  	_ =	swait.ge @!p5 [sflag:s2], $0x100  }
0x1aa: {  	s0 =	simm.s32 @!p5 $0x80;
	[sflag:s2] =	ssyncset.done @!p5 $0x0  }
0x1ab: {  	s10 =	simm.s32 @!p2 $0x6;
	[sflag:s2] =	ssyncadd.s32 @!p5 $0xFFFFFF00;
	s2 =	simm.s32 @!p5 $0x8400  }
0x1ac: {  	[tilespmem:s2], [sflag:$0x7] =	stream.indirect.gather @!p5 [hbm4b:s5+s0], $0x80, s8, s0, $0xb8;
	[tilespmem:$0x1FD00] =	vst v63  }
0x1ad: {  	s28 =	sadd.s32 $0xA, s25;
	_ =	swait.ge @!p2 [sflag:s10], $0x4000  }
0x1ae: {  	p3 =	sge.u32 s28, s7;
	[sflag:s10] =	ssyncset.done @!p2 $0x0  }
0x1af: {  	s8 =	simm.s32 @!p4 $0x8;
	[sflag:s10] =	ssyncadd.s32 @!p2 $0xFFFFC000;
	s10 =	simm.s32 @!p2 $0x380  }
0x1b0: {  	[spmem:s3] =	stream.indirect.scatter.add.f32 @!p2 [tilespmem:s18], [sflag:$0x9], $0x80, s10, s12, $0xb8;
	[tilespmem:$0x1FD00] =	vst v63  }
0x1b1: {  	s10 =	simm.s32 @!p3 $0x200;
	_ =	swait.ge @!p4 [sflag:s8], $0x4000  }
0x1b2: {  	s18 =	simm.s32 @!p0 $0x2;
	s12 =	rddreg [dreg:$0x9];
	[sflag:s8] =	ssyncset.done @!p4 $0x0  }
0x1b3: {  	[sflag:s8] =	ssyncadd.s32 @!p4 $0xFFFFC000;
	s8 =	simm.s32 @!p3 $0x0;
	s12 =	sadd.s32 @!p3 s26, s12  }
0x1b4: {  	[tilespmem:s10], [sflag:$0x3] =	stream.linear.gather @!p3 [hbm4b:s12+s8], $0x100, $0x38;
	[tilespmem:$0x1FD00] =	vst v63  }
0x1b5: {  	_ =	swait.ge @!p0 [sflag:s18], $0x100  }
0x1b6: {  	s8 =	simm.s32 @!p0 $0x80;
	[sflag:s18] =	ssyncset.done @!p0 $0x0  }
0x1b7: {  	s12 =	simm.s32 @!p5 $0x7;
	[sflag:s18] =	ssyncadd.s32 @!p0 $0xFFFFFF00;
	s18 =	simm.s32 @!p0 $0x400  }
0x1b8: {  	[tilespmem:s18], [sflag:$0x5] =	stream.indirect.gather @!p0 [hbm4b:s5+s8], $0x80, s20, s8, $0xb8;
	[tilespmem:$0x1FD00] =	vst v63  }
0x1b9: {  	_ =	swait.ge @!p5 [sflag:s12], $0x4000  }
0x1ba: {  	[sflag:s12] =	ssyncset.done @!p5 $0x0  }
0x1bb: {  	s29 =	sadd.s32 $0xB, s25;
	[sflag:s12] =	ssyncadd.s32 @!p5 $0xFFFFC000;
	s12 =	simm.s32 @!p2 $0x9  }
0x1bc: {  	[spmem:s3] =	stream.indirect.scatter.add.f32 @!p5 [tilespmem:s2], [sflag:$0xA], $0x80, s0, s0, $0xb8;
	[tilespmem:$0x1FD00] =	vst v63  }
0x1bd: {  	s21 =	simm.s32 @!p3 $0x3;
	p1 =	sge.u32 s29, s7;
	_ =	swait.ge @!p2 [sflag:s12], $0x4000  }
0x1be: {  	s20 =	simm.s32 @!p1 $0x0;
	s0 =	sadd.s32 @!p1 s26, s11;
	[sflag:s12] =	ssyncset.done @!p2 $0x0  }
0x1bf: {  	s2 =	simm.s32 @!p1 $0x300;
	s0 =	sadd.s32 @!p1 $0x160, s0;
	[sflag:s12] =	ssyncadd.s32 @!p2 $0xFFFFC000  }
0x1c0: {  	[tilespmem:s2], [sflag:$0x4] =	stream.linear.gather @!p1 [hbm4b:s0+s20], $0x100, $0x38;
	[tilespmem:$0x1FD00] =	vst v63  }
0x1c1: {  	_ =	swait.ge @!p3 [sflag:s21], $0x100  }
0x1c2: {  	s12 =	simm.s32 @!p3 $0x4400;
	[sflag:s21] =	ssyncset.done @!p3 $0x0  }
0x1c3: {  	s0 =	simm.s32 @!p3 $0x80;
	s20 =	simm.s32 @!p0 $0x5;
	[sflag:s21] =	ssyncadd.s32 @!p3 $0xFFFFFF00  }
0x1c4: {  	[tilespmem:s12], [sflag:$0x6] =	stream.indirect.gather @!p3 [hbm4b:s5+s0], $0x80, s10, s0, $0xb8;
	[tilespmem:$0x1FD00] =	vst v63  }
0x1c5: {  	_ =	swait.ge @!p0 [sflag:s20], $0x4000  }
0x1c6: {  	[sflag:s20] =	ssyncset.done @!p0 $0x0  }
0x1c7: {  	s21 =	simm.s32 @!p5 $0xA;
	s10 =	simm.s32 @!p0 $0x180;
	[sflag:s20] =	ssyncadd.s32 @!p0 $0xFFFFC000  }
0x1c8: {  	[spmem:s3] =	stream.indirect.scatter.add.f32 @!p0 [tilespmem:s18], [sflag:$0x8], $0x80, s10, s8, $0xb8;
	[tilespmem:$0x1FD00] =	vst v63  }
0x1c9: {  	p2 =	sge.u32 s24, s7;
	_ =	swait.ge @!p5 [sflag:s21], $0x4000  }
0x1ca: {  	s10 =	simm.s32 @!p1 $0x4;
	s8 =	rddreg [dreg:$0xa];
	[sflag:s21] =	ssyncset.done @!p5 $0x0  }
0x1cb: {  	s18 =	simm.s32 @!p2 $0x0;
	[sflag:s21] =	ssyncadd.s32 @!p5 $0xFFFFC000;
	s8 =	sadd.s32 @!p2 s26, s8  }
0x1cc: {  	[tilespmem:s18], [sflag:$0x1] =	stream.linear.gather @!p2 [hbm4b:s8+s18], $0x100, $0x38;
	[tilespmem:$0x1FD00] =	vst v63  }
0x1cd: {  	_ =	swait.ge @!p1 [sflag:s10], $0x100  }
0x1ce: {  	s20 =	simm.s32 @!p1 $0x80;
	[sflag:s10] =	ssyncset.done @!p1 $0x0  }
0x1cf: {  	s21 =	simm.s32 @!p3 $0x6;
	s8 =	simm.s32 @!p1 $0x8400;
	[sflag:s10] =	ssyncadd.s32 @!p1 $0xFFFFFF00  }
0x1d0: {  	[tilespmem:s8], [sflag:$0x7] =	stream.indirect.gather @!p1 [hbm4b:s5+s20], $0x80, s2, s20, $0xb8;
	[tilespmem:$0x1FD00] =	vst v63  }
0x1d1: {  	s30 =	sadd.s32 $0xD, s25;
	_ =	swait.ge @!p3 [sflag:s21], $0x4000  }
0x1d2: {  	p4 =	sge.u32 s30, s7;
	[sflag:s21] =	ssyncset.done @!p3 $0x0  }
0x1d3: {  	s24 =	simm.s32 @!p0 $0x8;
	s10 =	simm.s32 @!p3 $0x280;
	[sflag:s21] =	ssyncadd.s32 @!p3 $0xFFFFC000  }
0x1d4: {  	[spmem:s3] =	stream.indirect.scatter.add.f32 @!p3 [tilespmem:s12], [sflag:$0x9], $0x80, s10, s0, $0xb8;
	[tilespmem:$0x1FD00] =	vst v63  }
0x1d5: {  	s2 =	simm.s32 @!p4 $0x0;
	_ =	swait.ge @!p0 [sflag:s24], $0x4000  }
0x1d6: {  	s0 =	sadd.s32 @!p4 s26, s11;
	s10 =	simm.s32 @!p2 $0x1;
	[sflag:s24] =	ssyncset.done @!p0 $0x0  }
0x1d7: {  	s12 =	simm.s32 @!p4 $0x100;
	s0 =	sadd.s32 @!p4 $0x1A0, s0;
	[sflag:s24] =	ssyncadd.s32 @!p0 $0xFFFFC000  }
0x1d8: {  	[tilespmem:s12], [sflag:$0x2] =	stream.linear.gather @!p4 [hbm4b:s0+s2], $0x100, $0x38;
	[tilespmem:$0x1FD00] =	vst v63  }
0x1d9: {  	_ =	swait.ge @!p2 [sflag:s10], $0x100  }
0x1da: {  	s0 =	simm.s32 @!p2 $0x400;
	[sflag:s10] =	ssyncset.done @!p2 $0x0  }
0x1db: {  	s2 =	simm.s32 @!p1 $0x7;
	[sflag:s10] =	ssyncadd.s32 @!p2 $0xFFFFFF00;
	s10 =	simm.s32 @!p2 $0x80  }
0x1dc: {  	[tilespmem:s0], [sflag:$0x5] =	stream.indirect.gather @!p2 [hbm4b:s5+s10], $0x80, s18, s10, $0xb8;
	[tilespmem:$0x1FD00] =	vst v63  }
0x1dd: {  	_ =	swait.ge @!p1 [sflag:s2], $0x4000  }
0x1de: {  	[sflag:s2] =	ssyncset.done @!p1 $0x0  }
0x1df: {  	s0 =	simm.s32 @!p1 $0x380;
	[sflag:s2] =	ssyncadd.s32 @!p1 $0xFFFFC000  }
0x1e0: {  	[spmem:s3] =	stream.indirect.scatter.add.f32 @!p1 [tilespmem:s8], [sflag:$0xA], $0x80, s0, s20, $0xb8;
	[tilespmem:$0x1FD00] =	vst v63  }
0x1e1: {  	[bflag:$0x0] =	sbarrier.arrive $0xFFFF  }
0x1e2: {  	s31 =	sld [smem:$0x7FD];
	_ =	sdelay $0x2  }
0x1e3: {  	p2 =	seq.s32 s31, $0x1  }
0x1e4: {  	s2 =	rddreg [dreg:$0xd];
	s0 =	sor.u32 @p2 $0x1C0C, s14  }
0x1e5: {  	[hbm:s2], [sflag:s0] =	dma.local @p2 [spmem:s17], $0x2700  }
0x1e6: {  	s0 =	simm.s32 @p2 $0xC  }
0x1e7: {  	_ =	swait.ge @p2 [sflag:s0], $0x2700  }
0x1e8: {  	s22 =	sadd.s32 $0x1, s22;
	[sflag:s0] =	ssyncset.done @p2 $0x0  }
0x1e9: {  	p0 =	sne.s32 s22, s15;
	[sflag:s0] =	ssyncadd.s32 @p2 $0xFFFFD900;
	s0 =	simm.s32 @!p2 $0x1FCC  }
0x1ea: {  	[hbm:s13], [sflag:s0] =	dma.local @!p2 [spmem:s23], $0x2900  }
.Ltmp1:
0x1eb: {  	_ = 	snop;
	(pc) =	sbr.rel @p0 .LBB2_1-.Ltmp1, $4  }
0x1ec: {  	s0 =	simm.s32 @!p2 $0xC  }
0x1ed: {  	_ =	swait.ge @!p2 [sflag:s0], $0x2900  }
0x1ee: {  	[sflag:s0] =	ssyncset.done @!p2 $0x0  }
0x1ef: {  	[sflag:s0] =	ssyncadd.s32 @!p2 $0xFFFFD700  }
0x1f0: {  	_ =	sfence.sel $0x180000  }
0x1f1: {  	[bflag:$0x0] =	sbarrier.arrive $0xFFFF  }
0x1f2: {  	_ =	strace $0x9000004A  }
0x1f3: {  	s0 =	stileid.u32;
	[bflag:$0x2] =	sbarrier.arrive $0xFFFF  }
0x1f4: {  	p0 =	sne.s32 s0, $0x0;
	s0 =	rddreg [dreg:$0x3]  }
0x1f5: {  	s0 =	sadd.s32 @!p0 $0x100000, s0  }
0x1f6: {  	[sflag:s0] =	ssyncadd.tile.s32 @!p0 $0x1;
	_ =	shalt  }
.Lfunc_end2:
_tile_overlayer_lowered:
.L_overlay_start_2:
0x1f7: {  	(tag) =	ssettag $0x2  }
0x1f8: {  	s0 =	rddreg [dreg:$0x0];
	s2 =	stileid.u32  }
0x1f9: {  	s1 =	rddreg [dreg:$0x1];
	p0 =	sne.s32 s2, $0x0  }
0x1fa: {  	s3 =	rddreg [dreg:$0x2];
	[bflag:$0x3] =	sbarrier.arrive $0xFFFF;
	s2 =	simm.s32 @!p0 $0x1C0C  }
0x1fb: {  	[timem:s3], [sflag:s2] =	dma.local @!p0 [hbm:s0], s1  }
0x1fc: {  	s0 =	simm.s32 @!p0 $0xC  }
0x1fd: {  	_ =	swait.ge @!p0 [sflag:s0], s1  }
0x1fe: {  	s1 =	ssub.s32 @!p0 $0x0, s1;
	[sflag:s0] =	ssyncset.done @!p0 $0x0  }
0x1ff: {  	[sflag:s0] =	ssyncadd.s32 @!p0 s1  }
0x200: {  	[bflag:$0x3] =	sbarrier.arrive $0xFFFF  }
0x201: {  	_ =	shalt  }

</sc_bundles>
